<compile_context>
chip_gen: v7x
topology: tpu7x:2x2x1
jax: 0.10.2.dev20260603
libtpu: 0.0.44.dev20260713+nightly
codegen_flags: <defaults>
</compile_context>

<pallas_src>
import functools

import jax
import jax.numpy as jnp
from jax import lax
from jax.experimental import pallas as pl
from jax.experimental.pallas import tpu as pltpu
from jax.experimental.pallas import tpu_sc as plsc

N = 10000
H = 128
OUT = 40
NC = 2
NS = 16
NW = NC * NS
CH = 128
N_PAD = 10240
ROWS = N_PAD // NS
DEGB = 4


def _fill(ref, nrows, val):
    @pl.loop(0, nrows)
    def _(i):
        @pl.loop(0, H, step=16)
        def _(j):
            ref[i, pl.ds(j, 16)] = jnp.full((16,), val, jnp.float32)


def _sc_degree_build(cpw):
    assert cpw % DEGB == 0
    mesh = plsc.VectorSubcoreMesh(core_axis_name="c", subcore_axis_name="s")
    scratch = [
        pltpu.VMEM((cpw, CH), jnp.int32),
        pltpu.VMEM((CH, H), jnp.float32),
        pltpu.VMEM_SHARED((N_PAD, H), jnp.float32),
    ] + [pltpu.SemaphoreType.DMA for _ in range(DEGB)]

    @functools.partial(
        pl.kernel,
        out_type=jax.ShapeDtypeStruct((NC * N_PAD, H), jnp.float32),
        mesh=mesh, scratch_types=scratch)
    def k(dst_hbm, out_hbm, didx_all, ones_v, acc, *ssems):
        c = lax.axis_index("c")
        s = lax.axis_index("s")
        wid = s * NC + c
        base = s * ROWS

        _fill(ones_v, CH, 0.0)

        @pl.loop(0, ROWS, step=CH)
        def _(r):
            pltpu.sync_copy(ones_v, acc.at[pl.ds(base + r, CH)])

        _fill(ones_v, CH, 1.0)
        pltpu.sync_copy(dst_hbm.at[pl.ds(wid * cpw, cpw)], didx_all)

        plsc.subcore_barrier()

        @pl.loop(0, cpw, step=DEGB)
        def _(j):
            for b in range(DEGB):
                @pl.when(j > 0)
                def _(b=b):
                    pltpu.make_async_copy(
                        ones_v, acc.at[didx_all.at[j - DEGB + b]],
                        ssems[b]).wait()
                pltpu.async_copy(ones_v, acc.at[didx_all.at[j + b]],
                                 ssems[b], add=True)

        for b in range(DEGB):
            pltpu.make_async_copy(
                ones_v, acc.at[didx_all.at[cpw - DEGB + b]],
                ssems[b]).wait()

        plsc.subcore_barrier()
        pltpu.sync_copy(acc.at[pl.ds(base, ROWS)],
                        out_hbm.at[pl.ds(c * N_PAD + base, ROWS)])

    return k


def _sc_degree(dst2d, cpw):
    return _sc_degree_build(cpw)(dst2d)


CH2 = 32
SB2 = 4
NH = N // 2
NH_PAD = 5120
TRASH = 5100
ROWS_H = NH_PAD // NS


def _sc_agg_spmem_build(cpw2):
    assert cpw2 % SB2 == 0
    nsb = cpw2 // SB2
    mesh = plsc.VectorSubcoreMesh(core_axis_name="c", subcore_axis_name="s")
    scratch = [
        pltpu.VMEM((SB2, CH2), jnp.int32),
        pltpu.VMEM((SB2, CH2), jnp.int32),
        pltpu.VMEM((CH2, H), jnp.float32),
        pltpu.VMEM((CH2, H), jnp.float32),
        pltpu.VMEM_SHARED((N, H), jnp.float32),
        pltpu.VMEM_SHARED((NH_PAD, H), jnp.float32),
        pltpu.SemaphoreType.DMA, pltpu.SemaphoreType.DMA,
        pltpu.SemaphoreType.DMA, pltpu.SemaphoreType.DMA,
    ]

    @functools.partial(
        pl.kernel,
        out_type=jax.ShapeDtypeStruct((NC * 2 * NH_PAD, H), jnp.float32),
        mesh=mesh, scratch_types=scratch)
    def k(h_hbm, src_hbm, dst_hbm, out_hbm,
          didx_b, sidx_b, r0, r1, h_sh, acc, g0, g1, s0, s1):
        rows, gsems, ssems = [r0, r1], [g0, g1], [s0, s1]
        c = lax.axis_index("c")
        s = lax.axis_index("s")
        wid = s * NC + c
        base = s * ROWS_H

        hr = (N // NS) // 8 * 8
        pltpu.sync_copy(h_hbm.at[pl.ds(s * hr, hr)], h_sh.at[pl.ds(s * hr, hr)])

        @pl.when(s == 0)
        def _():
            pltpu.sync_copy(h_hbm.at[pl.ds(NS * hr, N - NS * hr)],
                            h_sh.at[pl.ds(NS * hr, N - NS * hr)])

        _fill(rows[0], CH2, 0.0)

        for p in range(2):
            @pl.loop(0, ROWS_H, step=CH2)
            def _(r):
                pltpu.sync_copy(rows[0], acc.at[pl.ds(base + r, CH2)])

            plsc.subcore_barrier()

            lo = p * NH

            @pl.loop(0, nsb)
            def _(q):
                @pl.when(q > 0)
                def _():
                    for b in range(2):
                        pltpu.make_async_copy(
                            rows[b], acc.at[didx_b.at[SB2 - 2 + b]],
                            ssems[b]).wait()
                qb = (wid * nsb + q) * SB2
                pltpu.sync_copy(dst_hbm.at[pl.ds(qb, SB2)], didx_b)
                pltpu.sync_copy(src_hbm.at[pl.ds(qb, SB2)], sidx_b)
                for i in range(SB2):
                    for j in range(0, CH2, 16):
                        d = didx_b[i, pl.ds(j, 16)]
                        r = d - lo
                        ok = (r >= 0) & (r < NH)
                        didx_b[i, pl.ds(j, 16)] = jnp.where(ok, r, TRASH)
                gh = [None, None]
                gh[0] = pltpu.async_copy(h_sh.at[sidx_b.at[0]], rows[0],
                                         gsems[0])
                for kk in range(SB2):
                    b = kk % 2
                    nb = (kk + 1) % 2
                    if kk + 1 < SB2:
                        if kk >= 1:
                            pltpu.make_async_copy(
                                rows[nb], acc.at[didx_b.at[kk - 1]],
                                ssems[nb]).wait()
                        gh[nb] = pltpu.async_copy(
                            h_sh.at[sidx_b.at[kk + 1]], rows[nb], gsems[nb])
                    gh[b].wait()
                    pltpu.async_copy(rows[b], acc.at[didx_b.at[kk]],
                                     ssems[b], add=True)

            for b in range(2):
                pltpu.make_async_copy(rows[b], acc.at[didx_b.at[SB2 - 2 + b]],
                                      ssems[b]).wait()

            plsc.subcore_barrier()
            pltpu.sync_copy(
                acc.at[pl.ds(base, ROWS_H)],
                out_hbm.at[pl.ds(c * 2 * NH_PAD + p * NH_PAD + base, ROWS_H)])
            if p == 0:
                _fill(rows[0], CH2, 0.0)

    return k


BR = 400


def _tc_layer_body(a0, a1, d0, d1, h_ref, wl, blr, wr, o_ref):
    cnt = d0[:, 0:1] + d1[:, 0:1]
    inv = 1.0 / jnp.maximum(cnt, 1.0)
    mean = (a0[...] + a1[...]) * inv
    acc = lax.dot_general(mean, wl[...], (((1,), (1,)), ((), ())),
                          preferred_element_type=jnp.float32,
                          precision=lax.Precision.HIGHEST)
    acc = acc + blr[...]
    acc = acc + lax.dot_general(h_ref[...], wr[...], (((1,), (1,)), ((), ())),
                                preferred_element_type=jnp.float32,
                                precision=lax.Precision.HIGHEST)
    o_ref[...] = jnp.maximum(acc, 0.0)


def _tc_layer(a0, a1, d0, d1, h, Wl, bl, Wr):
    nb = N // BR
    return pl.pallas_call(
        _tc_layer_body,
        grid=(nb,),
        in_specs=[
            pl.BlockSpec((BR, H), lambda i: (i, 0)),
            pl.BlockSpec((BR, H), lambda i: (i, 0)),
            pl.BlockSpec((BR, H), lambda i: (i, 0)),
            pl.BlockSpec((BR, H), lambda i: (i, 0)),
            pl.BlockSpec((BR, H), lambda i: (i, 0)),
            pl.BlockSpec((H, H), lambda i: (0, 0)),
            pl.BlockSpec((1, H), lambda i: (0, 0)),
            pl.BlockSpec((H, H), lambda i: (0, 0)),
        ],
        out_specs=pl.BlockSpec((BR, H), lambda i: (i, 0)),
        out_shape=jax.ShapeDtypeStruct((N, H), jnp.float32),
    )(a0, a1, d0, d1, h, Wl, bl, Wr)


def _tc_final_body(h1, h2, h3, w1, w2, w3, br, o_ref):
    acc = lax.dot_general(h1[...], w1[...], (((1,), (1,)), ((), ())),
                          preferred_element_type=jnp.float32,
                          precision=lax.Precision.HIGHEST)
    acc = acc + lax.dot_general(h2[...], w2[...], (((1,), (1,)), ((), ())),
                                preferred_element_type=jnp.float32,
                                precision=lax.Precision.HIGHEST)
    acc = acc + lax.dot_general(h3[...], w3[...], (((1,), (1,)), ((), ())),
                                preferred_element_type=jnp.float32,
                                precision=lax.Precision.HIGHEST)
    o_ref[...] = acc + br[...]


def _tc_final(h1, h2, h3, w1, w2, w3, fc_b):
    nb = N // BR
    return pl.pallas_call(
        _tc_final_body,
        grid=(nb,),
        in_specs=[
            pl.BlockSpec((BR, H), lambda i: (i, 0)),
            pl.BlockSpec((BR, H), lambda i: (i, 0)),
            pl.BlockSpec((BR, H), lambda i: (i, 0)),
            pl.BlockSpec((OUT, H), lambda i: (0, 0)),
            pl.BlockSpec((OUT, H), lambda i: (0, 0)),
            pl.BlockSpec((OUT, H), lambda i: (0, 0)),
            pl.BlockSpec((1, OUT), lambda i: (0, 0)),
        ],
        out_specs=pl.BlockSpec((BR, OUT), lambda i: (i, 0)),
        out_shape=jax.ShapeDtypeStruct((N, OUT), jnp.float32),
    )(h1, h2, h3, w1, w2, w3, fc_b)


def kernel(x, edge_index, Wl0, bl0, Wr0, Wl1, bl1, Wr1, Wl2, bl2, Wr2, fc_W, fc_b):
    src = edge_index[0]
    dst = edge_index[1]
    e = src.shape[0]
    cpw = -(-e // (NW * CH))
    cpw = -(-cpw // DEGB) * DEGB
    e_pad = NW * CH * cpw
    src_p = jnp.concatenate(
        [src, jnp.zeros((e_pad - e,), jnp.int32)]).reshape(-1, CH)
    dst_p = jnp.concatenate(
        [dst, jnp.full((e_pad - e,), N, jnp.int32)]).reshape(-1, CH)

    degs = _sc_degree(dst_p, cpw)
    d0 = degs[0:N]
    d1 = degs[N_PAD:N_PAD + N]

    src_p2 = src_p.reshape(-1, CH2)
    dst_p2 = dst_p.reshape(-1, CH2)
    cpw2 = src_p2.shape[0] // NW
    agg2 = _sc_agg_spmem_build(cpw2)

    h = x
    hs = []
    for (Wl, bl, Wr) in ((Wl0, bl0, Wr0), (Wl1, bl1, Wr1), (Wl2, bl2, Wr2)):
        parts = agg2(h, src_p2, dst_p2)
        a0 = jnp.concatenate([parts[0:NH], parts[NH_PAD:NH_PAD + NH]])
        a1 = jnp.concatenate([parts[2 * NH_PAD:2 * NH_PAD + NH],
                              parts[3 * NH_PAD:3 * NH_PAD + NH]])
        h = _tc_layer(a0, a1, d0, d1, h, Wl, bl.reshape(1, H), Wr)
        hs.append(h)

    return _tc_final(hs[0], hs[1], hs[2],
                     fc_W[:, 0:H], fc_W[:, H:2 * H], fc_W[:, 2 * H:3 * H],
                     fc_b.reshape(1, OUT))

# --- scband reference (transcript-rebuilt; emitter-appended) ---
"""Pipeline reference for scband-jknet-8134668058764 (READ-ONLY COPY).

The authoritative reference and input builder live on the scoring server;
editing this copy changes nothing except your own understanding.
"""

import jax, jax.numpy as jnp
import numpy as np

N = 10000
E = 320000
D_IN = 128
H = 128
OUT = 40
L = 3


def setup_inputs(seed: int = 0) -> dict:
    key = jax.random.key(seed)
    ks = jax.random.split(key, 2 + 3 * L + 2)
    inp = {}
    inp["x"] = jax.random.normal(ks[0], (N, D_IN), dtype=jnp.float32)
    inp["edge_index"] = jax.random.randint(ks[1], (2, E), 0, N, dtype=jnp.int32)
    scale = 0.05
    kpos = 2
    for i in range(L):
        din = D_IN if i == 0 else H
        inp[f"Wl{i}"] = jax.random.normal(ks[kpos], (H, din), dtype=jnp.float32) * scale
        kpos += 1
        inp[f"bl{i}"] = jnp.zeros((H,), dtype=jnp.float32)
        inp[f"Wr{i}"] = jax.random.normal(ks[kpos], (H, din), dtype=jnp.float32) * scale
        kpos += 1
    inp["fc_W"] = jax.random.normal(ks[kpos], (OUT, L * H), dtype=jnp.float32) * scale
    kpos += 1
    inp["fc_b"] = jnp.zeros((OUT,), dtype=jnp.float32)
    return inp


def _sage_conv(x, src, dst, Wl, bl, Wr):
    # PyG SAGEConv (mean aggr): out = lin_l(mean_{j->i} x_j) + lin_r(x_i)
    msgs = x[src]  # gather source-node features per edge
    agg = jax.ops.segment_sum(msgs, dst, num_segments=N)
    cnt = jax.ops.segment_sum(jnp.ones((src.shape[0], 1), dtype=x.dtype), dst, num_segments=N)
    mean = agg / jnp.maximum(cnt, 1.0)
    return mean @ Wl.T + bl + x @ Wr.T


def reference(x, edge_index, Wl0, bl0, Wr0, Wl1, bl1, Wr1, Wl2, bl2, Wr2, fc_W, fc_b):
    src = edge_index[0]
    dst = edge_index[1]
    params = [(Wl0, bl0, Wr0), (Wl1, bl1, Wr1), (Wl2, bl2, Wr2)]
    h = x
    layer_out = []
    for (Wl, bl, Wr) in params:
        h = jax.nn.relu(_sage_conv(h, src, dst, Wl, bl, Wr))
        # dropout is identity at inference
        layer_out.append(h)
    hcat = jnp.concatenate(layer_out, axis=-1)  # JumpingKnowledge mode='cat'
    return hcat @ fc_W.T + fc_b

if __name__ == "__main__":
    import jax
    _d = setup_inputs()
    print(jax.jit(kernel)(*tuple(_d.values())))

</pallas_src>

<mosaic_0001>
#map = affine_map<(d0, d1) -> (0, 0)>
module attributes {stable_mosaic.version = 14 : i64} {
  func.func @k(%arg0: i32, %arg1: i32, %arg2: memref<10000x128xf32, #tpu.memory_space<hbm>>, %arg3: memref<10240x32xi32, #tpu.memory_space<hbm>>, %arg4: memref<10240x32xi32, #tpu.memory_space<hbm>>, %arg5: memref<20480x128xf32, #tpu.memory_space<hbm>>, %arg6: memref<4x32xi32, #tpu.memory_space<vmem>>, %arg7: memref<4x32xi32, #tpu.memory_space<vmem>>, %arg8: memref<32x128xf32, #tpu.memory_space<vmem>>, %arg9: memref<32x128xf32, #tpu.memory_space<vmem>>, %arg10: memref<10000x128xf32, #tpu.memory_space<vmem_shared>>, %arg11: memref<5120x128xf32, #tpu.memory_space<vmem_shared>>, %arg12: memref<!tpu.dma_semaphore, #tpu.memory_space<semaphore_mem>>, %arg13: memref<!tpu.dma_semaphore, #tpu.memory_space<semaphore_mem>>, %arg14: memref<!tpu.dma_semaphore, #tpu.memory_space<semaphore_mem>>, %arg15: memref<!tpu.dma_semaphore, #tpu.memory_space<semaphore_mem>>) attributes {dimension_semantics = [#tpu.dimension_semantics<core_parallel>, #tpu.dimension_semantics<subcore_parallel>], iteration_bounds = array<i64: 2, 16>, scalar_prefetch = 0 : i64, scratch_operands = 10 : i64, tpu.core_type = #tpu.core_type<sc_vector_subcore>, window_params = [{transform_indices = #map}, {transform_indices = #map}, {transform_indices = #map}, {transform_indices = #map}]} {
    %mul3A = arith.constant 2 : i32
    %mul3A_0 = arith.muli %arg1, %mul3A : i32
    %add3A = arith.addi %mul3A_0, %arg0 : i32
    %mul3A_1 = arith.constant 320 : i32
    %mul3A_2 = arith.muli %arg1, %mul3A_1 : i32
    %mul3A_3 = arith.constant 624 : i32
    %mul3A_4 = arith.muli %arg1, %mul3A_3 : i32
    %mul3A_5 = arith.constant 624 : i32
    %mul3A_6 = arith.muli %arg1, %mul3A_5 : i32
    "tpu.region"() ({
      %run_scoped3A = tpu.sem_alloc : memref<!tpu.dma_semaphore, #tpu.memory_space<semaphore_mem>>
      %dma_start3A = arith.constant 0 : i32
      %dma_start3A_82 = tpu.memref_slice %arg10[%mul3A_6, %dma_start3A] : memref<10000x128xf32, #tpu.memory_space<vmem_shared>> -> memref<624x128xf32, #tpu.memory_space<vmem_shared>>
      %dma_start3A_83 = arith.constant 0 : i32
      %dma_start3A_84 = tpu.memref_slice %arg2[%mul3A_4, %dma_start3A_83] : memref<10000x128xf32, #tpu.memory_space<hbm>> -> memref<624x128xf32, #tpu.memory_space<hbm>>
      tpu.enqueue_dma source(%dma_start3A_84 : memref<624x128xf32, #tpu.memory_space<hbm>>) target(%dma_start3A_82 : memref<624x128xf32, #tpu.memory_space<vmem_shared>>) target_semaphore(%run_scoped3A : memref<!tpu.dma_semaphore, #tpu.memory_space<semaphore_mem>>)
      %dma_wait3A_85 = arith.constant 0 : i32
      %dma_wait3A_86 = tpu.memref_slice %arg10[%mul3A_6, %dma_wait3A_85] : memref<10000x128xf32, #tpu.memory_space<vmem_shared>> -> memref<624x128xf32, #tpu.memory_space<vmem_shared>>
      %dma_wait3A_87 = arith.constant 0 : i32
      %dma_wait3A_88 = tpu.memref_slice %arg2[%mul3A_4, %dma_wait3A_87] : memref<10000x128xf32, #tpu.memory_space<hbm>> -> memref<624x128xf32, #tpu.memory_space<hbm>>
      tpu.wait_dma2 semaphore(%run_scoped3A : memref<!tpu.dma_semaphore, #tpu.memory_space<semaphore_mem>>) src(%dma_wait3A_88 : memref<624x128xf32, #tpu.memory_space<hbm>>) dst(%dma_wait3A_86 : memref<624x128xf32, #tpu.memory_space<vmem_shared>>)
      tpu.yield
    }) : () -> ()
    %eq3A = arith.constant 0 : i32
    %eq3A_7 = arith.cmpi eq, %arg1, %eq3A : i32
    %convert_element_type3A = arith.extui %eq3A_7 : i1 to i32
    %cond3A = arith.constant 0 : i32
    %cond3A_8 = arith.cmpi ne, %convert_element_type3A, %cond3A : i32
    scf.if %cond3A_8 {
      "tpu.region"() ({
        %run_scoped3A = tpu.sem_alloc : memref<!tpu.dma_semaphore, #tpu.memory_space<semaphore_mem>>
        %dma_start3A = arith.constant 9984 : i32
        %dma_start3A_82 = arith.constant 0 : i32
        %dma_start3A_83 = tpu.memref_slice %arg10[%dma_start3A, %dma_start3A_82] : memref<10000x128xf32, #tpu.memory_space<vmem_shared>> -> memref<16x128xf32, #tpu.memory_space<vmem_shared>>
        %dma_start3A_84 = arith.constant 9984 : i32
        %dma_start3A_85 = arith.constant 0 : i32
        %dma_start3A_86 = tpu.memref_slice %arg2[%dma_start3A_84, %dma_start3A_85] : memref<10000x128xf32, #tpu.memory_space<hbm>> -> memref<16x128xf32, #tpu.memory_space<hbm>>
        tpu.enqueue_dma source(%dma_start3A_86 : memref<16x128xf32, #tpu.memory_space<hbm>>) target(%dma_start3A_83 : memref<16x128xf32, #tpu.memory_space<vmem_shared>>) target_semaphore(%run_scoped3A : memref<!tpu.dma_semaphore, #tpu.memory_space<semaphore_mem>>)
        %dma_wait3A_87 = arith.constant 9984 : i32
        %dma_wait3A_88 = arith.constant 0 : i32
        %dma_wait3A_89 = tpu.memref_slice %arg10[%dma_wait3A_87, %dma_wait3A_88] : memref<10000x128xf32, #tpu.memory_space<vmem_shared>> -> memref<16x128xf32, #tpu.memory_space<vmem_shared>>
        %dma_wait3A_90 = arith.constant 9984 : i32
        %dma_wait3A_91 = arith.constant 0 : i32
        %dma_wait3A_92 = tpu.memref_slice %arg2[%dma_wait3A_90, %dma_wait3A_91] : memref<10000x128xf32, #tpu.memory_space<hbm>> -> memref<16x128xf32, #tpu.memory_space<hbm>>
        tpu.wait_dma2 semaphore(%run_scoped3A : memref<!tpu.dma_semaphore, #tpu.memory_space<semaphore_mem>>) src(%dma_wait3A_92 : memref<16x128xf32, #tpu.memory_space<hbm>>) dst(%dma_wait3A_89 : memref<16x128xf32, #tpu.memory_space<vmem_shared>>)
        tpu.yield
      }) : () -> ()
    } else {
    }
    %scan3A = arith.constant 0 : i32
    %scan3A_9 = arith.constant 32 : i32
    %scan3A_10 = arith.addi %scan3A, %scan3A_9 : i32
    %scan3A_11 = arith.constant 1 : i32
    scf.for %scan3A_82 = %scan3A to %scan3A_10 step %scan3A_11  : i32 {
      %mul3A_83 = arith.constant 1 : i32
      %mul3A_84 = arith.muli %scan3A_82, %mul3A_83 : i32
      %add3A_85 = arith.constant 0 : i32
      %add3A_86 = arith.addi %add3A_85, %mul3A_84 : i32
      %scan3A_87 = arith.constant 0 : i32
      %scan3A_88 = arith.constant 8 : i32
      %scan3A_89 = arith.addi %scan3A_87, %scan3A_88 : i32
      %scan3A_90 = arith.constant 1 : i32
      scf.for %scan3A_92 = %scan3A_87 to %scan3A_89 step %scan3A_90  : i32 {
        %mul3A_93 = arith.constant 16 : i32
        %mul3A_94 = arith.muli %scan3A_92, %mul3A_93 : i32
        %add3A_95 = arith.constant 0 : i32
        %add3A_96 = arith.addi %add3A_95, %mul3A_94 : i32
        %broadcast_in_dim3A = arith.constant 0.000000e+00 : f32
        %broadcast_in_dim3A_97 = vector.broadcast %broadcast_in_dim3A : f32 to vector<16xf32>
        %swap3A = arith.index_cast %add3A_86 : i32 to index
        %swap3A_98 = arith.index_cast %add3A_96 : i32 to index
        %swap3A_99 = tpu.vector_load %arg8[%swap3A, %swap3A_98] {strides = array<i32>} : memref<32x128xf32, #tpu.memory_space<vmem>>, vector<1x16xf32>,
        %swap3A_100 = vector.shape_cast %swap3A_99 : vector<1x16xf32> to vector<16xf32>
        %swap3A_101 = vector.shape_cast %broadcast_in_dim3A_97 : vector<16xf32> to vector<1x16xf32>
        tpu.vector_store %arg8[%swap3A, %swap3A_98], %swap3A_101 {strides = array<i32>} : memref<32x128xf32, #tpu.memory_space<vmem>>, vector<1x16xf32>,
      }
      %scan3A_91 = arith.constant 8 : i32
    }
    %scan3A_12 = arith.constant 32 : i32
    %scan3A_13 = arith.constant 0 : i32
    %scan3A_14 = arith.constant 10 : i32
    %scan3A_15 = arith.addi %scan3A_13, %scan3A_14 : i32
    %scan3A_16 = arith.constant 1 : i32
    scf.for %scan3A_82 = %scan3A_13 to %scan3A_15 step %scan3A_16  : i32 {
      %mul3A_83 = arith.constant 32 : i32
      %mul3A_84 = arith.muli %scan3A_82, %mul3A_83 : i32
      %add3A_85 = arith.constant 0 : i32
      %add3A_86 = arith.addi %add3A_85, %mul3A_84 : i32
      %add3A_87 = arith.addi %mul3A_2, %add3A_86 : i32
      "tpu.region"() ({
        %run_scoped3A = tpu.sem_alloc : memref<!tpu.dma_semaphore, #tpu.memory_space<semaphore_mem>>
        %dma_start3A = arith.constant 0 : i32
        %dma_start3A_88 = tpu.memref_slice %arg11[%add3A_87, %dma_start3A] : memref<5120x128xf32, #tpu.memory_space<vmem_shared>> -> memref<32x128xf32, #tpu.memory_space<vmem_shared>>
        %dma_start3A_89 = arith.constant 0 : i32
        %dma_start3A_90 = tpu.memref_slice %arg11[%add3A_87, %dma_start3A_89] : memref<5120x128xf32, #tpu.memory_space<vmem_shared>> -> memref<32x128xf32, #tpu.memory_space<vmem_shared>>
        tpu.enqueue_dma source(%arg8 : memref<32x128xf32, #tpu.memory_space<vmem>>) target(%dma_start3A_90 : memref<32x128xf32, #tpu.memory_space<vmem_shared>>) target_semaphore(%run_scoped3A : memref<!tpu.dma_semaphore, #tpu.memory_space<semaphore_mem>>)
        %dma_wait3A_91 = arith.constant 0 : i32
        %dma_wait3A_92 = tpu.memref_slice %arg11[%add3A_87, %dma_wait3A_91] : memref<5120x128xf32, #tpu.memory_space<vmem_shared>> -> memref<32x128xf32, #tpu.memory_space<vmem_shared>>
        %dma_wait3A_93 = arith.constant 0 : i32
        %dma_wait3A_94 = tpu.memref_slice %arg11[%add3A_87, %dma_wait3A_93] : memref<5120x128xf32, #tpu.memory_space<vmem_shared>> -> memref<32x128xf32, #tpu.memory_space<vmem_shared>>
        tpu.wait_dma2 semaphore(%run_scoped3A : memref<!tpu.dma_semaphore, #tpu.memory_space<semaphore_mem>>) src(%arg8 : memref<32x128xf32, #tpu.memory_space<vmem>>) dst(%dma_wait3A_94 : memref<32x128xf32, #tpu.memory_space<vmem_shared>>)
        tpu.yield
      }) : () -> ()
    }
    %scan3A_17 = arith.constant 10 : i32
    %barrier3A = arith.constant 0 : index
    tpu.barrier barrier_id(%barrier3A)
    %scan3A_18 = arith.constant 0 : i32
    %scan3A_19 = arith.constant 80 : i32
    %scan3A_20 = arith.addi %scan3A_18, %scan3A_19 : i32
    %scan3A_21 = arith.constant 1 : i32
    scf.for %scan3A_82 = %scan3A_18 to %scan3A_20 step %scan3A_21  : i32 {
      %mul3A_83 = arith.constant 1 : i32
      %mul3A_84 = arith.muli %scan3A_82, %mul3A_83 : i32
      %add3A_85 = arith.constant 0 : i32
      %add3A_86 = arith.addi %add3A_85, %mul3A_84 : i32
      %gt3A = arith.constant 0 : i32
      %gt3A_87 = arith.cmpi sgt, %add3A_86, %gt3A : i32
      %convert_element_type3A_88 = arith.extui %gt3A_87 : i1 to i32
      %cond3A_89 = arith.constant 0 : i32
      %cond3A_90 = arith.cmpi ne, %convert_element_type3A_88, %cond3A_89 : i32
      scf.if %cond3A_90 {
        %dma_wait3A_376 = arith.constant 2 : i32
        %dma_wait3A_377 = arith.constant 0 : i32
        %dma_wait3A_378 = tpu.memref_slice %arg6[%dma_wait3A_376, %dma_wait3A_377] : memref<4x32xi32, #tpu.memory_space<vmem>> -> memref<1x32xi32, #tpu.memory_space<vmem>>
        %dma_wait3A_379 = tpu.memref_squeeze %dma_wait3A_378 : memref<1x32xi32, #tpu.memory_space<vmem>> -> memref<32xi32, #tpu.memory_space<vmem>>
        %dma_wait3A_380 = arith.constant 0 : i32
        %dma_wait3A_381 = arith.constant 0 : i32
        %dma_wait3A_382 = tpu.memref_slice %arg11[%dma_wait3A_380, %dma_wait3A_381] : memref<5120x128xf32, #tpu.memory_space<vmem_shared>> -> memref<5120x128xf32, #tpu.memory_space<vmem_shared>>
        tpu.wait_indirect_dma semaphore(%arg14 : memref<!tpu.dma_semaphore, #tpu.memory_space<semaphore_mem>>) src(%arg8 : memref<32x128xf32, #tpu.memory_space<vmem>>) dst(%dma_wait3A_382 : memref<5120x128xf32, #tpu.memory_space<vmem_shared>>)
        %dma_wait3A_383 = arith.constant 3 : i32
        %dma_wait3A_384 = arith.constant 0 : i32
        %dma_wait3A_385 = tpu.memref_slice %arg6[%dma_wait3A_383, %dma_wait3A_384] : memref<4x32xi32, #tpu.memory_space<vmem>> -> memref<1x32xi32, #tpu.memory_space<vmem>>
        %dma_wait3A_386 = tpu.memref_squeeze %dma_wait3A_385 : memref<1x32xi32, #tpu.memory_space<vmem>> -> memref<32xi32, #tpu.memory_space<vmem>>
        %dma_wait3A_387 = arith.constant 0 : i32
        %dma_wait3A_388 = arith.constant 0 : i32
        %dma_wait3A_389 = tpu.memref_slice %arg11[%dma_wait3A_387, %dma_wait3A_388] : memref<5120x128xf32, #tpu.memory_space<vmem_shared>> -> memref<5120x128xf32, #tpu.memory_space<vmem_shared>>
        tpu.wait_indirect_dma semaphore(%arg15 : memref<!tpu.dma_semaphore, #tpu.memory_space<semaphore_mem>>) src(%arg9 : memref<32x128xf32, #tpu.memory_space<vmem>>) dst(%dma_wait3A_389 : memref<5120x128xf32, #tpu.memory_space<vmem_shared>>)
      } else {
      }
      %mul3A_91 = arith.constant 80 : i32
      %mul3A_92 = arith.muli %add3A, %mul3A_91 : i32
      %add3A_93 = arith.addi %mul3A_92, %add3A_86 : i32
      %mul3A_94 = arith.constant 4 : i32
      %mul3A_95 = arith.muli %add3A_93, %mul3A_94 : i32
      "tpu.region"() ({
        %run_scoped3A = tpu.sem_alloc : memref<!tpu.dma_semaphore, #tpu.memory_space<semaphore_mem>>
        %dma_start3A_376 = arith.constant 0 : i32
        %dma_start3A_377 = tpu.memref_slice %arg4[%mul3A_95, %dma_start3A_376] : memref<10240x32xi32, #tpu.memory_space<hbm>> -> memref<4x32xi32, #tpu.memory_space<hbm>>
        %dma_start3A_378 = arith.constant 0 : i32
        %dma_start3A_379 = tpu.memref_slice %arg4[%mul3A_95, %dma_start3A_378] : memref<10240x32xi32, #tpu.memory_space<hbm>> -> memref<4x32xi32, #tpu.memory_space<hbm>>
        tpu.enqueue_dma source(%dma_start3A_379 : memref<4x32xi32, #tpu.memory_space<hbm>>) target(%arg6 : memref<4x32xi32, #tpu.memory_space<vmem>>) target_semaphore(%run_scoped3A : memref<!tpu.dma_semaphore, #tpu.memory_space<semaphore_mem>>)
        %dma_wait3A_380 = arith.constant 0 : i32
        %dma_wait3A_381 = tpu.memref_slice %arg4[%mul3A_95, %dma_wait3A_380] : memref<10240x32xi32, #tpu.memory_space<hbm>> -> memref<4x32xi32, #tpu.memory_space<hbm>>
        %dma_wait3A_382 = arith.constant 0 : i32
        %dma_wait3A_383 = tpu.memref_slice %arg4[%mul3A_95, %dma_wait3A_382] : memref<10240x32xi32, #tpu.memory_space<hbm>> -> memref<4x32xi32, #tpu.memory_space<hbm>>
        tpu.wait_dma2 semaphore(%run_scoped3A : memref<!tpu.dma_semaphore, #tpu.memory_space<semaphore_mem>>) src(%dma_wait3A_383 : memref<4x32xi32, #tpu.memory_space<hbm>>) dst(%arg6 : memref<4x32xi32, #tpu.memory_space<vmem>>)
        tpu.yield
      }) : () -> ()
      "tpu.region"() ({
        %run_scoped3A = tpu.sem_alloc : memref<!tpu.dma_semaphore, #tpu.memory_space<semaphore_mem>>
        %dma_start3A_376 = arith.constant 0 : i32
        %dma_start3A_377 = tpu.memref_slice %arg3[%mul3A_95, %dma_start3A_376] : memref<10240x32xi32, #tpu.memory_space<hbm>> -> memref<4x32xi32, #tpu.memory_space<hbm>>
        %dma_start3A_378 = arith.constant 0 : i32
        %dma_start3A_379 = tpu.memref_slice %arg3[%mul3A_95, %dma_start3A_378] : memref<10240x32xi32, #tpu.memory_space<hbm>> -> memref<4x32xi32, #tpu.memory_space<hbm>>
        tpu.enqueue_dma source(%dma_start3A_379 : memref<4x32xi32, #tpu.memory_space<hbm>>) target(%arg7 : memref<4x32xi32, #tpu.memory_space<vmem>>) target_semaphore(%run_scoped3A : memref<!tpu.dma_semaphore, #tpu.memory_space<semaphore_mem>>)
        %dma_wait3A_380 = arith.constant 0 : i32
        %dma_wait3A_381 = tpu.memref_slice %arg3[%mul3A_95, %dma_wait3A_380] : memref<10240x32xi32, #tpu.memory_space<hbm>> -> memref<4x32xi32, #tpu.memory_space<hbm>>
        %dma_wait3A_382 = arith.constant 0 : i32
        %dma_wait3A_383 = tpu.memref_slice %arg3[%mul3A_95, %dma_wait3A_382] : memref<10240x32xi32, #tpu.memory_space<hbm>> -> memref<4x32xi32, #tpu.memory_space<hbm>>
        tpu.wait_dma2 semaphore(%run_scoped3A : memref<!tpu.dma_semaphore, #tpu.memory_space<semaphore_mem>>) src(%dma_wait3A_383 : memref<4x32xi32, #tpu.memory_space<hbm>>) dst(%arg7 : memref<4x32xi32, #tpu.memory_space<vmem>>)
        tpu.yield
      }) : () -> ()
      %get3A = arith.constant 0 : i32
      %get3A_96 = arith.index_cast %get3A : i32 to index
      %get3A_97 = arith.constant 0 : index
      %get3A_98 = tpu.vector_load %arg6[%get3A_96, %get3A_97] {strides = array<i32>} : memref<4x32xi32, #tpu.memory_space<vmem>>, vector<1x16xi32>,
      %get3A_99 = vector.shape_cast %get3A_98 : vector<1x16xi32> to vector<16xi32>
      %sub3A = arith.constant 0 : i32
      %sub3A_100 = vector.broadcast %sub3A : i32 to vector<16xi32>
      %sub3A_101 = arith.subi %get3A_99, %sub3A_100 : vector<16xi32>
      %ge3A = arith.constant 0 : i32
      %ge3A_102 = vector.broadcast %ge3A : i32 to vector<16xi32>
      %ge3A_103 = arith.cmpi sge, %sub3A_101, %ge3A_102 : vector<16xi32>
      %lt3A = arith.constant 5000 : i32
      %lt3A_104 = vector.broadcast %lt3A : i32 to vector<16xi32>
      %lt3A_105 = arith.cmpi slt, %sub3A_101, %lt3A_104 : vector<16xi32>
      %and3A = arith.andi %ge3A_103, %lt3A_105 : vector<16xi1>
      %jit3A = arith.constant 5100 : i32
      %broadcast_in_dim3A = vector.broadcast %jit3A : i32 to vector<16xi32>
      %select_n3A = arith.select %and3A, %sub3A_101, %broadcast_in_dim3A : vector<16xi1>, vector<16xi32>
      %swap3A = arith.constant 0 : i32
      %swap3A_106 = arith.index_cast %swap3A : i32 to index
      %swap3A_107 = arith.constant 0 : index
      %swap3A_108 = tpu.vector_load %arg6[%swap3A_106, %swap3A_107] {strides = array<i32>} : memref<4x32xi32, #tpu.memory_space<vmem>>, vector<1x16xi32>,
      %swap3A_109 = vector.shape_cast %swap3A_108 : vector<1x16xi32> to vector<16xi32>
      %swap3A_110 = vector.shape_cast %select_n3A : vector<16xi32> to vector<1x16xi32>
      tpu.vector_store %arg6[%swap3A_106, %swap3A_107], %swap3A_110 {strides = array<i32>} : memref<4x32xi32, #tpu.memory_space<vmem>>, vector<1x16xi32>,
      %get3A_111 = arith.constant 0 : i32
      %get3A_112 = arith.index_cast %get3A_111 : i32 to index
      %get3A_113 = arith.constant 16 : index
      %get3A_114 = tpu.vector_load %arg6[%get3A_112, %get3A_113] {strides = array<i32>} : memref<4x32xi32, #tpu.memory_space<vmem>>, vector<1x16xi32>,
      %get3A_115 = vector.shape_cast %get3A_114 : vector<1x16xi32> to vector<16xi32>
      %sub3A_116 = arith.constant 0 : i32
      %sub3A_117 = vector.broadcast %sub3A_116 : i32 to vector<16xi32>
      %sub3A_118 = arith.subi %get3A_115, %sub3A_117 : vector<16xi32>
      %ge3A_119 = arith.constant 0 : i32
      %ge3A_120 = vector.broadcast %ge3A_119 : i32 to vector<16xi32>
      %ge3A_121 = arith.cmpi sge, %sub3A_118, %ge3A_120 : vector<16xi32>
      %lt3A_122 = arith.constant 5000 : i32
      %lt3A_123 = vector.broadcast %lt3A_122 : i32 to vector<16xi32>
      %lt3A_124 = arith.cmpi slt, %sub3A_118, %lt3A_123 : vector<16xi32>
      %and3A_125 = arith.andi %ge3A_121, %lt3A_124 : vector<16xi1>
      %jit3A_126 = arith.constant 5100 : i32
      %broadcast_in_dim3A_127 = vector.broadcast %jit3A_126 : i32 to vector<16xi32>
      %select_n3A_128 = arith.select %and3A_125, %sub3A_118, %broadcast_in_dim3A_127 : vector<16xi1>, vector<16xi32>
      %swap3A_129 = arith.constant 0 : i32
      %swap3A_130 = arith.index_cast %swap3A_129 : i32 to index
      %swap3A_131 = arith.constant 16 : index
      %swap3A_132 = tpu.vector_load %arg6[%swap3A_130, %swap3A_131] {strides = array<i32>} : memref<4x32xi32, #tpu.memory_space<vmem>>, vector<1x16xi32>,
      %swap3A_133 = vector.shape_cast %swap3A_132 : vector<1x16xi32> to vector<16xi32>
      %swap3A_134 = vector.shape_cast %select_n3A_128 : vector<16xi32> to vector<1x16xi32>
      tpu.vector_store %arg6[%swap3A_130, %swap3A_131], %swap3A_134 {strides = array<i32>} : memref<4x32xi32, #tpu.memory_space<vmem>>, vector<1x16xi32>,
      %get3A_135 = arith.constant 1 : i32
      %get3A_136 = arith.index_cast %get3A_135 : i32 to index
      %get3A_137 = arith.constant 0 : index
      %get3A_138 = tpu.vector_load %arg6[%get3A_136, %get3A_137] {strides = array<i32>} : memref<4x32xi32, #tpu.memory_space<vmem>>, vector<1x16xi32>,
      %get3A_139 = vector.shape_cast %get3A_138 : vector<1x16xi32> to vector<16xi32>
      %sub3A_140 = arith.constant 0 : i32
      %sub3A_141 = vector.broadcast %sub3A_140 : i32 to vector<16xi32>
      %sub3A_142 = arith.subi %get3A_139, %sub3A_141 : vector<16xi32>
      %ge3A_143 = arith.constant 0 : i32
      %ge3A_144 = vector.broadcast %ge3A_143 : i32 to vector<16xi32>
      %ge3A_145 = arith.cmpi sge, %sub3A_142, %ge3A_144 : vector<16xi32>
      %lt3A_146 = arith.constant 5000 : i32
      %lt3A_147 = vector.broadcast %lt3A_146 : i32 to vector<16xi32>
      %lt3A_148 = arith.cmpi slt, %sub3A_142, %lt3A_147 : vector<16xi32>
      %and3A_149 = arith.andi %ge3A_145, %lt3A_148 : vector<16xi1>
      %jit3A_150 = arith.constant 5100 : i32
      %broadcast_in_dim3A_151 = vector.broadcast %jit3A_150 : i32 to vector<16xi32>
      %select_n3A_152 = arith.select %and3A_149, %sub3A_142, %broadcast_in_dim3A_151 : vector<16xi1>, vector<16xi32>
      %swap3A_153 = arith.constant 1 : i32
      %swap3A_154 = arith.index_cast %swap3A_153 : i32 to index
      %swap3A_155 = arith.constant 0 : index
      %swap3A_156 = tpu.vector_load %arg6[%swap3A_154, %swap3A_155] {strides = array<i32>} : memref<4x32xi32, #tpu.memory_space<vmem>>, vector<1x16xi32>,
      %swap3A_157 = vector.shape_cast %swap3A_156 : vector<1x16xi32> to vector<16xi32>
      %swap3A_158 = vector.shape_cast %select_n3A_152 : vector<16xi32> to vector<1x16xi32>
      tpu.vector_store %arg6[%swap3A_154, %swap3A_155], %swap3A_158 {strides = array<i32>} : memref<4x32xi32, #tpu.memory_space<vmem>>, vector<1x16xi32>,
      %get3A_159 = arith.constant 1 : i32
      %get3A_160 = arith.index_cast %get3A_159 : i32 to index
      %get3A_161 = arith.constant 16 : index
      %get3A_162 = tpu.vector_load %arg6[%get3A_160, %get3A_161] {strides = array<i32>} : memref<4x32xi32, #tpu.memory_space<vmem>>, vector<1x16xi32>,
      %get3A_163 = vector.shape_cast %get3A_162 : vector<1x16xi32> to vector<16xi32>
      %sub3A_164 = arith.constant 0 : i32
      %sub3A_165 = vector.broadcast %sub3A_164 : i32 to vector<16xi32>
      %sub3A_166 = arith.subi %get3A_163, %sub3A_165 : vector<16xi32>
      %ge3A_167 = arith.constant 0 : i32
      %ge3A_168 = vector.broadcast %ge3A_167 : i32 to vector<16xi32>
      %ge3A_169 = arith.cmpi sge, %sub3A_166, %ge3A_168 : vector<16xi32>
      %lt3A_170 = arith.constant 5000 : i32
      %lt3A_171 = vector.broadcast %lt3A_170 : i32 to vector<16xi32>
      %lt3A_172 = arith.cmpi slt, %sub3A_166, %lt3A_171 : vector<16xi32>
      %and3A_173 = arith.andi %ge3A_169, %lt3A_172 : vector<16xi1>
      %jit3A_174 = arith.constant 5100 : i32
      %broadcast_in_dim3A_175 = vector.broadcast %jit3A_174 : i32 to vector<16xi32>
      %select_n3A_176 = arith.select %and3A_173, %sub3A_166, %broadcast_in_dim3A_175 : vector<16xi1>, vector<16xi32>
      %swap3A_177 = arith.constant 1 : i32
      %swap3A_178 = arith.index_cast %swap3A_177 : i32 to index
      %swap3A_179 = arith.constant 16 : index
      %swap3A_180 = tpu.vector_load %arg6[%swap3A_178, %swap3A_179] {strides = array<i32>} : memref<4x32xi32, #tpu.memory_space<vmem>>, vector<1x16xi32>,
      %swap3A_181 = vector.shape_cast %swap3A_180 : vector<1x16xi32> to vector<16xi32>
      %swap3A_182 = vector.shape_cast %select_n3A_176 : vector<16xi32> to vector<1x16xi32>
      tpu.vector_store %arg6[%swap3A_178, %swap3A_179], %swap3A_182 {strides = array<i32>} : memref<4x32xi32, #tpu.memory_space<vmem>>, vector<1x16xi32>,
      %get3A_183 = arith.constant 2 : i32
      %get3A_184 = arith.index_cast %get3A_183 : i32 to index
      %get3A_185 = arith.constant 0 : index
      %get3A_186 = tpu.vector_load %arg6[%get3A_184, %get3A_185] {strides = array<i32>} : memref<4x32xi32, #tpu.memory_space<vmem>>, vector<1x16xi32>,
      %get3A_187 = vector.shape_cast %get3A_186 : vector<1x16xi32> to vector<16xi32>
      %sub3A_188 = arith.constant 0 : i32
      %sub3A_189 = vector.broadcast %sub3A_188 : i32 to vector<16xi32>
      %sub3A_190 = arith.subi %get3A_187, %sub3A_189 : vector<16xi32>
      %ge3A_191 = arith.constant 0 : i32
      %ge3A_192 = vector.broadcast %ge3A_191 : i32 to vector<16xi32>
      %ge3A_193 = arith.cmpi sge, %sub3A_190, %ge3A_192 : vector<16xi32>
      %lt3A_194 = arith.constant 5000 : i32
      %lt3A_195 = vector.broadcast %lt3A_194 : i32 to vector<16xi32>
      %lt3A_196 = arith.cmpi slt, %sub3A_190, %lt3A_195 : vector<16xi32>
      %and3A_197 = arith.andi %ge3A_193, %lt3A_196 : vector<16xi1>
      %jit3A_198 = arith.constant 5100 : i32
      %broadcast_in_dim3A_199 = vector.broadcast %jit3A_198 : i32 to vector<16xi32>
      %select_n3A_200 = arith.select %and3A_197, %sub3A_190, %broadcast_in_dim3A_199 : vector<16xi1>, vector<16xi32>
      %swap3A_201 = arith.constant 2 : i32
      %swap3A_202 = arith.index_cast %swap3A_201 : i32 to index
      %swap3A_203 = arith.constant 0 : index
      %swap3A_204 = tpu.vector_load %arg6[%swap3A_202, %swap3A_203] {strides = array<i32>} : memref<4x32xi32, #tpu.memory_space<vmem>>, vector<1x16xi32>,
      %swap3A_205 = vector.shape_cast %swap3A_204 : vector<1x16xi32> to vector<16xi32>
      %swap3A_206 = vector.shape_cast %select_n3A_200 : vector<16xi32> to vector<1x16xi32>
      tpu.vector_store %arg6[%swap3A_202, %swap3A_203], %swap3A_206 {strides = array<i32>} : memref<4x32xi32, #tpu.memory_space<vmem>>, vector<1x16xi32>,
      %get3A_207 = arith.constant 2 : i32
      %get3A_208 = arith.index_cast %get3A_207 : i32 to index
      %get3A_209 = arith.constant 16 : index
      %get3A_210 = tpu.vector_load %arg6[%get3A_208, %get3A_209] {strides = array<i32>} : memref<4x32xi32, #tpu.memory_space<vmem>>, vector<1x16xi32>,
      %get3A_211 = vector.shape_cast %get3A_210 : vector<1x16xi32> to vector<16xi32>
      %sub3A_212 = arith.constant 0 : i32
      %sub3A_213 = vector.broadcast %sub3A_212 : i32 to vector<16xi32>
      %sub3A_214 = arith.subi %get3A_211, %sub3A_213 : vector<16xi32>
      %ge3A_215 = arith.constant 0 : i32
      %ge3A_216 = vector.broadcast %ge3A_215 : i32 to vector<16xi32>
      %ge3A_217 = arith.cmpi sge, %sub3A_214, %ge3A_216 : vector<16xi32>
      %lt3A_218 = arith.constant 5000 : i32
      %lt3A_219 = vector.broadcast %lt3A_218 : i32 to vector<16xi32>
      %lt3A_220 = arith.cmpi slt, %sub3A_214, %lt3A_219 : vector<16xi32>
      %and3A_221 = arith.andi %ge3A_217, %lt3A_220 : vector<16xi1>
      %jit3A_222 = arith.constant 5100 : i32
      %broadcast_in_dim3A_223 = vector.broadcast %jit3A_222 : i32 to vector<16xi32>
      %select_n3A_224 = arith.select %and3A_221, %sub3A_214, %broadcast_in_dim3A_223 : vector<16xi1>, vector<16xi32>
      %swap3A_225 = arith.constant 2 : i32
      %swap3A_226 = arith.index_cast %swap3A_225 : i32 to index
      %swap3A_227 = arith.constant 16 : index
      %swap3A_228 = tpu.vector_load %arg6[%swap3A_226, %swap3A_227] {strides = array<i32>} : memref<4x32xi32, #tpu.memory_space<vmem>>, vector<1x16xi32>,
      %swap3A_229 = vector.shape_cast %swap3A_228 : vector<1x16xi32> to vector<16xi32>
      %swap3A_230 = vector.shape_cast %select_n3A_224 : vector<16xi32> to vector<1x16xi32>
      tpu.vector_store %arg6[%swap3A_226, %swap3A_227], %swap3A_230 {strides = array<i32>} : memref<4x32xi32, #tpu.memory_space<vmem>>, vector<1x16xi32>,
      %get3A_231 = arith.constant 3 : i32
      %get3A_232 = arith.index_cast %get3A_231 : i32 to index
      %get3A_233 = arith.constant 0 : index
      %get3A_234 = tpu.vector_load %arg6[%get3A_232, %get3A_233] {strides = array<i32>} : memref<4x32xi32, #tpu.memory_space<vmem>>, vector<1x16xi32>,
      %get3A_235 = vector.shape_cast %get3A_234 : vector<1x16xi32> to vector<16xi32>
      %sub3A_236 = arith.constant 0 : i32
      %sub3A_237 = vector.broadcast %sub3A_236 : i32 to vector<16xi32>
      %sub3A_238 = arith.subi %get3A_235, %sub3A_237 : vector<16xi32>
      %ge3A_239 = arith.constant 0 : i32
      %ge3A_240 = vector.broadcast %ge3A_239 : i32 to vector<16xi32>
      %ge3A_241 = arith.cmpi sge, %sub3A_238, %ge3A_240 : vector<16xi32>
      %lt3A_242 = arith.constant 5000 : i32
      %lt3A_243 = vector.broadcast %lt3A_242 : i32 to vector<16xi32>
      %lt3A_244 = arith.cmpi slt, %sub3A_238, %lt3A_243 : vector<16xi32>
      %and3A_245 = arith.andi %ge3A_241, %lt3A_244 : vector<16xi1>
      %jit3A_246 = arith.constant 5100 : i32
      %broadcast_in_dim3A_247 = vector.broadcast %jit3A_246 : i32 to vector<16xi32>
      %select_n3A_248 = arith.select %and3A_245, %sub3A_238, %broadcast_in_dim3A_247 : vector<16xi1>, vector<16xi32>
      %swap3A_249 = arith.constant 3 : i32
      %swap3A_250 = arith.index_cast %swap3A_249 : i32 to index
      %swap3A_251 = arith.constant 0 : index
      %swap3A_252 = tpu.vector_load %arg6[%swap3A_250, %swap3A_251] {strides = array<i32>} : memref<4x32xi32, #tpu.memory_space<vmem>>, vector<1x16xi32>,
      %swap3A_253 = vector.shape_cast %swap3A_252 : vector<1x16xi32> to vector<16xi32>
      %swap3A_254 = vector.shape_cast %select_n3A_248 : vector<16xi32> to vector<1x16xi32>
      tpu.vector_store %arg6[%swap3A_250, %swap3A_251], %swap3A_254 {strides = array<i32>} : memref<4x32xi32, #tpu.memory_space<vmem>>, vector<1x16xi32>,
      %get3A_255 = arith.constant 3 : i32
      %get3A_256 = arith.index_cast %get3A_255 : i32 to index
      %get3A_257 = arith.constant 16 : index
      %get3A_258 = tpu.vector_load %arg6[%get3A_256, %get3A_257] {strides = array<i32>} : memref<4x32xi32, #tpu.memory_space<vmem>>, vector<1x16xi32>,
      %get3A_259 = vector.shape_cast %get3A_258 : vector<1x16xi32> to vector<16xi32>
      %sub3A_260 = arith.constant 0 : i32
      %sub3A_261 = vector.broadcast %sub3A_260 : i32 to vector<16xi32>
      %sub3A_262 = arith.subi %get3A_259, %sub3A_261 : vector<16xi32>
      %ge3A_263 = arith.constant 0 : i32
      %ge3A_264 = vector.broadcast %ge3A_263 : i32 to vector<16xi32>
      %ge3A_265 = arith.cmpi sge, %sub3A_262, %ge3A_264 : vector<16xi32>
      %lt3A_266 = arith.constant 5000 : i32
      %lt3A_267 = vector.broadcast %lt3A_266 : i32 to vector<16xi32>
      %lt3A_268 = arith.cmpi slt, %sub3A_262, %lt3A_267 : vector<16xi32>
      %and3A_269 = arith.andi %ge3A_265, %lt3A_268 : vector<16xi1>
      %jit3A_270 = arith.constant 5100 : i32
      %broadcast_in_dim3A_271 = vector.broadcast %jit3A_270 : i32 to vector<16xi32>
      %select_n3A_272 = arith.select %and3A_269, %sub3A_262, %broadcast_in_dim3A_271 : vector<16xi1>, vector<16xi32>
      %swap3A_273 = arith.constant 3 : i32
      %swap3A_274 = arith.index_cast %swap3A_273 : i32 to index
      %swap3A_275 = arith.constant 16 : index
      %swap3A_276 = tpu.vector_load %arg6[%swap3A_274, %swap3A_275] {strides = array<i32>} : memref<4x32xi32, #tpu.memory_space<vmem>>, vector<1x16xi32>,
      %swap3A_277 = vector.shape_cast %swap3A_276 : vector<1x16xi32> to vector<16xi32>
      %swap3A_278 = vector.shape_cast %select_n3A_272 : vector<16xi32> to vector<1x16xi32>
      tpu.vector_store %arg6[%swap3A_274, %swap3A_275], %swap3A_278 {strides = array<i32>} : memref<4x32xi32, #tpu.memory_space<vmem>>, vector<1x16xi32>,
      %dma_start3A = arith.constant 0 : i32
      %dma_start3A_279 = arith.constant 0 : i32
      %dma_start3A_280 = tpu.memref_slice %arg7[%dma_start3A, %dma_start3A_279] : memref<4x32xi32, #tpu.memory_space<vmem>> -> memref<1x32xi32, #tpu.memory_space<vmem>>
      %dma_start3A_281 = tpu.memref_squeeze %dma_start3A_280 : memref<1x32xi32, #tpu.memory_space<vmem>> -> memref<32xi32, #tpu.memory_space<vmem>>
      %dma_start3A_282 = arith.constant 0 : i32
      %dma_start3A_283 = arith.constant 0 : i32
      %dma_start3A_284 = tpu.memref_slice %arg10[%dma_start3A_282, %dma_start3A_283] : memref<10000x128xf32, #tpu.memory_space<vmem_shared>> -> memref<10000x128xf32, #tpu.memory_space<vmem_shared>>
      tpu.enqueue_indirect_dma source(%dma_start3A_284 : memref<10000x128xf32, #tpu.memory_space<vmem_shared>>) target(%arg8 : memref<32x128xf32, #tpu.memory_space<vmem>>) offsets(%dma_start3A_281 : memref<32xi32, #tpu.memory_space<vmem>>) semaphore(%arg12 : memref<!tpu.dma_semaphore, #tpu.memory_space<semaphore_mem>>)
      %dma_start3A_285 = arith.constant 1 : i32
      %dma_start3A_286 = arith.constant 0 : i32
      %dma_start3A_287 = tpu.memref_slice %arg7[%dma_start3A_285, %dma_start3A_286] : memref<4x32xi32, #tpu.memory_space<vmem>> -> memref<1x32xi32, #tpu.memory_space<vmem>>
      %dma_start3A_288 = tpu.memref_squeeze %dma_start3A_287 : memref<1x32xi32, #tpu.memory_space<vmem>> -> memref<32xi32, #tpu.memory_space<vmem>>
      %dma_start3A_289 = arith.constant 0 : i32
      %dma_start3A_290 = arith.constant 0 : i32
      %dma_start3A_291 = tpu.memref_slice %arg10[%dma_start3A_289, %dma_start3A_290] : memref<10000x128xf32, #tpu.memory_space<vmem_shared>> -> memref<10000x128xf32, #tpu.memory_space<vmem_shared>>
      tpu.enqueue_indirect_dma source(%dma_start3A_291 : memref<10000x128xf32, #tpu.memory_space<vmem_shared>>) target(%arg9 : memref<32x128xf32, #tpu.memory_space<vmem>>) offsets(%dma_start3A_288 : memref<32xi32, #tpu.memory_space<vmem>>) semaphore(%arg13 : memref<!tpu.dma_semaphore, #tpu.memory_space<semaphore_mem>>)
      %dma_wait3A_292 = arith.constant 0 : i32
      %dma_wait3A_293 = arith.constant 0 : i32
      %dma_wait3A_294 = tpu.memref_slice %arg7[%dma_wait3A_292, %dma_wait3A_293] : memref<4x32xi32, #tpu.memory_space<vmem>> -> memref<1x32xi32, #tpu.memory_space<vmem>>
      %dma_wait3A_295 = tpu.memref_squeeze %dma_wait3A_294 : memref<1x32xi32, #tpu.memory_space<vmem>> -> memref<32xi32, #tpu.memory_space<vmem>>
      %dma_wait3A_296 = arith.constant 0 : i32
      %dma_wait3A_297 = arith.constant 0 : i32
      %dma_wait3A_298 = tpu.memref_slice %arg10[%dma_wait3A_296, %dma_wait3A_297] : memref<10000x128xf32, #tpu.memory_space<vmem_shared>> -> memref<10000x128xf32, #tpu.memory_space<vmem_shared>>
      tpu.wait_indirect_dma semaphore(%arg12 : memref<!tpu.dma_semaphore, #tpu.memory_space<semaphore_mem>>) src(%dma_wait3A_298 : memref<10000x128xf32, #tpu.memory_space<vmem_shared>>) dst(%arg8 : memref<32x128xf32, #tpu.memory_space<vmem>>)
      %dma_start3A_299 = arith.constant 0 : i32
      %dma_start3A_300 = arith.constant 0 : i32
      %dma_start3A_301 = tpu.memref_slice %arg6[%dma_start3A_299, %dma_start3A_300] : memref<4x32xi32, #tpu.memory_space<vmem>> -> memref<1x32xi32, #tpu.memory_space<vmem>>
      %dma_start3A_302 = tpu.memref_squeeze %dma_start3A_301 : memref<1x32xi32, #tpu.memory_space<vmem>> -> memref<32xi32, #tpu.memory_space<vmem>>
      %dma_start3A_303 = arith.constant 0 : i32
      %dma_start3A_304 = arith.constant 0 : i32
      %dma_start3A_305 = tpu.memref_slice %arg11[%dma_start3A_303, %dma_start3A_304] : memref<5120x128xf32, #tpu.memory_space<vmem_shared>> -> memref<5120x128xf32, #tpu.memory_space<vmem_shared>>
      tpu.enqueue_indirect_dma source(%arg8 : memref<32x128xf32, #tpu.memory_space<vmem>>) target(%dma_start3A_305 : memref<5120x128xf32, #tpu.memory_space<vmem_shared>>) offsets(%dma_start3A_302 : memref<32xi32, #tpu.memory_space<vmem>>) semaphore(%arg14 : memref<!tpu.dma_semaphore, #tpu.memory_space<semaphore_mem>>) {add = true}
      %dma_wait3A_306 = arith.constant 0 : i32
      %dma_wait3A_307 = arith.constant 0 : i32
      %dma_wait3A_308 = tpu.memref_slice %arg6[%dma_wait3A_306, %dma_wait3A_307] : memref<4x32xi32, #tpu.memory_space<vmem>> -> memref<1x32xi32, #tpu.memory_space<vmem>>
      %dma_wait3A_309 = tpu.memref_squeeze %dma_wait3A_308 : memref<1x32xi32, #tpu.memory_space<vmem>> -> memref<32xi32, #tpu.memory_space<vmem>>
      %dma_wait3A_310 = arith.constant 0 : i32
      %dma_wait3A_311 = arith.constant 0 : i32
      %dma_wait3A_312 = tpu.memref_slice %arg11[%dma_wait3A_310, %dma_wait3A_311] : memref<5120x128xf32, #tpu.memory_space<vmem_shared>> -> memref<5120x128xf32, #tpu.memory_space<vmem_shared>>
      tpu.wait_indirect_dma semaphore(%arg14 : memref<!tpu.dma_semaphore, #tpu.memory_space<semaphore_mem>>) src(%arg8 : memref<32x128xf32, #tpu.memory_space<vmem>>) dst(%dma_wait3A_312 : memref<5120x128xf32, #tpu.memory_space<vmem_shared>>)
      %dma_start3A_313 = arith.constant 2 : i32
      %dma_start3A_314 = arith.constant 0 : i32
      %dma_start3A_315 = tpu.memref_slice %arg7[%dma_start3A_313, %dma_start3A_314] : memref<4x32xi32, #tpu.memory_space<vmem>> -> memref<1x32xi32, #tpu.memory_space<vmem>>
      %dma_start3A_316 = tpu.memref_squeeze %dma_start3A_315 : memref<1x32xi32, #tpu.memory_space<vmem>> -> memref<32xi32, #tpu.memory_space<vmem>>
      %dma_start3A_317 = arith.constant 0 : i32
      %dma_start3A_318 = arith.constant 0 : i32
      %dma_start3A_319 = tpu.memref_slice %arg10[%dma_start3A_317, %dma_start3A_318] : memref<10000x128xf32, #tpu.memory_space<vmem_shared>> -> memref<10000x128xf32, #tpu.memory_space<vmem_shared>>
      tpu.enqueue_indirect_dma source(%dma_start3A_319 : memref<10000x128xf32, #tpu.memory_space<vmem_shared>>) target(%arg8 : memref<32x128xf32, #tpu.memory_space<vmem>>) offsets(%dma_start3A_316 : memref<32xi32, #tpu.memory_space<vmem>>) semaphore(%arg12 : memref<!tpu.dma_semaphore, #tpu.memory_space<semaphore_mem>>)
      %dma_wait3A_320 = arith.constant 1 : i32
      %dma_wait3A_321 = arith.constant 0 : i32
      %dma_wait3A_322 = tpu.memref_slice %arg7[%dma_wait3A_320, %dma_wait3A_321] : memref<4x32xi32, #tpu.memory_space<vmem>> -> memref<1x32xi32, #tpu.memory_space<vmem>>
      %dma_wait3A_323 = tpu.memref_squeeze %dma_wait3A_322 : memref<1x32xi32, #tpu.memory_space<vmem>> -> memref<32xi32, #tpu.memory_space<vmem>>
      %dma_wait3A_324 = arith.constant 0 : i32
      %dma_wait3A_325 = arith.constant 0 : i32
      %dma_wait3A_326 = tpu.memref_slice %arg10[%dma_wait3A_324, %dma_wait3A_325] : memref<10000x128xf32, #tpu.memory_space<vmem_shared>> -> memref<10000x128xf32, #tpu.memory_space<vmem_shared>>
      tpu.wait_indirect_dma semaphore(%arg13 : memref<!tpu.dma_semaphore, #tpu.memory_space<semaphore_mem>>) src(%dma_wait3A_326 : memref<10000x128xf32, #tpu.memory_space<vmem_shared>>) dst(%arg9 : memref<32x128xf32, #tpu.memory_space<vmem>>)
      %dma_start3A_327 = arith.constant 1 : i32
      %dma_start3A_328 = arith.constant 0 : i32
      %dma_start3A_329 = tpu.memref_slice %arg6[%dma_start3A_327, %dma_start3A_328] : memref<4x32xi32, #tpu.memory_space<vmem>> -> memref<1x32xi32, #tpu.memory_space<vmem>>
      %dma_start3A_330 = tpu.memref_squeeze %dma_start3A_329 : memref<1x32xi32, #tpu.memory_space<vmem>> -> memref<32xi32, #tpu.memory_space<vmem>>
      %dma_start3A_331 = arith.constant 0 : i32
      %dma_start3A_332 = arith.constant 0 : i32
      %dma_start3A_333 = tpu.memref_slice %arg11[%dma_start3A_331, %dma_start3A_332] : memref<5120x128xf32, #tpu.memory_space<vmem_shared>> -> memref<5120x128xf32, #tpu.memory_space<vmem_shared>>
      tpu.enqueue_indirect_dma source(%arg9 : memref<32x128xf32, #tpu.memory_space<vmem>>) target(%dma_start3A_333 : memref<5120x128xf32, #tpu.memory_space<vmem_shared>>) offsets(%dma_start3A_330 : memref<32xi32, #tpu.memory_space<vmem>>) semaphore(%arg15 : memref<!tpu.dma_semaphore, #tpu.memory_space<semaphore_mem>>) {add = true}
      %dma_wait3A_334 = arith.constant 1 : i32
      %dma_wait3A_335 = arith.constant 0 : i32
      %dma_wait3A_336 = tpu.memref_slice %arg6[%dma_wait3A_334, %dma_wait3A_335] : memref<4x32xi32, #tpu.memory_space<vmem>> -> memref<1x32xi32, #tpu.memory_space<vmem>>
      %dma_wait3A_337 = tpu.memref_squeeze %dma_wait3A_336 : memref<1x32xi32, #tpu.memory_space<vmem>> -> memref<32xi32, #tpu.memory_space<vmem>>
      %dma_wait3A_338 = arith.constant 0 : i32
      %dma_wait3A_339 = arith.constant 0 : i32
      %dma_wait3A_340 = tpu.memref_slice %arg11[%dma_wait3A_338, %dma_wait3A_339] : memref<5120x128xf32, #tpu.memory_space<vmem_shared>> -> memref<5120x128xf32, #tpu.memory_space<vmem_shared>>
      tpu.wait_indirect_dma semaphore(%arg15 : memref<!tpu.dma_semaphore, #tpu.memory_space<semaphore_mem>>) src(%arg9 : memref<32x128xf32, #tpu.memory_space<vmem>>) dst(%dma_wait3A_340 : memref<5120x128xf32, #tpu.memory_space<vmem_shared>>)
      %dma_start3A_341 = arith.constant 3 : i32
      %dma_start3A_342 = arith.constant 0 : i32
      %dma_start3A_343 = tpu.memref_slice %arg7[%dma_start3A_341, %dma_start3A_342] : memref<4x32xi32, #tpu.memory_space<vmem>> -> memref<1x32xi32, #tpu.memory_space<vmem>>
      %dma_start3A_344 = tpu.memref_squeeze %dma_start3A_343 : memref<1x32xi32, #tpu.memory_space<vmem>> -> memref<32xi32, #tpu.memory_space<vmem>>
      %dma_start3A_345 = arith.constant 0 : i32
      %dma_start3A_346 = arith.constant 0 : i32
      %dma_start3A_347 = tpu.memref_slice %arg10[%dma_start3A_345, %dma_start3A_346] : memref<10000x128xf32, #tpu.memory_space<vmem_shared>> -> memref<10000x128xf32, #tpu.memory_space<vmem_shared>>
      tpu.enqueue_indirect_dma source(%dma_start3A_347 : memref<10000x128xf32, #tpu.memory_space<vmem_shared>>) target(%arg9 : memref<32x128xf32, #tpu.memory_space<vmem>>) offsets(%dma_start3A_344 : memref<32xi32, #tpu.memory_space<vmem>>) semaphore(%arg13 : memref<!tpu.dma_semaphore, #tpu.memory_space<semaphore_mem>>)
      %dma_wait3A_348 = arith.constant 2 : i32
      %dma_wait3A_349 = arith.constant 0 : i32
      %dma_wait3A_350 = tpu.memref_slice %arg7[%dma_wait3A_348, %dma_wait3A_349] : memref<4x32xi32, #tpu.memory_space<vmem>> -> memref<1x32xi32, #tpu.memory_space<vmem>>
      %dma_wait3A_351 = tpu.memref_squeeze %dma_wait3A_350 : memref<1x32xi32, #tpu.memory_space<vmem>> -> memref<32xi32, #tpu.memory_space<vmem>>
      %dma_wait3A_352 = arith.constant 0 : i32
      %dma_wait3A_353 = arith.constant 0 : i32
      %dma_wait3A_354 = tpu.memref_slice %arg10[%dma_wait3A_352, %dma_wait3A_353] : memref<10000x128xf32, #tpu.memory_space<vmem_shared>> -> memref<10000x128xf32, #tpu.memory_space<vmem_shared>>
      tpu.wait_indirect_dma semaphore(%arg12 : memref<!tpu.dma_semaphore, #tpu.memory_space<semaphore_mem>>) src(%dma_wait3A_354 : memref<10000x128xf32, #tpu.memory_space<vmem_shared>>) dst(%arg8 : memref<32x128xf32, #tpu.memory_space<vmem>>)
      %dma_start3A_355 = arith.constant 2 : i32
      %dma_start3A_356 = arith.constant 0 : i32
      %dma_start3A_357 = tpu.memref_slice %arg6[%dma_start3A_355, %dma_start3A_356] : memref<4x32xi32, #tpu.memory_space<vmem>> -> memref<1x32xi32, #tpu.memory_space<vmem>>
      %dma_start3A_358 = tpu.memref_squeeze %dma_start3A_357 : memref<1x32xi32, #tpu.memory_space<vmem>> -> memref<32xi32, #tpu.memory_space<vmem>>
      %dma_start3A_359 = arith.constant 0 : i32
      %dma_start3A_360 = arith.constant 0 : i32
      %dma_start3A_361 = tpu.memref_slice %arg11[%dma_start3A_359, %dma_start3A_360] : memref<5120x128xf32, #tpu.memory_space<vmem_shared>> -> memref<5120x128xf32, #tpu.memory_space<vmem_shared>>
      tpu.enqueue_indirect_dma source(%arg8 : memref<32x128xf32, #tpu.memory_space<vmem>>) target(%dma_start3A_361 : memref<5120x128xf32, #tpu.memory_space<vmem_shared>>) offsets(%dma_start3A_358 : memref<32xi32, #tpu.memory_space<vmem>>) semaphore(%arg14 : memref<!tpu.dma_semaphore, #tpu.memory_space<semaphore_mem>>) {add = true}
      %dma_wait3A_362 = arith.constant 3 : i32
      %dma_wait3A_363 = arith.constant 0 : i32
      %dma_wait3A_364 = tpu.memref_slice %arg7[%dma_wait3A_362, %dma_wait3A_363] : memref<4x32xi32, #tpu.memory_space<vmem>> -> memref<1x32xi32, #tpu.memory_space<vmem>>
      %dma_wait3A_365 = tpu.memref_squeeze %dma_wait3A_364 : memref<1x32xi32, #tpu.memory_space<vmem>> -> memref<32xi32, #tpu.memory_space<vmem>>
      %dma_wait3A_366 = arith.constant 0 : i32
      %dma_wait3A_367 = arith.constant 0 : i32
      %dma_wait3A_368 = tpu.memref_slice %arg10[%dma_wait3A_366, %dma_wait3A_367] : memref<10000x128xf32, #tpu.memory_space<vmem_shared>> -> memref<10000x128xf32, #tpu.memory_space<vmem_shared>>
      tpu.wait_indirect_dma semaphore(%arg13 : memref<!tpu.dma_semaphore, #tpu.memory_space<semaphore_mem>>) src(%dma_wait3A_368 : memref<10000x128xf32, #tpu.memory_space<vmem_shared>>) dst(%arg9 : memref<32x128xf32, #tpu.memory_space<vmem>>)
      %dma_start3A_369 = arith.constant 3 : i32
      %dma_start3A_370 = arith.constant 0 : i32
      %dma_start3A_371 = tpu.memref_slice %arg6[%dma_start3A_369, %dma_start3A_370] : memref<4x32xi32, #tpu.memory_space<vmem>> -> memref<1x32xi32, #tpu.memory_space<vmem>>
      %dma_start3A_372 = tpu.memref_squeeze %dma_start3A_371 : memref<1x32xi32, #tpu.memory_space<vmem>> -> memref<32xi32, #tpu.memory_space<vmem>>
      %dma_start3A_373 = arith.constant 0 : i32
      %dma_start3A_374 = arith.constant 0 : i32
      %dma_start3A_375 = tpu.memref_slice %arg11[%dma_start3A_373, %dma_start3A_374] : memref<5120x128xf32, #tpu.memory_space<vmem_shared>> -> memref<5120x128xf32, #tpu.memory_space<vmem_shared>>
      tpu.enqueue_indirect_dma source(%arg9 : memref<32x128xf32, #tpu.memory_space<vmem>>) target(%dma_start3A_375 : memref<5120x128xf32, #tpu.memory_space<vmem_shared>>) offsets(%dma_start3A_372 : memref<32xi32, #tpu.memory_space<vmem>>) semaphore(%arg15 : memref<!tpu.dma_semaphore, #tpu.memory_space<semaphore_mem>>) {add = true}
    }
    %scan3A_22 = arith.constant 80 : i32
    %dma_wait3A = arith.constant 2 : i32
    %dma_wait3A_23 = arith.constant 0 : i32
    %dma_wait3A_24 = tpu.memref_slice %arg6[%dma_wait3A, %dma_wait3A_23] : memref<4x32xi32, #tpu.memory_space<vmem>> -> memref<1x32xi32, #tpu.memory_space<vmem>>
    %dma_wait3A_25 = tpu.memref_squeeze %dma_wait3A_24 : memref<1x32xi32, #tpu.memory_space<vmem>> -> memref<32xi32, #tpu.memory_space<vmem>>
    %dma_wait3A_26 = arith.constant 0 : i32
    %dma_wait3A_27 = arith.constant 0 : i32
    %dma_wait3A_28 = tpu.memref_slice %arg11[%dma_wait3A_26, %dma_wait3A_27] : memref<5120x128xf32, #tpu.memory_space<vmem_shared>> -> memref<5120x128xf32, #tpu.memory_space<vmem_shared>>
    tpu.wait_indirect_dma semaphore(%arg14 : memref<!tpu.dma_semaphore, #tpu.memory_space<semaphore_mem>>) src(%arg8 : memref<32x128xf32, #tpu.memory_space<vmem>>) dst(%dma_wait3A_28 : memref<5120x128xf32, #tpu.memory_space<vmem_shared>>)
    %dma_wait3A_29 = arith.constant 3 : i32
    %dma_wait3A_30 = arith.constant 0 : i32
    %dma_wait3A_31 = tpu.memref_slice %arg6[%dma_wait3A_29, %dma_wait3A_30] : memref<4x32xi32, #tpu.memory_space<vmem>> -> memref<1x32xi32, #tpu.memory_space<vmem>>
    %dma_wait3A_32 = tpu.memref_squeeze %dma_wait3A_31 : memref<1x32xi32, #tpu.memory_space<vmem>> -> memref<32xi32, #tpu.memory_space<vmem>>
    %dma_wait3A_33 = arith.constant 0 : i32
    %dma_wait3A_34 = arith.constant 0 : i32
    %dma_wait3A_35 = tpu.memref_slice %arg11[%dma_wait3A_33, %dma_wait3A_34] : memref<5120x128xf32, #tpu.memory_space<vmem_shared>> -> memref<5120x128xf32, #tpu.memory_space<vmem_shared>>
    tpu.wait_indirect_dma semaphore(%arg15 : memref<!tpu.dma_semaphore, #tpu.memory_space<semaphore_mem>>) src(%arg9 : memref<32x128xf32, #tpu.memory_space<vmem>>) dst(%dma_wait3A_35 : memref<5120x128xf32, #tpu.memory_space<vmem_shared>>)
    %barrier3A_36 = arith.constant 0 : index
    tpu.barrier barrier_id(%barrier3A_36)
    %mul3A_37 = arith.constant 2 : i32
    %mul3A_38 = arith.muli %arg0, %mul3A_37 : i32
    %mul3A_39 = arith.constant 5120 : i32
    %mul3A_40 = arith.muli %mul3A_38, %mul3A_39 : i32
    %add3A_41 = arith.constant 0 : i32
    %add3A_42 = arith.addi %mul3A_40, %add3A_41 : i32
    %add3A_43 = arith.addi %add3A_42, %mul3A_2 : i32
    "tpu.region"() ({
      %run_scoped3A = tpu.sem_alloc : memref<!tpu.dma_semaphore, #tpu.memory_space<semaphore_mem>>
      %dma_start3A = arith.constant 0 : i32
      %dma_start3A_82 = tpu.memref_slice %arg5[%add3A_43, %dma_start3A] : memref<20480x128xf32, #tpu.memory_space<hbm>> -> memref<320x128xf32, #tpu.memory_space<hbm>>
      %dma_start3A_83 = arith.constant 0 : i32
      %dma_start3A_84 = tpu.memref_slice %arg11[%mul3A_2, %dma_start3A_83] : memref<5120x128xf32, #tpu.memory_space<vmem_shared>> -> memref<320x128xf32, #tpu.memory_space<vmem_shared>>
      tpu.enqueue_dma source(%dma_start3A_84 : memref<320x128xf32, #tpu.memory_space<vmem_shared>>) target(%dma_start3A_82 : memref<320x128xf32, #tpu.memory_space<hbm>>) target_semaphore(%run_scoped3A : memref<!tpu.dma_semaphore, #tpu.memory_space<semaphore_mem>>)
      %dma_wait3A_85 = arith.constant 0 : i32
      %dma_wait3A_86 = tpu.memref_slice %arg5[%add3A_43, %dma_wait3A_85] : memref<20480x128xf32, #tpu.memory_space<hbm>> -> memref<320x128xf32, #tpu.memory_space<hbm>>
      %dma_wait3A_87 = arith.constant 0 : i32
      %dma_wait3A_88 = tpu.memref_slice %arg11[%mul3A_2, %dma_wait3A_87] : memref<5120x128xf32, #tpu.memory_space<vmem_shared>> -> memref<320x128xf32, #tpu.memory_space<vmem_shared>>
      tpu.wait_dma2 semaphore(%run_scoped3A : memref<!tpu.dma_semaphore, #tpu.memory_space<semaphore_mem>>) src(%dma_wait3A_88 : memref<320x128xf32, #tpu.memory_space<vmem_shared>>) dst(%dma_wait3A_86 : memref<320x128xf32, #tpu.memory_space<hbm>>)
      tpu.yield
    }) : () -> ()
    %scan3A_44 = arith.constant 0 : i32
    %scan3A_45 = arith.constant 32 : i32
    %scan3A_46 = arith.addi %scan3A_44, %scan3A_45 : i32
    %scan3A_47 = arith.constant 1 : i32
    scf.for %scan3A_82 = %scan3A_44 to %scan3A_46 step %scan3A_47  : i32 {
      %mul3A_83 = arith.constant 1 : i32
      %mul3A_84 = arith.muli %scan3A_82, %mul3A_83 : i32
      %add3A_85 = arith.constant 0 : i32
      %add3A_86 = arith.addi %add3A_85, %mul3A_84 : i32
      %scan3A_87 = arith.constant 0 : i32
      %scan3A_88 = arith.constant 8 : i32
      %scan3A_89 = arith.addi %scan3A_87, %scan3A_88 : i32
      %scan3A_90 = arith.constant 1 : i32
      scf.for %scan3A_92 = %scan3A_87 to %scan3A_89 step %scan3A_90  : i32 {
        %mul3A_93 = arith.constant 16 : i32
        %mul3A_94 = arith.muli %scan3A_92, %mul3A_93 : i32
        %add3A_95 = arith.constant 0 : i32
        %add3A_96 = arith.addi %add3A_95, %mul3A_94 : i32
        %broadcast_in_dim3A = arith.constant 0.000000e+00 : f32
        %broadcast_in_dim3A_97 = vector.broadcast %broadcast_in_dim3A : f32 to vector<16xf32>
        %swap3A = arith.index_cast %add3A_86 : i32 to index
        %swap3A_98 = arith.index_cast %add3A_96 : i32 to index
        %swap3A_99 = tpu.vector_load %arg8[%swap3A, %swap3A_98] {strides = array<i32>} : memref<32x128xf32, #tpu.memory_space<vmem>>, vector<1x16xf32>,
        %swap3A_100 = vector.shape_cast %swap3A_99 : vector<1x16xf32> to vector<16xf32>
        %swap3A_101 = vector.shape_cast %broadcast_in_dim3A_97 : vector<16xf32> to vector<1x16xf32>
        tpu.vector_store %arg8[%swap3A, %swap3A_98], %swap3A_101 {strides = array<i32>} : memref<32x128xf32, #tpu.memory_space<vmem>>, vector<1x16xf32>,
      }
      %scan3A_91 = arith.constant 8 : i32
    }
    %scan3A_48 = arith.constant 32 : i32
    %scan3A_49 = arith.constant 0 : i32
    %scan3A_50 = arith.constant 10 : i32
    %scan3A_51 = arith.addi %scan3A_49, %scan3A_50 : i32
    %scan3A_52 = arith.constant 1 : i32
    scf.for %scan3A_82 = %scan3A_49 to %scan3A_51 step %scan3A_52  : i32 {
      %mul3A_83 = arith.constant 32 : i32
      %mul3A_84 = arith.muli %scan3A_82, %mul3A_83 : i32
      %add3A_85 = arith.constant 0 : i32
      %add3A_86 = arith.addi %add3A_85, %mul3A_84 : i32
      %add3A_87 = arith.addi %mul3A_2, %add3A_86 : i32
      "tpu.region"() ({
        %run_scoped3A = tpu.sem_alloc : memref<!tpu.dma_semaphore, #tpu.memory_space<semaphore_mem>>
        %dma_start3A = arith.constant 0 : i32
        %dma_start3A_88 = tpu.memref_slice %arg11[%add3A_87, %dma_start3A] : memref<5120x128xf32, #tpu.memory_space<vmem_shared>> -> memref<32x128xf32, #tpu.memory_space<vmem_shared>>
        %dma_start3A_89 = arith.constant 0 : i32
        %dma_start3A_90 = tpu.memref_slice %arg11[%add3A_87, %dma_start3A_89] : memref<5120x128xf32, #tpu.memory_space<vmem_shared>> -> memref<32x128xf32, #tpu.memory_space<vmem_shared>>
        tpu.enqueue_dma source(%arg8 : memref<32x128xf32, #tpu.memory_space<vmem>>) target(%dma_start3A_90 : memref<32x128xf32, #tpu.memory_space<vmem_shared>>) target_semaphore(%run_scoped3A : memref<!tpu.dma_semaphore, #tpu.memory_space<semaphore_mem>>)
        %dma_wait3A_91 = arith.constant 0 : i32
        %dma_wait3A_92 = tpu.memref_slice %arg11[%add3A_87, %dma_wait3A_91] : memref<5120x128xf32, #tpu.memory_space<vmem_shared>> -> memref<32x128xf32, #tpu.memory_space<vmem_shared>>
        %dma_wait3A_93 = arith.constant 0 : i32
        %dma_wait3A_94 = tpu.memref_slice %arg11[%add3A_87, %dma_wait3A_93] : memref<5120x128xf32, #tpu.memory_space<vmem_shared>> -> memref<32x128xf32, #tpu.memory_space<vmem_shared>>
        tpu.wait_dma2 semaphore(%run_scoped3A : memref<!tpu.dma_semaphore, #tpu.memory_space<semaphore_mem>>) src(%arg8 : memref<32x128xf32, #tpu.memory_space<vmem>>) dst(%dma_wait3A_94 : memref<32x128xf32, #tpu.memory_space<vmem_shared>>)
        tpu.yield
      }) : () -> ()
    }
    %scan3A_53 = arith.constant 10 : i32
    %barrier3A_54 = arith.constant 0 : index
    tpu.barrier barrier_id(%barrier3A_54)
    %scan3A_55 = arith.constant 0 : i32
    %scan3A_56 = arith.constant 80 : i32
    %scan3A_57 = arith.addi %scan3A_55, %scan3A_56 : i32
    %scan3A_58 = arith.constant 1 : i32
    scf.for %scan3A_82 = %scan3A_55 to %scan3A_57 step %scan3A_58  : i32 {
      %mul3A_83 = arith.constant 1 : i32
      %mul3A_84 = arith.muli %scan3A_82, %mul3A_83 : i32
      %add3A_85 = arith.constant 0 : i32
      %add3A_86 = arith.addi %add3A_85, %mul3A_84 : i32
      %gt3A = arith.constant 0 : i32
      %gt3A_87 = arith.cmpi sgt, %add3A_86, %gt3A : i32
      %convert_element_type3A_88 = arith.extui %gt3A_87 : i1 to i32
      %cond3A_89 = arith.constant 0 : i32
      %cond3A_90 = arith.cmpi ne, %convert_element_type3A_88, %cond3A_89 : i32
      scf.if %cond3A_90 {
        %dma_wait3A_376 = arith.constant 2 : i32
        %dma_wait3A_377 = arith.constant 0 : i32
        %dma_wait3A_378 = tpu.memref_slice %arg6[%dma_wait3A_376, %dma_wait3A_377] : memref<4x32xi32, #tpu.memory_space<vmem>> -> memref<1x32xi32, #tpu.memory_space<vmem>>
        %dma_wait3A_379 = tpu.memref_squeeze %dma_wait3A_378 : memref<1x32xi32, #tpu.memory_space<vmem>> -> memref<32xi32, #tpu.memory_space<vmem>>
        %dma_wait3A_380 = arith.constant 0 : i32
        %dma_wait3A_381 = arith.constant 0 : i32
        %dma_wait3A_382 = tpu.memref_slice %arg11[%dma_wait3A_380, %dma_wait3A_381] : memref<5120x128xf32, #tpu.memory_space<vmem_shared>> -> memref<5120x128xf32, #tpu.memory_space<vmem_shared>>
        tpu.wait_indirect_dma semaphore(%arg14 : memref<!tpu.dma_semaphore, #tpu.memory_space<semaphore_mem>>) src(%arg8 : memref<32x128xf32, #tpu.memory_space<vmem>>) dst(%dma_wait3A_382 : memref<5120x128xf32, #tpu.memory_space<vmem_shared>>)
        %dma_wait3A_383 = arith.constant 3 : i32
        %dma_wait3A_384 = arith.constant 0 : i32
        %dma_wait3A_385 = tpu.memref_slice %arg6[%dma_wait3A_383, %dma_wait3A_384] : memref<4x32xi32, #tpu.memory_space<vmem>> -> memref<1x32xi32, #tpu.memory_space<vmem>>
        %dma_wait3A_386 = tpu.memref_squeeze %dma_wait3A_385 : memref<1x32xi32, #tpu.memory_space<vmem>> -> memref<32xi32, #tpu.memory_space<vmem>>
        %dma_wait3A_387 = arith.constant 0 : i32
        %dma_wait3A_388 = arith.constant 0 : i32
        %dma_wait3A_389 = tpu.memref_slice %arg11[%dma_wait3A_387, %dma_wait3A_388] : memref<5120x128xf32, #tpu.memory_space<vmem_shared>> -> memref<5120x128xf32, #tpu.memory_space<vmem_shared>>
        tpu.wait_indirect_dma semaphore(%arg15 : memref<!tpu.dma_semaphore, #tpu.memory_space<semaphore_mem>>) src(%arg9 : memref<32x128xf32, #tpu.memory_space<vmem>>) dst(%dma_wait3A_389 : memref<5120x128xf32, #tpu.memory_space<vmem_shared>>)
      } else {
      }
      %mul3A_91 = arith.constant 80 : i32
      %mul3A_92 = arith.muli %add3A, %mul3A_91 : i32
      %add3A_93 = arith.addi %mul3A_92, %add3A_86 : i32
      %mul3A_94 = arith.constant 4 : i32
      %mul3A_95 = arith.muli %add3A_93, %mul3A_94 : i32
      "tpu.region"() ({
        %run_scoped3A = tpu.sem_alloc : memref<!tpu.dma_semaphore, #tpu.memory_space<semaphore_mem>>
        %dma_start3A_376 = arith.constant 0 : i32
        %dma_start3A_377 = tpu.memref_slice %arg4[%mul3A_95, %dma_start3A_376] : memref<10240x32xi32, #tpu.memory_space<hbm>> -> memref<4x32xi32, #tpu.memory_space<hbm>>
        %dma_start3A_378 = arith.constant 0 : i32
        %dma_start3A_379 = tpu.memref_slice %arg4[%mul3A_95, %dma_start3A_378] : memref<10240x32xi32, #tpu.memory_space<hbm>> -> memref<4x32xi32, #tpu.memory_space<hbm>>
        tpu.enqueue_dma source(%dma_start3A_379 : memref<4x32xi32, #tpu.memory_space<hbm>>) target(%arg6 : memref<4x32xi32, #tpu.memory_space<vmem>>) target_semaphore(%run_scoped3A : memref<!tpu.dma_semaphore, #tpu.memory_space<semaphore_mem>>)
        %dma_wait3A_380 = arith.constant 0 : i32
        %dma_wait3A_381 = tpu.memref_slice %arg4[%mul3A_95, %dma_wait3A_380] : memref<10240x32xi32, #tpu.memory_space<hbm>> -> memref<4x32xi32, #tpu.memory_space<hbm>>
        %dma_wait3A_382 = arith.constant 0 : i32
        %dma_wait3A_383 = tpu.memref_slice %arg4[%mul3A_95, %dma_wait3A_382] : memref<10240x32xi32, #tpu.memory_space<hbm>> -> memref<4x32xi32, #tpu.memory_space<hbm>>
        tpu.wait_dma2 semaphore(%run_scoped3A : memref<!tpu.dma_semaphore, #tpu.memory_space<semaphore_mem>>) src(%dma_wait3A_383 : memref<4x32xi32, #tpu.memory_space<hbm>>) dst(%arg6 : memref<4x32xi32, #tpu.memory_space<vmem>>)
        tpu.yield
      }) : () -> ()
      "tpu.region"() ({
        %run_scoped3A = tpu.sem_alloc : memref<!tpu.dma_semaphore, #tpu.memory_space<semaphore_mem>>
        %dma_start3A_376 = arith.constant 0 : i32
        %dma_start3A_377 = tpu.memref_slice %arg3[%mul3A_95, %dma_start3A_376] : memref<10240x32xi32, #tpu.memory_space<hbm>> -> memref<4x32xi32, #tpu.memory_space<hbm>>
        %dma_start3A_378 = arith.constant 0 : i32
        %dma_start3A_379 = tpu.memref_slice %arg3[%mul3A_95, %dma_start3A_378] : memref<10240x32xi32, #tpu.memory_space<hbm>> -> memref<4x32xi32, #tpu.memory_space<hbm>>
        tpu.enqueue_dma source(%dma_start3A_379 : memref<4x32xi32, #tpu.memory_space<hbm>>) target(%arg7 : memref<4x32xi32, #tpu.memory_space<vmem>>) target_semaphore(%run_scoped3A : memref<!tpu.dma_semaphore, #tpu.memory_space<semaphore_mem>>)
        %dma_wait3A_380 = arith.constant 0 : i32
        %dma_wait3A_381 = tpu.memref_slice %arg3[%mul3A_95, %dma_wait3A_380] : memref<10240x32xi32, #tpu.memory_space<hbm>> -> memref<4x32xi32, #tpu.memory_space<hbm>>
        %dma_wait3A_382 = arith.constant 0 : i32
        %dma_wait3A_383 = tpu.memref_slice %arg3[%mul3A_95, %dma_wait3A_382] : memref<10240x32xi32, #tpu.memory_space<hbm>> -> memref<4x32xi32, #tpu.memory_space<hbm>>
        tpu.wait_dma2 semaphore(%run_scoped3A : memref<!tpu.dma_semaphore, #tpu.memory_space<semaphore_mem>>) src(%dma_wait3A_383 : memref<4x32xi32, #tpu.memory_space<hbm>>) dst(%arg7 : memref<4x32xi32, #tpu.memory_space<vmem>>)
        tpu.yield
      }) : () -> ()
      %get3A = arith.constant 0 : i32
      %get3A_96 = arith.index_cast %get3A : i32 to index
      %get3A_97 = arith.constant 0 : index
      %get3A_98 = tpu.vector_load %arg6[%get3A_96, %get3A_97] {strides = array<i32>} : memref<4x32xi32, #tpu.memory_space<vmem>>, vector<1x16xi32>,
      %get3A_99 = vector.shape_cast %get3A_98 : vector<1x16xi32> to vector<16xi32>
      %sub3A = arith.constant 5000 : i32
      %sub3A_100 = vector.broadcast %sub3A : i32 to vector<16xi32>
      %sub3A_101 = arith.subi %get3A_99, %sub3A_100 : vector<16xi32>
      %ge3A = arith.constant 0 : i32
      %ge3A_102 = vector.broadcast %ge3A : i32 to vector<16xi32>
      %ge3A_103 = arith.cmpi sge, %sub3A_101, %ge3A_102 : vector<16xi32>
      %lt3A = arith.constant 5000 : i32
      %lt3A_104 = vector.broadcast %lt3A : i32 to vector<16xi32>
      %lt3A_105 = arith.cmpi slt, %sub3A_101, %lt3A_104 : vector<16xi32>
      %and3A = arith.andi %ge3A_103, %lt3A_105 : vector<16xi1>
      %jit3A = arith.constant 5100 : i32
      %broadcast_in_dim3A = vector.broadcast %jit3A : i32 to vector<16xi32>
      %select_n3A = arith.select %and3A, %sub3A_101, %broadcast_in_dim3A : vector<16xi1>, vector<16xi32>
      %swap3A = arith.constant 0 : i32
      %swap3A_106 = arith.index_cast %swap3A : i32 to index
      %swap3A_107 = arith.constant 0 : index
      %swap3A_108 = tpu.vector_load %arg6[%swap3A_106, %swap3A_107] {strides = array<i32>} : memref<4x32xi32, #tpu.memory_space<vmem>>, vector<1x16xi32>,
      %swap3A_109 = vector.shape_cast %swap3A_108 : vector<1x16xi32> to vector<16xi32>
      %swap3A_110 = vector.shape_cast %select_n3A : vector<16xi32> to vector<1x16xi32>
      tpu.vector_store %arg6[%swap3A_106, %swap3A_107], %swap3A_110 {strides = array<i32>} : memref<4x32xi32, #tpu.memory_space<vmem>>, vector<1x16xi32>,
      %get3A_111 = arith.constant 0 : i32
      %get3A_112 = arith.index_cast %get3A_111 : i32 to index
      %get3A_113 = arith.constant 16 : index
      %get3A_114 = tpu.vector_load %arg6[%get3A_112, %get3A_113] {strides = array<i32>} : memref<4x32xi32, #tpu.memory_space<vmem>>, vector<1x16xi32>,
      %get3A_115 = vector.shape_cast %get3A_114 : vector<1x16xi32> to vector<16xi32>
      %sub3A_116 = arith.constant 5000 : i32
      %sub3A_117 = vector.broadcast %sub3A_116 : i32 to vector<16xi32>
      %sub3A_118 = arith.subi %get3A_115, %sub3A_117 : vector<16xi32>
      %ge3A_119 = arith.constant 0 : i32
      %ge3A_120 = vector.broadcast %ge3A_119 : i32 to vector<16xi32>
      %ge3A_121 = arith.cmpi sge, %sub3A_118, %ge3A_120 : vector<16xi32>
      %lt3A_122 = arith.constant 5000 : i32
      %lt3A_123 = vector.broadcast %lt3A_122 : i32 to vector<16xi32>
      %lt3A_124 = arith.cmpi slt, %sub3A_118, %lt3A_123 : vector<16xi32>
      %and3A_125 = arith.andi %ge3A_121, %lt3A_124 : vector<16xi1>
      %jit3A_126 = arith.constant 5100 : i32
      %broadcast_in_dim3A_127 = vector.broadcast %jit3A_126 : i32 to vector<16xi32>
      %select_n3A_128 = arith.select %and3A_125, %sub3A_118, %broadcast_in_dim3A_127 : vector<16xi1>, vector<16xi32>
      %swap3A_129 = arith.constant 0 : i32
      %swap3A_130 = arith.index_cast %swap3A_129 : i32 to index
      %swap3A_131 = arith.constant 16 : index
      %swap3A_132 = tpu.vector_load %arg6[%swap3A_130, %swap3A_131] {strides = array<i32>} : memref<4x32xi32, #tpu.memory_space<vmem>>, vector<1x16xi32>,
      %swap3A_133 = vector.shape_cast %swap3A_132 : vector<1x16xi32> to vector<16xi32>
      %swap3A_134 = vector.shape_cast %select_n3A_128 : vector<16xi32> to vector<1x16xi32>
      tpu.vector_store %arg6[%swap3A_130, %swap3A_131], %swap3A_134 {strides = array<i32>} : memref<4x32xi32, #tpu.memory_space<vmem>>, vector<1x16xi32>,
      %get3A_135 = arith.constant 1 : i32
      %get3A_136 = arith.index_cast %get3A_135 : i32 to index
      %get3A_137 = arith.constant 0 : index
      %get3A_138 = tpu.vector_load %arg6[%get3A_136, %get3A_137] {strides = array<i32>} : memref<4x32xi32, #tpu.memory_space<vmem>>, vector<1x16xi32>,
      %get3A_139 = vector.shape_cast %get3A_138 : vector<1x16xi32> to vector<16xi32>
      %sub3A_140 = arith.constant 5000 : i32
      %sub3A_141 = vector.broadcast %sub3A_140 : i32 to vector<16xi32>
      %sub3A_142 = arith.subi %get3A_139, %sub3A_141 : vector<16xi32>
      %ge3A_143 = arith.constant 0 : i32
      %ge3A_144 = vector.broadcast %ge3A_143 : i32 to vector<16xi32>
      %ge3A_145 = arith.cmpi sge, %sub3A_142, %ge3A_144 : vector<16xi32>
      %lt3A_146 = arith.constant 5000 : i32
      %lt3A_147 = vector.broadcast %lt3A_146 : i32 to vector<16xi32>
      %lt3A_148 = arith.cmpi slt, %sub3A_142, %lt3A_147 : vector<16xi32>
      %and3A_149 = arith.andi %ge3A_145, %lt3A_148 : vector<16xi1>
      %jit3A_150 = arith.constant 5100 : i32
      %broadcast_in_dim3A_151 = vector.broadcast %jit3A_150 : i32 to vector<16xi32>
      %select_n3A_152 = arith.select %and3A_149, %sub3A_142, %broadcast_in_dim3A_151 : vector<16xi1>, vector<16xi32>
      %swap3A_153 = arith.constant 1 : i32
      %swap3A_154 = arith.index_cast %swap3A_153 : i32 to index
      %swap3A_155 = arith.constant 0 : index
      %swap3A_156 = tpu.vector_load %arg6[%swap3A_154, %swap3A_155] {strides = array<i32>} : memref<4x32xi32, #tpu.memory_space<vmem>>, vector<1x16xi32>,
      %swap3A_157 = vector.shape_cast %swap3A_156 : vector<1x16xi32> to vector<16xi32>
      %swap3A_158 = vector.shape_cast %select_n3A_152 : vector<16xi32> to vector<1x16xi32>
      tpu.vector_store %arg6[%swap3A_154, %swap3A_155], %swap3A_158 {strides = array<i32>} : memref<4x32xi32, #tpu.memory_space<vmem>>, vector<1x16xi32>,
      %get3A_159 = arith.constant 1 : i32
      %get3A_160 = arith.index_cast %get3A_159 : i32 to index
      %get3A_161 = arith.constant 16 : index
      %get3A_162 = tpu.vector_load %arg6[%get3A_160, %get3A_161] {strides = array<i32>} : memref<4x32xi32, #tpu.memory_space<vmem>>, vector<1x16xi32>,
      %get3A_163 = vector.shape_cast %get3A_162 : vector<1x16xi32> to vector<16xi32>
      %sub3A_164 = arith.constant 5000 : i32
      %sub3A_165 = vector.broadcast %sub3A_164 : i32 to vector<16xi32>
      %sub3A_166 = arith.subi %get3A_163, %sub3A_165 : vector<16xi32>
      %ge3A_167 = arith.constant 0 : i32
      %ge3A_168 = vector.broadcast %ge3A_167 : i32 to vector<16xi32>
      %ge3A_169 = arith.cmpi sge, %sub3A_166, %ge3A_168 : vector<16xi32>
      %lt3A_170 = arith.constant 5000 : i32
      %lt3A_171 = vector.broadcast %lt3A_170 : i32 to vector<16xi32>
      %lt3A_172 = arith.cmpi slt, %sub3A_166, %lt3A_171 : vector<16xi32>
      %and3A_173 = arith.andi %ge3A_169, %lt3A_172 : vector<16xi1>
      %jit3A_174 = arith.constant 5100 : i32
      %broadcast_in_dim3A_175 = vector.broadcast %jit3A_174 : i32 to vector<16xi32>
      %select_n3A_176 = arith.select %and3A_173, %sub3A_166, %broadcast_in_dim3A_175 : vector<16xi1>, vector<16xi32>
      %swap3A_177 = arith.constant 1 : i32
      %swap3A_178 = arith.index_cast %swap3A_177 : i32 to index
      %swap3A_179 = arith.constant 16 : index
      %swap3A_180 = tpu.vector_load %arg6[%swap3A_178, %swap3A_179] {strides = array<i32>} : memref<4x32xi32, #tpu.memory_space<vmem>>, vector<1x16xi32>,
      %swap3A_181 = vector.shape_cast %swap3A_180 : vector<1x16xi32> to vector<16xi32>
      %swap3A_182 = vector.shape_cast %select_n3A_176 : vector<16xi32> to vector<1x16xi32>
      tpu.vector_store %arg6[%swap3A_178, %swap3A_179], %swap3A_182 {strides = array<i32>} : memref<4x32xi32, #tpu.memory_space<vmem>>, vector<1x16xi32>,
      %get3A_183 = arith.constant 2 : i32
      %get3A_184 = arith.index_cast %get3A_183 : i32 to index
      %get3A_185 = arith.constant 0 : index
      %get3A_186 = tpu.vector_load %arg6[%get3A_184, %get3A_185] {strides = array<i32>} : memref<4x32xi32, #tpu.memory_space<vmem>>, vector<1x16xi32>,
      %get3A_187 = vector.shape_cast %get3A_186 : vector<1x16xi32> to vector<16xi32>
      %sub3A_188 = arith.constant 5000 : i32
      %sub3A_189 = vector.broadcast %sub3A_188 : i32 to vector<16xi32>
      %sub3A_190 = arith.subi %get3A_187, %sub3A_189 : vector<16xi32>
      %ge3A_191 = arith.constant 0 : i32
      %ge3A_192 = vector.broadcast %ge3A_191 : i32 to vector<16xi32>
      %ge3A_193 = arith.cmpi sge, %sub3A_190, %ge3A_192 : vector<16xi32>
      %lt3A_194 = arith.constant 5000 : i32
      %lt3A_195 = vector.broadcast %lt3A_194 : i32 to vector<16xi32>
      %lt3A_196 = arith.cmpi slt, %sub3A_190, %lt3A_195 : vector<16xi32>
      %and3A_197 = arith.andi %ge3A_193, %lt3A_196 : vector<16xi1>
      %jit3A_198 = arith.constant 5100 : i32
      %broadcast_in_dim3A_199 = vector.broadcast %jit3A_198 : i32 to vector<16xi32>
      %select_n3A_200 = arith.select %and3A_197, %sub3A_190, %broadcast_in_dim3A_199 : vector<16xi1>, vector<16xi32>
      %swap3A_201 = arith.constant 2 : i32
      %swap3A_202 = arith.index_cast %swap3A_201 : i32 to index
      %swap3A_203 = arith.constant 0 : index
      %swap3A_204 = tpu.vector_load %arg6[%swap3A_202, %swap3A_203] {strides = array<i32>} : memref<4x32xi32, #tpu.memory_space<vmem>>, vector<1x16xi32>,
      %swap3A_205 = vector.shape_cast %swap3A_204 : vector<1x16xi32> to vector<16xi32>
      %swap3A_206 = vector.shape_cast %select_n3A_200 : vector<16xi32> to vector<1x16xi32>
      tpu.vector_store %arg6[%swap3A_202, %swap3A_203], %swap3A_206 {strides = array<i32>} : memref<4x32xi32, #tpu.memory_space<vmem>>, vector<1x16xi32>,
      %get3A_207 = arith.constant 2 : i32
      %get3A_208 = arith.index_cast %get3A_207 : i32 to index
      %get3A_209 = arith.constant 16 : index
      %get3A_210 = tpu.vector_load %arg6[%get3A_208, %get3A_209] {strides = array<i32>} : memref<4x32xi32, #tpu.memory_space<vmem>>, vector<1x16xi32>,
      %get3A_211 = vector.shape_cast %get3A_210 : vector<1x16xi32> to vector<16xi32>
      %sub3A_212 = arith.constant 5000 : i32
      %sub3A_213 = vector.broadcast %sub3A_212 : i32 to vector<16xi32>
      %sub3A_214 = arith.subi %get3A_211, %sub3A_213 : vector<16xi32>
      %ge3A_215 = arith.constant 0 : i32
      %ge3A_216 = vector.broadcast %ge3A_215 : i32 to vector<16xi32>
      %ge3A_217 = arith.cmpi sge, %sub3A_214, %ge3A_216 : vector<16xi32>
      %lt3A_218 = arith.constant 5000 : i32
      %lt3A_219 = vector.broadcast %lt3A_218 : i32 to vector<16xi32>
      %lt3A_220 = arith.cmpi slt, %sub3A_214, %lt3A_219 : vector<16xi32>
      %and3A_221 = arith.andi %ge3A_217, %lt3A_220 : vector<16xi1>
      %jit3A_222 = arith.constant 5100 : i32
      %broadcast_in_dim3A_223 = vector.broadcast %jit3A_222 : i32 to vector<16xi32>
      %select_n3A_224 = arith.select %and3A_221, %sub3A_214, %broadcast_in_dim3A_223 : vector<16xi1>, vector<16xi32>
      %swap3A_225 = arith.constant 2 : i32
      %swap3A_226 = arith.index_cast %swap3A_225 : i32 to index
      %swap3A_227 = arith.constant 16 : index
      %swap3A_228 = tpu.vector_load %arg6[%swap3A_226, %swap3A_227] {strides = array<i32>} : memref<4x32xi32, #tpu.memory_space<vmem>>, vector<1x16xi32>,
      %swap3A_229 = vector.shape_cast %swap3A_228 : vector<1x16xi32> to vector<16xi32>
      %swap3A_230 = vector.shape_cast %select_n3A_224 : vector<16xi32> to vector<1x16xi32>
      tpu.vector_store %arg6[%swap3A_226, %swap3A_227], %swap3A_230 {strides = array<i32>} : memref<4x32xi32, #tpu.memory_space<vmem>>, vector<1x16xi32>,
      %get3A_231 = arith.constant 3 : i32
      %get3A_232 = arith.index_cast %get3A_231 : i32 to index
      %get3A_233 = arith.constant 0 : index
      %get3A_234 = tpu.vector_load %arg6[%get3A_232, %get3A_233] {strides = array<i32>} : memref<4x32xi32, #tpu.memory_space<vmem>>, vector<1x16xi32>,
      %get3A_235 = vector.shape_cast %get3A_234 : vector<1x16xi32> to vector<16xi32>
      %sub3A_236 = arith.constant 5000 : i32
      %sub3A_237 = vector.broadcast %sub3A_236 : i32 to vector<16xi32>
      %sub3A_238 = arith.subi %get3A_235, %sub3A_237 : vector<16xi32>
      %ge3A_239 = arith.constant 0 : i32
      %ge3A_240 = vector.broadcast %ge3A_239 : i32 to vector<16xi32>
      %ge3A_241 = arith.cmpi sge, %sub3A_238, %ge3A_240 : vector<16xi32>
      %lt3A_242 = arith.constant 5000 : i32
      %lt3A_243 = vector.broadcast %lt3A_242 : i32 to vector<16xi32>
      %lt3A_244 = arith.cmpi slt, %sub3A_238, %lt3A_243 : vector<16xi32>
      %and3A_245 = arith.andi %ge3A_241, %lt3A_244 : vector<16xi1>
      %jit3A_246 = arith.constant 5100 : i32
      %broadcast_in_dim3A_247 = vector.broadcast %jit3A_246 : i32 to vector<16xi32>
      %select_n3A_248 = arith.select %and3A_245, %sub3A_238, %broadcast_in_dim3A_247 : vector<16xi1>, vector<16xi32>
      %swap3A_249 = arith.constant 3 : i32
      %swap3A_250 = arith.index_cast %swap3A_249 : i32 to index
      %swap3A_251 = arith.constant 0 : index
      %swap3A_252 = tpu.vector_load %arg6[%swap3A_250, %swap3A_251] {strides = array<i32>} : memref<4x32xi32, #tpu.memory_space<vmem>>, vector<1x16xi32>,
      %swap3A_253 = vector.shape_cast %swap3A_252 : vector<1x16xi32> to vector<16xi32>
      %swap3A_254 = vector.shape_cast %select_n3A_248 : vector<16xi32> to vector<1x16xi32>
      tpu.vector_store %arg6[%swap3A_250, %swap3A_251], %swap3A_254 {strides = array<i32>} : memref<4x32xi32, #tpu.memory_space<vmem>>, vector<1x16xi32>,
      %get3A_255 = arith.constant 3 : i32
      %get3A_256 = arith.index_cast %get3A_255 : i32 to index
      %get3A_257 = arith.constant 16 : index
      %get3A_258 = tpu.vector_load %arg6[%get3A_256, %get3A_257] {strides = array<i32>} : memref<4x32xi32, #tpu.memory_space<vmem>>, vector<1x16xi32>,
      %get3A_259 = vector.shape_cast %get3A_258 : vector<1x16xi32> to vector<16xi32>
      %sub3A_260 = arith.constant 5000 : i32
      %sub3A_261 = vector.broadcast %sub3A_260 : i32 to vector<16xi32>
      %sub3A_262 = arith.subi %get3A_259, %sub3A_261 : vector<16xi32>
      %ge3A_263 = arith.constant 0 : i32
      %ge3A_264 = vector.broadcast %ge3A_263 : i32 to vector<16xi32>
      %ge3A_265 = arith.cmpi sge, %sub3A_262, %ge3A_264 : vector<16xi32>
      %lt3A_266 = arith.constant 5000 : i32
      %lt3A_267 = vector.broadcast %lt3A_266 : i32 to vector<16xi32>
      %lt3A_268 = arith.cmpi slt, %sub3A_262, %lt3A_267 : vector<16xi32>
      %and3A_269 = arith.andi %ge3A_265, %lt3A_268 : vector<16xi1>
      %jit3A_270 = arith.constant 5100 : i32
      %broadcast_in_dim3A_271 = vector.broadcast %jit3A_270 : i32 to vector<16xi32>
      %select_n3A_272 = arith.select %and3A_269, %sub3A_262, %broadcast_in_dim3A_271 : vector<16xi1>, vector<16xi32>
      %swap3A_273 = arith.constant 3 : i32
      %swap3A_274 = arith.index_cast %swap3A_273 : i32 to index
      %swap3A_275 = arith.constant 16 : index
      %swap3A_276 = tpu.vector_load %arg6[%swap3A_274, %swap3A_275] {strides = array<i32>} : memref<4x32xi32, #tpu.memory_space<vmem>>, vector<1x16xi32>,
      %swap3A_277 = vector.shape_cast %swap3A_276 : vector<1x16xi32> to vector<16xi32>
      %swap3A_278 = vector.shape_cast %select_n3A_272 : vector<16xi32> to vector<1x16xi32>
      tpu.vector_store %arg6[%swap3A_274, %swap3A_275], %swap3A_278 {strides = array<i32>} : memref<4x32xi32, #tpu.memory_space<vmem>>, vector<1x16xi32>,
      %dma_start3A = arith.constant 0 : i32
      %dma_start3A_279 = arith.constant 0 : i32
      %dma_start3A_280 = tpu.memref_slice %arg7[%dma_start3A, %dma_start3A_279] : memref<4x32xi32, #tpu.memory_space<vmem>> -> memref<1x32xi32, #tpu.memory_space<vmem>>
      %dma_start3A_281 = tpu.memref_squeeze %dma_start3A_280 : memref<1x32xi32, #tpu.memory_space<vmem>> -> memref<32xi32, #tpu.memory_space<vmem>>
      %dma_start3A_282 = arith.constant 0 : i32
      %dma_start3A_283 = arith.constant 0 : i32
      %dma_start3A_284 = tpu.memref_slice %arg10[%dma_start3A_282, %dma_start3A_283] : memref<10000x128xf32, #tpu.memory_space<vmem_shared>> -> memref<10000x128xf32, #tpu.memory_space<vmem_shared>>
      tpu.enqueue_indirect_dma source(%dma_start3A_284 : memref<10000x128xf32, #tpu.memory_space<vmem_shared>>) target(%arg8 : memref<32x128xf32, #tpu.memory_space<vmem>>) offsets(%dma_start3A_281 : memref<32xi32, #tpu.memory_space<vmem>>) semaphore(%arg12 : memref<!tpu.dma_semaphore, #tpu.memory_space<semaphore_mem>>)
      %dma_start3A_285 = arith.constant 1 : i32
      %dma_start3A_286 = arith.constant 0 : i32
      %dma_start3A_287 = tpu.memref_slice %arg7[%dma_start3A_285, %dma_start3A_286] : memref<4x32xi32, #tpu.memory_space<vmem>> -> memref<1x32xi32, #tpu.memory_space<vmem>>
      %dma_start3A_288 = tpu.memref_squeeze %dma_start3A_287 : memref<1x32xi32, #tpu.memory_space<vmem>> -> memref<32xi32, #tpu.memory_space<vmem>>
      %dma_start3A_289 = arith.constant 0 : i32
      %dma_start3A_290 = arith.constant 0 : i32
      %dma_start3A_291 = tpu.memref_slice %arg10[%dma_start3A_289, %dma_start3A_290] : memref<10000x128xf32, #tpu.memory_space<vmem_shared>> -> memref<10000x128xf32, #tpu.memory_space<vmem_shared>>
      tpu.enqueue_indirect_dma source(%dma_start3A_291 : memref<10000x128xf32, #tpu.memory_space<vmem_shared>>) target(%arg9 : memref<32x128xf32, #tpu.memory_space<vmem>>) offsets(%dma_start3A_288 : memref<32xi32, #tpu.memory_space<vmem>>) semaphore(%arg13 : memref<!tpu.dma_semaphore, #tpu.memory_space<semaphore_mem>>)
      %dma_wait3A_292 = arith.constant 0 : i32
      %dma_wait3A_293 = arith.constant 0 : i32
      %dma_wait3A_294 = tpu.memref_slice %arg7[%dma_wait3A_292, %dma_wait3A_293] : memref<4x32xi32, #tpu.memory_space<vmem>> -> memref<1x32xi32, #tpu.memory_space<vmem>>
      %dma_wait3A_295 = tpu.memref_squeeze %dma_wait3A_294 : memref<1x32xi32, #tpu.memory_space<vmem>> -> memref<32xi32, #tpu.memory_space<vmem>>
      %dma_wait3A_296 = arith.constant 0 : i32
      %dma_wait3A_297 = arith.constant 0 : i32
      %dma_wait3A_298 = tpu.memref_slice %arg10[%dma_wait3A_296, %dma_wait3A_297] : memref<10000x128xf32, #tpu.memory_space<vmem_shared>> -> memref<10000x128xf32, #tpu.memory_space<vmem_shared>>
      tpu.wait_indirect_dma semaphore(%arg12 : memref<!tpu.dma_semaphore, #tpu.memory_space<semaphore_mem>>) src(%dma_wait3A_298 : memref<10000x128xf32, #tpu.memory_space<vmem_shared>>) dst(%arg8 : memref<32x128xf32, #tpu.memory_space<vmem>>)
      %dma_start3A_299 = arith.constant 0 : i32
      %dma_start3A_300 = arith.constant 0 : i32
      %dma_start3A_301 = tpu.memref_slice %arg6[%dma_start3A_299, %dma_start3A_300] : memref<4x32xi32, #tpu.memory_space<vmem>> -> memref<1x32xi32, #tpu.memory_space<vmem>>
      %dma_start3A_302 = tpu.memref_squeeze %dma_start3A_301 : memref<1x32xi32, #tpu.memory_space<vmem>> -> memref<32xi32, #tpu.memory_space<vmem>>
      %dma_start3A_303 = arith.constant 0 : i32
      %dma_start3A_304 = arith.constant 0 : i32
      %dma_start3A_305 = tpu.memref_slice %arg11[%dma_start3A_303, %dma_start3A_304] : memref<5120x128xf32, #tpu.memory_space<vmem_shared>> -> memref<5120x128xf32, #tpu.memory_space<vmem_shared>>
      tpu.enqueue_indirect_dma source(%arg8 : memref<32x128xf32, #tpu.memory_space<vmem>>) target(%dma_start3A_305 : memref<5120x128xf32, #tpu.memory_space<vmem_shared>>) offsets(%dma_start3A_302 : memref<32xi32, #tpu.memory_space<vmem>>) semaphore(%arg14 : memref<!tpu.dma_semaphore, #tpu.memory_space<semaphore_mem>>) {add = true}
      %dma_wait3A_306 = arith.constant 0 : i32
      %dma_wait3A_307 = arith.constant 0 : i32
      %dma_wait3A_308 = tpu.memref_slice %arg6[%dma_wait3A_306, %dma_wait3A_307] : memref<4x32xi32, #tpu.memory_space<vmem>> -> memref<1x32xi32, #tpu.memory_space<vmem>>
      %dma_wait3A_309 = tpu.memref_squeeze %dma_wait3A_308 : memref<1x32xi32, #tpu.memory_space<vmem>> -> memref<32xi32, #tpu.memory_space<vmem>>
      %dma_wait3A_310 = arith.constant 0 : i32
      %dma_wait3A_311 = arith.constant 0 : i32
      %dma_wait3A_312 = tpu.memref_slice %arg11[%dma_wait3A_310, %dma_wait3A_311] : memref<5120x128xf32, #tpu.memory_space<vmem_shared>> -> memref<5120x128xf32, #tpu.memory_space<vmem_shared>>
      tpu.wait_indirect_dma semaphore(%arg14 : memref<!tpu.dma_semaphore, #tpu.memory_space<semaphore_mem>>) src(%arg8 : memref<32x128xf32, #tpu.memory_space<vmem>>) dst(%dma_wait3A_312 : memref<5120x128xf32, #tpu.memory_space<vmem_shared>>)
      %dma_start3A_313 = arith.constant 2 : i32
      %dma_start3A_314 = arith.constant 0 : i32
      %dma_start3A_315 = tpu.memref_slice %arg7[%dma_start3A_313, %dma_start3A_314] : memref<4x32xi32, #tpu.memory_space<vmem>> -> memref<1x32xi32, #tpu.memory_space<vmem>>
      %dma_start3A_316 = tpu.memref_squeeze %dma_start3A_315 : memref<1x32xi32, #tpu.memory_space<vmem>> -> memref<32xi32, #tpu.memory_space<vmem>>
      %dma_start3A_317 = arith.constant 0 : i32
      %dma_start3A_318 = arith.constant 0 : i32
      %dma_start3A_319 = tpu.memref_slice %arg10[%dma_start3A_317, %dma_start3A_318] : memref<10000x128xf32, #tpu.memory_space<vmem_shared>> -> memref<10000x128xf32, #tpu.memory_space<vmem_shared>>
      tpu.enqueue_indirect_dma source(%dma_start3A_319 : memref<10000x128xf32, #tpu.memory_space<vmem_shared>>) target(%arg8 : memref<32x128xf32, #tpu.memory_space<vmem>>) offsets(%dma_start3A_316 : memref<32xi32, #tpu.memory_space<vmem>>) semaphore(%arg12 : memref<!tpu.dma_semaphore, #tpu.memory_space<semaphore_mem>>)
      %dma_wait3A_320 = arith.constant 1 : i32
      %dma_wait3A_321 = arith.constant 0 : i32
      %dma_wait3A_322 = tpu.memref_slice %arg7[%dma_wait3A_320, %dma_wait3A_321] : memref<4x32xi32, #tpu.memory_space<vmem>> -> memref<1x32xi32, #tpu.memory_space<vmem>>
      %dma_wait3A_323 = tpu.memref_squeeze %dma_wait3A_322 : memref<1x32xi32, #tpu.memory_space<vmem>> -> memref<32xi32, #tpu.memory_space<vmem>>
      %dma_wait3A_324 = arith.constant 0 : i32
      %dma_wait3A_325 = arith.constant 0 : i32
      %dma_wait3A_326 = tpu.memref_slice %arg10[%dma_wait3A_324, %dma_wait3A_325] : memref<10000x128xf32, #tpu.memory_space<vmem_shared>> -> memref<10000x128xf32, #tpu.memory_space<vmem_shared>>
      tpu.wait_indirect_dma semaphore(%arg13 : memref<!tpu.dma_semaphore, #tpu.memory_space<semaphore_mem>>) src(%dma_wait3A_326 : memref<10000x128xf32, #tpu.memory_space<vmem_shared>>) dst(%arg9 : memref<32x128xf32, #tpu.memory_space<vmem>>)
      %dma_start3A_327 = arith.constant 1 : i32
      %dma_start3A_328 = arith.constant 0 : i32
      %dma_start3A_329 = tpu.memref_slice %arg6[%dma_start3A_327, %dma_start3A_328] : memref<4x32xi32, #tpu.memory_space<vmem>> -> memref<1x32xi32, #tpu.memory_space<vmem>>
      %dma_start3A_330 = tpu.memref_squeeze %dma_start3A_329 : memref<1x32xi32, #tpu.memory_space<vmem>> -> memref<32xi32, #tpu.memory_space<vmem>>
      %dma_start3A_331 = arith.constant 0 : i32
      %dma_start3A_332 = arith.constant 0 : i32
      %dma_start3A_333 = tpu.memref_slice %arg11[%dma_start3A_331, %dma_start3A_332] : memref<5120x128xf32, #tpu.memory_space<vmem_shared>> -> memref<5120x128xf32, #tpu.memory_space<vmem_shared>>
      tpu.enqueue_indirect_dma source(%arg9 : memref<32x128xf32, #tpu.memory_space<vmem>>) target(%dma_start3A_333 : memref<5120x128xf32, #tpu.memory_space<vmem_shared>>) offsets(%dma_start3A_330 : memref<32xi32, #tpu.memory_space<vmem>>) semaphore(%arg15 : memref<!tpu.dma_semaphore, #tpu.memory_space<semaphore_mem>>) {add = true}
      %dma_wait3A_334 = arith.constant 1 : i32
      %dma_wait3A_335 = arith.constant 0 : i32
      %dma_wait3A_336 = tpu.memref_slice %arg6[%dma_wait3A_334, %dma_wait3A_335] : memref<4x32xi32, #tpu.memory_space<vmem>> -> memref<1x32xi32, #tpu.memory_space<vmem>>
      %dma_wait3A_337 = tpu.memref_squeeze %dma_wait3A_336 : memref<1x32xi32, #tpu.memory_space<vmem>> -> memref<32xi32, #tpu.memory_space<vmem>>
      %dma_wait3A_338 = arith.constant 0 : i32
      %dma_wait3A_339 = arith.constant 0 : i32
      %dma_wait3A_340 = tpu.memref_slice %arg11[%dma_wait3A_338, %dma_wait3A_339] : memref<5120x128xf32, #tpu.memory_space<vmem_shared>> -> memref<5120x128xf32, #tpu.memory_space<vmem_shared>>
      tpu.wait_indirect_dma semaphore(%arg15 : memref<!tpu.dma_semaphore, #tpu.memory_space<semaphore_mem>>) src(%arg9 : memref<32x128xf32, #tpu.memory_space<vmem>>) dst(%dma_wait3A_340 : memref<5120x128xf32, #tpu.memory_space<vmem_shared>>)
      %dma_start3A_341 = arith.constant 3 : i32
      %dma_start3A_342 = arith.constant 0 : i32
      %dma_start3A_343 = tpu.memref_slice %arg7[%dma_start3A_341, %dma_start3A_342] : memref<4x32xi32, #tpu.memory_space<vmem>> -> memref<1x32xi32, #tpu.memory_space<vmem>>
      %dma_start3A_344 = tpu.memref_squeeze %dma_start3A_343 : memref<1x32xi32, #tpu.memory_space<vmem>> -> memref<32xi32, #tpu.memory_space<vmem>>
      %dma_start3A_345 = arith.constant 0 : i32
      %dma_start3A_346 = arith.constant 0 : i32
      %dma_start3A_347 = tpu.memref_slice %arg10[%dma_start3A_345, %dma_start3A_346] : memref<10000x128xf32, #tpu.memory_space<vmem_shared>> -> memref<10000x128xf32, #tpu.memory_space<vmem_shared>>
      tpu.enqueue_indirect_dma source(%dma_start3A_347 : memref<10000x128xf32, #tpu.memory_space<vmem_shared>>) target(%arg9 : memref<32x128xf32, #tpu.memory_space<vmem>>) offsets(%dma_start3A_344 : memref<32xi32, #tpu.memory_space<vmem>>) semaphore(%arg13 : memref<!tpu.dma_semaphore, #tpu.memory_space<semaphore_mem>>)
      %dma_wait3A_348 = arith.constant 2 : i32
      %dma_wait3A_349 = arith.constant 0 : i32
      %dma_wait3A_350 = tpu.memref_slice %arg7[%dma_wait3A_348, %dma_wait3A_349] : memref<4x32xi32, #tpu.memory_space<vmem>> -> memref<1x32xi32, #tpu.memory_space<vmem>>
      %dma_wait3A_351 = tpu.memref_squeeze %dma_wait3A_350 : memref<1x32xi32, #tpu.memory_space<vmem>> -> memref<32xi32, #tpu.memory_space<vmem>>
      %dma_wait3A_352 = arith.constant 0 : i32
      %dma_wait3A_353 = arith.constant 0 : i32
      %dma_wait3A_354 = tpu.memref_slice %arg10[%dma_wait3A_352, %dma_wait3A_353] : memref<10000x128xf32, #tpu.memory_space<vmem_shared>> -> memref<10000x128xf32, #tpu.memory_space<vmem_shared>>
      tpu.wait_indirect_dma semaphore(%arg12 : memref<!tpu.dma_semaphore, #tpu.memory_space<semaphore_mem>>) src(%dma_wait3A_354 : memref<10000x128xf32, #tpu.memory_space<vmem_shared>>) dst(%arg8 : memref<32x128xf32, #tpu.memory_space<vmem>>)
      %dma_start3A_355 = arith.constant 2 : i32
      %dma_start3A_356 = arith.constant 0 : i32
      %dma_start3A_357 = tpu.memref_slice %arg6[%dma_start3A_355, %dma_start3A_356] : memref<4x32xi32, #tpu.memory_space<vmem>> -> memref<1x32xi32, #tpu.memory_space<vmem>>
      %dma_start3A_358 = tpu.memref_squeeze %dma_start3A_357 : memref<1x32xi32, #tpu.memory_space<vmem>> -> memref<32xi32, #tpu.memory_space<vmem>>
      %dma_start3A_359 = arith.constant 0 : i32
      %dma_start3A_360 = arith.constant 0 : i32
      %dma_start3A_361 = tpu.memref_slice %arg11[%dma_start3A_359, %dma_start3A_360] : memref<5120x128xf32, #tpu.memory_space<vmem_shared>> -> memref<5120x128xf32, #tpu.memory_space<vmem_shared>>
      tpu.enqueue_indirect_dma source(%arg8 : memref<32x128xf32, #tpu.memory_space<vmem>>) target(%dma_start3A_361 : memref<5120x128xf32, #tpu.memory_space<vmem_shared>>) offsets(%dma_start3A_358 : memref<32xi32, #tpu.memory_space<vmem>>) semaphore(%arg14 : memref<!tpu.dma_semaphore, #tpu.memory_space<semaphore_mem>>) {add = true}
      %dma_wait3A_362 = arith.constant 3 : i32
      %dma_wait3A_363 = arith.constant 0 : i32
      %dma_wait3A_364 = tpu.memref_slice %arg7[%dma_wait3A_362, %dma_wait3A_363] : memref<4x32xi32, #tpu.memory_space<vmem>> -> memref<1x32xi32, #tpu.memory_space<vmem>>
      %dma_wait3A_365 = tpu.memref_squeeze %dma_wait3A_364 : memref<1x32xi32, #tpu.memory_space<vmem>> -> memref<32xi32, #tpu.memory_space<vmem>>
      %dma_wait3A_366 = arith.constant 0 : i32
      %dma_wait3A_367 = arith.constant 0 : i32
      %dma_wait3A_368 = tpu.memref_slice %arg10[%dma_wait3A_366, %dma_wait3A_367] : memref<10000x128xf32, #tpu.memory_space<vmem_shared>> -> memref<10000x128xf32, #tpu.memory_space<vmem_shared>>
      tpu.wait_indirect_dma semaphore(%arg13 : memref<!tpu.dma_semaphore, #tpu.memory_space<semaphore_mem>>) src(%dma_wait3A_368 : memref<10000x128xf32, #tpu.memory_space<vmem_shared>>) dst(%arg9 : memref<32x128xf32, #tpu.memory_space<vmem>>)
      %dma_start3A_369 = arith.constant 3 : i32
      %dma_start3A_370 = arith.constant 0 : i32
      %dma_start3A_371 = tpu.memref_slice %arg6[%dma_start3A_369, %dma_start3A_370] : memref<4x32xi32, #tpu.memory_space<vmem>> -> memref<1x32xi32, #tpu.memory_space<vmem>>
      %dma_start3A_372 = tpu.memref_squeeze %dma_start3A_371 : memref<1x32xi32, #tpu.memory_space<vmem>> -> memref<32xi32, #tpu.memory_space<vmem>>
      %dma_start3A_373 = arith.constant 0 : i32
      %dma_start3A_374 = arith.constant 0 : i32
      %dma_start3A_375 = tpu.memref_slice %arg11[%dma_start3A_373, %dma_start3A_374] : memref<5120x128xf32, #tpu.memory_space<vmem_shared>> -> memref<5120x128xf32, #tpu.memory_space<vmem_shared>>
      tpu.enqueue_indirect_dma source(%arg9 : memref<32x128xf32, #tpu.memory_space<vmem>>) target(%dma_start3A_375 : memref<5120x128xf32, #tpu.memory_space<vmem_shared>>) offsets(%dma_start3A_372 : memref<32xi32, #tpu.memory_space<vmem>>) semaphore(%arg15 : memref<!tpu.dma_semaphore, #tpu.memory_space<semaphore_mem>>) {add = true}
    }
    %scan3A_59 = arith.constant 80 : i32
    %dma_wait3A_60 = arith.constant 2 : i32
    %dma_wait3A_61 = arith.constant 0 : i32
    %dma_wait3A_62 = tpu.memref_slice %arg6[%dma_wait3A_60, %dma_wait3A_61] : memref<4x32xi32, #tpu.memory_space<vmem>> -> memref<1x32xi32, #tpu.memory_space<vmem>>
    %dma_wait3A_63 = tpu.memref_squeeze %dma_wait3A_62 : memref<1x32xi32, #tpu.memory_space<vmem>> -> memref<32xi32, #tpu.memory_space<vmem>>
    %dma_wait3A_64 = arith.constant 0 : i32
    %dma_wait3A_65 = arith.constant 0 : i32
    %dma_wait3A_66 = tpu.memref_slice %arg11[%dma_wait3A_64, %dma_wait3A_65] : memref<5120x128xf32, #tpu.memory_space<vmem_shared>> -> memref<5120x128xf32, #tpu.memory_space<vmem_shared>>
    tpu.wait_indirect_dma semaphore(%arg14 : memref<!tpu.dma_semaphore, #tpu.memory_space<semaphore_mem>>) src(%arg8 : memref<32x128xf32, #tpu.memory_space<vmem>>) dst(%dma_wait3A_66 : memref<5120x128xf32, #tpu.memory_space<vmem_shared>>)
    %dma_wait3A_67 = arith.constant 3 : i32
    %dma_wait3A_68 = arith.constant 0 : i32
    %dma_wait3A_69 = tpu.memref_slice %arg6[%dma_wait3A_67, %dma_wait3A_68] : memref<4x32xi32, #tpu.memory_space<vmem>> -> memref<1x32xi32, #tpu.memory_space<vmem>>
    %dma_wait3A_70 = tpu.memref_squeeze %dma_wait3A_69 : memref<1x32xi32, #tpu.memory_space<vmem>> -> memref<32xi32, #tpu.memory_space<vmem>>
    %dma_wait3A_71 = arith.constant 0 : i32
    %dma_wait3A_72 = arith.constant 0 : i32
    %dma_wait3A_73 = tpu.memref_slice %arg11[%dma_wait3A_71, %dma_wait3A_72] : memref<5120x128xf32, #tpu.memory_space<vmem_shared>> -> memref<5120x128xf32, #tpu.memory_space<vmem_shared>>
    tpu.wait_indirect_dma semaphore(%arg15 : memref<!tpu.dma_semaphore, #tpu.memory_space<semaphore_mem>>) src(%arg9 : memref<32x128xf32, #tpu.memory_space<vmem>>) dst(%dma_wait3A_73 : memref<5120x128xf32, #tpu.memory_space<vmem_shared>>)
    %barrier3A_74 = arith.constant 0 : index
    tpu.barrier barrier_id(%barrier3A_74)
    %mul3A_75 = arith.constant 2 : i32
    %mul3A_76 = arith.muli %arg0, %mul3A_75 : i32
    %mul3A_77 = arith.constant 5120 : i32
    %mul3A_78 = arith.muli %mul3A_76, %mul3A_77 : i32
    %add3A_79 = arith.constant 5120 : i32
    %add3A_80 = arith.addi %mul3A_78, %add3A_79 : i32
    %add3A_81 = arith.addi %add3A_80, %mul3A_2 : i32
    "tpu.region"() ({
      %run_scoped3A = tpu.sem_alloc : memref<!tpu.dma_semaphore, #tpu.memory_space<semaphore_mem>>
      %dma_start3A = arith.constant 0 : i32
      %dma_start3A_82 = tpu.memref_slice %arg5[%add3A_81, %dma_start3A] : memref<20480x128xf32, #tpu.memory_space<hbm>> -> memref<320x128xf32, #tpu.memory_space<hbm>>
      %dma_start3A_83 = arith.constant 0 : i32
      %dma_start3A_84 = tpu.memref_slice %arg11[%mul3A_2, %dma_start3A_83] : memref<5120x128xf32, #tpu.memory_space<vmem_shared>> -> memref<320x128xf32, #tpu.memory_space<vmem_shared>>
      tpu.enqueue_dma source(%dma_start3A_84 : memref<320x128xf32, #tpu.memory_space<vmem_shared>>) target(%dma_start3A_82 : memref<320x128xf32, #tpu.memory_space<hbm>>) target_semaphore(%run_scoped3A : memref<!tpu.dma_semaphore, #tpu.memory_space<semaphore_mem>>)
      %dma_wait3A_85 = arith.constant 0 : i32
      %dma_wait3A_86 = tpu.memref_slice %arg5[%add3A_81, %dma_wait3A_85] : memref<20480x128xf32, #tpu.memory_space<hbm>> -> memref<320x128xf32, #tpu.memory_space<hbm>>
      %dma_wait3A_87 = arith.constant 0 : i32
      %dma_wait3A_88 = tpu.memref_slice %arg11[%mul3A_2, %dma_wait3A_87] : memref<5120x128xf32, #tpu.memory_space<vmem_shared>> -> memref<320x128xf32, #tpu.memory_space<vmem_shared>>
      tpu.wait_dma2 semaphore(%run_scoped3A : memref<!tpu.dma_semaphore, #tpu.memory_space<semaphore_mem>>) src(%dma_wait3A_88 : memref<320x128xf32, #tpu.memory_space<vmem_shared>>) dst(%dma_wait3A_86 : memref<320x128xf32, #tpu.memory_space<hbm>>)
      tpu.yield
    }) : () -> ()
    return
  }
}

#map = affine_map<(d0, d1) -> (0, 0)>
module attributes {stable_mosaic.version = 14 : i64} {
  func.func @k(%arg0: i32, %arg1: i32, %arg2: memref<10000x128xf32, #tpu.memory_space<hbm>>, %arg3: memref<10240x32xi32, #tpu.memory_space<hbm>>, %arg4: memref<10240x32xi32, #tpu.memory_space<hbm>>, %arg5: memref<20480x128xf32, #tpu.memory_space<hbm>>, %arg6: memref<4x32xi32, #tpu.memory_space<vmem>>, %arg7: memref<4x32xi32, #tpu.memory_space<vmem>>, %arg8: memref<32x128xf32, #tpu.memory_space<vmem>>, %arg9: memref<32x128xf32, #tpu.memory_space<vmem>>, %arg10: memref<10000x128xf32, #tpu.memory_space<vmem_shared>>, %arg11: memref<5120x128xf32, #tpu.memory_space<vmem_shared>>, %arg12: memref<!tpu.dma_semaphore, #tpu.memory_space<semaphore_mem>>, %arg13: memref<!tpu.dma_semaphore, #tpu.memory_space<semaphore_mem>>, %arg14: memref<!tpu.dma_semaphore, #tpu.memory_space<semaphore_mem>>, %arg15: memref<!tpu.dma_semaphore, #tpu.memory_space<semaphore_mem>>) attributes {dimension_semantics = [#tpu.dimension_semantics<core_parallel>, #tpu.dimension_semantics<subcore_parallel>], iteration_bounds = array<i64: 2, 16>, scalar_prefetch = 0 : i64, scratch_operands = 10 : i64, tpu.core_type = #tpu.core_type<sc_vector_subcore>, window_params = [{transform_indices = #map}, {transform_indices = #map}, {transform_indices = #map}, {transform_indices = #map}]} {
    %mul3A = arith.constant 2 : i32
    %mul3A_0 = arith.muli %arg1, %mul3A : i32
    %add3A = arith.addi %mul3A_0, %arg0 : i32
    %mul3A_1 = arith.constant 320 : i32
    %mul3A_2 = arith.muli %arg1, %mul3A_1 : i32
    %mul3A_3 = arith.constant 624 : i32
    %mul3A_4 = arith.muli %arg1, %mul3A_3 : i32
    %mul3A_5 = arith.constant 624 : i32
    %mul3A_6 = arith.muli %arg1, %mul3A_5 : i32
    "tpu.region"() ({
      %run_scoped3A = tpu.sem_alloc : memref<!tpu.dma_semaphore, #tpu.memory_space<semaphore_mem>>
      %dma_start3A = arith.constant 0 : i32
      %dma_start3A_82 = tpu.memref_slice %arg10[%mul3A_6, %dma_start3A] : memref<10000x128xf32, #tpu.memory_space<vmem_shared>> -> memref<624x128xf32, #tpu.memory_space<vmem_shared>>
      %dma_start3A_83 = arith.constant 0 : i32
      %dma_start3A_84 = tpu.memref_slice %arg2[%mul3A_4, %dma_start3A_83] : memref<10000x128xf32, #tpu.memory_space<hbm>> -> memref<624x128xf32, #tpu.memory_space<hbm>>
      tpu.enqueue_dma source(%dma_start3A_84 : memref<624x128xf32, #tpu.memory_space<hbm>>) target(%dma_start3A_82 : memref<624x128xf32, #tpu.memory_space<vmem_shared>>) target_semaphore(%run_scoped3A : memref<!tpu.dma_semaphore, #tpu.memory_space<semaphore_mem>>)
      %dma_wait3A_85 = arith.constant 0 : i32
      %dma_wait3A_86 = tpu.memref_slice %arg10[%mul3A_6, %dma_wait3A_85] : memref<10000x128xf32, #tpu.memory_space<vmem_shared>> -> memref<624x128xf32, #tpu.memory_space<vmem_shared>>
      %dma_wait3A_87 = arith.constant 0 : i32
      %dma_wait3A_88 = tpu.memref_slice %arg2[%mul3A_4, %dma_wait3A_87] : memref<10000x128xf32, #tpu.memory_space<hbm>> -> memref<624x128xf32, #tpu.memory_space<hbm>>
      tpu.wait_dma2 semaphore(%run_scoped3A : memref<!tpu.dma_semaphore, #tpu.memory_space<semaphore_mem>>) src(%dma_wait3A_88 : memref<624x128xf32, #tpu.memory_space<hbm>>) dst(%dma_wait3A_86 : memref<624x128xf32, #tpu.memory_space<vmem_shared>>)
      tpu.yield
    }) : () -> ()
    %eq3A = arith.constant 0 : i32
    %eq3A_7 = arith.cmpi eq, %arg1, %eq3A : i32
    %convert_element_type3A = arith.extui %eq3A_7 : i1 to i32
    %cond3A = arith.constant 0 : i32
    %cond3A_8 = arith.cmpi ne, %convert_element_type3A, %cond3A : i32
    scf.if %cond3A_8 {
      "tpu.region"() ({
        %run_scoped3A = tpu.sem_alloc : memref<!tpu.dma_semaphore, #tpu.memory_space<semaphore_mem>>
        %dma_start3A = arith.constant 9984 : i32
        %dma_start3A_82 = arith.constant 0 : i32
        %dma_start3A_83 = tpu.memref_slice %arg10[%dma_start3A, %dma_start3A_82] : memref<10000x128xf32, #tpu.memory_space<vmem_shared>> -> memref<16x128xf32, #tpu.memory_space<vmem_shared>>
        %dma_start3A_84 = arith.constant 9984 : i32
        %dma_start3A_85 = arith.constant 0 : i32
        %dma_start3A_86 = tpu.memref_slice %arg2[%dma_start3A_84, %dma_start3A_85] : memref<10000x128xf32, #tpu.memory_space<hbm>> -> memref<16x128xf32, #tpu.memory_space<hbm>>
        tpu.enqueue_dma source(%dma_start3A_86 : memref<16x128xf32, #tpu.memory_space<hbm>>) target(%dma_start3A_83 : memref<16x128xf32, #tpu.memory_space<vmem_shared>>) target_semaphore(%run_scoped3A : memref<!tpu.dma_semaphore, #tpu.memory_space<semaphore_mem>>)
        %dma_wait3A_87 = arith.constant 9984 : i32
        %dma_wait3A_88 = arith.constant 0 : i32
        %dma_wait3A_89 = tpu.memref_slice %arg10[%dma_wait3A_87, %dma_wait3A_88] : memref<10000x128xf32, #tpu.memory_space<vmem_shared>> -> memref<16x128xf32, #tpu.memory_space<vmem_shared>>
        %dma_wait3A_90 = arith.constant 9984 : i32
        %dma_wait3A_91 = arith.constant 0 : i32
        %dma_wait3A_92 = tpu.memref_slice %arg2[%dma_wait3A_90, %dma_wait3A_91] : memref<10000x128xf32, #tpu.memory_space<hbm>> -> memref<16x128xf32, #tpu.memory_space<hbm>>
        tpu.wait_dma2 semaphore(%run_scoped3A : memref<!tpu.dma_semaphore, #tpu.memory_space<semaphore_mem>>) src(%dma_wait3A_92 : memref<16x128xf32, #tpu.memory_space<hbm>>) dst(%dma_wait3A_89 : memref<16x128xf32, #tpu.memory_space<vmem_shared>>)
        tpu.yield
      }) : () -> ()
    } else {
    }
    %scan3A = arith.constant 0 : i32
    %scan3A_9 = arith.constant 32 : i32
    %scan3A_10 = arith.addi %scan3A, %scan3A_9 : i32
    %scan3A_11 = arith.constant 1 : i32
    scf.for %scan3A_82 = %scan3A to %scan3A_10 step %scan3A_11  : i32 {
      %mul3A_83 = arith.constant 1 : i32
      %mul3A_84 = arith.muli %scan3A_82, %mul3A_83 : i32
      %add3A_85 = arith.constant 0 : i32
      %add3A_86 = arith.addi %add3A_85, %mul3A_84 : i32
      %scan3A_87 = arith.constant 0 : i32
      %scan3A_88 = arith.constant 8 : i32
      %scan3A_89 = arith.addi %scan3A_87, %scan3A_88 : i32
      %scan3A_90 = arith.constant 1 : i32
      scf.for %scan3A_92 = %scan3A_87 to %scan3A_89 step %scan3A_90  : i32 {
        %mul3A_93 = arith.constant 16 : i32
        %mul3A_94 = arith.muli %scan3A_92, %mul3A_93 : i32
        %add3A_95 = arith.constant 0 : i32
        %add3A_96 = arith.addi %add3A_95, %mul3A_94 : i32
        %broadcast_in_dim3A = arith.constant 0.000000e+00 : f32
        %broadcast_in_dim3A_97 = vector.broadcast %broadcast_in_dim3A : f32 to vector<16xf32>
        %swap3A = arith.index_cast %add3A_86 : i32 to index
        %swap3A_98 = arith.index_cast %add3A_96 : i32 to index
        %swap3A_99 = tpu.vector_load %arg8[%swap3A, %swap3A_98] {strides = array<i32>} : memref<32x128xf32, #tpu.memory_space<vmem>>, vector<1x16xf32>,
        %swap3A_100 = vector.shape_cast %swap3A_99 : vector<1x16xf32> to vector<16xf32>
        %swap3A_101 = vector.shape_cast %broadcast_in_dim3A_97 : vector<16xf32> to vector<1x16xf32>
        tpu.vector_store %arg8[%swap3A, %swap3A_98], %swap3A_101 {strides = array<i32>} : memref<32x128xf32, #tpu.memory_space<vmem>>, vector<1x16xf32>,
      }
      %scan3A_91 = arith.constant 8 : i32
    }
    %scan3A_12 = arith.constant 32 : i32
    %scan3A_13 = arith.constant 0 : i32
    %scan3A_14 = arith.constant 10 : i32
    %scan3A_15 = arith.addi %scan3A_13, %scan3A_14 : i32
    %scan3A_16 = arith.constant 1 : i32
    scf.for %scan3A_82 = %scan3A_13 to %scan3A_15 step %scan3A_16  : i32 {
      %mul3A_83 = arith.constant 32 : i32
      %mul3A_84 = arith.muli %scan3A_82, %mul3A_83 : i32
      %add3A_85 = arith.constant 0 : i32
      %add3A_86 = arith.addi %add3A_85, %mul3A_84 : i32
      %add3A_87 = arith.addi %mul3A_2, %add3A_86 : i32
      "tpu.region"() ({
        %run_scoped3A = tpu.sem_alloc : memref<!tpu.dma_semaphore, #tpu.memory_space<semaphore_mem>>
        %dma_start3A = arith.constant 0 : i32
        %dma_start3A_88 = tpu.memref_slice %arg11[%add3A_87, %dma_start3A] : memref<5120x128xf32, #tpu.memory_space<vmem_shared>> -> memref<32x128xf32, #tpu.memory_space<vmem_shared>>
        %dma_start3A_89 = arith.constant 0 : i32
        %dma_start3A_90 = tpu.memref_slice %arg11[%add3A_87, %dma_start3A_89] : memref<5120x128xf32, #tpu.memory_space<vmem_shared>> -> memref<32x128xf32, #tpu.memory_space<vmem_shared>>
        tpu.enqueue_dma source(%arg8 : memref<32x128xf32, #tpu.memory_space<vmem>>) target(%dma_start3A_90 : memref<32x128xf32, #tpu.memory_space<vmem_shared>>) target_semaphore(%run_scoped3A : memref<!tpu.dma_semaphore, #tpu.memory_space<semaphore_mem>>)
        %dma_wait3A_91 = arith.constant 0 : i32
        %dma_wait3A_92 = tpu.memref_slice %arg11[%add3A_87, %dma_wait3A_91] : memref<5120x128xf32, #tpu.memory_space<vmem_shared>> -> memref<32x128xf32, #tpu.memory_space<vmem_shared>>
        %dma_wait3A_93 = arith.constant 0 : i32
        %dma_wait3A_94 = tpu.memref_slice %arg11[%add3A_87, %dma_wait3A_93] : memref<5120x128xf32, #tpu.memory_space<vmem_shared>> -> memref<32x128xf32, #tpu.memory_space<vmem_shared>>
        tpu.wait_dma2 semaphore(%run_scoped3A : memref<!tpu.dma_semaphore, #tpu.memory_space<semaphore_mem>>) src(%arg8 : memref<32x128xf32, #tpu.memory_space<vmem>>) dst(%dma_wait3A_94 : memref<32x128xf32, #tpu.memory_space<vmem_shared>>)
        tpu.yield
      }) : () -> ()
    }
    %scan3A_17 = arith.constant 10 : i32
    %barrier3A = arith.constant 0 : index
    tpu.barrier barrier_id(%barrier3A)
    %scan3A_18 = arith.constant 0 : i32
    %scan3A_19 = arith.constant 80 : i32
    %scan3A_20 = arith.addi %scan3A_18, %scan3A_19 : i32
    %scan3A_21 = arith.constant 1 : i32
    scf.for %scan3A_82 = %scan3A_18 to %scan3A_20 step %scan3A_21  : i32 {
      %mul3A_83 = arith.constant 1 : i32
      %mul3A_84 = arith.muli %scan3A_82, %mul3A_83 : i32
      %add3A_85 = arith.constant 0 : i32
      %add3A_86 = arith.addi %add3A_85, %mul3A_84 : i32
      %gt3A = arith.constant 0 : i32
      %gt3A_87 = arith.cmpi sgt, %add3A_86, %gt3A : i32
      %convert_element_type3A_88 = arith.extui %gt3A_87 : i1 to i32
      %cond3A_89 = arith.constant 0 : i32
      %cond3A_90 = arith.cmpi ne, %convert_element_type3A_88, %cond3A_89 : i32
      scf.if %cond3A_90 {
        %dma_wait3A_376 = arith.constant 2 : i32
        %dma_wait3A_377 = arith.constant 0 : i32
        %dma_wait3A_378 = tpu.memref_slice %arg6[%dma_wait3A_376, %dma_wait3A_377] : memref<4x32xi32, #tpu.memory_space<vmem>> -> memref<1x32xi32, #tpu.memory_space<vmem>>
        %dma_wait3A_379 = tpu.memref_squeeze %dma_wait3A_378 : memref<1x32xi32, #tpu.memory_space<vmem>> -> memref<32xi32, #tpu.memory_space<vmem>>
        %dma_wait3A_380 = arith.constant 0 : i32
        %dma_wait3A_381 = arith.constant 0 : i32
        %dma_wait3A_382 = tpu.memref_slice %arg11[%dma_wait3A_380, %dma_wait3A_381] : memref<5120x128xf32, #tpu.memory_space<vmem_shared>> -> memref<5120x128xf32, #tpu.memory_space<vmem_shared>>
        tpu.wait_indirect_dma semaphore(%arg14 : memref<!tpu.dma_semaphore, #tpu.memory_space<semaphore_mem>>) src(%arg8 : memref<32x128xf32, #tpu.memory_space<vmem>>) dst(%dma_wait3A_382 : memref<5120x128xf32, #tpu.memory_space<vmem_shared>>)
        %dma_wait3A_383 = arith.constant 3 : i32
        %dma_wait3A_384 = arith.constant 0 : i32
        %dma_wait3A_385 = tpu.memref_slice %arg6[%dma_wait3A_383, %dma_wait3A_384] : memref<4x32xi32, #tpu.memory_space<vmem>> -> memref<1x32xi32, #tpu.memory_space<vmem>>
        %dma_wait3A_386 = tpu.memref_squeeze %dma_wait3A_385 : memref<1x32xi32, #tpu.memory_space<vmem>> -> memref<32xi32, #tpu.memory_space<vmem>>
        %dma_wait3A_387 = arith.constant 0 : i32
        %dma_wait3A_388 = arith.constant 0 : i32
        %dma_wait3A_389 = tpu.memref_slice %arg11[%dma_wait3A_387, %dma_wait3A_388] : memref<5120x128xf32, #tpu.memory_space<vmem_shared>> -> memref<5120x128xf32, #tpu.memory_space<vmem_shared>>
        tpu.wait_indirect_dma semaphore(%arg15 : memref<!tpu.dma_semaphore, #tpu.memory_space<semaphore_mem>>) src(%arg9 : memref<32x128xf32, #tpu.memory_space<vmem>>) dst(%dma_wait3A_389 : memref<5120x128xf32, #tpu.memory_space<vmem_shared>>)
      } else {
      }
      %mul3A_91 = arith.constant 80 : i32
      %mul3A_92 = arith.muli %add3A, %mul3A_91 : i32
      %add3A_93 = arith.addi %mul3A_92, %add3A_86 : i32
      %mul3A_94 = arith.constant 4 : i32
      %mul3A_95 = arith.muli %add3A_93, %mul3A_94 : i32
      "tpu.region"() ({
        %run_scoped3A = tpu.sem_alloc : memref<!tpu.dma_semaphore, #tpu.memory_space<semaphore_mem>>
        %dma_start3A_376 = arith.constant 0 : i32
        %dma_start3A_377 = tpu.memref_slice %arg4[%mul3A_95, %dma_start3A_376] : memref<10240x32xi32, #tpu.memory_space<hbm>> -> memref<4x32xi32, #tpu.memory_space<hbm>>
        %dma_start3A_378 = arith.constant 0 : i32
        %dma_start3A_379 = tpu.memref_slice %arg4[%mul3A_95, %dma_start3A_378] : memref<10240x32xi32, #tpu.memory_space<hbm>> -> memref<4x32xi32, #tpu.memory_space<hbm>>
        tpu.enqueue_dma source(%dma_start3A_379 : memref<4x32xi32, #tpu.memory_space<hbm>>) target(%arg6 : memref<4x32xi32, #tpu.memory_space<vmem>>) target_semaphore(%run_scoped3A : memref<!tpu.dma_semaphore, #tpu.memory_space<semaphore_mem>>)
        %dma_wait3A_380 = arith.constant 0 : i32
        %dma_wait3A_381 = tpu.memref_slice %arg4[%mul3A_95, %dma_wait3A_380] : memref<10240x32xi32, #tpu.memory_space<hbm>> -> memref<4x32xi32, #tpu.memory_space<hbm>>
        %dma_wait3A_382 = arith.constant 0 : i32
        %dma_wait3A_383 = tpu.memref_slice %arg4[%mul3A_95, %dma_wait3A_382] : memref<10240x32xi32, #tpu.memory_space<hbm>> -> memref<4x32xi32, #tpu.memory_space<hbm>>
        tpu.wait_dma2 semaphore(%run_scoped3A : memref<!tpu.dma_semaphore, #tpu.memory_space<semaphore_mem>>) src(%dma_wait3A_383 : memref<4x32xi32, #tpu.memory_space<hbm>>) dst(%arg6 : memref<4x32xi32, #tpu.memory_space<vmem>>)
        tpu.yield
      }) : () -> ()
      "tpu.region"() ({
        %run_scoped3A = tpu.sem_alloc : memref<!tpu.dma_semaphore, #tpu.memory_space<semaphore_mem>>
        %dma_start3A_376 = arith.constant 0 : i32
        %dma_start3A_377 = tpu.memref_slice %arg3[%mul3A_95, %dma_start3A_376] : memref<10240x32xi32, #tpu.memory_space<hbm>> -> memref<4x32xi32, #tpu.memory_space<hbm>>
        %dma_start3A_378 = arith.constant 0 : i32
        %dma_start3A_379 = tpu.memref_slice %arg3[%mul3A_95, %dma_start3A_378] : memref<10240x32xi32, #tpu.memory_space<hbm>> -> memref<4x32xi32, #tpu.memory_space<hbm>>
        tpu.enqueue_dma source(%dma_start3A_379 : memref<4x32xi32, #tpu.memory_space<hbm>>) target(%arg7 : memref<4x32xi32, #tpu.memory_space<vmem>>) target_semaphore(%run_scoped3A : memref<!tpu.dma_semaphore, #tpu.memory_space<semaphore_mem>>)
        %dma_wait3A_380 = arith.constant 0 : i32
        %dma_wait3A_381 = tpu.memref_slice %arg3[%mul3A_95, %dma_wait3A_380] : memref<10240x32xi32, #tpu.memory_space<hbm>> -> memref<4x32xi32, #tpu.memory_space<hbm>>
        %dma_wait3A_382 = arith.constant 0 : i32
        %dma_wait3A_383 = tpu.memref_slice %arg3[%mul3A_95, %dma_wait3A_382] : memref<10240x32xi32, #tpu.memory_space<hbm>> -> memref<4x32xi32, #tpu.memory_space<hbm>>
        tpu.wait_dma2 semaphore(%run_scoped3A : memref<!tpu.dma_semaphore, #tpu.memory_space<semaphore_mem>>) src(%dma_wait3A_383 : memref<4x32xi32, #tpu.memory_space<hbm>>) dst(%arg7 : memref<4x32xi32, #tpu.memory_space<vmem>>)
        tpu.yield
      }) : () -> ()
      %get3A = arith.constant 0 : i32
      %get3A_96 = arith.index_cast %get3A : i32 to index
      %get3A_97 = arith.constant 0 : index
      %get3A_98 = tpu.vector_load %arg6[%get3A_96, %get3A_97] {strides = array<i32>} : memref<4x32xi32, #tpu.memory_space<vmem>>, vector<1x16xi32>,
      %get3A_99 = vector.shape_cast %get3A_98 : vector<1x16xi32> to vector<16xi32>
      %sub3A = arith.constant 0 : i32
      %sub3A_100 = vector.broadcast %sub3A : i32 to vector<16xi32>
      %sub3A_101 = arith.subi %get3A_99, %sub3A_100 : vector<16xi32>
      %ge3A = arith.constant 0 : i32
      %ge3A_102 = vector.broadcast %ge3A : i32 to vector<16xi32>
      %ge3A_103 = arith.cmpi sge, %sub3A_101, %ge3A_102 : vector<16xi32>
      %lt3A = arith.constant 5000 : i32
      %lt3A_104 = vector.broadcast %lt3A : i32 to vector<16xi32>
      %lt3A_105 = arith.cmpi slt, %sub3A_101, %lt3A_104 : vector<16xi32>
      %and3A = arith.andi %ge3A_103, %lt3A_105 : vector<16xi1>
      %jit3A = arith.constant 5100 : i32
      %broadcast_in_dim3A = vector.broadcast %jit3A : i32 to vector<16xi32>
      %select_n3A = arith.select %and3A, %sub3A_101, %broadcast_in_dim3A : vector<16xi1>, vector<16xi32>
      %swap3A = arith.constant 0 : i32
      %swap3A_106 = arith.index_cast %swap3A : i32 to index
      %swap3A_107 = arith.constant 0 : index
      %swap3A_108 = tpu.vector_load %arg6[%swap3A_106, %swap3A_107] {strides = array<i32>} : memref<4x32xi32, #tpu.memory_space<vmem>>, vector<1x16xi32>,
      %swap3A_109 = vector.shape_cast %swap3A_108 : vector<1x16xi32> to vector<16xi32>
      %swap3A_110 = vector.shape_cast %select_n3A : vector<16xi32> to vector<1x16xi32>
      tpu.vector_store %arg6[%swap3A_106, %swap3A_107], %swap3A_110 {strides = array<i32>} : memref<4x32xi32, #tpu.memory_space<vmem>>, vector<1x16xi32>,
      %get3A_111 = arith.constant 0 : i32
      %get3A_112 = arith.index_cast %get3A_111 : i32 to index
      %get3A_113 = arith.constant 16 : index
      %get3A_114 = tpu.vector_load %arg6[%get3A_112, %get3A_113] {strides = array<i32>} : memref<4x32xi32, #tpu.memory_space<vmem>>, vector<1x16xi32>,
      %get3A_115 = vector.shape_cast %get3A_114 : vector<1x16xi32> to vector<16xi32>
      %sub3A_116 = arith.constant 0 : i32
      %sub3A_117 = vector.broadcast %sub3A_116 : i32 to vector<16xi32>
      %sub3A_118 = arith.subi %get3A_115, %sub3A_117 : vector<16xi32>
      %ge3A_119 = arith.constant 0 : i32
      %ge3A_120 = vector.broadcast %ge3A_119 : i32 to vector<16xi32>
      %ge3A_121 = arith.cmpi sge, %sub3A_118, %ge3A_120 : vector<16xi32>
      %lt3A_122 = arith.constant 5000 : i32
      %lt3A_123 = vector.broadcast %lt3A_122 : i32 to vector<16xi32>
      %lt3A_124 = arith.cmpi slt, %sub3A_118, %lt3A_123 : vector<16xi32>
      %and3A_125 = arith.andi %ge3A_121, %lt3A_124 : vector<16xi1>
      %jit3A_126 = arith.constant 5100 : i32
      %broadcast_in_dim3A_127 = vector.broadcast %jit3A_126 : i32 to vector<16xi32>
      %select_n3A_128 = arith.select %and3A_125, %sub3A_118, %broadcast_in_dim3A_127 : vector<16xi1>, vector<16xi32>
      %swap3A_129 = arith.constant 0 : i32
      %swap3A_130 = arith.index_cast %swap3A_129 : i32 to index
      %swap3A_131 = arith.constant 16 : index
      %swap3A_132 = tpu.vector_load %arg6[%swap3A_130, %swap3A_131] {strides = array<i32>} : memref<4x32xi32, #tpu.memory_space<vmem>>, vector<1x16xi32>,
      %swap3A_133 = vector.shape_cast %swap3A_132 : vector<1x16xi32> to vector<16xi32>
      %swap3A_134 = vector.shape_cast %select_n3A_128 : vector<16xi32> to vector<1x16xi32>
      tpu.vector_store %arg6[%swap3A_130, %swap3A_131], %swap3A_134 {strides = array<i32>} : memref<4x32xi32, #tpu.memory_space<vmem>>, vector<1x16xi32>,
      %get3A_135 = arith.constant 1 : i32
      %get3A_136 = arith.index_cast %get3A_135 : i32 to index
      %get3A_137 = arith.constant 0 : index
      %get3A_138 = tpu.vector_load %arg6[%get3A_136, %get3A_137] {strides = array<i32>} : memref<4x32xi32, #tpu.memory_space<vmem>>, vector<1x16xi32>,
      %get3A_139 = vector.shape_cast %get3A_138 : vector<1x16xi32> to vector<16xi32>
      %sub3A_140 = arith.constant 0 : i32
      %sub3A_141 = vector.broadcast %sub3A_140 : i32 to vector<16xi32>
      %sub3A_142 = arith.subi %get3A_139, %sub3A_141 : vector<16xi32>
      %ge3A_143 = arith.constant 0 : i32
      %ge3A_144 = vector.broadcast %ge3A_143 : i32 to vector<16xi32>
      %ge3A_145 = arith.cmpi sge, %sub3A_142, %ge3A_144 : vector<16xi32>
      %lt3A_146 = arith.constant 5000 : i32
      %lt3A_147 = vector.broadcast %lt3A_146 : i32 to vector<16xi32>
      %lt3A_148 = arith.cmpi slt, %sub3A_142, %lt3A_147 : vector<16xi32>
      %and3A_149 = arith.andi %ge3A_145, %lt3A_148 : vector<16xi1>
      %jit3A_150 = arith.constant 5100 : i32
      %broadcast_in_dim3A_151 = vector.broadcast %jit3A_150 : i32 to vector<16xi32>
      %select_n3A_152 = arith.select %and3A_149, %sub3A_142, %broadcast_in_dim3A_151 : vector<16xi1>, vector<16xi32>
      %swap3A_153 = arith.constant 1 : i32
      %swap3A_154 = arith.index_cast %swap3A_153 : i32 to index
      %swap3A_155 = arith.constant 0 : index
      %swap3A_156 = tpu.vector_load %arg6[%swap3A_154, %swap3A_155] {strides = array<i32>} : memref<4x32xi32, #tpu.memory_space<vmem>>, vector<1x16xi32>,
      %swap3A_157 = vector.shape_cast %swap3A_156 : vector<1x16xi32> to vector<16xi32>
      %swap3A_158 = vector.shape_cast %select_n3A_152 : vector<16xi32> to vector<1x16xi32>
      tpu.vector_store %arg6[%swap3A_154, %swap3A_155], %swap3A_158 {strides = array<i32>} : memref<4x32xi32, #tpu.memory_space<vmem>>, vector<1x16xi32>,
      %get3A_159 = arith.constant 1 : i32
      %get3A_160 = arith.index_cast %get3A_159 : i32 to index
      %get3A_161 = arith.constant 16 : index
      %get3A_162 = tpu.vector_load %arg6[%get3A_160, %get3A_161] {strides = array<i32>} : memref<4x32xi32, #tpu.memory_space<vmem>>, vector<1x16xi32>,
      %get3A_163 = vector.shape_cast %get3A_162 : vector<1x16xi32> to vector<16xi32>
      %sub3A_164 = arith.constant 0 : i32
      %sub3A_165 = vector.broadcast %sub3A_164 : i32 to vector<16xi32>
      %sub3A_166 = arith.subi %get3A_163, %sub3A_165 : vector<16xi32>
      %ge3A_167 = arith.constant 0 : i32
      %ge3A_168 = vector.broadcast %ge3A_167 : i32 to vector<16xi32>
      %ge3A_169 = arith.cmpi sge, %sub3A_166, %ge3A_168 : vector<16xi32>
      %lt3A_170 = arith.constant 5000 : i32
      %lt3A_171 = vector.broadcast %lt3A_170 : i32 to vector<16xi32>
      %lt3A_172 = arith.cmpi slt, %sub3A_166, %lt3A_171 : vector<16xi32>
      %and3A_173 = arith.andi %ge3A_169, %lt3A_172 : vector<16xi1>
      %jit3A_174 = arith.constant 5100 : i32
      %broadcast_in_dim3A_175 = vector.broadcast %jit3A_174 : i32 to vector<16xi32>
      %select_n3A_176 = arith.select %and3A_173, %sub3A_166, %broadcast_in_dim3A_175 : vector<16xi1>, vector<16xi32>
      %swap3A_177 = arith.constant 1 : i32
      %swap3A_178 = arith.index_cast %swap3A_177 : i32 to index
      %swap3A_179 = arith.constant 16 : index
      %swap3A_180 = tpu.vector_load %arg6[%swap3A_178, %swap3A_179] {strides = array<i32>} : memref<4x32xi32, #tpu.memory_space<vmem>>, vector<1x16xi32>,
      %swap3A_181 = vector.shape_cast %swap3A_180 : vector<1x16xi32> to vector<16xi32>
      %swap3A_182 = vector.shape_cast %select_n3A_176 : vector<16xi32> to vector<1x16xi32>
      tpu.vector_store %arg6[%swap3A_178, %swap3A_179], %swap3A_182 {strides = array<i32>} : memref<4x32xi32, #tpu.memory_space<vmem>>, vector<1x16xi32>,
      %get3A_183 = arith.constant 2 : i32
      %get3A_184 = arith.index_cast %get3A_183 : i32 to index
      %get3A_185 = arith.constant 0 : index
      %get3A_186 = tpu.vector_load %arg6[%get3A_184, %get3A_185] {strides = array<i32>} : memref<4x32xi32, #tpu.memory_space<vmem>>, vector<1x16xi32>,
      %get3A_187 = vector.shape_cast %get3A_186 : vector<1x16xi32> to vector<16xi32>
      %sub3A_188 = arith.constant 0 : i32
      %sub3A_189 = vector.broadcast %sub3A_188 : i32 to vector<16xi32>
      %sub3A_190 = arith.subi %get3A_187, %sub3A_189 : vector<16xi32>
      %ge3A_191 = arith.constant 0 : i32
      %ge3A_192 = vector.broadcast %ge3A_191 : i32 to vector<16xi32>
      %ge3A_193 = arith.cmpi sge, %sub3A_190, %ge3A_192 : vector<16xi32>
      %lt3A_194 = arith.constant 5000 : i32
      %lt3A_195 = vector.broadcast %lt3A_194 : i32 to vector<16xi32>
      %lt3A_196 = arith.cmpi slt, %sub3A_190, %lt3A_195 : vector<16xi32>
      %and3A_197 = arith.andi %ge3A_193, %lt3A_196 : vector<16xi1>
      %jit3A_198 = arith.constant 5100 : i32
      %broadcast_in_dim3A_199 = vector.broadcast %jit3A_198 : i32 to vector<16xi32>
      %select_n3A_200 = arith.select %and3A_197, %sub3A_190, %broadcast_in_dim3A_199 : vector<16xi1>, vector<16xi32>
      %swap3A_201 = arith.constant 2 : i32
      %swap3A_202 = arith.index_cast %swap3A_201 : i32 to index
      %swap3A_203 = arith.constant 0 : index
      %swap3A_204 = tpu.vector_load %arg6[%swap3A_202, %swap3A_203] {strides = array<i32>} : memref<4x32xi32, #tpu.memory_space<vmem>>, vector<1x16xi32>,
      %swap3A_205 = vector.shape_cast %swap3A_204 : vector<1x16xi32> to vector<16xi32>
      %swap3A_206 = vector.shape_cast %select_n3A_200 : vector<16xi32> to vector<1x16xi32>
      tpu.vector_store %arg6[%swap3A_202, %swap3A_203], %swap3A_206 {strides = array<i32>} : memref<4x32xi32, #tpu.memory_space<vmem>>, vector<1x16xi32>,
      %get3A_207 = arith.constant 2 : i32
      %get3A_208 = arith.index_cast %get3A_207 : i32 to index
      %get3A_209 = arith.constant 16 : index
      %get3A_210 = tpu.vector_load %arg6[%get3A_208, %get3A_209] {strides = array<i32>} : memref<4x32xi32, #tpu.memory_space<vmem>>, vector<1x16xi32>,
      %get3A_211 = vector.shape_cast %get3A_210 : vector<1x16xi32> to vector<16xi32>
      %sub3A_212 = arith.constant 0 : i32
      %sub3A_213 = vector.broadcast %sub3A_212 : i32 to vector<16xi32>
      %sub3A_214 = arith.subi %get3A_211, %sub3A_213 : vector<16xi32>
      %ge3A_215 = arith.constant 0 : i32
      %ge3A_216 = vector.broadcast %ge3A_215 : i32 to vector<16xi32>
      %ge3A_217 = arith.cmpi sge, %sub3A_214, %ge3A_216 : vector<16xi32>
      %lt3A_218 = arith.constant 5000 : i32
      %lt3A_219 = vector.broadcast %lt3A_218 : i32 to vector<16xi32>
      %lt3A_220 = arith.cmpi slt, %sub3A_214, %lt3A_219 : vector<16xi32>
      %and3A_221 = arith.andi %ge3A_217, %lt3A_220 : vector<16xi1>
      %jit3A_222 = arith.constant 5100 : i32
      %broadcast_in_dim3A_223 = vector.broadcast %jit3A_222 : i32 to vector<16xi32>
      %select_n3A_224 = arith.select %and3A_221, %sub3A_214, %broadcast_in_dim3A_223 : vector<16xi1>, vector<16xi32>
      %swap3A_225 = arith.constant 2 : i32
      %swap3A_226 = arith.index_cast %swap3A_225 : i32 to index
      %swap3A_227 = arith.constant 16 : index
      %swap3A_228 = tpu.vector_load %arg6[%swap3A_226, %swap3A_227] {strides = array<i32>} : memref<4x32xi32, #tpu.memory_space<vmem>>, vector<1x16xi32>,
      %swap3A_229 = vector.shape_cast %swap3A_228 : vector<1x16xi32> to vector<16xi32>
      %swap3A_230 = vector.shape_cast %select_n3A_224 : vector<16xi32> to vector<1x16xi32>
      tpu.vector_store %arg6[%swap3A_226, %swap3A_227], %swap3A_230 {strides = array<i32>} : memref<4x32xi32, #tpu.memory_space<vmem>>, vector<1x16xi32>,
      %get3A_231 = arith.constant 3 : i32
      %get3A_232 = arith.index_cast %get3A_231 : i32 to index
      %get3A_233 = arith.constant 0 : index
      %get3A_234 = tpu.vector_load %arg6[%get3A_232, %get3A_233] {strides = array<i32>} : memref<4x32xi32, #tpu.memory_space<vmem>>, vector<1x16xi32>,
      %get3A_235 = vector.shape_cast %get3A_234 : vector<1x16xi32> to vector<16xi32>
      %sub3A_236 = arith.constant 0 : i32
      %sub3A_237 = vector.broadcast %sub3A_236 : i32 to vector<16xi32>
      %sub3A_238 = arith.subi %get3A_235, %sub3A_237 : vector<16xi32>
      %ge3A_239 = arith.constant 0 : i32
      %ge3A_240 = vector.broadcast %ge3A_239 : i32 to vector<16xi32>
      %ge3A_241 = arith.cmpi sge, %sub3A_238, %ge3A_240 : vector<16xi32>
      %lt3A_242 = arith.constant 5000 : i32
      %lt3A_243 = vector.broadcast %lt3A_242 : i32 to vector<16xi32>
      %lt3A_244 = arith.cmpi slt, %sub3A_238, %lt3A_243 : vector<16xi32>
      %and3A_245 = arith.andi %ge3A_241, %lt3A_244 : vector<16xi1>
      %jit3A_246 = arith.constant 5100 : i32
      %broadcast_in_dim3A_247 = vector.broadcast %jit3A_246 : i32 to vector<16xi32>
      %select_n3A_248 = arith.select %and3A_245, %sub3A_238, %broadcast_in_dim3A_247 : vector<16xi1>, vector<16xi32>
      %swap3A_249 = arith.constant 3 : i32
      %swap3A_250 = arith.index_cast %swap3A_249 : i32 to index
      %swap3A_251 = arith.constant 0 : index
      %swap3A_252 = tpu.vector_load %arg6[%swap3A_250, %swap3A_251] {strides = array<i32>} : memref<4x32xi32, #tpu.memory_space<vmem>>, vector<1x16xi32>,
      %swap3A_253 = vector.shape_cast %swap3A_252 : vector<1x16xi32> to vector<16xi32>
      %swap3A_254 = vector.shape_cast %select_n3A_248 : vector<16xi32> to vector<1x16xi32>
      tpu.vector_store %arg6[%swap3A_250, %swap3A_251], %swap3A_254 {strides = array<i32>} : memref<4x32xi32, #tpu.memory_space<vmem>>, vector<1x16xi32>,
      %get3A_255 = arith.constant 3 : i32
      %get3A_256 = arith.index_cast %get3A_255 : i32 to index
      %get3A_257 = arith.constant 16 : index
      %get3A_258 = tpu.vector_load %arg6[%get3A_256, %get3A_257] {strides = array<i32>} : memref<4x32xi32, #tpu.memory_space<vmem>>, vector<1x16xi32>,
      %get3A_259 = vector.shape_cast %get3A_258 : vector<1x16xi32> to vector<16xi32>
      %sub3A_260 = arith.constant 0 : i32
      %sub3A_261 = vector.broadcast %sub3A_260 : i32 to vector<16xi32>
      %sub3A_262 = arith.subi %get3A_259, %sub3A_261 : vector<16xi32>
      %ge3A_263 = arith.constant 0 : i32
      %ge3A_264 = vector.broadcast %ge3A_263 : i32 to vector<16xi32>
      %ge3A_265 = arith.cmpi sge, %sub3A_262, %ge3A_264 : vector<16xi32>
      %lt3A_266 = arith.constant 5000 : i32
      %lt3A_267 = vector.broadcast %lt3A_266 : i32 to vector<16xi32>
      %lt3A_268 = arith.cmpi slt, %sub3A_262, %lt3A_267 : vector<16xi32>
      %and3A_269 = arith.andi %ge3A_265, %lt3A_268 : vector<16xi1>
      %jit3A_270 = arith.constant 5100 : i32
      %broadcast_in_dim3A_271 = vector.broadcast %jit3A_270 : i32 to vector<16xi32>
      %select_n3A_272 = arith.select %and3A_269, %sub3A_262, %broadcast_in_dim3A_271 : vector<16xi1>, vector<16xi32>
      %swap3A_273 = arith.constant 3 : i32
      %swap3A_274 = arith.index_cast %swap3A_273 : i32 to index
      %swap3A_275 = arith.constant 16 : index
      %swap3A_276 = tpu.vector_load %arg6[%swap3A_274, %swap3A_275] {strides = array<i32>} : memref<4x32xi32, #tpu.memory_space<vmem>>, vector<1x16xi32>,
      %swap3A_277 = vector.shape_cast %swap3A_276 : vector<1x16xi32> to vector<16xi32>
      %swap3A_278 = vector.shape_cast %select_n3A_272 : vector<16xi32> to vector<1x16xi32>
      tpu.vector_store %arg6[%swap3A_274, %swap3A_275], %swap3A_278 {strides = array<i32>} : memref<4x32xi32, #tpu.memory_space<vmem>>, vector<1x16xi32>,
      %dma_start3A = arith.constant 0 : i32
      %dma_start3A_279 = arith.constant 0 : i32
      %dma_start3A_280 = tpu.memref_slice %arg7[%dma_start3A, %dma_start3A_279] : memref<4x32xi32, #tpu.memory_space<vmem>> -> memref<1x32xi32, #tpu.memory_space<vmem>>
      %dma_start3A_281 = tpu.memref_squeeze %dma_start3A_280 : memref<1x32xi32, #tpu.memory_space<vmem>> -> memref<32xi32, #tpu.memory_space<vmem>>
      %dma_start3A_282 = arith.constant 0 : i32
      %dma_start3A_283 = arith.constant 0 : i32
      %dma_start3A_284 = tpu.memref_slice %arg10[%dma_start3A_282, %dma_start3A_283] : memref<10000x128xf32, #tpu.memory_space<vmem_shared>> -> memref<10000x128xf32, #tpu.memory_space<vmem_shared>>
      tpu.enqueue_indirect_dma source(%dma_start3A_284 : memref<10000x128xf32, #tpu.memory_space<vmem_shared>>) target(%arg8 : memref<32x128xf32, #tpu.memory_space<vmem>>) offsets(%dma_start3A_281 : memref<32xi32, #tpu.memory_space<vmem>>) semaphore(%arg12 : memref<!tpu.dma_semaphore, #tpu.memory_space<semaphore_mem>>)
      %dma_start3A_285 = arith.constant 1 : i32
      %dma_start3A_286 = arith.constant 0 : i32
      %dma_start3A_287 = tpu.memref_slice %arg7[%dma_start3A_285, %dma_start3A_286] : memref<4x32xi32, #tpu.memory_space<vmem>> -> memref<1x32xi32, #tpu.memory_space<vmem>>
      %dma_start3A_288 = tpu.memref_squeeze %dma_start3A_287 : memref<1x32xi32, #tpu.memory_space<vmem>> -> memref<32xi32, #tpu.memory_space<vmem>>
      %dma_start3A_289 = arith.constant 0 : i32
      %dma_start3A_290 = arith.constant 0 : i32
      %dma_start3A_291 = tpu.memref_slice %arg10[%dma_start3A_289, %dma_start3A_290] : memref<10000x128xf32, #tpu.memory_space<vmem_shared>> -> memref<10000x128xf32, #tpu.memory_space<vmem_shared>>
      tpu.enqueue_indirect_dma source(%dma_start3A_291 : memref<10000x128xf32, #tpu.memory_space<vmem_shared>>) target(%arg9 : memref<32x128xf32, #tpu.memory_space<vmem>>) offsets(%dma_start3A_288 : memref<32xi32, #tpu.memory_space<vmem>>) semaphore(%arg13 : memref<!tpu.dma_semaphore, #tpu.memory_space<semaphore_mem>>)
      %dma_wait3A_292 = arith.constant 0 : i32
      %dma_wait3A_293 = arith.constant 0 : i32
      %dma_wait3A_294 = tpu.memref_slice %arg7[%dma_wait3A_292, %dma_wait3A_293] : memref<4x32xi32, #tpu.memory_space<vmem>> -> memref<1x32xi32, #tpu.memory_space<vmem>>
      %dma_wait3A_295 = tpu.memref_squeeze %dma_wait3A_294 : memref<1x32xi32, #tpu.memory_space<vmem>> -> memref<32xi32, #tpu.memory_space<vmem>>
      %dma_wait3A_296 = arith.constant 0 : i32
      %dma_wait3A_297 = arith.constant 0 : i32
      %dma_wait3A_298 = tpu.memref_slice %arg10[%dma_wait3A_296, %dma_wait3A_297] : memref<10000x128xf32, #tpu.memory_space<vmem_shared>> -> memref<10000x128xf32, #tpu.memory_space<vmem_shared>>
      tpu.wait_indirect_dma semaphore(%arg12 : memref<!tpu.dma_semaphore, #tpu.memory_space<semaphore_mem>>) src(%dma_wait3A_298 : memref<10000x128xf32, #tpu.memory_space<vmem_shared>>) dst(%arg8 : memref<32x128xf32, #tpu.memory_space<vmem>>)
      %dma_start3A_299 = arith.constant 0 : i32
      %dma_start3A_300 = arith.constant 0 : i32
      %dma_start3A_301 = tpu.memref_slice %arg6[%dma_start3A_299, %dma_start3A_300] : memref<4x32xi32, #tpu.memory_space<vmem>> -> memref<1x32xi32, #tpu.memory_space<vmem>>
      %dma_start3A_302 = tpu.memref_squeeze %dma_start3A_301 : memref<1x32xi32, #tpu.memory_space<vmem>> -> memref<32xi32, #tpu.memory_space<vmem>>
      %dma_start3A_303 = arith.constant 0 : i32
      %dma_start3A_304 = arith.constant 0 : i32
      %dma_start3A_305 = tpu.memref_slice %arg11[%dma_start3A_303, %dma_start3A_304] : memref<5120x128xf32, #tpu.memory_space<vmem_shared>> -> memref<5120x128xf32, #tpu.memory_space<vmem_shared>>
      tpu.enqueue_indirect_dma source(%arg8 : memref<32x128xf32, #tpu.memory_space<vmem>>) target(%dma_start3A_305 : memref<5120x128xf32, #tpu.memory_space<vmem_shared>>) offsets(%dma_start3A_302 : memref<32xi32, #tpu.memory_space<vmem>>) semaphore(%arg14 : memref<!tpu.dma_semaphore, #tpu.memory_space<semaphore_mem>>) {add = true}
      %dma_wait3A_306 = arith.constant 0 : i32
      %dma_wait3A_307 = arith.constant 0 : i32
      %dma_wait3A_308 = tpu.memref_slice %arg6[%dma_wait3A_306, %dma_wait3A_307] : memref<4x32xi32, #tpu.memory_space<vmem>> -> memref<1x32xi32, #tpu.memory_space<vmem>>
      %dma_wait3A_309 = tpu.memref_squeeze %dma_wait3A_308 : memref<1x32xi32, #tpu.memory_space<vmem>> -> memref<32xi32, #tpu.memory_space<vmem>>
      %dma_wait3A_310 = arith.constant 0 : i32
      %dma_wait3A_311 = arith.constant 0 : i32
      %dma_wait3A_312 = tpu.memref_slice %arg11[%dma_wait3A_310, %dma_wait3A_311] : memref<5120x128xf32, #tpu.memory_space<vmem_shared>> -> memref<5120x128xf32, #tpu.memory_space<vmem_shared>>
      tpu.wait_indirect_dma semaphore(%arg14 : memref<!tpu.dma_semaphore, #tpu.memory_space<semaphore_mem>>) src(%arg8 : memref<32x128xf32, #tpu.memory_space<vmem>>) dst(%dma_wait3A_312 : memref<5120x128xf32, #tpu.memory_space<vmem_shared>>)
      %dma_start3A_313 = arith.constant 2 : i32
      %dma_start3A_314 = arith.constant 0 : i32
      %dma_start3A_315 = tpu.memref_slice %arg7[%dma_start3A_313, %dma_start3A_314] : memref<4x32xi32, #tpu.memory_space<vmem>> -> memref<1x32xi32, #tpu.memory_space<vmem>>
      %dma_start3A_316 = tpu.memref_squeeze %dma_start3A_315 : memref<1x32xi32, #tpu.memory_space<vmem>> -> memref<32xi32, #tpu.memory_space<vmem>>
      %dma_start3A_317 = arith.constant 0 : i32
      %dma_start3A_318 = arith.constant 0 : i32
      %dma_start3A_319 = tpu.memref_slice %arg10[%dma_start3A_317, %dma_start3A_318] : memref<10000x128xf32, #tpu.memory_space<vmem_shared>> -> memref<10000x128xf32, #tpu.memory_space<vmem_shared>>
      tpu.enqueue_indirect_dma source(%dma_start3A_319 : memref<10000x128xf32, #tpu.memory_space<vmem_shared>>) target(%arg8 : memref<32x128xf32, #tpu.memory_space<vmem>>) offsets(%dma_start3A_316 : memref<32xi32, #tpu.memory_space<vmem>>) semaphore(%arg12 : memref<!tpu.dma_semaphore, #tpu.memory_space<semaphore_mem>>)
      %dma_wait3A_320 = arith.constant 1 : i32
      %dma_wait3A_321 = arith.constant 0 : i32
      %dma_wait3A_322 = tpu.memref_slice %arg7[%dma_wait3A_320, %dma_wait3A_321] : memref<4x32xi32, #tpu.memory_space<vmem>> -> memref<1x32xi32, #tpu.memory_space<vmem>>
      %dma_wait3A_323 = tpu.memref_squeeze %dma_wait3A_322 : memref<1x32xi32, #tpu.memory_space<vmem>> -> memref<32xi32, #tpu.memory_space<vmem>>
      %dma_wait3A_324 = arith.constant 0 : i32
      %dma_wait3A_325 = arith.constant 0 : i32
      %dma_wait3A_326 = tpu.memref_slice %arg10[%dma_wait3A_324, %dma_wait3A_325] : memref<10000x128xf32, #tpu.memory_space<vmem_shared>> -> memref<10000x128xf32, #tpu.memory_space<vmem_shared>>
      tpu.wait_indirect_dma semaphore(%arg13 : memref<!tpu.dma_semaphore, #tpu.memory_space<semaphore_mem>>) src(%dma_wait3A_326 : memref<10000x128xf32, #tpu.memory_space<vmem_shared>>) dst(%arg9 : memref<32x128xf32, #tpu.memory_space<vmem>>)
      %dma_start3A_327 = arith.constant 1 : i32
      %dma_start3A_328 = arith.constant 0 : i32
      %dma_start3A_329 = tpu.memref_slice %arg6[%dma_start3A_327, %dma_start3A_328] : memref<4x32xi32, #tpu.memory_space<vmem>> -> memref<1x32xi32, #tpu.memory_space<vmem>>
      %dma_start3A_330 = tpu.memref_squeeze %dma_start3A_329 : memref<1x32xi32, #tpu.memory_space<vmem>> -> memref<32xi32, #tpu.memory_space<vmem>>
      %dma_start3A_331 = arith.constant 0 : i32
      %dma_start3A_332 = arith.constant 0 : i32
      %dma_start3A_333 = tpu.memref_slice %arg11[%dma_start3A_331, %dma_start3A_332] : memref<5120x128xf32, #tpu.memory_space<vmem_shared>> -> memref<5120x128xf32, #tpu.memory_space<vmem_shared>>
      tpu.enqueue_indirect_dma source(%arg9 : memref<32x128xf32, #tpu.memory_space<vmem>>) target(%dma_start3A_333 : memref<5120x128xf32, #tpu.memory_space<vmem_shared>>) offsets(%dma_start3A_330 : memref<32xi32, #tpu.memory_space<vmem>>) semaphore(%arg15 : memref<!tpu.dma_semaphore, #tpu.memory_space<semaphore_mem>>) {add = true}
      %dma_wait3A_334 = arith.constant 1 : i32
      %dma_wait3A_335 = arith.constant 0 : i32
      %dma_wait3A_336 = tpu.memref_slice %arg6[%dma_wait3A_334, %dma_wait3A_335] : memref<4x32xi32, #tpu.memory_space<vmem>> -> memref<1x32xi32, #tpu.memory_space<vmem>>
      %dma_wait3A_337 = tpu.memref_squeeze %dma_wait3A_336 : memref<1x32xi32, #tpu.memory_space<vmem>> -> memref<32xi32, #tpu.memory_space<vmem>>
      %dma_wait3A_338 = arith.constant 0 : i32
      %dma_wait3A_339 = arith.constant 0 : i32
      %dma_wait3A_340 = tpu.memref_slice %arg11[%dma_wait3A_338, %dma_wait3A_339] : memref<5120x128xf32, #tpu.memory_space<vmem_shared>> -> memref<5120x128xf32, #tpu.memory_space<vmem_shared>>
      tpu.wait_indirect_dma semaphore(%arg15 : memref<!tpu.dma_semaphore, #tpu.memory_space<semaphore_mem>>) src(%arg9 : memref<32x128xf32, #tpu.memory_space<vmem>>) dst(%dma_wait3A_340 : memref<5120x128xf32, #tpu.memory_space<vmem_shared>>)
      %dma_start3A_341 = arith.constant 3 : i32
      %dma_start3A_342 = arith.constant 0 : i32
      %dma_start3A_343 = tpu.memref_slice %arg7[%dma_start3A_341, %dma_start3A_342] : memref<4x32xi32, #tpu.memory_space<vmem>> -> memref<1x32xi32, #tpu.memory_space<vmem>>
      %dma_start3A_344 = tpu.memref_squeeze %dma_start3A_343 : memref<1x32xi32, #tpu.memory_space<vmem>> -> memref<32xi32, #tpu.memory_space<vmem>>
      %dma_start3A_345 = arith.constant 0 : i32
      %dma_start3A_346 = arith.constant 0 : i32
      %dma_start3A_347 = tpu.memref_slice %arg10[%dma_start3A_345, %dma_start3A_346] : memref<10000x128xf32, #tpu.memory_space<vmem_shared>> -> memref<10000x128xf32, #tpu.memory_space<vmem_shared>>
      tpu.enqueue_indirect_dma source(%dma_start3A_347 : memref<10000x128xf32, #tpu.memory_space<vmem_shared>>) target(%arg9 : memref<32x128xf32, #tpu.memory_space<vmem>>) offsets(%dma_start3A_344 : memref<32xi32, #tpu.memory_space<vmem>>) semaphore(%arg13 : memref<!tpu.dma_semaphore, #tpu.memory_space<semaphore_mem>>)
      %dma_wait3A_348 = arith.constant 2 : i32
      %dma_wait3A_349 = arith.constant 0 : i32
      %dma_wait3A_350 = tpu.memref_slice %arg7[%dma_wait3A_348, %dma_wait3A_349] : memref<4x32xi32, #tpu.memory_space<vmem>> -> memref<1x32xi32, #tpu.memory_space<vmem>>
      %dma_wait3A_351 = tpu.memref_squeeze %dma_wait3A_350 : memref<1x32xi32, #tpu.memory_space<vmem>> -> memref<32xi32, #tpu.memory_space<vmem>>
      %dma_wait3A_352 = arith.constant 0 : i32
      %dma_wait3A_353 = arith.constant 0 : i32
      %dma_wait3A_354 = tpu.memref_slice %arg10[%dma_wait3A_352, %dma_wait3A_353] : memref<10000x128xf32, #tpu.memory_space<vmem_shared>> -> memref<10000x128xf32, #tpu.memory_space<vmem_shared>>
      tpu.wait_indirect_dma semaphore(%arg12 : memref<!tpu.dma_semaphore, #tpu.memory_space<semaphore_mem>>) src(%dma_wait3A_354 : memref<10000x128xf32, #tpu.memory_space<vmem_shared>>) dst(%arg8 : memref<32x128xf32, #tpu.memory_space<vmem>>)
      %dma_start3A_355 = arith.constant 2 : i32
      %dma_start3A_356 = arith.constant 0 : i32
      %dma_start3A_357 = tpu.memref_slice %arg6[%dma_start3A_355, %dma_start3A_356] : memref<4x32xi32, #tpu.memory_space<vmem>> -> memref<1x32xi32, #tpu.memory_space<vmem>>
      %dma_start3A_358 = tpu.memref_squeeze %dma_start3A_357 : memref<1x32xi32, #tpu.memory_space<vmem>> -> memref<32xi32, #tpu.memory_space<vmem>>
      %dma_start3A_359 = arith.constant 0 : i32
      %dma_start3A_360 = arith.constant 0 : i32
      %dma_start3A_361 = tpu.memref_slice %arg11[%dma_start3A_359, %dma_start3A_360] : memref<5120x128xf32, #tpu.memory_space<vmem_shared>> -> memref<5120x128xf32, #tpu.memory_space<vmem_shared>>
      tpu.enqueue_indirect_dma source(%arg8 : memref<32x128xf32, #tpu.memory_space<vmem>>) target(%dma_start3A_361 : memref<5120x128xf32, #tpu.memory_space<vmem_shared>>) offsets(%dma_start3A_358 : memref<32xi32, #tpu.memory_space<vmem>>) semaphore(%arg14 : memref<!tpu.dma_semaphore, #tpu.memory_space<semaphore_mem>>) {add = true}
      %dma_wait3A_362 = arith.constant 3 : i32
      %dma_wait3A_363 = arith.constant 0 : i32
      %dma_wait3A_364 = tpu.memref_slice %arg7[%dma_wait3A_362, %dma_wait3A_363] : memref<4x32xi32, #tpu.memory_space<vmem>> -> memref<1x32xi32, #tpu.memory_space<vmem>>
      %dma_wait3A_365 = tpu.memref_squeeze %dma_wait3A_364 : memref<1x32xi32, #tpu.memory_space<vmem>> -> memref<32xi32, #tpu.memory_space<vmem>>
      %dma_wait3A_366 = arith.constant 0 : i32
      %dma_wait3A_367 = arith.constant 0 : i32
      %dma_wait3A_368 = tpu.memref_slice %arg10[%dma_wait3A_366, %dma_wait3A_367] : memref<10000x128xf32, #tpu.memory_space<vmem_shared>> -> memref<10000x128xf32, #tpu.memory_space<vmem_shared>>
      tpu.wait_indirect_dma semaphore(%arg13 : memref<!tpu.dma_semaphore, #tpu.memory_space<semaphore_mem>>) src(%dma_wait3A_368 : memref<10000x128xf32, #tpu.memory_space<vmem_shared>>) dst(%arg9 : memref<32x128xf32, #tpu.memory_space<vmem>>)
      %dma_start3A_369 = arith.constant 3 : i32
      %dma_start3A_370 = arith.constant 0 : i32
      %dma_start3A_371 = tpu.memref_slice %arg6[%dma_start3A_369, %dma_start3A_370] : memref<4x32xi32, #tpu.memory_space<vmem>> -> memref<1x32xi32, #tpu.memory_space<vmem>>
      %dma_start3A_372 = tpu.memref_squeeze %dma_start3A_371 : memref<1x32xi32, #tpu.memory_space<vmem>> -> memref<32xi32, #tpu.memory_space<vmem>>
      %dma_start3A_373 = arith.constant 0 : i32
      %dma_start3A_374 = arith.constant 0 : i32
      %dma_start3A_375 = tpu.memref_slice %arg11[%dma_start3A_373, %dma_start3A_374] : memref<5120x128xf32, #tpu.memory_space<vmem_shared>> -> memref<5120x128xf32, #tpu.memory_space<vmem_shared>>
      tpu.enqueue_indirect_dma source(%arg9 : memref<32x128xf32, #tpu.memory_space<vmem>>) target(%dma_start3A_375 : memref<5120x128xf32, #tpu.memory_space<vmem_shared>>) offsets(%dma_start3A_372 : memref<32xi32, #tpu.memory_space<vmem>>) semaphore(%arg15 : memref<!tpu.dma_semaphore, #tpu.memory_space<semaphore_mem>>) {add = true}
    }
    %scan3A_22 = arith.constant 80 : i32
    %dma_wait3A = arith.constant 2 : i32
    %dma_wait3A_23 = arith.constant 0 : i32
    %dma_wait3A_24 = tpu.memref_slice %arg6[%dma_wait3A, %dma_wait3A_23] : memref<4x32xi32, #tpu.memory_space<vmem>> -> memref<1x32xi32, #tpu.memory_space<vmem>>
    %dma_wait3A_25 = tpu.memref_squeeze %dma_wait3A_24 : memref<1x32xi32, #tpu.memory_space<vmem>> -> memref<32xi32, #tpu.memory_space<vmem>>
    %dma_wait3A_26 = arith.constant 0 : i32
    %dma_wait3A_27 = arith.constant 0 : i32
    %dma_wait3A_28 = tpu.memref_slice %arg11[%dma_wait3A_26, %dma_wait3A_27] : memref<5120x128xf32, #tpu.memory_space<vmem_shared>> -> memref<5120x128xf32, #tpu.memory_space<vmem_shared>>
    tpu.wait_indirect_dma semaphore(%arg14 : memref<!tpu.dma_semaphore, #tpu.memory_space<semaphore_mem>>) src(%arg8 : memref<32x128xf32, #tpu.memory_space<vmem>>) dst(%dma_wait3A_28 : memref<5120x128xf32, #tpu.memory_space<vmem_shared>>)
    %dma_wait3A_29 = arith.constant 3 : i32
    %dma_wait3A_30 = arith.constant 0 : i32
    %dma_wait3A_31 = tpu.memref_slice %arg6[%dma_wait3A_29, %dma_wait3A_30] : memref<4x32xi32, #tpu.memory_space<vmem>> -> memref<1x32xi32, #tpu.memory_space<vmem>>
    %dma_wait3A_32 = tpu.memref_squeeze %dma_wait3A_31 : memref<1x32xi32, #tpu.memory_space<vmem>> -> memref<32xi32, #tpu.memory_space<vmem>>
    %dma_wait3A_33 = arith.constant 0 : i32
    %dma_wait3A_34 = arith.constant 0 : i32
    %dma_wait3A_35 = tpu.memref_slice %arg11[%dma_wait3A_33, %dma_wait3A_34] : memref<5120x128xf32, #tpu.memory_space<vmem_shared>> -> memref<5120x128xf32, #tpu.memory_space<vmem_shared>>
    tpu.wait_indirect_dma semaphore(%arg15 : memref<!tpu.dma_semaphore, #tpu.memory_space<semaphore_mem>>) src(%arg9 : memref<32x128xf32, #tpu.memory_space<vmem>>) dst(%dma_wait3A_35 : memref<5120x128xf32, #tpu.memory_space<vmem_shared>>)
    %barrier3A_36 = arith.constant 0 : index
    tpu.barrier barrier_id(%barrier3A_36)
    %mul3A_37 = arith.constant 2 : i32
    %mul3A_38 = arith.muli %arg0, %mul3A_37 : i32
    %mul3A_39 = arith.constant 5120 : i32
    %mul3A_40 = arith.muli %mul3A_38, %mul3A_39 : i32
    %add3A_41 = arith.constant 0 : i32
    %add3A_42 = arith.addi %mul3A_40, %add3A_41 : i32
    %add3A_43 = arith.addi %add3A_42, %mul3A_2 : i32
    "tpu.region"() ({
      %run_scoped3A = tpu.sem_alloc : memref<!tpu.dma_semaphore, #tpu.memory_space<semaphore_mem>>
      %dma_start3A = arith.constant 0 : i32
      %dma_start3A_82 = tpu.memref_slice %arg5[%add3A_43, %dma_start3A] : memref<20480x128xf32, #tpu.memory_space<hbm>> -> memref<320x128xf32, #tpu.memory_space<hbm>>
      %dma_start3A_83 = arith.constant 0 : i32
      %dma_start3A_84 = tpu.memref_slice %arg11[%mul3A_2, %dma_start3A_83] : memref<5120x128xf32, #tpu.memory_space<vmem_shared>> -> memref<320x128xf32, #tpu.memory_space<vmem_shared>>
      tpu.enqueue_dma source(%dma_start3A_84 : memref<320x128xf32, #tpu.memory_space<vmem_shared>>) target(%dma_start3A_82 : memref<320x128xf32, #tpu.memory_space<hbm>>) target_semaphore(%run_scoped3A : memref<!tpu.dma_semaphore, #tpu.memory_space<semaphore_mem>>)
      %dma_wait3A_85 = arith.constant 0 : i32
      %dma_wait3A_86 = tpu.memref_slice %arg5[%add3A_43, %dma_wait3A_85] : memref<20480x128xf32, #tpu.memory_space<hbm>> -> memref<320x128xf32, #tpu.memory_space<hbm>>
      %dma_wait3A_87 = arith.constant 0 : i32
      %dma_wait3A_88 = tpu.memref_slice %arg11[%mul3A_2, %dma_wait3A_87] : memref<5120x128xf32, #tpu.memory_space<vmem_shared>> -> memref<320x128xf32, #tpu.memory_space<vmem_shared>>
      tpu.wait_dma2 semaphore(%run_scoped3A : memref<!tpu.dma_semaphore, #tpu.memory_space<semaphore_mem>>) src(%dma_wait3A_88 : memref<320x128xf32, #tpu.memory_space<vmem_shared>>) dst(%dma_wait3A_86 : memref<320x128xf32, #tpu.memory_space<hbm>>)
      tpu.yield
    }) : () -> ()
    %scan3A_44 = arith.constant 0 : i32
    %scan3A_45 = arith.constant 32 : i32
    %scan3A_46 = arith.addi %scan3A_44, %scan3A_45 : i32
    %scan3A_47 = arith.constant 1 : i32
    scf.for %scan3A_82 = %scan3A_44 to %scan3A_46 step %scan3A_47  : i32 {
      %mul3A_83 = arith.constant 1 : i32
      %mul3A_84 = arith.muli %scan3A_82, %mul3A_83 : i32
      %add3A_85 = arith.constant 0 : i32
      %add3A_86 = arith.addi %add3A_85, %mul3A_84 : i32
      %scan3A_87 = arith.constant 0 : i32
      %scan3A_88 = arith.constant 8 : i32
      %scan3A_89 = arith.addi %scan3A_87, %scan3A_88 : i32
      %scan3A_90 = arith.constant 1 : i32
      scf.for %scan3A_92 = %scan3A_87 to %scan3A_89 step %scan3A_90  : i32 {
        %mul3A_93 = arith.constant 16 : i32
        %mul3A_94 = arith.muli %scan3A_92, %mul3A_93 : i32
        %add3A_95 = arith.constant 0 : i32
        %add3A_96 = arith.addi %add3A_95, %mul3A_94 : i32
        %broadcast_in_dim3A = arith.constant 0.000000e+00 : f32
        %broadcast_in_dim3A_97 = vector.broadcast %broadcast_in_dim3A : f32 to vector<16xf32>
        %swap3A = arith.index_cast %add3A_86 : i32 to index
        %swap3A_98 = arith.index_cast %add3A_96 : i32 to index
        %swap3A_99 = tpu.vector_load %arg8[%swap3A, %swap3A_98] {strides = array<i32>} : memref<32x128xf32, #tpu.memory_space<vmem>>, vector<1x16xf32>,
        %swap3A_100 = vector.shape_cast %swap3A_99 : vector<1x16xf32> to vector<16xf32>
        %swap3A_101 = vector.shape_cast %broadcast_in_dim3A_97 : vector<16xf32> to vector<1x16xf32>
        tpu.vector_store %arg8[%swap3A, %swap3A_98], %swap3A_101 {strides = array<i32>} : memref<32x128xf32, #tpu.memory_space<vmem>>, vector<1x16xf32>,
      }
      %scan3A_91 = arith.constant 8 : i32
    }
    %scan3A_48 = arith.constant 32 : i32
    %scan3A_49 = arith.constant 0 : i32
    %scan3A_50 = arith.constant 10 : i32
    %scan3A_51 = arith.addi %scan3A_49, %scan3A_50 : i32
    %scan3A_52 = arith.constant 1 : i32
    scf.for %scan3A_82 = %scan3A_49 to %scan3A_51 step %scan3A_52  : i32 {
      %mul3A_83 = arith.constant 32 : i32
      %mul3A_84 = arith.muli %scan3A_82, %mul3A_83 : i32
      %add3A_85 = arith.constant 0 : i32
      %add3A_86 = arith.addi %add3A_85, %mul3A_84 : i32
      %add3A_87 = arith.addi %mul3A_2, %add3A_86 : i32
      "tpu.region"() ({
        %run_scoped3A = tpu.sem_alloc : memref<!tpu.dma_semaphore, #tpu.memory_space<semaphore_mem>>
        %dma_start3A = arith.constant 0 : i32
        %dma_start3A_88 = tpu.memref_slice %arg11[%add3A_87, %dma_start3A] : memref<5120x128xf32, #tpu.memory_space<vmem_shared>> -> memref<32x128xf32, #tpu.memory_space<vmem_shared>>
        %dma_start3A_89 = arith.constant 0 : i32
        %dma_start3A_90 = tpu.memref_slice %arg11[%add3A_87, %dma_start3A_89] : memref<5120x128xf32, #tpu.memory_space<vmem_shared>> -> memref<32x128xf32, #tpu.memory_space<vmem_shared>>
        tpu.enqueue_dma source(%arg8 : memref<32x128xf32, #tpu.memory_space<vmem>>) target(%dma_start3A_90 : memref<32x128xf32, #tpu.memory_space<vmem_shared>>) target_semaphore(%run_scoped3A : memref<!tpu.dma_semaphore, #tpu.memory_space<semaphore_mem>>)
        %dma_wait3A_91 = arith.constant 0 : i32
        %dma_wait3A_92 = tpu.memref_slice %arg11[%add3A_87, %dma_wait3A_91] : memref<5120x128xf32, #tpu.memory_space<vmem_shared>> -> memref<32x128xf32, #tpu.memory_space<vmem_shared>>
        %dma_wait3A_93 = arith.constant 0 : i32
        %dma_wait3A_94 = tpu.memref_slice %arg11[%add3A_87, %dma_wait3A_93] : memref<5120x128xf32, #tpu.memory_space<vmem_shared>> -> memref<32x128xf32, #tpu.memory_space<vmem_shared>>
        tpu.wait_dma2 semaphore(%run_scoped3A : memref<!tpu.dma_semaphore, #tpu.memory_space<semaphore_mem>>) src(%arg8 : memref<32x128xf32, #tpu.memory_space<vmem>>) dst(%dma_wait3A_94 : memref<32x128xf32, #tpu.memory_space<vmem_shared>>)
        tpu.yield
      }) : () -> ()
    }
    %scan3A_53 = arith.constant 10 : i32
    %barrier3A_54 = arith.constant 0 : index
    tpu.barrier barrier_id(%barrier3A_54)
    %scan3A_55 = arith.constant 0 : i32
    %scan3A_56 = arith.constant 80 : i32
    %scan3A_57 = arith.addi %scan3A_55, %scan3A_56 : i32
    %scan3A_58 = arith.constant 1 : i32
    scf.for %scan3A_82 = %scan3A_55 to %scan3A_57 step %scan3A_58  : i32 {
      %mul3A_83 = arith.constant 1 : i32
      %mul3A_84 = arith.muli %scan3A_82, %mul3A_83 : i32
      %add3A_85 = arith.constant 0 : i32
      %add3A_86 = arith.addi %add3A_85, %mul3A_84 : i32
      %gt3A = arith.constant 0 : i32
      %gt3A_87 = arith.cmpi sgt, %add3A_86, %gt3A : i32
      %convert_element_type3A_88 = arith.extui %gt3A_87 : i1 to i32
      %cond3A_89 = arith.constant 0 : i32
      %cond3A_90 = arith.cmpi ne, %convert_element_type3A_88, %cond3A_89 : i32
      scf.if %cond3A_90 {
        %dma_wait3A_376 = arith.constant 2 : i32
        %dma_wait3A_377 = arith.constant 0 : i32
        %dma_wait3A_378 = tpu.memref_slice %arg6[%dma_wait3A_376, %dma_wait3A_377] : memref<4x32xi32, #tpu.memory_space<vmem>> -> memref<1x32xi32, #tpu.memory_space<vmem>>
        %dma_wait3A_379 = tpu.memref_squeeze %dma_wait3A_378 : memref<1x32xi32, #tpu.memory_space<vmem>> -> memref<32xi32, #tpu.memory_space<vmem>>
        %dma_wait3A_380 = arith.constant 0 : i32
        %dma_wait3A_381 = arith.constant 0 : i32
        %dma_wait3A_382 = tpu.memref_slice %arg11[%dma_wait3A_380, %dma_wait3A_381] : memref<5120x128xf32, #tpu.memory_space<vmem_shared>> -> memref<5120x128xf32, #tpu.memory_space<vmem_shared>>
        tpu.wait_indirect_dma semaphore(%arg14 : memref<!tpu.dma_semaphore, #tpu.memory_space<semaphore_mem>>) src(%arg8 : memref<32x128xf32, #tpu.memory_space<vmem>>) dst(%dma_wait3A_382 : memref<5120x128xf32, #tpu.memory_space<vmem_shared>>)
        %dma_wait3A_383 = arith.constant 3 : i32
        %dma_wait3A_384 = arith.constant 0 : i32
        %dma_wait3A_385 = tpu.memref_slice %arg6[%dma_wait3A_383, %dma_wait3A_384] : memref<4x32xi32, #tpu.memory_space<vmem>> -> memref<1x32xi32, #tpu.memory_space<vmem>>
        %dma_wait3A_386 = tpu.memref_squeeze %dma_wait3A_385 : memref<1x32xi32, #tpu.memory_space<vmem>> -> memref<32xi32, #tpu.memory_space<vmem>>
        %dma_wait3A_387 = arith.constant 0 : i32
        %dma_wait3A_388 = arith.constant 0 : i32
        %dma_wait3A_389 = tpu.memref_slice %arg11[%dma_wait3A_387, %dma_wait3A_388] : memref<5120x128xf32, #tpu.memory_space<vmem_shared>> -> memref<5120x128xf32, #tpu.memory_space<vmem_shared>>
        tpu.wait_indirect_dma semaphore(%arg15 : memref<!tpu.dma_semaphore, #tpu.memory_space<semaphore_mem>>) src(%arg9 : memref<32x128xf32, #tpu.memory_space<vmem>>) dst(%dma_wait3A_389 : memref<5120x128xf32, #tpu.memory_space<vmem_shared>>)
      } else {
      }
      %mul3A_91 = arith.constant 80 : i32
      %mul3A_92 = arith.muli %add3A, %mul3A_91 : i32
      %add3A_93 = arith.addi %mul3A_92, %add3A_86 : i32
      %mul3A_94 = arith.constant 4 : i32
      %mul3A_95 = arith.muli %add3A_93, %mul3A_94 : i32
      "tpu.region"() ({
        %run_scoped3A = tpu.sem_alloc : memref<!tpu.dma_semaphore, #tpu.memory_space<semaphore_mem>>
        %dma_start3A_376 = arith.constant 0 : i32
        %dma_start3A_377 = tpu.memref_slice %arg4[%mul3A_95, %dma_start3A_376] : memref<10240x32xi32, #tpu.memory_space<hbm>> -> memref<4x32xi32, #tpu.memory_space<hbm>>
        %dma_start3A_378 = arith.constant 0 : i32
        %dma_start3A_379 = tpu.memref_slice %arg4[%mul3A_95, %dma_start3A_378] : memref<10240x32xi32, #tpu.memory_space<hbm>> -> memref<4x32xi32, #tpu.memory_space<hbm>>
        tpu.enqueue_dma source(%dma_start3A_379 : memref<4x32xi32, #tpu.memory_space<hbm>>) target(%arg6 : memref<4x32xi32, #tpu.memory_space<vmem>>) target_semaphore(%run_scoped3A : memref<!tpu.dma_semaphore, #tpu.memory_space<semaphore_mem>>)
        %dma_wait3A_380 = arith.constant 0 : i32
        %dma_wait3A_381 = tpu.memref_slice %arg4[%mul3A_95, %dma_wait3A_380] : memref<10240x32xi32, #tpu.memory_space<hbm>> -> memref<4x32xi32, #tpu.memory_space<hbm>>
        %dma_wait3A_382 = arith.constant 0 : i32
        %dma_wait3A_383 = tpu.memref_slice %arg4[%mul3A_95, %dma_wait3A_382] : memref<10240x32xi32, #tpu.memory_space<hbm>> -> memref<4x32xi32, #tpu.memory_space<hbm>>
        tpu.wait_dma2 semaphore(%run_scoped3A : memref<!tpu.dma_semaphore, #tpu.memory_space<semaphore_mem>>) src(%dma_wait3A_383 : memref<4x32xi32, #tpu.memory_space<hbm>>) dst(%arg6 : memref<4x32xi32, #tpu.memory_space<vmem>>)
        tpu.yield
      }) : () -> ()
      "tpu.region"() ({
        %run_scoped3A = tpu.sem_alloc : memref<!tpu.dma_semaphore, #tpu.memory_space<semaphore_mem>>
        %dma_start3A_376 = arith.constant 0 : i32
        %dma_start3A_377 = tpu.memref_slice %arg3[%mul3A_95, %dma_start3A_376] : memref<10240x32xi32, #tpu.memory_space<hbm>> -> memref<4x32xi32, #tpu.memory_space<hbm>>
        %dma_start3A_378 = arith.constant 0 : i32
        %dma_start3A_379 = tpu.memref_slice %arg3[%mul3A_95, %dma_start3A_378] : memref<10240x32xi32, #tpu.memory_space<hbm>> -> memref<4x32xi32, #tpu.memory_space<hbm>>
        tpu.enqueue_dma source(%dma_start3A_379 : memref<4x32xi32, #tpu.memory_space<hbm>>) target(%arg7 : memref<4x32xi32, #tpu.memory_space<vmem>>) target_semaphore(%run_scoped3A : memref<!tpu.dma_semaphore, #tpu.memory_space<semaphore_mem>>)
        %dma_wait3A_380 = arith.constant 0 : i32
        %dma_wait3A_381 = tpu.memref_slice %arg3[%mul3A_95, %dma_wait3A_380] : memref<10240x32xi32, #tpu.memory_space<hbm>> -> memref<4x32xi32, #tpu.memory_space<hbm>>
        %dma_wait3A_382 = arith.constant 0 : i32
        %dma_wait3A_383 = tpu.memref_slice %arg3[%mul3A_95, %dma_wait3A_382] : memref<10240x32xi32, #tpu.memory_space<hbm>> -> memref<4x32xi32, #tpu.memory_space<hbm>>
        tpu.wait_dma2 semaphore(%run_scoped3A : memref<!tpu.dma_semaphore, #tpu.memory_space<semaphore_mem>>) src(%dma_wait3A_383 : memref<4x32xi32, #tpu.memory_space<hbm>>) dst(%arg7 : memref<4x32xi32, #tpu.memory_space<vmem>>)
        tpu.yield
      }) : () -> ()
      %get3A = arith.constant 0 : i32
      %get3A_96 = arith.index_cast %get3A : i32 to index
      %get3A_97 = arith.constant 0 : index
      %get3A_98 = tpu.vector_load %arg6[%get3A_96, %get3A_97] {strides = array<i32>} : memref<4x32xi32, #tpu.memory_space<vmem>>, vector<1x16xi32>,
      %get3A_99 = vector.shape_cast %get3A_98 : vector<1x16xi32> to vector<16xi32>
      %sub3A = arith.constant 5000 : i32
      %sub3A_100 = vector.broadcast %sub3A : i32 to vector<16xi32>
      %sub3A_101 = arith.subi %get3A_99, %sub3A_100 : vector<16xi32>
      %ge3A = arith.constant 0 : i32
      %ge3A_102 = vector.broadcast %ge3A : i32 to vector<16xi32>
      %ge3A_103 = arith.cmpi sge, %sub3A_101, %ge3A_102 : vector<16xi32>
      %lt3A = arith.constant 5000 : i32
      %lt3A_104 = vector.broadcast %lt3A : i32 to vector<16xi32>
      %lt3A_105 = arith.cmpi slt, %sub3A_101, %lt3A_104 : vector<16xi32>
      %and3A = arith.andi %ge3A_103, %lt3A_105 : vector<16xi1>
      %jit3A = arith.constant 5100 : i32
      %broadcast_in_dim3A = vector.broadcast %jit3A : i32 to vector<16xi32>
      %select_n3A = arith.select %and3A, %sub3A_101, %broadcast_in_dim3A : vector<16xi1>, vector<16xi32>
      %swap3A = arith.constant 0 : i32
      %swap3A_106 = arith.index_cast %swap3A : i32 to index
      %swap3A_107 = arith.constant 0 : index
      %swap3A_108 = tpu.vector_load %arg6[%swap3A_106, %swap3A_107] {strides = array<i32>} : memref<4x32xi32, #tpu.memory_space<vmem>>, vector<1x16xi32>,
      %swap3A_109 = vector.shape_cast %swap3A_108 : vector<1x16xi32> to vector<16xi32>
      %swap3A_110 = vector.shape_cast %select_n3A : vector<16xi32> to vector<1x16xi32>
      tpu.vector_store %arg6[%swap3A_106, %swap3A_107], %swap3A_110 {strides = array<i32>} : memref<4x32xi32, #tpu.memory_space<vmem>>, vector<1x16xi32>,
      %get3A_111 = arith.constant 0 : i32
      %get3A_112 = arith.index_cast %get3A_111 : i32 to index
      %get3A_113 = arith.constant 16 : index
      %get3A_114 = tpu.vector_load %arg6[%get3A_112, %get3A_113] {strides = array<i32>} : memref<4x32xi32, #tpu.memory_space<vmem>>, vector<1x16xi32>,
      %get3A_115 = vector.shape_cast %get3A_114 : vector<1x16xi32> to vector<16xi32>
      %sub3A_116 = arith.constant 5000 : i32
      %sub3A_117 = vector.broadcast %sub3A_116 : i32 to vector<16xi32>
      %sub3A_118 = arith.subi %get3A_115, %sub3A_117 : vector<16xi32>
      %ge3A_119 = arith.constant 0 : i32
      %ge3A_120 = vector.broadcast %ge3A_119 : i32 to vector<16xi32>
      %ge3A_121 = arith.cmpi sge, %sub3A_118, %ge3A_120 : vector<16xi32>
      %lt3A_122 = arith.constant 5000 : i32
      %lt3A_123 = vector.broadcast %lt3A_122 : i32 to vector<16xi32>
      %lt3A_124 = arith.cmpi slt, %sub3A_118, %lt3A_123 : vector<16xi32>
      %and3A_125 = arith.andi %ge3A_121, %lt3A_124 : vector<16xi1>
      %jit3A_126 = arith.constant 5100 : i32
      %broadcast_in_dim3A_127 = vector.broadcast %jit3A_126 : i32 to vector<16xi32>
      %select_n3A_128 = arith.select %and3A_125, %sub3A_118, %broadcast_in_dim3A_127 : vector<16xi1>, vector<16xi32>
      %swap3A_129 = arith.constant 0 : i32
      %swap3A_130 = arith.index_cast %swap3A_129 : i32 to index
      %swap3A_131 = arith.constant 16 : index
      %swap3A_132 = tpu.vector_load %arg6[%swap3A_130, %swap3A_131] {strides = array<i32>} : memref<4x32xi32, #tpu.memory_space<vmem>>, vector<1x16xi32>,
      %swap3A_133 = vector.shape_cast %swap3A_132 : vector<1x16xi32> to vector<16xi32>
      %swap3A_134 = vector.shape_cast %select_n3A_128 : vector<16xi32> to vector<1x16xi32>
      tpu.vector_store %arg6[%swap3A_130, %swap3A_131], %swap3A_134 {strides = array<i32>} : memref<4x32xi32, #tpu.memory_space<vmem>>, vector<1x16xi32>,
      %get3A_135 = arith.constant 1 : i32
      %get3A_136 = arith.index_cast %get3A_135 : i32 to index
      %get3A_137 = arith.constant 0 : index
      %get3A_138 = tpu.vector_load %arg6[%get3A_136, %get3A_137] {strides = array<i32>} : memref<4x32xi32, #tpu.memory_space<vmem>>, vector<1x16xi32>,
      %get3A_139 = vector.shape_cast %get3A_138 : vector<1x16xi32> to vector<16xi32>
      %sub3A_140 = arith.constant 5000 : i32
      %sub3A_141 = vector.broadcast %sub3A_140 : i32 to vector<16xi32>
      %sub3A_142 = arith.subi %get3A_139, %sub3A_141 : vector<16xi32>
      %ge3A_143 = arith.constant 0 : i32
      %ge3A_144 = vector.broadcast %ge3A_143 : i32 to vector<16xi32>
      %ge3A_145 = arith.cmpi sge, %sub3A_142, %ge3A_144 : vector<16xi32>
      %lt3A_146 = arith.constant 5000 : i32
      %lt3A_147 = vector.broadcast %lt3A_146 : i32 to vector<16xi32>
      %lt3A_148 = arith.cmpi slt, %sub3A_142, %lt3A_147 : vector<16xi32>
      %and3A_149 = arith.andi %ge3A_145, %lt3A_148 : vector<16xi1>
      %jit3A_150 = arith.constant 5100 : i32
      %broadcast_in_dim3A_151 = vector.broadcast %jit3A_150 : i32 to vector<16xi32>
      %select_n3A_152 = arith.select %and3A_149, %sub3A_142, %broadcast_in_dim3A_151 : vector<16xi1>, vector<16xi32>
      %swap3A_153 = arith.constant 1 : i32
      %swap3A_154 = arith.index_cast %swap3A_153 : i32 to index
      %swap3A_155 = arith.constant 0 : index
      %swap3A_156 = tpu.vector_load %arg6[%swap3A_154, %swap3A_155] {strides = array<i32>} : memref<4x32xi32, #tpu.memory_space<vmem>>, vector<1x16xi32>,
      %swap3A_157 = vector.shape_cast %swap3A_156 : vector<1x16xi32> to vector<16xi32>
      %swap3A_158 = vector.shape_cast %select_n3A_152 : vector<16xi32> to vector<1x16xi32>
      tpu.vector_store %arg6[%swap3A_154, %swap3A_155], %swap3A_158 {strides = array<i32>} : memref<4x32xi32, #tpu.memory_space<vmem>>, vector<1x16xi32>,
      %get3A_159 = arith.constant 1 : i32
      %get3A_160 = arith.index_cast %get3A_159 : i32 to index
      %get3A_161 = arith.constant 16 : index
      %get3A_162 = tpu.vector_load %arg6[%get3A_160, %get3A_161] {strides = array<i32>} : memref<4x32xi32, #tpu.memory_space<vmem>>, vector<1x16xi32>,
      %get3A_163 = vector.shape_cast %get3A_162 : vector<1x16xi32> to vector<16xi32>
      %sub3A_164 = arith.constant 5000 : i32
      %sub3A_165 = vector.broadcast %sub3A_164 : i32 to vector<16xi32>
      %sub3A_166 = arith.subi %get3A_163, %sub3A_165 : vector<16xi32>
      %ge3A_167 = arith.constant 0 : i32
      %ge3A_168 = vector.broadcast %ge3A_167 : i32 to vector<16xi32>
      %ge3A_169 = arith.cmpi sge, %sub3A_166, %ge3A_168 : vector<16xi32>
      %lt3A_170 = arith.constant 5000 : i32
      %lt3A_171 = vector.broadcast %lt3A_170 : i32 to vector<16xi32>
      %lt3A_172 = arith.cmpi slt, %sub3A_166, %lt3A_171 : vector<16xi32>
      %and3A_173 = arith.andi %ge3A_169, %lt3A_172 : vector<16xi1>
      %jit3A_174 = arith.constant 5100 : i32
      %broadcast_in_dim3A_175 = vector.broadcast %jit3A_174 : i32 to vector<16xi32>
      %select_n3A_176 = arith.select %and3A_173, %sub3A_166, %broadcast_in_dim3A_175 : vector<16xi1>, vector<16xi32>
      %swap3A_177 = arith.constant 1 : i32
      %swap3A_178 = arith.index_cast %swap3A_177 : i32 to index
      %swap3A_179 = arith.constant 16 : index
      %swap3A_180 = tpu.vector_load %arg6[%swap3A_178, %swap3A_179] {strides = array<i32>} : memref<4x32xi32, #tpu.memory_space<vmem>>, vector<1x16xi32>,
      %swap3A_181 = vector.shape_cast %swap3A_180 : vector<1x16xi32> to vector<16xi32>
      %swap3A_182 = vector.shape_cast %select_n3A_176 : vector<16xi32> to vector<1x16xi32>
      tpu.vector_store %arg6[%swap3A_178, %swap3A_179], %swap3A_182 {strides = array<i32>} : memref<4x32xi32, #tpu.memory_space<vmem>>, vector<1x16xi32>,
      %get3A_183 = arith.constant 2 : i32
      %get3A_184 = arith.index_cast %get3A_183 : i32 to index
      %get3A_185 = arith.constant 0 : index
      %get3A_186 = tpu.vector_load %arg6[%get3A_184, %get3A_185] {strides = array<i32>} : memref<4x32xi32, #tpu.memory_space<vmem>>, vector<1x16xi32>,
      %get3A_187 = vector.shape_cast %get3A_186 : vector<1x16xi32> to vector<16xi32>
      %sub3A_188 = arith.constant 5000 : i32
      %sub3A_189 = vector.broadcast %sub3A_188 : i32 to vector<16xi32>
      %sub3A_190 = arith.subi %get3A_187, %sub3A_189 : vector<16xi32>
      %ge3A_191 = arith.constant 0 : i32
      %ge3A_192 = vector.broadcast %ge3A_191 : i32 to vector<16xi32>
      %ge3A_193 = arith.cmpi sge, %sub3A_190, %ge3A_192 : vector<16xi32>
      %lt3A_194 = arith.constant 5000 : i32
      %lt3A_195 = vector.broadcast %lt3A_194 : i32 to vector<16xi32>
      %lt3A_196 = arith.cmpi slt, %sub3A_190, %lt3A_195 : vector<16xi32>
      %and3A_197 = arith.andi %ge3A_193, %lt3A_196 : vector<16xi1>
      %jit3A_198 = arith.constant 5100 : i32
      %broadcast_in_dim3A_199 = vector.broadcast %jit3A_198 : i32 to vector<16xi32>
      %select_n3A_200 = arith.select %and3A_197, %sub3A_190, %broadcast_in_dim3A_199 : vector<16xi1>, vector<16xi32>
      %swap3A_201 = arith.constant 2 : i32
      %swap3A_202 = arith.index_cast %swap3A_201 : i32 to index
      %swap3A_203 = arith.constant 0 : index
      %swap3A_204 = tpu.vector_load %arg6[%swap3A_202, %swap3A_203] {strides = array<i32>} : memref<4x32xi32, #tpu.memory_space<vmem>>, vector<1x16xi32>,
      %swap3A_205 = vector.shape_cast %swap3A_204 : vector<1x16xi32> to vector<16xi32>
      %swap3A_206 = vector.shape_cast %select_n3A_200 : vector<16xi32> to vector<1x16xi32>
      tpu.vector_store %arg6[%swap3A_202, %swap3A_203], %swap3A_206 {strides = array<i32>} : memref<4x32xi32, #tpu.memory_space<vmem>>, vector<1x16xi32>,
      %get3A_207 = arith.constant 2 : i32
      %get3A_208 = arith.index_cast %get3A_207 : i32 to index
      %get3A_209 = arith.constant 16 : index
      %get3A_210 = tpu.vector_load %arg6[%get3A_208, %get3A_209] {strides = array<i32>} : memref<4x32xi32, #tpu.memory_space<vmem>>, vector<1x16xi32>,
      %get3A_211 = vector.shape_cast %get3A_210 : vector<1x16xi32> to vector<16xi32>
      %sub3A_212 = arith.constant 5000 : i32
      %sub3A_213 = vector.broadcast %sub3A_212 : i32 to vector<16xi32>
      %sub3A_214 = arith.subi %get3A_211, %sub3A_213 : vector<16xi32>
      %ge3A_215 = arith.constant 0 : i32
      %ge3A_216 = vector.broadcast %ge3A_215 : i32 to vector<16xi32>
      %ge3A_217 = arith.cmpi sge, %sub3A_214, %ge3A_216 : vector<16xi32>
      %lt3A_218 = arith.constant 5000 : i32
      %lt3A_219 = vector.broadcast %lt3A_218 : i32 to vector<16xi32>
      %lt3A_220 = arith.cmpi slt, %sub3A_214, %lt3A_219 : vector<16xi32>
      %and3A_221 = arith.andi %ge3A_217, %lt3A_220 : vector<16xi1>
      %jit3A_222 = arith.constant 5100 : i32
      %broadcast_in_dim3A_223 = vector.broadcast %jit3A_222 : i32 to vector<16xi32>
      %select_n3A_224 = arith.select %and3A_221, %sub3A_214, %broadcast_in_dim3A_223 : vector<16xi1>, vector<16xi32>
      %swap3A_225 = arith.constant 2 : i32
      %swap3A_226 = arith.index_cast %swap3A_225 : i32 to index
      %swap3A_227 = arith.constant 16 : index
      %swap3A_228 = tpu.vector_load %arg6[%swap3A_226, %swap3A_227] {strides = array<i32>} : memref<4x32xi32, #tpu.memory_space<vmem>>, vector<1x16xi32>,
      %swap3A_229 = vector.shape_cast %swap3A_228 : vector<1x16xi32> to vector<16xi32>
      %swap3A_230 = vector.shape_cast %select_n3A_224 : vector<16xi32> to vector<1x16xi32>
      tpu.vector_store %arg6[%swap3A_226, %swap3A_227], %swap3A_230 {strides = array<i32>} : memref<4x32xi32, #tpu.memory_space<vmem>>, vector<1x16xi32>,
      %get3A_231 = arith.constant 3 : i32
      %get3A_232 = arith.index_cast %get3A_231 : i32 to index
      %get3A_233 = arith.constant 0 : index
      %get3A_234 = tpu.vector_load %arg6[%get3A_232, %get3A_233] {strides = array<i32>} : memref<4x32xi32, #tpu.memory_space<vmem>>, vector<1x16xi32>,
      %get3A_235 = vector.shape_cast %get3A_234 : vector<1x16xi32> to vector<16xi32>
      %sub3A_236 = arith.constant 5000 : i32
      %sub3A_237 = vector.broadcast %sub3A_236 : i32 to vector<16xi32>
      %sub3A_238 = arith.subi %get3A_235, %sub3A_237 : vector<16xi32>
      %ge3A_239 = arith.constant 0 : i32
      %ge3A_240 = vector.broadcast %ge3A_239 : i32 to vector<16xi32>
      %ge3A_241 = arith.cmpi sge, %sub3A_238, %ge3A_240 : vector<16xi32>
      %lt3A_242 = arith.constant 5000 : i32
      %lt3A_243 = vector.broadcast %lt3A_242 : i32 to vector<16xi32>
      %lt3A_244 = arith.cmpi slt, %sub3A_238, %lt3A_243 : vector<16xi32>
      %and3A_245 = arith.andi %ge3A_241, %lt3A_244 : vector<16xi1>
      %jit3A_246 = arith.constant 5100 : i32
      %broadcast_in_dim3A_247 = vector.broadcast %jit3A_246 : i32 to vector<16xi32>
      %select_n3A_248 = arith.select %and3A_245, %sub3A_238, %broadcast_in_dim3A_247 : vector<16xi1>, vector<16xi32>
      %swap3A_249 = arith.constant 3 : i32
      %swap3A_250 = arith.index_cast %swap3A_249 : i32 to index
      %swap3A_251 = arith.constant 0 : index
      %swap3A_252 = tpu.vector_load %arg6[%swap3A_250, %swap3A_251] {strides = array<i32>} : memref<4x32xi32, #tpu.memory_space<vmem>>, vector<1x16xi32>,
      %swap3A_253 = vector.shape_cast %swap3A_252 : vector<1x16xi32> to vector<16xi32>
      %swap3A_254 = vector.shape_cast %select_n3A_248 : vector<16xi32> to vector<1x16xi32>
      tpu.vector_store %arg6[%swap3A_250, %swap3A_251], %swap3A_254 {strides = array<i32>} : memref<4x32xi32, #tpu.memory_space<vmem>>, vector<1x16xi32>,
      %get3A_255 = arith.constant 3 : i32
      %get3A_256 = arith.index_cast %get3A_255 : i32 to index
      %get3A_257 = arith.constant 16 : index
      %get3A_258 = tpu.vector_load %arg6[%get3A_256, %get3A_257] {strides = array<i32>} : memref<4x32xi32, #tpu.memory_space<vmem>>, vector<1x16xi32>,
      %get3A_259 = vector.shape_cast %get3A_258 : vector<1x16xi32> to vector<16xi32>
      %sub3A_260 = arith.constant 5000 : i32
      %sub3A_261 = vector.broadcast %sub3A_260 : i32 to vector<16xi32>
      %sub3A_262 = arith.subi %get3A_259, %sub3A_261 : vector<16xi32>
      %ge3A_263 = arith.constant 0 : i32
      %ge3A_264 = vector.broadcast %ge3A_263 : i32 to vector<16xi32>
      %ge3A_265 = arith.cmpi sge, %sub3A_262, %ge3A_264 : vector<16xi32>
      %lt3A_266 = arith.constant 5000 : i32
      %lt3A_267 = vector.broadcast %lt3A_266 : i32 to vector<16xi32>
      %lt3A_268 = arith.cmpi slt, %sub3A_262, %lt3A_267 : vector<16xi32>
      %and3A_269 = arith.andi %ge3A_265, %lt3A_268 : vector<16xi1>
      %jit3A_270 = arith.constant 5100 : i32
      %broadcast_in_dim3A_271 = vector.broadcast %jit3A_270 : i32 to vector<16xi32>
      %select_n3A_272 = arith.select %and3A_269, %sub3A_262, %broadcast_in_dim3A_271 : vector<16xi1>, vector<16xi32>
      %swap3A_273 = arith.constant 3 : i32
      %swap3A_274 = arith.index_cast %swap3A_273 : i32 to index
      %swap3A_275 = arith.constant 16 : index
      %swap3A_276 = tpu.vector_load %arg6[%swap3A_274, %swap3A_275] {strides = array<i32>} : memref<4x32xi32, #tpu.memory_space<vmem>>, vector<1x16xi32>,
      %swap3A_277 = vector.shape_cast %swap3A_276 : vector<1x16xi32> to vector<16xi32>
      %swap3A_278 = vector.shape_cast %select_n3A_272 : vector<16xi32> to vector<1x16xi32>
      tpu.vector_store %arg6[%swap3A_274, %swap3A_275], %swap3A_278 {strides = array<i32>} : memref<4x32xi32, #tpu.memory_space<vmem>>, vector<1x16xi32>,
      %dma_start3A = arith.constant 0 : i32
      %dma_start3A_279 = arith.constant 0 : i32
      %dma_start3A_280 = tpu.memref_slice %arg7[%dma_start3A, %dma_start3A_279] : memref<4x32xi32, #tpu.memory_space<vmem>> -> memref<1x32xi32, #tpu.memory_space<vmem>>
      %dma_start3A_281 = tpu.memref_squeeze %dma_start3A_280 : memref<1x32xi32, #tpu.memory_space<vmem>> -> memref<32xi32, #tpu.memory_space<vmem>>
      %dma_start3A_282 = arith.constant 0 : i32
      %dma_start3A_283 = arith.constant 0 : i32
      %dma_start3A_284 = tpu.memref_slice %arg10[%dma_start3A_282, %dma_start3A_283] : memref<10000x128xf32, #tpu.memory_space<vmem_shared>> -> memref<10000x128xf32, #tpu.memory_space<vmem_shared>>
      tpu.enqueue_indirect_dma source(%dma_start3A_284 : memref<10000x128xf32, #tpu.memory_space<vmem_shared>>) target(%arg8 : memref<32x128xf32, #tpu.memory_space<vmem>>) offsets(%dma_start3A_281 : memref<32xi32, #tpu.memory_space<vmem>>) semaphore(%arg12 : memref<!tpu.dma_semaphore, #tpu.memory_space<semaphore_mem>>)
      %dma_start3A_285 = arith.constant 1 : i32
      %dma_start3A_286 = arith.constant 0 : i32
      %dma_start3A_287 = tpu.memref_slice %arg7[%dma_start3A_285, %dma_start3A_286] : memref<4x32xi32, #tpu.memory_space<vmem>> -> memref<1x32xi32, #tpu.memory_space<vmem>>
      %dma_start3A_288 = tpu.memref_squeeze %dma_start3A_287 : memref<1x32xi32, #tpu.memory_space<vmem>> -> memref<32xi32, #tpu.memory_space<vmem>>
      %dma_start3A_289 = arith.constant 0 : i32
      %dma_start3A_290 = arith.constant 0 : i32
      %dma_start3A_291 = tpu.memref_slice %arg10[%dma_start3A_289, %dma_start3A_290] : memref<10000x128xf32, #tpu.memory_space<vmem_shared>> -> memref<10000x128xf32, #tpu.memory_space<vmem_shared>>
      tpu.enqueue_indirect_dma source(%dma_start3A_291 : memref<10000x128xf32, #tpu.memory_space<vmem_shared>>) target(%arg9 : memref<32x128xf32, #tpu.memory_space<vmem>>) offsets(%dma_start3A_288 : memref<32xi32, #tpu.memory_space<vmem>>) semaphore(%arg13 : memref<!tpu.dma_semaphore, #tpu.memory_space<semaphore_mem>>)
      %dma_wait3A_292 = arith.constant 0 : i32
      %dma_wait3A_293 = arith.constant 0 : i32
      %dma_wait3A_294 = tpu.memref_slice %arg7[%dma_wait3A_292, %dma_wait3A_293] : memref<4x32xi32, #tpu.memory_space<vmem>> -> memref<1x32xi32, #tpu.memory_space<vmem>>
      %dma_wait3A_295 = tpu.memref_squeeze %dma_wait3A_294 : memref<1x32xi32, #tpu.memory_space<vmem>> -> memref<32xi32, #tpu.memory_space<vmem>>
      %dma_wait3A_296 = arith.constant 0 : i32
      %dma_wait3A_297 = arith.constant 0 : i32
      %dma_wait3A_298 = tpu.memref_slice %arg10[%dma_wait3A_296, %dma_wait3A_297] : memref<10000x128xf32, #tpu.memory_space<vmem_shared>> -> memref<10000x128xf32, #tpu.memory_space<vmem_shared>>
      tpu.wait_indirect_dma semaphore(%arg12 : memref<!tpu.dma_semaphore, #tpu.memory_space<semaphore_mem>>) src(%dma_wait3A_298 : memref<10000x128xf32, #tpu.memory_space<vmem_shared>>) dst(%arg8 : memref<32x128xf32, #tpu.memory_space<vmem>>)
      %dma_start3A_299 = arith.constant 0 : i32
      %dma_start3A_300 = arith.constant 0 : i32
      %dma_start3A_301 = tpu.memref_slice %arg6[%dma_start3A_299, %dma_start3A_300] : memref<4x32xi32, #tpu.memory_space<vmem>> -> memref<1x32xi32, #tpu.memory_space<vmem>>
      %dma_start3A_302 = tpu.memref_squeeze %dma_start3A_301 : memref<1x32xi32, #tpu.memory_space<vmem>> -> memref<32xi32, #tpu.memory_space<vmem>>
      %dma_start3A_303 = arith.constant 0 : i32
      %dma_start3A_304 = arith.constant 0 : i32
      %dma_start3A_305 = tpu.memref_slice %arg11[%dma_start3A_303, %dma_start3A_304] : memref<5120x128xf32, #tpu.memory_space<vmem_shared>> -> memref<5120x128xf32, #tpu.memory_space<vmem_shared>>
      tpu.enqueue_indirect_dma source(%arg8 : memref<32x128xf32, #tpu.memory_space<vmem>>) target(%dma_start3A_305 : memref<5120x128xf32, #tpu.memory_space<vmem_shared>>) offsets(%dma_start3A_302 : memref<32xi32, #tpu.memory_space<vmem>>) semaphore(%arg14 : memref<!tpu.dma_semaphore, #tpu.memory_space<semaphore_mem>>) {add = true}
      %dma_wait3A_306 = arith.constant 0 : i32
      %dma_wait3A_307 = arith.constant 0 : i32
      %dma_wait3A_308 = tpu.memref_slice %arg6[%dma_wait3A_306, %dma_wait3A_307] : memref<4x32xi32, #tpu.memory_space<vmem>> -> memref<1x32xi32, #tpu.memory_space<vmem>>
      %dma_wait3A_309 = tpu.memref_squeeze %dma_wait3A_308 : memref<1x32xi32, #tpu.memory_space<vmem>> -> memref<32xi32, #tpu.memory_space<vmem>>
      %dma_wait3A_310 = arith.constant 0 : i32
      %dma_wait3A_311 = arith.constant 0 : i32
      %dma_wait3A_312 = tpu.memref_slice %arg11[%dma_wait3A_310, %dma_wait3A_311] : memref<5120x128xf32, #tpu.memory_space<vmem_shared>> -> memref<5120x128xf32, #tpu.memory_space<vmem_shared>>
      tpu.wait_indirect_dma semaphore(%arg14 : memref<!tpu.dma_semaphore, #tpu.memory_space<semaphore_mem>>) src(%arg8 : memref<32x128xf32, #tpu.memory_space<vmem>>) dst(%dma_wait3A_312 : memref<5120x128xf32, #tpu.memory_space<vmem_shared>>)
      %dma_start3A_313 = arith.constant 2 : i32
      %dma_start3A_314 = arith.constant 0 : i32
      %dma_start3A_315 = tpu.memref_slice %arg7[%dma_start3A_313, %dma_start3A_314] : memref<4x32xi32, #tpu.memory_space<vmem>> -> memref<1x32xi32, #tpu.memory_space<vmem>>
      %dma_start3A_316 = tpu.memref_squeeze %dma_start3A_315 : memref<1x32xi32, #tpu.memory_space<vmem>> -> memref<32xi32, #tpu.memory_space<vmem>>
      %dma_start3A_317 = arith.constant 0 : i32
      %dma_start3A_318 = arith.constant 0 : i32
      %dma_start3A_319 = tpu.memref_slice %arg10[%dma_start3A_317, %dma_start3A_318] : memref<10000x128xf32, #tpu.memory_space<vmem_shared>> -> memref<10000x128xf32, #tpu.memory_space<vmem_shared>>
      tpu.enqueue_indirect_dma source(%dma_start3A_319 : memref<10000x128xf32, #tpu.memory_space<vmem_shared>>) target(%arg8 : memref<32x128xf32, #tpu.memory_space<vmem>>) offsets(%dma_start3A_316 : memref<32xi32, #tpu.memory_space<vmem>>) semaphore(%arg12 : memref<!tpu.dma_semaphore, #tpu.memory_space<semaphore_mem>>)
      %dma_wait3A_320 = arith.constant 1 : i32
      %dma_wait3A_321 = arith.constant 0 : i32
      %dma_wait3A_322 = tpu.memref_slice %arg7[%dma_wait3A_320, %dma_wait3A_321] : memref<4x32xi32, #tpu.memory_space<vmem>> -> memref<1x32xi32, #tpu.memory_space<vmem>>
      %dma_wait3A_323 = tpu.memref_squeeze %dma_wait3A_322 : memref<1x32xi32, #tpu.memory_space<vmem>> -> memref<32xi32, #tpu.memory_space<vmem>>
      %dma_wait3A_324 = arith.constant 0 : i32
      %dma_wait3A_325 = arith.constant 0 : i32
      %dma_wait3A_326 = tpu.memref_slice %arg10[%dma_wait3A_324, %dma_wait3A_325] : memref<10000x128xf32, #tpu.memory_space<vmem_shared>> -> memref<10000x128xf32, #tpu.memory_space<vmem_shared>>
      tpu.wait_indirect_dma semaphore(%arg13 : memref<!tpu.dma_semaphore, #tpu.memory_space<semaphore_mem>>) src(%dma_wait3A_326 : memref<10000x128xf32, #tpu.memory_space<vmem_shared>>) dst(%arg9 : memref<32x128xf32, #tpu.memory_space<vmem>>)
      %dma_start3A_327 = arith.constant 1 : i32
      %dma_start3A_328 = arith.constant 0 : i32
      %dma_start3A_329 = tpu.memref_slice %arg6[%dma_start3A_327, %dma_start3A_328] : memref<4x32xi32, #tpu.memory_space<vmem>> -> memref<1x32xi32, #tpu.memory_space<vmem>>
      %dma_start3A_330 = tpu.memref_squeeze %dma_start3A_329 : memref<1x32xi32, #tpu.memory_space<vmem>> -> memref<32xi32, #tpu.memory_space<vmem>>
      %dma_start3A_331 = arith.constant 0 : i32
      %dma_start3A_332 = arith.constant 0 : i32
      %dma_start3A_333 = tpu.memref_slice %arg11[%dma_start3A_331, %dma_start3A_332] : memref<5120x128xf32, #tpu.memory_space<vmem_shared>> -> memref<5120x128xf32, #tpu.memory_space<vmem_shared>>
      tpu.enqueue_indirect_dma source(%arg9 : memref<32x128xf32, #tpu.memory_space<vmem>>) target(%dma_start3A_333 : memref<5120x128xf32, #tpu.memory_space<vmem_shared>>) offsets(%dma_start3A_330 : memref<32xi32, #tpu.memory_space<vmem>>) semaphore(%arg15 : memref<!tpu.dma_semaphore, #tpu.memory_space<semaphore_mem>>) {add = true}
      %dma_wait3A_334 = arith.constant 1 : i32
      %dma_wait3A_335 = arith.constant 0 : i32
      %dma_wait3A_336 = tpu.memref_slice %arg6[%dma_wait3A_334, %dma_wait3A_335] : memref<4x32xi32, #tpu.memory_space<vmem>> -> memref<1x32xi32, #tpu.memory_space<vmem>>
      %dma_wait3A_337 = tpu.memref_squeeze %dma_wait3A_336 : memref<1x32xi32, #tpu.memory_space<vmem>> -> memref<32xi32, #tpu.memory_space<vmem>>
      %dma_wait3A_338 = arith.constant 0 : i32
      %dma_wait3A_339 = arith.constant 0 : i32
      %dma_wait3A_340 = tpu.memref_slice %arg11[%dma_wait3A_338, %dma_wait3A_339] : memref<5120x128xf32, #tpu.memory_space<vmem_shared>> -> memref<5120x128xf32, #tpu.memory_space<vmem_shared>>
      tpu.wait_indirect_dma semaphore(%arg15 : memref<!tpu.dma_semaphore, #tpu.memory_space<semaphore_mem>>) src(%arg9 : memref<32x128xf32, #tpu.memory_space<vmem>>) dst(%dma_wait3A_340 : memref<5120x128xf32, #tpu.memory_space<vmem_shared>>)
      %dma_start3A_341 = arith.constant 3 : i32
      %dma_start3A_342 = arith.constant 0 : i32
      %dma_start3A_343 = tpu.memref_slice %arg7[%dma_start3A_341, %dma_start3A_342] : memref<4x32xi32, #tpu.memory_space<vmem>> -> memref<1x32xi32, #tpu.memory_space<vmem>>
      %dma_start3A_344 = tpu.memref_squeeze %dma_start3A_343 : memref<1x32xi32, #tpu.memory_space<vmem>> -> memref<32xi32, #tpu.memory_space<vmem>>
      %dma_start3A_345 = arith.constant 0 : i32
      %dma_start3A_346 = arith.constant 0 : i32
      %dma_start3A_347 = tpu.memref_slice %arg10[%dma_start3A_345, %dma_start3A_346] : memref<10000x128xf32, #tpu.memory_space<vmem_shared>> -> memref<10000x128xf32, #tpu.memory_space<vmem_shared>>
      tpu.enqueue_indirect_dma source(%dma_start3A_347 : memref<10000x128xf32, #tpu.memory_space<vmem_shared>>) target(%arg9 : memref<32x128xf32, #tpu.memory_space<vmem>>) offsets(%dma_start3A_344 : memref<32xi32, #tpu.memory_space<vmem>>) semaphore(%arg13 : memref<!tpu.dma_semaphore, #tpu.memory_space<semaphore_mem>>)
      %dma_wait3A_348 = arith.constant 2 : i32
      %dma_wait3A_349 = arith.constant 0 : i32
      %dma_wait3A_350 = tpu.memref_slice %arg7[%dma_wait3A_348, %dma_wait3A_349] : memref<4x32xi32, #tpu.memory_space<vmem>> -> memref<1x32xi32, #tpu.memory_space<vmem>>
      %dma_wait3A_351 = tpu.memref_squeeze %dma_wait3A_350 : memref<1x32xi32, #tpu.memory_space<vmem>> -> memref<32xi32, #tpu.memory_space<vmem>>
      %dma_wait3A_352 = arith.constant 0 : i32
      %dma_wait3A_353 = arith.constant 0 : i32
      %dma_wait3A_354 = tpu.memref_slice %arg10[%dma_wait3A_352, %dma_wait3A_353] : memref<10000x128xf32, #tpu.memory_space<vmem_shared>> -> memref<10000x128xf32, #tpu.memory_space<vmem_shared>>
      tpu.wait_indirect_dma semaphore(%arg12 : memref<!tpu.dma_semaphore, #tpu.memory_space<semaphore_mem>>) src(%dma_wait3A_354 : memref<10000x128xf32, #tpu.memory_space<vmem_shared>>) dst(%arg8 : memref<32x128xf32, #tpu.memory_space<vmem>>)
      %dma_start3A_355 = arith.constant 2 : i32
      %dma_start3A_356 = arith.constant 0 : i32
      %dma_start3A_357 = tpu.memref_slice %arg6[%dma_start3A_355, %dma_start3A_356] : memref<4x32xi32, #tpu.memory_space<vmem>> -> memref<1x32xi32, #tpu.memory_space<vmem>>
      %dma_start3A_358 = tpu.memref_squeeze %dma_start3A_357 : memref<1x32xi32, #tpu.memory_space<vmem>> -> memref<32xi32, #tpu.memory_space<vmem>>
      %dma_start3A_359 = arith.constant 0 : i32
      %dma_start3A_360 = arith.constant 0 : i32
      %dma_start3A_361 = tpu.memref_slice %arg11[%dma_start3A_359, %dma_start3A_360] : memref<5120x128xf32, #tpu.memory_space<vmem_shared>> -> memref<5120x128xf32, #tpu.memory_space<vmem_shared>>
      tpu.enqueue_indirect_dma source(%arg8 : memref<32x128xf32, #tpu.memory_space<vmem>>) target(%dma_start3A_361 : memref<5120x128xf32, #tpu.memory_space<vmem_shared>>) offsets(%dma_start3A_358 : memref<32xi32, #tpu.memory_space<vmem>>) semaphore(%arg14 : memref<!tpu.dma_semaphore, #tpu.memory_space<semaphore_mem>>) {add = true}
      %dma_wait3A_362 = arith.constant 3 : i32
      %dma_wait3A_363 = arith.constant 0 : i32
      %dma_wait3A_364 = tpu.memref_slice %arg7[%dma_wait3A_362, %dma_wait3A_363] : memref<4x32xi32, #tpu.memory_space<vmem>> -> memref<1x32xi32, #tpu.memory_space<vmem>>
      %dma_wait3A_365 = tpu.memref_squeeze %dma_wait3A_364 : memref<1x32xi32, #tpu.memory_space<vmem>> -> memref<32xi32, #tpu.memory_space<vmem>>
      %dma_wait3A_366 = arith.constant 0 : i32
      %dma_wait3A_367 = arith.constant 0 : i32
      %dma_wait3A_368 = tpu.memref_slice %arg10[%dma_wait3A_366, %dma_wait3A_367] : memref<10000x128xf32, #tpu.memory_space<vmem_shared>> -> memref<10000x128xf32, #tpu.memory_space<vmem_shared>>
      tpu.wait_indirect_dma semaphore(%arg13 : memref<!tpu.dma_semaphore, #tpu.memory_space<semaphore_mem>>) src(%dma_wait3A_368 : memref<10000x128xf32, #tpu.memory_space<vmem_shared>>) dst(%arg9 : memref<32x128xf32, #tpu.memory_space<vmem>>)
      %dma_start3A_369 = arith.constant 3 : i32
      %dma_start3A_370 = arith.constant 0 : i32
      %dma_start3A_371 = tpu.memref_slice %arg6[%dma_start3A_369, %dma_start3A_370] : memref<4x32xi32, #tpu.memory_space<vmem>> -> memref<1x32xi32, #tpu.memory_space<vmem>>
      %dma_start3A_372 = tpu.memref_squeeze %dma_start3A_371 : memref<1x32xi32, #tpu.memory_space<vmem>> -> memref<32xi32, #tpu.memory_space<vmem>>
      %dma_start3A_373 = arith.constant 0 : i32
      %dma_start3A_374 = arith.constant 0 : i32
      %dma_start3A_375 = tpu.memref_slice %arg11[%dma_start3A_373, %dma_start3A_374] : memref<5120x128xf32, #tpu.memory_space<vmem_shared>> -> memref<5120x128xf32, #tpu.memory_space<vmem_shared>>
      tpu.enqueue_indirect_dma source(%arg9 : memref<32x128xf32, #tpu.memory_space<vmem>>) target(%dma_start3A_375 : memref<5120x128xf32, #tpu.memory_space<vmem_shared>>) offsets(%dma_start3A_372 : memref<32xi32, #tpu.memory_space<vmem>>) semaphore(%arg15 : memref<!tpu.dma_semaphore, #tpu.memory_space<semaphore_mem>>) {add = true}
    }
    %scan3A_59 = arith.constant 80 : i32
    %dma_wait3A_60 = arith.constant 2 : i32
    %dma_wait3A_61 = arith.constant 0 : i32
    %dma_wait3A_62 = tpu.memref_slice %arg6[%dma_wait3A_60, %dma_wait3A_61] : memref<4x32xi32, #tpu.memory_space<vmem>> -> memref<1x32xi32, #tpu.memory_space<vmem>>
    %dma_wait3A_63 = tpu.memref_squeeze %dma_wait3A_62 : memref<1x32xi32, #tpu.memory_space<vmem>> -> memref<32xi32, #tpu.memory_space<vmem>>
    %dma_wait3A_64 = arith.constant 0 : i32
    %dma_wait3A_65 = arith.constant 0 : i32
    %dma_wait3A_66 = tpu.memref_slice %arg11[%dma_wait3A_64, %dma_wait3A_65] : memref<5120x128xf32, #tpu.memory_space<vmem_shared>> -> memref<5120x128xf32, #tpu.memory_space<vmem_shared>>
    tpu.wait_indirect_dma semaphore(%arg14 : memref<!tpu.dma_semaphore, #tpu.memory_space<semaphore_mem>>) src(%arg8 : memref<32x128xf32, #tpu.memory_space<vmem>>) dst(%dma_wait3A_66 : memref<5120x128xf32, #tpu.memory_space<vmem_shared>>)
    %dma_wait3A_67 = arith.constant 3 : i32
    %dma_wait3A_68 = arith.constant 0 : i32
    %dma_wait3A_69 = tpu.memref_slice %arg6[%dma_wait3A_67, %dma_wait3A_68] : memref<4x32xi32, #tpu.memory_space<vmem>> -> memref<1x32xi32, #tpu.memory_space<vmem>>
    %dma_wait3A_70 = tpu.memref_squeeze %dma_wait3A_69 : memref<1x32xi32, #tpu.memory_space<vmem>> -> memref<32xi32, #tpu.memory_space<vmem>>
    %dma_wait3A_71 = arith.constant 0 : i32
    %dma_wait3A_72 = arith.constant 0 : i32
    %dma_wait3A_73 = tpu.memref_slice %arg11[%dma_wait3A_71, %dma_wait3A_72] : memref<5120x128xf32, #tpu.memory_space<vmem_shared>> -> memref<5120x128xf32, #tpu.memory_space<vmem_shared>>
    tpu.wait_indirect_dma semaphore(%arg15 : memref<!tpu.dma_semaphore, #tpu.memory_space<semaphore_mem>>) src(%arg9 : memref<32x128xf32, #tpu.memory_space<vmem>>) dst(%dma_wait3A_73 : memref<5120x128xf32, #tpu.memory_space<vmem_shared>>)
    %barrier3A_74 = arith.constant 0 : index
    tpu.barrier barrier_id(%barrier3A_74)
    %mul3A_75 = arith.constant 2 : i32
    %mul3A_76 = arith.muli %arg0, %mul3A_75 : i32
    %mul3A_77 = arith.constant 5120 : i32
    %mul3A_78 = arith.muli %mul3A_76, %mul3A_77 : i32
    %add3A_79 = arith.constant 5120 : i32
    %add3A_80 = arith.addi %mul3A_78, %add3A_79 : i32
    %add3A_81 = arith.addi %add3A_80, %mul3A_2 : i32
    "tpu.region"() ({
      %run_scoped3A = tpu.sem_alloc : memref<!tpu.dma_semaphore, #tpu.memory_space<semaphore_mem>>
      %dma_start3A = arith.constant 0 : i32
      %dma_start3A_82 = tpu.memref_slice %arg5[%add3A_81, %dma_start3A] : memref<20480x128xf32, #tpu.memory_space<hbm>> -> memref<320x128xf32, #tpu.memory_space<hbm>>
      %dma_start3A_83 = arith.constant 0 : i32
      %dma_start3A_84 = tpu.memref_slice %arg11[%mul3A_2, %dma_start3A_83] : memref<5120x128xf32, #tpu.memory_space<vmem_shared>> -> memref<320x128xf32, #tpu.memory_space<vmem_shared>>
      tpu.enqueue_dma source(%dma_start3A_84 : memref<320x128xf32, #tpu.memory_space<vmem_shared>>) target(%dma_start3A_82 : memref<320x128xf32, #tpu.memory_space<hbm>>) target_semaphore(%run_scoped3A : memref<!tpu.dma_semaphore, #tpu.memory_space<semaphore_mem>>)
      %dma_wait3A_85 = arith.constant 0 : i32
      %dma_wait3A_86 = tpu.memref_slice %arg5[%add3A_81, %dma_wait3A_85] : memref<20480x128xf32, #tpu.memory_space<hbm>> -> memref<320x128xf32, #tpu.memory_space<hbm>>
      %dma_wait3A_87 = arith.constant 0 : i32
      %dma_wait3A_88 = tpu.memref_slice %arg11[%mul3A_2, %dma_wait3A_87] : memref<5120x128xf32, #tpu.memory_space<vmem_shared>> -> memref<320x128xf32, #tpu.memory_space<vmem_shared>>
      tpu.wait_dma2 semaphore(%run_scoped3A : memref<!tpu.dma_semaphore, #tpu.memory_space<semaphore_mem>>) src(%dma_wait3A_88 : memref<320x128xf32, #tpu.memory_space<vmem_shared>>) dst(%dma_wait3A_86 : memref<320x128xf32, #tpu.memory_space<hbm>>)
      tpu.yield
    }) : () -> ()
    return
  }
}

#map = affine_map<(d0, d1) -> (0, 0)>
module attributes {stable_mosaic.version = 14 : i64} {
  func.func @k(%arg0: i32, %arg1: i32, %arg2: memref<10000x128xf32, #tpu.memory_space<hbm>>, %arg3: memref<10240x32xi32, #tpu.memory_space<hbm>>, %arg4: memref<10240x32xi32, #tpu.memory_space<hbm>>, %arg5: memref<20480x128xf32, #tpu.memory_space<hbm>>, %arg6: memref<4x32xi32, #tpu.memory_space<vmem>>, %arg7: memref<4x32xi32, #tpu.memory_space<vmem>>, %arg8: memref<32x128xf32, #tpu.memory_space<vmem>>, %arg9: memref<32x128xf32, #tpu.memory_space<vmem>>, %arg10: memref<10000x128xf32, #tpu.memory_space<vmem_shared>>, %arg11: memref<5120x128xf32, #tpu.memory_space<vmem_shared>>, %arg12: memref<!tpu.dma_semaphore, #tpu.memory_space<semaphore_mem>>, %arg13: memref<!tpu.dma_semaphore, #tpu.memory_space<semaphore_mem>>, %arg14: memref<!tpu.dma_semaphore, #tpu.memory_space<semaphore_mem>>, %arg15: memref<!tpu.dma_semaphore, #tpu.memory_space<semaphore_mem>>) attributes {dimension_semantics = [#tpu.dimension_semantics<core_parallel>, #tpu.dimension_semantics<subcore_parallel>], iteration_bounds = array<i64: 2, 16>, scalar_prefetch = 0 : i64, scratch_operands = 10 : i64, tpu.core_type = #tpu.core_type<sc_vector_subcore>, window_params = [{transform_indices = #map}, {transform_indices = #map}, {transform_indices = #map}, {transform_indices = #map}]} {
    %mul3A = arith.constant 2 : i32
    %mul3A_0 = arith.muli %arg1, %mul3A : i32
    %add3A = arith.addi %mul3A_0, %arg0 : i32
    %mul3A_1 = arith.constant 320 : i32
    %mul3A_2 = arith.muli %arg1, %mul3A_1 : i32
    %mul3A_3 = arith.constant 624 : i32
    %mul3A_4 = arith.muli %arg1, %mul3A_3 : i32
    %mul3A_5 = arith.constant 624 : i32
    %mul3A_6 = arith.muli %arg1, %mul3A_5 : i32
    "tpu.region"() ({
      %run_scoped3A = tpu.sem_alloc : memref<!tpu.dma_semaphore, #tpu.memory_space<semaphore_mem>>
      %dma_start3A = arith.constant 0 : i32
      %dma_start3A_82 = tpu.memref_slice %arg10[%mul3A_6, %dma_start3A] : memref<10000x128xf32, #tpu.memory_space<vmem_shared>> -> memref<624x128xf32, #tpu.memory_space<vmem_shared>>
      %dma_start3A_83 = arith.constant 0 : i32
      %dma_start3A_84 = tpu.memref_slice %arg2[%mul3A_4, %dma_start3A_83] : memref<10000x128xf32, #tpu.memory_space<hbm>> -> memref<624x128xf32, #tpu.memory_space<hbm>>
      tpu.enqueue_dma source(%dma_start3A_84 : memref<624x128xf32, #tpu.memory_space<hbm>>) target(%dma_start3A_82 : memref<624x128xf32, #tpu.memory_space<vmem_shared>>) target_semaphore(%run_scoped3A : memref<!tpu.dma_semaphore, #tpu.memory_space<semaphore_mem>>)
      %dma_wait3A_85 = arith.constant 0 : i32
      %dma_wait3A_86 = tpu.memref_slice %arg10[%mul3A_6, %dma_wait3A_85] : memref<10000x128xf32, #tpu.memory_space<vmem_shared>> -> memref<624x128xf32, #tpu.memory_space<vmem_shared>>
      %dma_wait3A_87 = arith.constant 0 : i32
      %dma_wait3A_88 = tpu.memref_slice %arg2[%mul3A_4, %dma_wait3A_87] : memref<10000x128xf32, #tpu.memory_space<hbm>> -> memref<624x128xf32, #tpu.memory_space<hbm>>
      tpu.wait_dma2 semaphore(%run_scoped3A : memref<!tpu.dma_semaphore, #tpu.memory_space<semaphore_mem>>) src(%dma_wait3A_88 : memref<624x128xf32, #tpu.memory_space<hbm>>) dst(%dma_wait3A_86 : memref<624x128xf32, #tpu.memory_space<vmem_shared>>)
      tpu.yield
    }) : () -> ()
    %eq3A = arith.constant 0 : i32
    %eq3A_7 = arith.cmpi eq, %arg1, %eq3A : i32
    %convert_element_type3A = arith.extui %eq3A_7 : i1 to i32
    %cond3A = arith.constant 0 : i32
    %cond3A_8 = arith.cmpi ne, %convert_element_type3A, %cond3A : i32
    scf.if %cond3A_8 {
      "tpu.region"() ({
        %run_scoped3A = tpu.sem_alloc : memref<!tpu.dma_semaphore, #tpu.memory_space<semaphore_mem>>
        %dma_start3A = arith.constant 9984 : i32
        %dma_start3A_82 = arith.constant 0 : i32
        %dma_start3A_83 = tpu.memref_slice %arg10[%dma_start3A, %dma_start3A_82] : memref<10000x128xf32, #tpu.memory_space<vmem_shared>> -> memref<16x128xf32, #tpu.memory_space<vmem_shared>>
        %dma_start3A_84 = arith.constant 9984 : i32
        %dma_start3A_85 = arith.constant 0 : i32
        %dma_start3A_86 = tpu.memref_slice %arg2[%dma_start3A_84, %dma_start3A_85] : memref<10000x128xf32, #tpu.memory_space<hbm>> -> memref<16x128xf32, #tpu.memory_space<hbm>>
        tpu.enqueue_dma source(%dma_start3A_86 : memref<16x128xf32, #tpu.memory_space<hbm>>) target(%dma_start3A_83 : memref<16x128xf32, #tpu.memory_space<vmem_shared>>) target_semaphore(%run_scoped3A : memref<!tpu.dma_semaphore, #tpu.memory_space<semaphore_mem>>)
        %dma_wait3A_87 = arith.constant 9984 : i32
        %dma_wait3A_88 = arith.constant 0 : i32
        %dma_wait3A_89 = tpu.memref_slice %arg10[%dma_wait3A_87, %dma_wait3A_88] : memref<10000x128xf32, #tpu.memory_space<vmem_shared>> -> memref<16x128xf32, #tpu.memory_space<vmem_shared>>
        %dma_wait3A_90 = arith.constant 9984 : i32
        %dma_wait3A_91 = arith.constant 0 : i32
        %dma_wait3A_92 = tpu.memref_slice %arg2[%dma_wait3A_90, %dma_wait3A_91] : memref<10000x128xf32, #tpu.memory_space<hbm>> -> memref<16x128xf32, #tpu.memory_space<hbm>>
        tpu.wait_dma2 semaphore(%run_scoped3A : memref<!tpu.dma_semaphore, #tpu.memory_space<semaphore_mem>>) src(%dma_wait3A_92 : memref<16x128xf32, #tpu.memory_space<hbm>>) dst(%dma_wait3A_89 : memref<16x128xf32, #tpu.memory_space<vmem_shared>>)
        tpu.yield
      }) : () -> ()
    } else {
    }
    %scan3A = arith.constant 0 : i32
    %scan3A_9 = arith.constant 32 : i32
    %scan3A_10 = arith.addi %scan3A, %scan3A_9 : i32
    %scan3A_11 = arith.constant 1 : i32
    scf.for %scan3A_82 = %scan3A to %scan3A_10 step %scan3A_11  : i32 {
      %mul3A_83 = arith.constant 1 : i32
      %mul3A_84 = arith.muli %scan3A_82, %mul3A_83 : i32
      %add3A_85 = arith.constant 0 : i32
      %add3A_86 = arith.addi %add3A_85, %mul3A_84 : i32
      %scan3A_87 = arith.constant 0 : i32
      %scan3A_88 = arith.constant 8 : i32
      %scan3A_89 = arith.addi %scan3A_87, %scan3A_88 : i32
      %scan3A_90 = arith.constant 1 : i32
      scf.for %scan3A_92 = %scan3A_87 to %scan3A_89 step %scan3A_90  : i32 {
        %mul3A_93 = arith.constant 16 : i32
        %mul3A_94 = arith.muli %scan3A_92, %mul3A_93 : i32
        %add3A_95 = arith.constant 0 : i32
        %add3A_96 = arith.addi %add3A_95, %mul3A_94 : i32
        %broadcast_in_dim3A = arith.constant 0.000000e+00 : f32
        %broadcast_in_dim3A_97 = vector.broadcast %broadcast_in_dim3A : f32 to vector<16xf32>
        %swap3A = arith.index_cast %add3A_86 : i32 to index
        %swap3A_98 = arith.index_cast %add3A_96 : i32 to index
        %swap3A_99 = tpu.vector_load %arg8[%swap3A, %swap3A_98] {strides = array<i32>} : memref<32x128xf32, #tpu.memory_space<vmem>>, vector<1x16xf32>,
        %swap3A_100 = vector.shape_cast %swap3A_99 : vector<1x16xf32> to vector<16xf32>
        %swap3A_101 = vector.shape_cast %broadcast_in_dim3A_97 : vector<16xf32> to vector<1x16xf32>
        tpu.vector_store %arg8[%swap3A, %swap3A_98], %swap3A_101 {strides = array<i32>} : memref<32x128xf32, #tpu.memory_space<vmem>>, vector<1x16xf32>,
      }
      %scan3A_91 = arith.constant 8 : i32
    }
    %scan3A_12 = arith.constant 32 : i32
    %scan3A_13 = arith.constant 0 : i32
    %scan3A_14 = arith.constant 10 : i32
    %scan3A_15 = arith.addi %scan3A_13, %scan3A_14 : i32
    %scan3A_16 = arith.constant 1 : i32
    scf.for %scan3A_82 = %scan3A_13 to %scan3A_15 step %scan3A_16  : i32 {
      %mul3A_83 = arith.constant 32 : i32
      %mul3A_84 = arith.muli %scan3A_82, %mul3A_83 : i32
      %add3A_85 = arith.constant 0 : i32
      %add3A_86 = arith.addi %add3A_85, %mul3A_84 : i32
      %add3A_87 = arith.addi %mul3A_2, %add3A_86 : i32
      "tpu.region"() ({
        %run_scoped3A = tpu.sem_alloc : memref<!tpu.dma_semaphore, #tpu.memory_space<semaphore_mem>>
        %dma_start3A = arith.constant 0 : i32
        %dma_start3A_88 = tpu.memref_slice %arg11[%add3A_87, %dma_start3A] : memref<5120x128xf32, #tpu.memory_space<vmem_shared>> -> memref<32x128xf32, #tpu.memory_space<vmem_shared>>
        %dma_start3A_89 = arith.constant 0 : i32
        %dma_start3A_90 = tpu.memref_slice %arg11[%add3A_87, %dma_start3A_89] : memref<5120x128xf32, #tpu.memory_space<vmem_shared>> -> memref<32x128xf32, #tpu.memory_space<vmem_shared>>
        tpu.enqueue_dma source(%arg8 : memref<32x128xf32, #tpu.memory_space<vmem>>) target(%dma_start3A_90 : memref<32x128xf32, #tpu.memory_space<vmem_shared>>) target_semaphore(%run_scoped3A : memref<!tpu.dma_semaphore, #tpu.memory_space<semaphore_mem>>)
        %dma_wait3A_91 = arith.constant 0 : i32
        %dma_wait3A_92 = tpu.memref_slice %arg11[%add3A_87, %dma_wait3A_91] : memref<5120x128xf32, #tpu.memory_space<vmem_shared>> -> memref<32x128xf32, #tpu.memory_space<vmem_shared>>
        %dma_wait3A_93 = arith.constant 0 : i32
        %dma_wait3A_94 = tpu.memref_slice %arg11[%add3A_87, %dma_wait3A_93] : memref<5120x128xf32, #tpu.memory_space<vmem_shared>> -> memref<32x128xf32, #tpu.memory_space<vmem_shared>>
        tpu.wait_dma2 semaphore(%run_scoped3A : memref<!tpu.dma_semaphore, #tpu.memory_space<semaphore_mem>>) src(%arg8 : memref<32x128xf32, #tpu.memory_space<vmem>>) dst(%dma_wait3A_94 : memref<32x128xf32, #tpu.memory_space<vmem_shared>>)
        tpu.yield
      }) : () -> ()
    }
    %scan3A_17 = arith.constant 10 : i32
    %barrier3A = arith.constant 0 : index
    tpu.barrier barrier_id(%barrier3A)
    %scan3A_18 = arith.constant 0 : i32
    %scan3A_19 = arith.constant 80 : i32
    %scan3A_20 = arith.addi %scan3A_18, %scan3A_19 : i32
    %scan3A_21 = arith.constant 1 : i32
    scf.for %scan3A_82 = %scan3A_18 to %scan3A_20 step %scan3A_21  : i32 {
      %mul3A_83 = arith.constant 1 : i32
      %mul3A_84 = arith.muli %scan3A_82, %mul3A_83 : i32
      %add3A_85 = arith.constant 0 : i32
      %add3A_86 = arith.addi %add3A_85, %mul3A_84 : i32
      %gt3A = arith.constant 0 : i32
      %gt3A_87 = arith.cmpi sgt, %add3A_86, %gt3A : i32
      %convert_element_type3A_88 = arith.extui %gt3A_87 : i1 to i32
      %cond3A_89 = arith.constant 0 : i32
      %cond3A_90 = arith.cmpi ne, %convert_element_type3A_88, %cond3A_89 : i32
      scf.if %cond3A_90 {
        %dma_wait3A_376 = arith.constant 2 : i32
        %dma_wait3A_377 = arith.constant 0 : i32
        %dma_wait3A_378 = tpu.memref_slice %arg6[%dma_wait3A_376, %dma_wait3A_377] : memref<4x32xi32, #tpu.memory_space<vmem>> -> memref<1x32xi32, #tpu.memory_space<vmem>>
        %dma_wait3A_379 = tpu.memref_squeeze %dma_wait3A_378 : memref<1x32xi32, #tpu.memory_space<vmem>> -> memref<32xi32, #tpu.memory_space<vmem>>
        %dma_wait3A_380 = arith.constant 0 : i32
        %dma_wait3A_381 = arith.constant 0 : i32
        %dma_wait3A_382 = tpu.memref_slice %arg11[%dma_wait3A_380, %dma_wait3A_381] : memref<5120x128xf32, #tpu.memory_space<vmem_shared>> -> memref<5120x128xf32, #tpu.memory_space<vmem_shared>>
        tpu.wait_indirect_dma semaphore(%arg14 : memref<!tpu.dma_semaphore, #tpu.memory_space<semaphore_mem>>) src(%arg8 : memref<32x128xf32, #tpu.memory_space<vmem>>) dst(%dma_wait3A_382 : memref<5120x128xf32, #tpu.memory_space<vmem_shared>>)
        %dma_wait3A_383 = arith.constant 3 : i32
        %dma_wait3A_384 = arith.constant 0 : i32
        %dma_wait3A_385 = tpu.memref_slice %arg6[%dma_wait3A_383, %dma_wait3A_384] : memref<4x32xi32, #tpu.memory_space<vmem>> -> memref<1x32xi32, #tpu.memory_space<vmem>>
        %dma_wait3A_386 = tpu.memref_squeeze %dma_wait3A_385 : memref<1x32xi32, #tpu.memory_space<vmem>> -> memref<32xi32, #tpu.memory_space<vmem>>
        %dma_wait3A_387 = arith.constant 0 : i32
        %dma_wait3A_388 = arith.constant 0 : i32
        %dma_wait3A_389 = tpu.memref_slice %arg11[%dma_wait3A_387, %dma_wait3A_388] : memref<5120x128xf32, #tpu.memory_space<vmem_shared>> -> memref<5120x128xf32, #tpu.memory_space<vmem_shared>>
        tpu.wait_indirect_dma semaphore(%arg15 : memref<!tpu.dma_semaphore, #tpu.memory_space<semaphore_mem>>) src(%arg9 : memref<32x128xf32, #tpu.memory_space<vmem>>) dst(%dma_wait3A_389 : memref<5120x128xf32, #tpu.memory_space<vmem_shared>>)
      } else {
      }
      %mul3A_91 = arith.constant 80 : i32
      %mul3A_92 = arith.muli %add3A, %mul3A_91 : i32
      %add3A_93 = arith.addi %mul3A_92, %add3A_86 : i32
      %mul3A_94 = arith.constant 4 : i32
      %mul3A_95 = arith.muli %add3A_93, %mul3A_94 : i32
      "tpu.region"() ({
        %run_scoped3A = tpu.sem_alloc : memref<!tpu.dma_semaphore, #tpu.memory_space<semaphore_mem>>
        %dma_start3A_376 = arith.constant 0 : i32
        %dma_start3A_377 = tpu.memref_slice %arg4[%mul3A_95, %dma_start3A_376] : memref<10240x32xi32, #tpu.memory_space<hbm>> -> memref<4x32xi32, #tpu.memory_space<hbm>>
        %dma_start3A_378 = arith.constant 0 : i32
        %dma_start3A_379 = tpu.memref_slice %arg4[%mul3A_95, %dma_start3A_378] : memref<10240x32xi32, #tpu.memory_space<hbm>> -> memref<4x32xi32, #tpu.memory_space<hbm>>
        tpu.enqueue_dma source(%dma_start3A_379 : memref<4x32xi32, #tpu.memory_space<hbm>>) target(%arg6 : memref<4x32xi32, #tpu.memory_space<vmem>>) target_semaphore(%run_scoped3A : memref<!tpu.dma_semaphore, #tpu.memory_space<semaphore_mem>>)
        %dma_wait3A_380 = arith.constant 0 : i32
        %dma_wait3A_381 = tpu.memref_slice %arg4[%mul3A_95, %dma_wait3A_380] : memref<10240x32xi32, #tpu.memory_space<hbm>> -> memref<4x32xi32, #tpu.memory_space<hbm>>
        %dma_wait3A_382 = arith.constant 0 : i32
        %dma_wait3A_383 = tpu.memref_slice %arg4[%mul3A_95, %dma_wait3A_382] : memref<10240x32xi32, #tpu.memory_space<hbm>> -> memref<4x32xi32, #tpu.memory_space<hbm>>
        tpu.wait_dma2 semaphore(%run_scoped3A : memref<!tpu.dma_semaphore, #tpu.memory_space<semaphore_mem>>) src(%dma_wait3A_383 : memref<4x32xi32, #tpu.memory_space<hbm>>) dst(%arg6 : memref<4x32xi32, #tpu.memory_space<vmem>>)
        tpu.yield
      }) : () -> ()
      "tpu.region"() ({
        %run_scoped3A = tpu.sem_alloc : memref<!tpu.dma_semaphore, #tpu.memory_space<semaphore_mem>>
        %dma_start3A_376 = arith.constant 0 : i32
        %dma_start3A_377 = tpu.memref_slice %arg3[%mul3A_95, %dma_start3A_376] : memref<10240x32xi32, #tpu.memory_space<hbm>> -> memref<4x32xi32, #tpu.memory_space<hbm>>
        %dma_start3A_378 = arith.constant 0 : i32
        %dma_start3A_379 = tpu.memref_slice %arg3[%mul3A_95, %dma_start3A_378] : memref<10240x32xi32, #tpu.memory_space<hbm>> -> memref<4x32xi32, #tpu.memory_space<hbm>>
        tpu.enqueue_dma source(%dma_start3A_379 : memref<4x32xi32, #tpu.memory_space<hbm>>) target(%arg7 : memref<4x32xi32, #tpu.memory_space<vmem>>) target_semaphore(%run_scoped3A : memref<!tpu.dma_semaphore, #tpu.memory_space<semaphore_mem>>)
        %dma_wait3A_380 = arith.constant 0 : i32
        %dma_wait3A_381 = tpu.memref_slice %arg3[%mul3A_95, %dma_wait3A_380] : memref<10240x32xi32, #tpu.memory_space<hbm>> -> memref<4x32xi32, #tpu.memory_space<hbm>>
        %dma_wait3A_382 = arith.constant 0 : i32
        %dma_wait3A_383 = tpu.memref_slice %arg3[%mul3A_95, %dma_wait3A_382] : memref<10240x32xi32, #tpu.memory_space<hbm>> -> memref<4x32xi32, #tpu.memory_space<hbm>>
        tpu.wait_dma2 semaphore(%run_scoped3A : memref<!tpu.dma_semaphore, #tpu.memory_space<semaphore_mem>>) src(%dma_wait3A_383 : memref<4x32xi32, #tpu.memory_space<hbm>>) dst(%arg7 : memref<4x32xi32, #tpu.memory_space<vmem>>)
        tpu.yield
      }) : () -> ()
      %get3A = arith.constant 0 : i32
      %get3A_96 = arith.index_cast %get3A : i32 to index
      %get3A_97 = arith.constant 0 : index
      %get3A_98 = tpu.vector_load %arg6[%get3A_96, %get3A_97] {strides = array<i32>} : memref<4x32xi32, #tpu.memory_space<vmem>>, vector<1x16xi32>,
      %get3A_99 = vector.shape_cast %get3A_98 : vector<1x16xi32> to vector<16xi32>
      %sub3A = arith.constant 0 : i32
      %sub3A_100 = vector.broadcast %sub3A : i32 to vector<16xi32>
      %sub3A_101 = arith.subi %get3A_99, %sub3A_100 : vector<16xi32>
      %ge3A = arith.constant 0 : i32
      %ge3A_102 = vector.broadcast %ge3A : i32 to vector<16xi32>
      %ge3A_103 = arith.cmpi sge, %sub3A_101, %ge3A_102 : vector<16xi32>
      %lt3A = arith.constant 5000 : i32
      %lt3A_104 = vector.broadcast %lt3A : i32 to vector<16xi32>
      %lt3A_105 = arith.cmpi slt, %sub3A_101, %lt3A_104 : vector<16xi32>
      %and3A = arith.andi %ge3A_103, %lt3A_105 : vector<16xi1>
      %jit3A = arith.constant 5100 : i32
      %broadcast_in_dim3A = vector.broadcast %jit3A : i32 to vector<16xi32>
      %select_n3A = arith.select %and3A, %sub3A_101, %broadcast_in_dim3A : vector<16xi1>, vector<16xi32>
      %swap3A = arith.constant 0 : i32
      %swap3A_106 = arith.index_cast %swap3A : i32 to index
      %swap3A_107 = arith.constant 0 : index
      %swap3A_108 = tpu.vector_load %arg6[%swap3A_106, %swap3A_107] {strides = array<i32>} : memref<4x32xi32, #tpu.memory_space<vmem>>, vector<1x16xi32>,
      %swap3A_109 = vector.shape_cast %swap3A_108 : vector<1x16xi32> to vector<16xi32>
      %swap3A_110 = vector.shape_cast %select_n3A : vector<16xi32> to vector<1x16xi32>
      tpu.vector_store %arg6[%swap3A_106, %swap3A_107], %swap3A_110 {strides = array<i32>} : memref<4x32xi32, #tpu.memory_space<vmem>>, vector<1x16xi32>,
      %get3A_111 = arith.constant 0 : i32
      %get3A_112 = arith.index_cast %get3A_111 : i32 to index
      %get3A_113 = arith.constant 16 : index
      %get3A_114 = tpu.vector_load %arg6[%get3A_112, %get3A_113] {strides = array<i32>} : memref<4x32xi32, #tpu.memory_space<vmem>>, vector<1x16xi32>,
      %get3A_115 = vector.shape_cast %get3A_114 : vector<1x16xi32> to vector<16xi32>
      %sub3A_116 = arith.constant 0 : i32
      %sub3A_117 = vector.broadcast %sub3A_116 : i32 to vector<16xi32>
      %sub3A_118 = arith.subi %get3A_115, %sub3A_117 : vector<16xi32>
      %ge3A_119 = arith.constant 0 : i32
      %ge3A_120 = vector.broadcast %ge3A_119 : i32 to vector<16xi32>
      %ge3A_121 = arith.cmpi sge, %sub3A_118, %ge3A_120 : vector<16xi32>
      %lt3A_122 = arith.constant 5000 : i32
      %lt3A_123 = vector.broadcast %lt3A_122 : i32 to vector<16xi32>
      %lt3A_124 = arith.cmpi slt, %sub3A_118, %lt3A_123 : vector<16xi32>
      %and3A_125 = arith.andi %ge3A_121, %lt3A_124 : vector<16xi1>
      %jit3A_126 = arith.constant 5100 : i32
      %broadcast_in_dim3A_127 = vector.broadcast %jit3A_126 : i32 to vector<16xi32>
      %select_n3A_128 = arith.select %and3A_125, %sub3A_118, %broadcast_in_dim3A_127 : vector<16xi1>, vector<16xi32>
      %swap3A_129 = arith.constant 0 : i32
      %swap3A_130 = arith.index_cast %swap3A_129 : i32 to index
      %swap3A_131 = arith.constant 16 : index
      %swap3A_132 = tpu.vector_load %arg6[%swap3A_130, %swap3A_131] {strides = array<i32>} : memref<4x32xi32, #tpu.memory_space<vmem>>, vector<1x16xi32>,
      %swap3A_133 = vector.shape_cast %swap3A_132 : vector<1x16xi32> to vector<16xi32>
      %swap3A_134 = vector.shape_cast %select_n3A_128 : vector<16xi32> to vector<1x16xi32>
      tpu.vector_store %arg6[%swap3A_130, %swap3A_131], %swap3A_134 {strides = array<i32>} : memref<4x32xi32, #tpu.memory_space<vmem>>, vector<1x16xi32>,
      %get3A_135 = arith.constant 1 : i32
      %get3A_136 = arith.index_cast %get3A_135 : i32 to index
      %get3A_137 = arith.constant 0 : index
      %get3A_138 = tpu.vector_load %arg6[%get3A_136, %get3A_137] {strides = array<i32>} : memref<4x32xi32, #tpu.memory_space<vmem>>, vector<1x16xi32>,
      %get3A_139 = vector.shape_cast %get3A_138 : vector<1x16xi32> to vector<16xi32>
      %sub3A_140 = arith.constant 0 : i32
      %sub3A_141 = vector.broadcast %sub3A_140 : i32 to vector<16xi32>
      %sub3A_142 = arith.subi %get3A_139, %sub3A_141 : vector<16xi32>
      %ge3A_143 = arith.constant 0 : i32
      %ge3A_144 = vector.broadcast %ge3A_143 : i32 to vector<16xi32>
      %ge3A_145 = arith.cmpi sge, %sub3A_142, %ge3A_144 : vector<16xi32>
      %lt3A_146 = arith.constant 5000 : i32
      %lt3A_147 = vector.broadcast %lt3A_146 : i32 to vector<16xi32>
      %lt3A_148 = arith.cmpi slt, %sub3A_142, %lt3A_147 : vector<16xi32>
      %and3A_149 = arith.andi %ge3A_145, %lt3A_148 : vector<16xi1>
      %jit3A_150 = arith.constant 5100 : i32
      %broadcast_in_dim3A_151 = vector.broadcast %jit3A_150 : i32 to vector<16xi32>
      %select_n3A_152 = arith.select %and3A_149, %sub3A_142, %broadcast_in_dim3A_151 : vector<16xi1>, vector<16xi32>
      %swap3A_153 = arith.constant 1 : i32
      %swap3A_154 = arith.index_cast %swap3A_153 : i32 to index
      %swap3A_155 = arith.constant 0 : index
      %swap3A_156 = tpu.vector_load %arg6[%swap3A_154, %swap3A_155] {strides = array<i32>} : memref<4x32xi32, #tpu.memory_space<vmem>>, vector<1x16xi32>,
      %swap3A_157 = vector.shape_cast %swap3A_156 : vector<1x16xi32> to vector<16xi32>
      %swap3A_158 = vector.shape_cast %select_n3A_152 : vector<16xi32> to vector<1x16xi32>
      tpu.vector_store %arg6[%swap3A_154, %swap3A_155], %swap3A_158 {strides = array<i32>} : memref<4x32xi32, #tpu.memory_space<vmem>>, vector<1x16xi32>,
      %get3A_159 = arith.constant 1 : i32
      %get3A_160 = arith.index_cast %get3A_159 : i32 to index
      %get3A_161 = arith.constant 16 : index
      %get3A_162 = tpu.vector_load %arg6[%get3A_160, %get3A_161] {strides = array<i32>} : memref<4x32xi32, #tpu.memory_space<vmem>>, vector<1x16xi32>,
      %get3A_163 = vector.shape_cast %get3A_162 : vector<1x16xi32> to vector<16xi32>
      %sub3A_164 = arith.constant 0 : i32
      %sub3A_165 = vector.broadcast %sub3A_164 : i32 to vector<16xi32>
      %sub3A_166 = arith.subi %get3A_163, %sub3A_165 : vector<16xi32>
      %ge3A_167 = arith.constant 0 : i32
      %ge3A_168 = vector.broadcast %ge3A_167 : i32 to vector<16xi32>
      %ge3A_169 = arith.cmpi sge, %sub3A_166, %ge3A_168 : vector<16xi32>
      %lt3A_170 = arith.constant 5000 : i32
      %lt3A_171 = vector.broadcast %lt3A_170 : i32 to vector<16xi32>
      %lt3A_172 = arith.cmpi slt, %sub3A_166, %lt3A_171 : vector<16xi32>
      %and3A_173 = arith.andi %ge3A_169, %lt3A_172 : vector<16xi1>
      %jit3A_174 = arith.constant 5100 : i32
      %broadcast_in_dim3A_175 = vector.broadcast %jit3A_174 : i32 to vector<16xi32>
      %select_n3A_176 = arith.select %and3A_173, %sub3A_166, %broadcast_in_dim3A_175 : vector<16xi1>, vector<16xi32>
      %swap3A_177 = arith.constant 1 : i32
      %swap3A_178 = arith.index_cast %swap3A_177 : i32 to index
      %swap3A_179 = arith.constant 16 : index
      %swap3A_180 = tpu.vector_load %arg6[%swap3A_178, %swap3A_179] {strides = array<i32>} : memref<4x32xi32, #tpu.memory_space<vmem>>, vector<1x16xi32>,
      %swap3A_181 = vector.shape_cast %swap3A_180 : vector<1x16xi32> to vector<16xi32>
      %swap3A_182 = vector.shape_cast %select_n3A_176 : vector<16xi32> to vector<1x16xi32>
      tpu.vector_store %arg6[%swap3A_178, %swap3A_179], %swap3A_182 {strides = array<i32>} : memref<4x32xi32, #tpu.memory_space<vmem>>, vector<1x16xi32>,
      %get3A_183 = arith.constant 2 : i32
      %get3A_184 = arith.index_cast %get3A_183 : i32 to index
      %get3A_185 = arith.constant 0 : index
      %get3A_186 = tpu.vector_load %arg6[%get3A_184, %get3A_185] {strides = array<i32>} : memref<4x32xi32, #tpu.memory_space<vmem>>, vector<1x16xi32>,
      %get3A_187 = vector.shape_cast %get3A_186 : vector<1x16xi32> to vector<16xi32>
      %sub3A_188 = arith.constant 0 : i32
      %sub3A_189 = vector.broadcast %sub3A_188 : i32 to vector<16xi32>
      %sub3A_190 = arith.subi %get3A_187, %sub3A_189 : vector<16xi32>
      %ge3A_191 = arith.constant 0 : i32
      %ge3A_192 = vector.broadcast %ge3A_191 : i32 to vector<16xi32>
      %ge3A_193 = arith.cmpi sge, %sub3A_190, %ge3A_192 : vector<16xi32>
      %lt3A_194 = arith.constant 5000 : i32
      %lt3A_195 = vector.broadcast %lt3A_194 : i32 to vector<16xi32>
      %lt3A_196 = arith.cmpi slt, %sub3A_190, %lt3A_195 : vector<16xi32>
      %and3A_197 = arith.andi %ge3A_193, %lt3A_196 : vector<16xi1>
      %jit3A_198 = arith.constant 5100 : i32
      %broadcast_in_dim3A_199 = vector.broadcast %jit3A_198 : i32 to vector<16xi32>
      %select_n3A_200 = arith.select %and3A_197, %sub3A_190, %broadcast_in_dim3A_199 : vector<16xi1>, vector<16xi32>
      %swap3A_201 = arith.constant 2 : i32
      %swap3A_202 = arith.index_cast %swap3A_201 : i32 to index
      %swap3A_203 = arith.constant 0 : index
      %swap3A_204 = tpu.vector_load %arg6[%swap3A_202, %swap3A_203] {strides = array<i32>} : memref<4x32xi32, #tpu.memory_space<vmem>>, vector<1x16xi32>,
      %swap3A_205 = vector.shape_cast %swap3A_204 : vector<1x16xi32> to vector<16xi32>
      %swap3A_206 = vector.shape_cast %select_n3A_200 : vector<16xi32> to vector<1x16xi32>
      tpu.vector_store %arg6[%swap3A_202, %swap3A_203], %swap3A_206 {strides = array<i32>} : memref<4x32xi32, #tpu.memory_space<vmem>>, vector<1x16xi32>,
      %get3A_207 = arith.constant 2 : i32
      %get3A_208 = arith.index_cast %get3A_207 : i32 to index
      %get3A_209 = arith.constant 16 : index
      %get3A_210 = tpu.vector_load %arg6[%get3A_208, %get3A_209] {strides = array<i32>} : memref<4x32xi32, #tpu.memory_space<vmem>>, vector<1x16xi32>,
      %get3A_211 = vector.shape_cast %get3A_210 : vector<1x16xi32> to vector<16xi32>
      %sub3A_212 = arith.constant 0 : i32
      %sub3A_213 = vector.broadcast %sub3A_212 : i32 to vector<16xi32>
      %sub3A_214 = arith.subi %get3A_211, %sub3A_213 : vector<16xi32>
      %ge3A_215 = arith.constant 0 : i32
      %ge3A_216 = vector.broadcast %ge3A_215 : i32 to vector<16xi32>
      %ge3A_217 = arith.cmpi sge, %sub3A_214, %ge3A_216 : vector<16xi32>
      %lt3A_218 = arith.constant 5000 : i32
      %lt3A_219 = vector.broadcast %lt3A_218 : i32 to vector<16xi32>
      %lt3A_220 = arith.cmpi slt, %sub3A_214, %lt3A_219 : vector<16xi32>
      %and3A_221 = arith.andi %ge3A_217, %lt3A_220 : vector<16xi1>
      %jit3A_222 = arith.constant 5100 : i32
      %broadcast_in_dim3A_223 = vector.broadcast %jit3A_222 : i32 to vector<16xi32>
      %select_n3A_224 = arith.select %and3A_221, %sub3A_214, %broadcast_in_dim3A_223 : vector<16xi1>, vector<16xi32>
      %swap3A_225 = arith.constant 2 : i32
      %swap3A_226 = arith.index_cast %swap3A_225 : i32 to index
      %swap3A_227 = arith.constant 16 : index
      %swap3A_228 = tpu.vector_load %arg6[%swap3A_226, %swap3A_227] {strides = array<i32>} : memref<4x32xi32, #tpu.memory_space<vmem>>, vector<1x16xi32>,
      %swap3A_229 = vector.shape_cast %swap3A_228 : vector<1x16xi32> to vector<16xi32>
      %swap3A_230 = vector.shape_cast %select_n3A_224 : vector<16xi32> to vector<1x16xi32>
      tpu.vector_store %arg6[%swap3A_226, %swap3A_227], %swap3A_230 {strides = array<i32>} : memref<4x32xi32, #tpu.memory_space<vmem>>, vector<1x16xi32>,
      %get3A_231 = arith.constant 3 : i32
      %get3A_232 = arith.index_cast %get3A_231 : i32 to index
      %get3A_233 = arith.constant 0 : index
      %get3A_234 = tpu.vector_load %arg6[%get3A_232, %get3A_233] {strides = array<i32>} : memref<4x32xi32, #tpu.memory_space<vmem>>, vector<1x16xi32>,
      %get3A_235 = vector.shape_cast %get3A_234 : vector<1x16xi32> to vector<16xi32>
      %sub3A_236 = arith.constant 0 : i32
      %sub3A_237 = vector.broadcast %sub3A_236 : i32 to vector<16xi32>
      %sub3A_238 = arith.subi %get3A_235, %sub3A_237 : vector<16xi32>
      %ge3A_239 = arith.constant 0 : i32
      %ge3A_240 = vector.broadcast %ge3A_239 : i32 to vector<16xi32>
      %ge3A_241 = arith.cmpi sge, %sub3A_238, %ge3A_240 : vector<16xi32>
      %lt3A_242 = arith.constant 5000 : i32
      %lt3A_243 = vector.broadcast %lt3A_242 : i32 to vector<16xi32>
      %lt3A_244 = arith.cmpi slt, %sub3A_238, %lt3A_243 : vector<16xi32>
      %and3A_245 = arith.andi %ge3A_241, %lt3A_244 : vector<16xi1>
      %jit3A_246 = arith.constant 5100 : i32
      %broadcast_in_dim3A_247 = vector.broadcast %jit3A_246 : i32 to vector<16xi32>
      %select_n3A_248 = arith.select %and3A_245, %sub3A_238, %broadcast_in_dim3A_247 : vector<16xi1>, vector<16xi32>
      %swap3A_249 = arith.constant 3 : i32
      %swap3A_250 = arith.index_cast %swap3A_249 : i32 to index
      %swap3A_251 = arith.constant 0 : index
      %swap3A_252 = tpu.vector_load %arg6[%swap3A_250, %swap3A_251] {strides = array<i32>} : memref<4x32xi32, #tpu.memory_space<vmem>>, vector<1x16xi32>,
      %swap3A_253 = vector.shape_cast %swap3A_252 : vector<1x16xi32> to vector<16xi32>
      %swap3A_254 = vector.shape_cast %select_n3A_248 : vector<16xi32> to vector<1x16xi32>
      tpu.vector_store %arg6[%swap3A_250, %swap3A_251], %swap3A_254 {strides = array<i32>} : memref<4x32xi32, #tpu.memory_space<vmem>>, vector<1x16xi32>,
      %get3A_255 = arith.constant 3 : i32
      %get3A_256 = arith.index_cast %get3A_255 : i32 to index
      %get3A_257 = arith.constant 16 : index
      %get3A_258 = tpu.vector_load %arg6[%get3A_256, %get3A_257] {strides = array<i32>} : memref<4x32xi32, #tpu.memory_space<vmem>>, vector<1x16xi32>,
      %get3A_259 = vector.shape_cast %get3A_258 : vector<1x16xi32> to vector<16xi32>
      %sub3A_260 = arith.constant 0 : i32
      %sub3A_261 = vector.broadcast %sub3A_260 : i32 to vector<16xi32>
      %sub3A_262 = arith.subi %get3A_259, %sub3A_261 : vector<16xi32>
      %ge3A_263 = arith.constant 0 : i32
      %ge3A_264 = vector.broadcast %ge3A_263 : i32 to vector<16xi32>
      %ge3A_265 = arith.cmpi sge, %sub3A_262, %ge3A_264 : vector<16xi32>
      %lt3A_266 = arith.constant 5000 : i32
      %lt3A_267 = vector.broadcast %lt3A_266 : i32 to vector<16xi32>
      %lt3A_268 = arith.cmpi slt, %sub3A_262, %lt3A_267 : vector<16xi32>
      %and3A_269 = arith.andi %ge3A_265, %lt3A_268 : vector<16xi1>
      %jit3A_270 = arith.constant 5100 : i32
      %broadcast_in_dim3A_271 = vector.broadcast %jit3A_270 : i32 to vector<16xi32>
      %select_n3A_272 = arith.select %and3A_269, %sub3A_262, %broadcast_in_dim3A_271 : vector<16xi1>, vector<16xi32>
      %swap3A_273 = arith.constant 3 : i32
      %swap3A_274 = arith.index_cast %swap3A_273 : i32 to index
      %swap3A_275 = arith.constant 16 : index
      %swap3A_276 = tpu.vector_load %arg6[%swap3A_274, %swap3A_275] {strides = array<i32>} : memref<4x32xi32, #tpu.memory_space<vmem>>, vector<1x16xi32>,
      %swap3A_277 = vector.shape_cast %swap3A_276 : vector<1x16xi32> to vector<16xi32>
      %swap3A_278 = vector.shape_cast %select_n3A_272 : vector<16xi32> to vector<1x16xi32>
      tpu.vector_store %arg6[%swap3A_274, %swap3A_275], %swap3A_278 {strides = array<i32>} : memref<4x32xi32, #tpu.memory_space<vmem>>, vector<1x16xi32>,
      %dma_start3A = arith.constant 0 : i32
      %dma_start3A_279 = arith.constant 0 : i32
      %dma_start3A_280 = tpu.memref_slice %arg7[%dma_start3A, %dma_start3A_279] : memref<4x32xi32, #tpu.memory_space<vmem>> -> memref<1x32xi32, #tpu.memory_space<vmem>>
      %dma_start3A_281 = tpu.memref_squeeze %dma_start3A_280 : memref<1x32xi32, #tpu.memory_space<vmem>> -> memref<32xi32, #tpu.memory_space<vmem>>
      %dma_start3A_282 = arith.constant 0 : i32
      %dma_start3A_283 = arith.constant 0 : i32
      %dma_start3A_284 = tpu.memref_slice %arg10[%dma_start3A_282, %dma_start3A_283] : memref<10000x128xf32, #tpu.memory_space<vmem_shared>> -> memref<10000x128xf32, #tpu.memory_space<vmem_shared>>
      tpu.enqueue_indirect_dma source(%dma_start3A_284 : memref<10000x128xf32, #tpu.memory_space<vmem_shared>>) target(%arg8 : memref<32x128xf32, #tpu.memory_space<vmem>>) offsets(%dma_start3A_281 : memref<32xi32, #tpu.memory_space<vmem>>) semaphore(%arg12 : memref<!tpu.dma_semaphore, #tpu.memory_space<semaphore_mem>>)
      %dma_start3A_285 = arith.constant 1 : i32
      %dma_start3A_286 = arith.constant 0 : i32
      %dma_start3A_287 = tpu.memref_slice %arg7[%dma_start3A_285, %dma_start3A_286] : memref<4x32xi32, #tpu.memory_space<vmem>> -> memref<1x32xi32, #tpu.memory_space<vmem>>
      %dma_start3A_288 = tpu.memref_squeeze %dma_start3A_287 : memref<1x32xi32, #tpu.memory_space<vmem>> -> memref<32xi32, #tpu.memory_space<vmem>>
      %dma_start3A_289 = arith.constant 0 : i32
      %dma_start3A_290 = arith.constant 0 : i32
      %dma_start3A_291 = tpu.memref_slice %arg10[%dma_start3A_289, %dma_start3A_290] : memref<10000x128xf32, #tpu.memory_space<vmem_shared>> -> memref<10000x128xf32, #tpu.memory_space<vmem_shared>>
      tpu.enqueue_indirect_dma source(%dma_start3A_291 : memref<10000x128xf32, #tpu.memory_space<vmem_shared>>) target(%arg9 : memref<32x128xf32, #tpu.memory_space<vmem>>) offsets(%dma_start3A_288 : memref<32xi32, #tpu.memory_space<vmem>>) semaphore(%arg13 : memref<!tpu.dma_semaphore, #tpu.memory_space<semaphore_mem>>)
      %dma_wait3A_292 = arith.constant 0 : i32
      %dma_wait3A_293 = arith.constant 0 : i32
      %dma_wait3A_294 = tpu.memref_slice %arg7[%dma_wait3A_292, %dma_wait3A_293] : memref<4x32xi32, #tpu.memory_space<vmem>> -> memref<1x32xi32, #tpu.memory_space<vmem>>
      %dma_wait3A_295 = tpu.memref_squeeze %dma_wait3A_294 : memref<1x32xi32, #tpu.memory_space<vmem>> -> memref<32xi32, #tpu.memory_space<vmem>>
      %dma_wait3A_296 = arith.constant 0 : i32
      %dma_wait3A_297 = arith.constant 0 : i32
      %dma_wait3A_298 = tpu.memref_slice %arg10[%dma_wait3A_296, %dma_wait3A_297] : memref<10000x128xf32, #tpu.memory_space<vmem_shared>> -> memref<10000x128xf32, #tpu.memory_space<vmem_shared>>
      tpu.wait_indirect_dma semaphore(%arg12 : memref<!tpu.dma_semaphore, #tpu.memory_space<semaphore_mem>>) src(%dma_wait3A_298 : memref<10000x128xf32, #tpu.memory_space<vmem_shared>>) dst(%arg8 : memref<32x128xf32, #tpu.memory_space<vmem>>)
      %dma_start3A_299 = arith.constant 0 : i32
      %dma_start3A_300 = arith.constant 0 : i32
      %dma_start3A_301 = tpu.memref_slice %arg6[%dma_start3A_299, %dma_start3A_300] : memref<4x32xi32, #tpu.memory_space<vmem>> -> memref<1x32xi32, #tpu.memory_space<vmem>>
      %dma_start3A_302 = tpu.memref_squeeze %dma_start3A_301 : memref<1x32xi32, #tpu.memory_space<vmem>> -> memref<32xi32, #tpu.memory_space<vmem>>
      %dma_start3A_303 = arith.constant 0 : i32
      %dma_start3A_304 = arith.constant 0 : i32
      %dma_start3A_305 = tpu.memref_slice %arg11[%dma_start3A_303, %dma_start3A_304] : memref<5120x128xf32, #tpu.memory_space<vmem_shared>> -> memref<5120x128xf32, #tpu.memory_space<vmem_shared>>
      tpu.enqueue_indirect_dma source(%arg8 : memref<32x128xf32, #tpu.memory_space<vmem>>) target(%dma_start3A_305 : memref<5120x128xf32, #tpu.memory_space<vmem_shared>>) offsets(%dma_start3A_302 : memref<32xi32, #tpu.memory_space<vmem>>) semaphore(%arg14 : memref<!tpu.dma_semaphore, #tpu.memory_space<semaphore_mem>>) {add = true}
      %dma_wait3A_306 = arith.constant 0 : i32
      %dma_wait3A_307 = arith.constant 0 : i32
      %dma_wait3A_308 = tpu.memref_slice %arg6[%dma_wait3A_306, %dma_wait3A_307] : memref<4x32xi32, #tpu.memory_space<vmem>> -> memref<1x32xi32, #tpu.memory_space<vmem>>
      %dma_wait3A_309 = tpu.memref_squeeze %dma_wait3A_308 : memref<1x32xi32, #tpu.memory_space<vmem>> -> memref<32xi32, #tpu.memory_space<vmem>>
      %dma_wait3A_310 = arith.constant 0 : i32
      %dma_wait3A_311 = arith.constant 0 : i32
      %dma_wait3A_312 = tpu.memref_slice %arg11[%dma_wait3A_310, %dma_wait3A_311] : memref<5120x128xf32, #tpu.memory_space<vmem_shared>> -> memref<5120x128xf32, #tpu.memory_space<vmem_shared>>
      tpu.wait_indirect_dma semaphore(%arg14 : memref<!tpu.dma_semaphore, #tpu.memory_space<semaphore_mem>>) src(%arg8 : memref<32x128xf32, #tpu.memory_space<vmem>>) dst(%dma_wait3A_312 : memref<5120x128xf32, #tpu.memory_space<vmem_shared>>)
      %dma_start3A_313 = arith.constant 2 : i32
      %dma_start3A_314 = arith.constant 0 : i32
      %dma_start3A_315 = tpu.memref_slice %arg7[%dma_start3A_313, %dma_start3A_314] : memref<4x32xi32, #tpu.memory_space<vmem>> -> memref<1x32xi32, #tpu.memory_space<vmem>>
      %dma_start3A_316 = tpu.memref_squeeze %dma_start3A_315 : memref<1x32xi32, #tpu.memory_space<vmem>> -> memref<32xi32, #tpu.memory_space<vmem>>
      %dma_start3A_317 = arith.constant 0 : i32
      %dma_start3A_318 = arith.constant 0 : i32
      %dma_start3A_319 = tpu.memref_slice %arg10[%dma_start3A_317, %dma_start3A_318] : memref<10000x128xf32, #tpu.memory_space<vmem_shared>> -> memref<10000x128xf32, #tpu.memory_space<vmem_shared>>
      tpu.enqueue_indirect_dma source(%dma_start3A_319 : memref<10000x128xf32, #tpu.memory_space<vmem_shared>>) target(%arg8 : memref<32x128xf32, #tpu.memory_space<vmem>>) offsets(%dma_start3A_316 : memref<32xi32, #tpu.memory_space<vmem>>) semaphore(%arg12 : memref<!tpu.dma_semaphore, #tpu.memory_space<semaphore_mem>>)
      %dma_wait3A_320 = arith.constant 1 : i32
      %dma_wait3A_321 = arith.constant 0 : i32
      %dma_wait3A_322 = tpu.memref_slice %arg7[%dma_wait3A_320, %dma_wait3A_321] : memref<4x32xi32, #tpu.memory_space<vmem>> -> memref<1x32xi32, #tpu.memory_space<vmem>>
      %dma_wait3A_323 = tpu.memref_squeeze %dma_wait3A_322 : memref<1x32xi32, #tpu.memory_space<vmem>> -> memref<32xi32, #tpu.memory_space<vmem>>
      %dma_wait3A_324 = arith.constant 0 : i32
      %dma_wait3A_325 = arith.constant 0 : i32
      %dma_wait3A_326 = tpu.memref_slice %arg10[%dma_wait3A_324, %dma_wait3A_325] : memref<10000x128xf32, #tpu.memory_space<vmem_shared>> -> memref<10000x128xf32, #tpu.memory_space<vmem_shared>>
      tpu.wait_indirect_dma semaphore(%arg13 : memref<!tpu.dma_semaphore, #tpu.memory_space<semaphore_mem>>) src(%dma_wait3A_326 : memref<10000x128xf32, #tpu.memory_space<vmem_shared>>) dst(%arg9 : memref<32x128xf32, #tpu.memory_space<vmem>>)
      %dma_start3A_327 = arith.constant 1 : i32
      %dma_start3A_328 = arith.constant 0 : i32
      %dma_start3A_329 = tpu.memref_slice %arg6[%dma_start3A_327, %dma_start3A_328] : memref<4x32xi32, #tpu.memory_space<vmem>> -> memref<1x32xi32, #tpu.memory_space<vmem>>
      %dma_start3A_330 = tpu.memref_squeeze %dma_start3A_329 : memref<1x32xi32, #tpu.memory_space<vmem>> -> memref<32xi32, #tpu.memory_space<vmem>>
      %dma_start3A_331 = arith.constant 0 : i32
      %dma_start3A_332 = arith.constant 0 : i32
      %dma_start3A_333 = tpu.memref_slice %arg11[%dma_start3A_331, %dma_start3A_332] : memref<5120x128xf32, #tpu.memory_space<vmem_shared>> -> memref<5120x128xf32, #tpu.memory_space<vmem_shared>>
      tpu.enqueue_indirect_dma source(%arg9 : memref<32x128xf32, #tpu.memory_space<vmem>>) target(%dma_start3A_333 : memref<5120x128xf32, #tpu.memory_space<vmem_shared>>) offsets(%dma_start3A_330 : memref<32xi32, #tpu.memory_space<vmem>>) semaphore(%arg15 : memref<!tpu.dma_semaphore, #tpu.memory_space<semaphore_mem>>) {add = true}
      %dma_wait3A_334 = arith.constant 1 : i32
      %dma_wait3A_335 = arith.constant 0 : i32
      %dma_wait3A_336 = tpu.memref_slice %arg6[%dma_wait3A_334, %dma_wait3A_335] : memref<4x32xi32, #tpu.memory_space<vmem>> -> memref<1x32xi32, #tpu.memory_space<vmem>>
      %dma_wait3A_337 = tpu.memref_squeeze %dma_wait3A_336 : memref<1x32xi32, #tpu.memory_space<vmem>> -> memref<32xi32, #tpu.memory_space<vmem>>
      %dma_wait3A_338 = arith.constant 0 : i32
      %dma_wait3A_339 = arith.constant 0 : i32
      %dma_wait3A_340 = tpu.memref_slice %arg11[%dma_wait3A_338, %dma_wait3A_339] : memref<5120x128xf32, #tpu.memory_space<vmem_shared>> -> memref<5120x128xf32, #tpu.memory_space<vmem_shared>>
      tpu.wait_indirect_dma semaphore(%arg15 : memref<!tpu.dma_semaphore, #tpu.memory_space<semaphore_mem>>) src(%arg9 : memref<32x128xf32, #tpu.memory_space<vmem>>) dst(%dma_wait3A_340 : memref<5120x128xf32, #tpu.memory_space<vmem_shared>>)
      %dma_start3A_341 = arith.constant 3 : i32
      %dma_start3A_342 = arith.constant 0 : i32
      %dma_start3A_343 = tpu.memref_slice %arg7[%dma_start3A_341, %dma_start3A_342] : memref<4x32xi32, #tpu.memory_space<vmem>> -> memref<1x32xi32, #tpu.memory_space<vmem>>
      %dma_start3A_344 = tpu.memref_squeeze %dma_start3A_343 : memref<1x32xi32, #tpu.memory_space<vmem>> -> memref<32xi32, #tpu.memory_space<vmem>>
      %dma_start3A_345 = arith.constant 0 : i32
      %dma_start3A_346 = arith.constant 0 : i32
      %dma_start3A_347 = tpu.memref_slice %arg10[%dma_start3A_345, %dma_start3A_346] : memref<10000x128xf32, #tpu.memory_space<vmem_shared>> -> memref<10000x128xf32, #tpu.memory_space<vmem_shared>>
      tpu.enqueue_indirect_dma source(%dma_start3A_347 : memref<10000x128xf32, #tpu.memory_space<vmem_shared>>) target(%arg9 : memref<32x128xf32, #tpu.memory_space<vmem>>) offsets(%dma_start3A_344 : memref<32xi32, #tpu.memory_space<vmem>>) semaphore(%arg13 : memref<!tpu.dma_semaphore, #tpu.memory_space<semaphore_mem>>)
      %dma_wait3A_348 = arith.constant 2 : i32
      %dma_wait3A_349 = arith.constant 0 : i32
      %dma_wait3A_350 = tpu.memref_slice %arg7[%dma_wait3A_348, %dma_wait3A_349] : memref<4x32xi32, #tpu.memory_space<vmem>> -> memref<1x32xi32, #tpu.memory_space<vmem>>
      %dma_wait3A_351 = tpu.memref_squeeze %dma_wait3A_350 : memref<1x32xi32, #tpu.memory_space<vmem>> -> memref<32xi32, #tpu.memory_space<vmem>>
      %dma_wait3A_352 = arith.constant 0 : i32
      %dma_wait3A_353 = arith.constant 0 : i32
      %dma_wait3A_354 = tpu.memref_slice %arg10[%dma_wait3A_352, %dma_wait3A_353] : memref<10000x128xf32, #tpu.memory_space<vmem_shared>> -> memref<10000x128xf32, #tpu.memory_space<vmem_shared>>
      tpu.wait_indirect_dma semaphore(%arg12 : memref<!tpu.dma_semaphore, #tpu.memory_space<semaphore_mem>>) src(%dma_wait3A_354 : memref<10000x128xf32, #tpu.memory_space<vmem_shared>>) dst(%arg8 : memref<32x128xf32, #tpu.memory_space<vmem>>)
      %dma_start3A_355 = arith.constant 2 : i32
      %dma_start3A_356 = arith.constant 0 : i32
      %dma_start3A_357 = tpu.memref_slice %arg6[%dma_start3A_355, %dma_start3A_356] : memref<4x32xi32, #tpu.memory_space<vmem>> -> memref<1x32xi32, #tpu.memory_space<vmem>>
      %dma_start3A_358 = tpu.memref_squeeze %dma_start3A_357 : memref<1x32xi32, #tpu.memory_space<vmem>> -> memref<32xi32, #tpu.memory_space<vmem>>
      %dma_start3A_359 = arith.constant 0 : i32
      %dma_start3A_360 = arith.constant 0 : i32
      %dma_start3A_361 = tpu.memref_slice %arg11[%dma_start3A_359, %dma_start3A_360] : memref<5120x128xf32, #tpu.memory_space<vmem_shared>> -> memref<5120x128xf32, #tpu.memory_space<vmem_shared>>
      tpu.enqueue_indirect_dma source(%arg8 : memref<32x128xf32, #tpu.memory_space<vmem>>) target(%dma_start3A_361 : memref<5120x128xf32, #tpu.memory_space<vmem_shared>>) offsets(%dma_start3A_358 : memref<32xi32, #tpu.memory_space<vmem>>) semaphore(%arg14 : memref<!tpu.dma_semaphore, #tpu.memory_space<semaphore_mem>>) {add = true}
      %dma_wait3A_362 = arith.constant 3 : i32
      %dma_wait3A_363 = arith.constant 0 : i32
      %dma_wait3A_364 = tpu.memref_slice %arg7[%dma_wait3A_362, %dma_wait3A_363] : memref<4x32xi32, #tpu.memory_space<vmem>> -> memref<1x32xi32, #tpu.memory_space<vmem>>
      %dma_wait3A_365 = tpu.memref_squeeze %dma_wait3A_364 : memref<1x32xi32, #tpu.memory_space<vmem>> -> memref<32xi32, #tpu.memory_space<vmem>>
      %dma_wait3A_366 = arith.constant 0 : i32
      %dma_wait3A_367 = arith.constant 0 : i32
      %dma_wait3A_368 = tpu.memref_slice %arg10[%dma_wait3A_366, %dma_wait3A_367] : memref<10000x128xf32, #tpu.memory_space<vmem_shared>> -> memref<10000x128xf32, #tpu.memory_space<vmem_shared>>
      tpu.wait_indirect_dma semaphore(%arg13 : memref<!tpu.dma_semaphore, #tpu.memory_space<semaphore_mem>>) src(%dma_wait3A_368 : memref<10000x128xf32, #tpu.memory_space<vmem_shared>>) dst(%arg9 : memref<32x128xf32, #tpu.memory_space<vmem>>)
      %dma_start3A_369 = arith.constant 3 : i32
      %dma_start3A_370 = arith.constant 0 : i32
      %dma_start3A_371 = tpu.memref_slice %arg6[%dma_start3A_369, %dma_start3A_370] : memref<4x32xi32, #tpu.memory_space<vmem>> -> memref<1x32xi32, #tpu.memory_space<vmem>>
      %dma_start3A_372 = tpu.memref_squeeze %dma_start3A_371 : memref<1x32xi32, #tpu.memory_space<vmem>> -> memref<32xi32, #tpu.memory_space<vmem>>
      %dma_start3A_373 = arith.constant 0 : i32
      %dma_start3A_374 = arith.constant 0 : i32
      %dma_start3A_375 = tpu.memref_slice %arg11[%dma_start3A_373, %dma_start3A_374] : memref<5120x128xf32, #tpu.memory_space<vmem_shared>> -> memref<5120x128xf32, #tpu.memory_space<vmem_shared>>
      tpu.enqueue_indirect_dma source(%arg9 : memref<32x128xf32, #tpu.memory_space<vmem>>) target(%dma_start3A_375 : memref<5120x128xf32, #tpu.memory_space<vmem_shared>>) offsets(%dma_start3A_372 : memref<32xi32, #tpu.memory_space<vmem>>) semaphore(%arg15 : memref<!tpu.dma_semaphore, #tpu.memory_space<semaphore_mem>>) {add = true}
    }
    %scan3A_22 = arith.constant 80 : i32
    %dma_wait3A = arith.constant 2 : i32
    %dma_wait3A_23 = arith.constant 0 : i32
    %dma_wait3A_24 = tpu.memref_slice %arg6[%dma_wait3A, %dma_wait3A_23] : memref<4x32xi32, #tpu.memory_space<vmem>> -> memref<1x32xi32, #tpu.memory_space<vmem>>
    %dma_wait3A_25 = tpu.memref_squeeze %dma_wait3A_24 : memref<1x32xi32, #tpu.memory_space<vmem>> -> memref<32xi32, #tpu.memory_space<vmem>>
    %dma_wait3A_26 = arith.constant 0 : i32
    %dma_wait3A_27 = arith.constant 0 : i32
    %dma_wait3A_28 = tpu.memref_slice %arg11[%dma_wait3A_26, %dma_wait3A_27] : memref<5120x128xf32, #tpu.memory_space<vmem_shared>> -> memref<5120x128xf32, #tpu.memory_space<vmem_shared>>
    tpu.wait_indirect_dma semaphore(%arg14 : memref<!tpu.dma_semaphore, #tpu.memory_space<semaphore_mem>>) src(%arg8 : memref<32x128xf32, #tpu.memory_space<vmem>>) dst(%dma_wait3A_28 : memref<5120x128xf32, #tpu.memory_space<vmem_shared>>)
    %dma_wait3A_29 = arith.constant 3 : i32
    %dma_wait3A_30 = arith.constant 0 : i32
    %dma_wait3A_31 = tpu.memref_slice %arg6[%dma_wait3A_29, %dma_wait3A_30] : memref<4x32xi32, #tpu.memory_space<vmem>> -> memref<1x32xi32, #tpu.memory_space<vmem>>
    %dma_wait3A_32 = tpu.memref_squeeze %dma_wait3A_31 : memref<1x32xi32, #tpu.memory_space<vmem>> -> memref<32xi32, #tpu.memory_space<vmem>>
    %dma_wait3A_33 = arith.constant 0 : i32
    %dma_wait3A_34 = arith.constant 0 : i32
    %dma_wait3A_35 = tpu.memref_slice %arg11[%dma_wait3A_33, %dma_wait3A_34] : memref<5120x128xf32, #tpu.memory_space<vmem_shared>> -> memref<5120x128xf32, #tpu.memory_space<vmem_shared>>
    tpu.wait_indirect_dma semaphore(%arg15 : memref<!tpu.dma_semaphore, #tpu.memory_space<semaphore_mem>>) src(%arg9 : memref<32x128xf32, #tpu.memory_space<vmem>>) dst(%dma_wait3A_35 : memref<5120x128xf32, #tpu.memory_space<vmem_shared>>)
    %barrier3A_36 = arith.constant 0 : index
    tpu.barrier barrier_id(%barrier3A_36)
    %mul3A_37 = arith.constant 2 : i32
    %mul3A_38 = arith.muli %arg0, %mul3A_37 : i32
    %mul3A_39 = arith.constant 5120 : i32
    %mul3A_40 = arith.muli %mul3A_38, %mul3A_39 : i32
    %add3A_41 = arith.constant 0 : i32
    %add3A_42 = arith.addi %mul3A_40, %add3A_41 : i32
    %add3A_43 = arith.addi %add3A_42, %mul3A_2 : i32
    "tpu.region"() ({
      %run_scoped3A = tpu.sem_alloc : memref<!tpu.dma_semaphore, #tpu.memory_space<semaphore_mem>>
      %dma_start3A = arith.constant 0 : i32
      %dma_start3A_82 = tpu.memref_slice %arg5[%add3A_43, %dma_start3A] : memref<20480x128xf32, #tpu.memory_space<hbm>> -> memref<320x128xf32, #tpu.memory_space<hbm>>
      %dma_start3A_83 = arith.constant 0 : i32
      %dma_start3A_84 = tpu.memref_slice %arg11[%mul3A_2, %dma_start3A_83] : memref<5120x128xf32, #tpu.memory_space<vmem_shared>> -> memref<320x128xf32, #tpu.memory_space<vmem_shared>>
      tpu.enqueue_dma source(%dma_start3A_84 : memref<320x128xf32, #tpu.memory_space<vmem_shared>>) target(%dma_start3A_82 : memref<320x128xf32, #tpu.memory_space<hbm>>) target_semaphore(%run_scoped3A : memref<!tpu.dma_semaphore, #tpu.memory_space<semaphore_mem>>)
      %dma_wait3A_85 = arith.constant 0 : i32
      %dma_wait3A_86 = tpu.memref_slice %arg5[%add3A_43, %dma_wait3A_85] : memref<20480x128xf32, #tpu.memory_space<hbm>> -> memref<320x128xf32, #tpu.memory_space<hbm>>
      %dma_wait3A_87 = arith.constant 0 : i32
      %dma_wait3A_88 = tpu.memref_slice %arg11[%mul3A_2, %dma_wait3A_87] : memref<5120x128xf32, #tpu.memory_space<vmem_shared>> -> memref<320x128xf32, #tpu.memory_space<vmem_shared>>
      tpu.wait_dma2 semaphore(%run_scoped3A : memref<!tpu.dma_semaphore, #tpu.memory_space<semaphore_mem>>) src(%dma_wait3A_88 : memref<320x128xf32, #tpu.memory_space<vmem_shared>>) dst(%dma_wait3A_86 : memref<320x128xf32, #tpu.memory_space<hbm>>)
      tpu.yield
    }) : () -> ()
    %scan3A_44 = arith.constant 0 : i32
    %scan3A_45 = arith.constant 32 : i32
    %scan3A_46 = arith.addi %scan3A_44, %scan3A_45 : i32
    %scan3A_47 = arith.constant 1 : i32
    scf.for %scan3A_82 = %scan3A_44 to %scan3A_46 step %scan3A_47  : i32 {
      %mul3A_83 = arith.constant 1 : i32
      %mul3A_84 = arith.muli %scan3A_82, %mul3A_83 : i32
      %add3A_85 = arith.constant 0 : i32
      %add3A_86 = arith.addi %add3A_85, %mul3A_84 : i32
      %scan3A_87 = arith.constant 0 : i32
      %scan3A_88 = arith.constant 8 : i32
      %scan3A_89 = arith.addi %scan3A_87, %scan3A_88 : i32
      %scan3A_90 = arith.constant 1 : i32
      scf.for %scan3A_92 = %scan3A_87 to %scan3A_89 step %scan3A_90  : i32 {
        %mul3A_93 = arith.constant 16 : i32
        %mul3A_94 = arith.muli %scan3A_92, %mul3A_93 : i32
        %add3A_95 = arith.constant 0 : i32
        %add3A_96 = arith.addi %add3A_95, %mul3A_94 : i32
        %broadcast_in_dim3A = arith.constant 0.000000e+00 : f32
        %broadcast_in_dim3A_97 = vector.broadcast %broadcast_in_dim3A : f32 to vector<16xf32>
        %swap3A = arith.index_cast %add3A_86 : i32 to index
        %swap3A_98 = arith.index_cast %add3A_96 : i32 to index
        %swap3A_99 = tpu.vector_load %arg8[%swap3A, %swap3A_98] {strides = array<i32>} : memref<32x128xf32, #tpu.memory_space<vmem>>, vector<1x16xf32>,
        %swap3A_100 = vector.shape_cast %swap3A_99 : vector<1x16xf32> to vector<16xf32>
        %swap3A_101 = vector.shape_cast %broadcast_in_dim3A_97 : vector<16xf32> to vector<1x16xf32>
        tpu.vector_store %arg8[%swap3A, %swap3A_98], %swap3A_101 {strides = array<i32>} : memref<32x128xf32, #tpu.memory_space<vmem>>, vector<1x16xf32>,
      }
      %scan3A_91 = arith.constant 8 : i32
    }
    %scan3A_48 = arith.constant 32 : i32
    %scan3A_49 = arith.constant 0 : i32
    %scan3A_50 = arith.constant 10 : i32
    %scan3A_51 = arith.addi %scan3A_49, %scan3A_50 : i32
    %scan3A_52 = arith.constant 1 : i32
    scf.for %scan3A_82 = %scan3A_49 to %scan3A_51 step %scan3A_52  : i32 {
      %mul3A_83 = arith.constant 32 : i32
      %mul3A_84 = arith.muli %scan3A_82, %mul3A_83 : i32
      %add3A_85 = arith.constant 0 : i32
      %add3A_86 = arith.addi %add3A_85, %mul3A_84 : i32
      %add3A_87 = arith.addi %mul3A_2, %add3A_86 : i32
      "tpu.region"() ({
        %run_scoped3A = tpu.sem_alloc : memref<!tpu.dma_semaphore, #tpu.memory_space<semaphore_mem>>
        %dma_start3A = arith.constant 0 : i32
        %dma_start3A_88 = tpu.memref_slice %arg11[%add3A_87, %dma_start3A] : memref<5120x128xf32, #tpu.memory_space<vmem_shared>> -> memref<32x128xf32, #tpu.memory_space<vmem_shared>>
        %dma_start3A_89 = arith.constant 0 : i32
        %dma_start3A_90 = tpu.memref_slice %arg11[%add3A_87, %dma_start3A_89] : memref<5120x128xf32, #tpu.memory_space<vmem_shared>> -> memref<32x128xf32, #tpu.memory_space<vmem_shared>>
        tpu.enqueue_dma source(%arg8 : memref<32x128xf32, #tpu.memory_space<vmem>>) target(%dma_start3A_90 : memref<32x128xf32, #tpu.memory_space<vmem_shared>>) target_semaphore(%run_scoped3A : memref<!tpu.dma_semaphore, #tpu.memory_space<semaphore_mem>>)
        %dma_wait3A_91 = arith.constant 0 : i32
        %dma_wait3A_92 = tpu.memref_slice %arg11[%add3A_87, %dma_wait3A_91] : memref<5120x128xf32, #tpu.memory_space<vmem_shared>> -> memref<32x128xf32, #tpu.memory_space<vmem_shared>>
        %dma_wait3A_93 = arith.constant 0 : i32
        %dma_wait3A_94 = tpu.memref_slice %arg11[%add3A_87, %dma_wait3A_93] : memref<5120x128xf32, #tpu.memory_space<vmem_shared>> -> memref<32x128xf32, #tpu.memory_space<vmem_shared>>
        tpu.wait_dma2 semaphore(%run_scoped3A : memref<!tpu.dma_semaphore, #tpu.memory_space<semaphore_mem>>) src(%arg8 : memref<32x128xf32, #tpu.memory_space<vmem>>) dst(%dma_wait3A_94 : memref<32x128xf32, #tpu.memory_space<vmem_shared>>)
        tpu.yield
      }) : () -> ()
    }
    %scan3A_53 = arith.constant 10 : i32
    %barrier3A_54 = arith.constant 0 : index
    tpu.barrier barrier_id(%barrier3A_54)
    %scan3A_55 = arith.constant 0 : i32
    %scan3A_56 = arith.constant 80 : i32
    %scan3A_57 = arith.addi %scan3A_55, %scan3A_56 : i32
    %scan3A_58 = arith.constant 1 : i32
    scf.for %scan3A_82 = %scan3A_55 to %scan3A_57 step %scan3A_58  : i32 {
      %mul3A_83 = arith.constant 1 : i32
      %mul3A_84 = arith.muli %scan3A_82, %mul3A_83 : i32
      %add3A_85 = arith.constant 0 : i32
      %add3A_86 = arith.addi %add3A_85, %mul3A_84 : i32
      %gt3A = arith.constant 0 : i32
      %gt3A_87 = arith.cmpi sgt, %add3A_86, %gt3A : i32
      %convert_element_type3A_88 = arith.extui %gt3A_87 : i1 to i32
      %cond3A_89 = arith.constant 0 : i32
      %cond3A_90 = arith.cmpi ne, %convert_element_type3A_88, %cond3A_89 : i32
      scf.if %cond3A_90 {
        %dma_wait3A_376 = arith.constant 2 : i32
        %dma_wait3A_377 = arith.constant 0 : i32
        %dma_wait3A_378 = tpu.memref_slice %arg6[%dma_wait3A_376, %dma_wait3A_377] : memref<4x32xi32, #tpu.memory_space<vmem>> -> memref<1x32xi32, #tpu.memory_space<vmem>>
        %dma_wait3A_379 = tpu.memref_squeeze %dma_wait3A_378 : memref<1x32xi32, #tpu.memory_space<vmem>> -> memref<32xi32, #tpu.memory_space<vmem>>
        %dma_wait3A_380 = arith.constant 0 : i32
        %dma_wait3A_381 = arith.constant 0 : i32
        %dma_wait3A_382 = tpu.memref_slice %arg11[%dma_wait3A_380, %dma_wait3A_381] : memref<5120x128xf32, #tpu.memory_space<vmem_shared>> -> memref<5120x128xf32, #tpu.memory_space<vmem_shared>>
        tpu.wait_indirect_dma semaphore(%arg14 : memref<!tpu.dma_semaphore, #tpu.memory_space<semaphore_mem>>) src(%arg8 : memref<32x128xf32, #tpu.memory_space<vmem>>) dst(%dma_wait3A_382 : memref<5120x128xf32, #tpu.memory_space<vmem_shared>>)
        %dma_wait3A_383 = arith.constant 3 : i32
        %dma_wait3A_384 = arith.constant 0 : i32
        %dma_wait3A_385 = tpu.memref_slice %arg6[%dma_wait3A_383, %dma_wait3A_384] : memref<4x32xi32, #tpu.memory_space<vmem>> -> memref<1x32xi32, #tpu.memory_space<vmem>>
        %dma_wait3A_386 = tpu.memref_squeeze %dma_wait3A_385 : memref<1x32xi32, #tpu.memory_space<vmem>> -> memref<32xi32, #tpu.memory_space<vmem>>
        %dma_wait3A_387 = arith.constant 0 : i32
        %dma_wait3A_388 = arith.constant 0 : i32
        %dma_wait3A_389 = tpu.memref_slice %arg11[%dma_wait3A_387, %dma_wait3A_388] : memref<5120x128xf32, #tpu.memory_space<vmem_shared>> -> memref<5120x128xf32, #tpu.memory_space<vmem_shared>>
        tpu.wait_indirect_dma semaphore(%arg15 : memref<!tpu.dma_semaphore, #tpu.memory_space<semaphore_mem>>) src(%arg9 : memref<32x128xf32, #tpu.memory_space<vmem>>) dst(%dma_wait3A_389 : memref<5120x128xf32, #tpu.memory_space<vmem_shared>>)
      } else {
      }
      %mul3A_91 = arith.constant 80 : i32
      %mul3A_92 = arith.muli %add3A, %mul3A_91 : i32
      %add3A_93 = arith.addi %mul3A_92, %add3A_86 : i32
      %mul3A_94 = arith.constant 4 : i32
      %mul3A_95 = arith.muli %add3A_93, %mul3A_94 : i32
      "tpu.region"() ({
        %run_scoped3A = tpu.sem_alloc : memref<!tpu.dma_semaphore, #tpu.memory_space<semaphore_mem>>
        %dma_start3A_376 = arith.constant 0 : i32
        %dma_start3A_377 = tpu.memref_slice %arg4[%mul3A_95, %dma_start3A_376] : memref<10240x32xi32, #tpu.memory_space<hbm>> -> memref<4x32xi32, #tpu.memory_space<hbm>>
        %dma_start3A_378 = arith.constant 0 : i32
        %dma_start3A_379 = tpu.memref_slice %arg4[%mul3A_95, %dma_start3A_378] : memref<10240x32xi32, #tpu.memory_space<hbm>> -> memref<4x32xi32, #tpu.memory_space<hbm>>
        tpu.enqueue_dma source(%dma_start3A_379 : memref<4x32xi32, #tpu.memory_space<hbm>>) target(%arg6 : memref<4x32xi32, #tpu.memory_space<vmem>>) target_semaphore(%run_scoped3A : memref<!tpu.dma_semaphore, #tpu.memory_space<semaphore_mem>>)
        %dma_wait3A_380 = arith.constant 0 : i32
        %dma_wait3A_381 = tpu.memref_slice %arg4[%mul3A_95, %dma_wait3A_380] : memref<10240x32xi32, #tpu.memory_space<hbm>> -> memref<4x32xi32, #tpu.memory_space<hbm>>
        %dma_wait3A_382 = arith.constant 0 : i32
        %dma_wait3A_383 = tpu.memref_slice %arg4[%mul3A_95, %dma_wait3A_382] : memref<10240x32xi32, #tpu.memory_space<hbm>> -> memref<4x32xi32, #tpu.memory_space<hbm>>
        tpu.wait_dma2 semaphore(%run_scoped3A : memref<!tpu.dma_semaphore, #tpu.memory_space<semaphore_mem>>) src(%dma_wait3A_383 : memref<4x32xi32, #tpu.memory_space<hbm>>) dst(%arg6 : memref<4x32xi32, #tpu.memory_space<vmem>>)
        tpu.yield
      }) : () -> ()
      "tpu.region"() ({
        %run_scoped3A = tpu.sem_alloc : memref<!tpu.dma_semaphore, #tpu.memory_space<semaphore_mem>>
        %dma_start3A_376 = arith.constant 0 : i32
        %dma_start3A_377 = tpu.memref_slice %arg3[%mul3A_95, %dma_start3A_376] : memref<10240x32xi32, #tpu.memory_space<hbm>> -> memref<4x32xi32, #tpu.memory_space<hbm>>
        %dma_start3A_378 = arith.constant 0 : i32
        %dma_start3A_379 = tpu.memref_slice %arg3[%mul3A_95, %dma_start3A_378] : memref<10240x32xi32, #tpu.memory_space<hbm>> -> memref<4x32xi32, #tpu.memory_space<hbm>>
        tpu.enqueue_dma source(%dma_start3A_379 : memref<4x32xi32, #tpu.memory_space<hbm>>) target(%arg7 : memref<4x32xi32, #tpu.memory_space<vmem>>) target_semaphore(%run_scoped3A : memref<!tpu.dma_semaphore, #tpu.memory_space<semaphore_mem>>)
        %dma_wait3A_380 = arith.constant 0 : i32
        %dma_wait3A_381 = tpu.memref_slice %arg3[%mul3A_95, %dma_wait3A_380] : memref<10240x32xi32, #tpu.memory_space<hbm>> -> memref<4x32xi32, #tpu.memory_space<hbm>>
        %dma_wait3A_382 = arith.constant 0 : i32
        %dma_wait3A_383 = tpu.memref_slice %arg3[%mul3A_95, %dma_wait3A_382] : memref<10240x32xi32, #tpu.memory_space<hbm>> -> memref<4x32xi32, #tpu.memory_space<hbm>>
        tpu.wait_dma2 semaphore(%run_scoped3A : memref<!tpu.dma_semaphore, #tpu.memory_space<semaphore_mem>>) src(%dma_wait3A_383 : memref<4x32xi32, #tpu.memory_space<hbm>>) dst(%arg7 : memref<4x32xi32, #tpu.memory_space<vmem>>)
        tpu.yield
      }) : () -> ()
      %get3A = arith.constant 0 : i32
      %get3A_96 = arith.index_cast %get3A : i32 to index
      %get3A_97 = arith.constant 0 : index
      %get3A_98 = tpu.vector_load %arg6[%get3A_96, %get3A_97] {strides = array<i32>} : memref<4x32xi32, #tpu.memory_space<vmem>>, vector<1x16xi32>,
      %get3A_99 = vector.shape_cast %get3A_98 : vector<1x16xi32> to vector<16xi32>
      %sub3A = arith.constant 5000 : i32
      %sub3A_100 = vector.broadcast %sub3A : i32 to vector<16xi32>
      %sub3A_101 = arith.subi %get3A_99, %sub3A_100 : vector<16xi32>
      %ge3A = arith.constant 0 : i32
      %ge3A_102 = vector.broadcast %ge3A : i32 to vector<16xi32>
      %ge3A_103 = arith.cmpi sge, %sub3A_101, %ge3A_102 : vector<16xi32>
      %lt3A = arith.constant 5000 : i32
      %lt3A_104 = vector.broadcast %lt3A : i32 to vector<16xi32>
      %lt3A_105 = arith.cmpi slt, %sub3A_101, %lt3A_104 : vector<16xi32>
      %and3A = arith.andi %ge3A_103, %lt3A_105 : vector<16xi1>
      %jit3A = arith.constant 5100 : i32
      %broadcast_in_dim3A = vector.broadcast %jit3A : i32 to vector<16xi32>
      %select_n3A = arith.select %and3A, %sub3A_101, %broadcast_in_dim3A : vector<16xi1>, vector<16xi32>
      %swap3A = arith.constant 0 : i32
      %swap3A_106 = arith.index_cast %swap3A : i32 to index
      %swap3A_107 = arith.constant 0 : index
      %swap3A_108 = tpu.vector_load %arg6[%swap3A_106, %swap3A_107] {strides = array<i32>} : memref<4x32xi32, #tpu.memory_space<vmem>>, vector<1x16xi32>,
      %swap3A_109 = vector.shape_cast %swap3A_108 : vector<1x16xi32> to vector<16xi32>
      %swap3A_110 = vector.shape_cast %select_n3A : vector<16xi32> to vector<1x16xi32>
      tpu.vector_store %arg6[%swap3A_106, %swap3A_107], %swap3A_110 {strides = array<i32>} : memref<4x32xi32, #tpu.memory_space<vmem>>, vector<1x16xi32>,
      %get3A_111 = arith.constant 0 : i32
      %get3A_112 = arith.index_cast %get3A_111 : i32 to index
      %get3A_113 = arith.constant 16 : index
      %get3A_114 = tpu.vector_load %arg6[%get3A_112, %get3A_113] {strides = array<i32>} : memref<4x32xi32, #tpu.memory_space<vmem>>, vector<1x16xi32>,
      %get3A_115 = vector.shape_cast %get3A_114 : vector<1x16xi32> to vector<16xi32>
      %sub3A_116 = arith.constant 5000 : i32
      %sub3A_117 = vector.broadcast %sub3A_116 : i32 to vector<16xi32>
      %sub3A_118 = arith.subi %get3A_115, %sub3A_117 : vector<16xi32>
      %ge3A_119 = arith.constant 0 : i32
      %ge3A_120 = vector.broadcast %ge3A_119 : i32 to vector<16xi32>
      %ge3A_121 = arith.cmpi sge, %sub3A_118, %ge3A_120 : vector<16xi32>
      %lt3A_122 = arith.constant 5000 : i32
      %lt3A_123 = vector.broadcast %lt3A_122 : i32 to vector<16xi32>
      %lt3A_124 = arith.cmpi slt, %sub3A_118, %lt3A_123 : vector<16xi32>
      %and3A_125 = arith.andi %ge3A_121, %lt3A_124 : vector<16xi1>
      %jit3A_126 = arith.constant 5100 : i32
      %broadcast_in_dim3A_127 = vector.broadcast %jit3A_126 : i32 to vector<16xi32>
      %select_n3A_128 = arith.select %and3A_125, %sub3A_118, %broadcast_in_dim3A_127 : vector<16xi1>, vector<16xi32>
      %swap3A_129 = arith.constant 0 : i32
      %swap3A_130 = arith.index_cast %swap3A_129 : i32 to index
      %swap3A_131 = arith.constant 16 : index
      %swap3A_132 = tpu.vector_load %arg6[%swap3A_130, %swap3A_131] {strides = array<i32>} : memref<4x32xi32, #tpu.memory_space<vmem>>, vector<1x16xi32>,
      %swap3A_133 = vector.shape_cast %swap3A_132 : vector<1x16xi32> to vector<16xi32>
      %swap3A_134 = vector.shape_cast %select_n3A_128 : vector<16xi32> to vector<1x16xi32>
      tpu.vector_store %arg6[%swap3A_130, %swap3A_131], %swap3A_134 {strides = array<i32>} : memref<4x32xi32, #tpu.memory_space<vmem>>, vector<1x16xi32>,
      %get3A_135 = arith.constant 1 : i32
      %get3A_136 = arith.index_cast %get3A_135 : i32 to index
      %get3A_137 = arith.constant 0 : index
      %get3A_138 = tpu.vector_load %arg6[%get3A_136, %get3A_137] {strides = array<i32>} : memref<4x32xi32, #tpu.memory_space<vmem>>, vector<1x16xi32>,
      %get3A_139 = vector.shape_cast %get3A_138 : vector<1x16xi32> to vector<16xi32>
      %sub3A_140 = arith.constant 5000 : i32
      %sub3A_141 = vector.broadcast %sub3A_140 : i32 to vector<16xi32>
      %sub3A_142 = arith.subi %get3A_139, %sub3A_141 : vector<16xi32>
      %ge3A_143 = arith.constant 0 : i32
      %ge3A_144 = vector.broadcast %ge3A_143 : i32 to vector<16xi32>
      %ge3A_145 = arith.cmpi sge, %sub3A_142, %ge3A_144 : vector<16xi32>
      %lt3A_146 = arith.constant 5000 : i32
      %lt3A_147 = vector.broadcast %lt3A_146 : i32 to vector<16xi32>
      %lt3A_148 = arith.cmpi slt, %sub3A_142, %lt3A_147 : vector<16xi32>
      %and3A_149 = arith.andi %ge3A_145, %lt3A_148 : vector<16xi1>
      %jit3A_150 = arith.constant 5100 : i32
      %broadcast_in_dim3A_151 = vector.broadcast %jit3A_150 : i32 to vector<16xi32>
      %select_n3A_152 = arith.select %and3A_149, %sub3A_142, %broadcast_in_dim3A_151 : vector<16xi1>, vector<16xi32>
      %swap3A_153 = arith.constant 1 : i32
      %swap3A_154 = arith.index_cast %swap3A_153 : i32 to index
      %swap3A_155 = arith.constant 0 : index
      %swap3A_156 = tpu.vector_load %arg6[%swap3A_154, %swap3A_155] {strides = array<i32>} : memref<4x32xi32, #tpu.memory_space<vmem>>, vector<1x16xi32>,
      %swap3A_157 = vector.shape_cast %swap3A_156 : vector<1x16xi32> to vector<16xi32>
      %swap3A_158 = vector.shape_cast %select_n3A_152 : vector<16xi32> to vector<1x16xi32>
      tpu.vector_store %arg6[%swap3A_154, %swap3A_155], %swap3A_158 {strides = array<i32>} : memref<4x32xi32, #tpu.memory_space<vmem>>, vector<1x16xi32>,
      %get3A_159 = arith.constant 1 : i32
      %get3A_160 = arith.index_cast %get3A_159 : i32 to index
      %get3A_161 = arith.constant 16 : index
      %get3A_162 = tpu.vector_load %arg6[%get3A_160, %get3A_161] {strides = array<i32>} : memref<4x32xi32, #tpu.memory_space<vmem>>, vector<1x16xi32>,
      %get3A_163 = vector.shape_cast %get3A_162 : vector<1x16xi32> to vector<16xi32>
      %sub3A_164 = arith.constant 5000 : i32
      %sub3A_165 = vector.broadcast %sub3A_164 : i32 to vector<16xi32>
      %sub3A_166 = arith.subi %get3A_163, %sub3A_165 : vector<16xi32>
      %ge3A_167 = arith.constant 0 : i32
      %ge3A_168 = vector.broadcast %ge3A_167 : i32 to vector<16xi32>
      %ge3A_169 = arith.cmpi sge, %sub3A_166, %ge3A_168 : vector<16xi32>
      %lt3A_170 = arith.constant 5000 : i32
      %lt3A_171 = vector.broadcast %lt3A_170 : i32 to vector<16xi32>
      %lt3A_172 = arith.cmpi slt, %sub3A_166, %lt3A_171 : vector<16xi32>
      %and3A_173 = arith.andi %ge3A_169, %lt3A_172 : vector<16xi1>
      %jit3A_174 = arith.constant 5100 : i32
      %broadcast_in_dim3A_175 = vector.broadcast %jit3A_174 : i32 to vector<16xi32>
      %select_n3A_176 = arith.select %and3A_173, %sub3A_166, %broadcast_in_dim3A_175 : vector<16xi1>, vector<16xi32>
      %swap3A_177 = arith.constant 1 : i32
      %swap3A_178 = arith.index_cast %swap3A_177 : i32 to index
      %swap3A_179 = arith.constant 16 : index
      %swap3A_180 = tpu.vector_load %arg6[%swap3A_178, %swap3A_179] {strides = array<i32>} : memref<4x32xi32, #tpu.memory_space<vmem>>, vector<1x16xi32>,
      %swap3A_181 = vector.shape_cast %swap3A_180 : vector<1x16xi32> to vector<16xi32>
      %swap3A_182 = vector.shape_cast %select_n3A_176 : vector<16xi32> to vector<1x16xi32>
      tpu.vector_store %arg6[%swap3A_178, %swap3A_179], %swap3A_182 {strides = array<i32>} : memref<4x32xi32, #tpu.memory_space<vmem>>, vector<1x16xi32>,
      %get3A_183 = arith.constant 2 : i32
      %get3A_184 = arith.index_cast %get3A_183 : i32 to index
      %get3A_185 = arith.constant 0 : index
      %get3A_186 = tpu.vector_load %arg6[%get3A_184, %get3A_185] {strides = array<i32>} : memref<4x32xi32, #tpu.memory_space<vmem>>, vector<1x16xi32>,
      %get3A_187 = vector.shape_cast %get3A_186 : vector<1x16xi32> to vector<16xi32>
      %sub3A_188 = arith.constant 5000 : i32
      %sub3A_189 = vector.broadcast %sub3A_188 : i32 to vector<16xi32>
      %sub3A_190 = arith.subi %get3A_187, %sub3A_189 : vector<16xi32>
      %ge3A_191 = arith.constant 0 : i32
      %ge3A_192 = vector.broadcast %ge3A_191 : i32 to vector<16xi32>
      %ge3A_193 = arith.cmpi sge, %sub3A_190, %ge3A_192 : vector<16xi32>
      %lt3A_194 = arith.constant 5000 : i32
      %lt3A_195 = vector.broadcast %lt3A_194 : i32 to vector<16xi32>
      %lt3A_196 = arith.cmpi slt, %sub3A_190, %lt3A_195 : vector<16xi32>
      %and3A_197 = arith.andi %ge3A_193, %lt3A_196 : vector<16xi1>
      %jit3A_198 = arith.constant 5100 : i32
      %broadcast_in_dim3A_199 = vector.broadcast %jit3A_198 : i32 to vector<16xi32>
      %select_n3A_200 = arith.select %and3A_197, %sub3A_190, %broadcast_in_dim3A_199 : vector<16xi1>, vector<16xi32>
      %swap3A_201 = arith.constant 2 : i32
      %swap3A_202 = arith.index_cast %swap3A_201 : i32 to index
      %swap3A_203 = arith.constant 0 : index
      %swap3A_204 = tpu.vector_load %arg6[%swap3A_202, %swap3A_203] {strides = array<i32>} : memref<4x32xi32, #tpu.memory_space<vmem>>, vector<1x16xi32>,
      %swap3A_205 = vector.shape_cast %swap3A_204 : vector<1x16xi32> to vector<16xi32>
      %swap3A_206 = vector.shape_cast %select_n3A_200 : vector<16xi32> to vector<1x16xi32>
      tpu.vector_store %arg6[%swap3A_202, %swap3A_203], %swap3A_206 {strides = array<i32>} : memref<4x32xi32, #tpu.memory_space<vmem>>, vector<1x16xi32>,
      %get3A_207 = arith.constant 2 : i32
      %get3A_208 = arith.index_cast %get3A_207 : i32 to index
      %get3A_209 = arith.constant 16 : index
      %get3A_210 = tpu.vector_load %arg6[%get3A_208, %get3A_209] {strides = array<i32>} : memref<4x32xi32, #tpu.memory_space<vmem>>, vector<1x16xi32>,
      %get3A_211 = vector.shape_cast %get3A_210 : vector<1x16xi32> to vector<16xi32>
      %sub3A_212 = arith.constant 5000 : i32
      %sub3A_213 = vector.broadcast %sub3A_212 : i32 to vector<16xi32>
      %sub3A_214 = arith.subi %get3A_211, %sub3A_213 : vector<16xi32>
      %ge3A_215 = arith.constant 0 : i32
      %ge3A_216 = vector.broadcast %ge3A_215 : i32 to vector<16xi32>
      %ge3A_217 = arith.cmpi sge, %sub3A_214, %ge3A_216 : vector<16xi32>
      %lt3A_218 = arith.constant 5000 : i32
      %lt3A_219 = vector.broadcast %lt3A_218 : i32 to vector<16xi32>
      %lt3A_220 = arith.cmpi slt, %sub3A_214, %lt3A_219 : vector<16xi32>
      %and3A_221 = arith.andi %ge3A_217, %lt3A_220 : vector<16xi1>
      %jit3A_222 = arith.constant 5100 : i32
      %broadcast_in_dim3A_223 = vector.broadcast %jit3A_222 : i32 to vector<16xi32>
      %select_n3A_224 = arith.select %and3A_221, %sub3A_214, %broadcast_in_dim3A_223 : vector<16xi1>, vector<16xi32>
      %swap3A_225 = arith.constant 2 : i32
      %swap3A_226 = arith.index_cast %swap3A_225 : i32 to index
      %swap3A_227 = arith.constant 16 : index
      %swap3A_228 = tpu.vector_load %arg6[%swap3A_226, %swap3A_227] {strides = array<i32>} : memref<4x32xi32, #tpu.memory_space<vmem>>, vector<1x16xi32>,
      %swap3A_229 = vector.shape_cast %swap3A_228 : vector<1x16xi32> to vector<16xi32>
      %swap3A_230 = vector.shape_cast %select_n3A_224 : vector<16xi32> to vector<1x16xi32>
      tpu.vector_store %arg6[%swap3A_226, %swap3A_227], %swap3A_230 {strides = array<i32>} : memref<4x32xi32, #tpu.memory_space<vmem>>, vector<1x16xi32>,
      %get3A_231 = arith.constant 3 : i32
      %get3A_232 = arith.index_cast %get3A_231 : i32 to index
      %get3A_233 = arith.constant 0 : index
      %get3A_234 = tpu.vector_load %arg6[%get3A_232, %get3A_233] {strides = array<i32>} : memref<4x32xi32, #tpu.memory_space<vmem>>, vector<1x16xi32>,
      %get3A_235 = vector.shape_cast %get3A_234 : vector<1x16xi32> to vector<16xi32>
      %sub3A_236 = arith.constant 5000 : i32
      %sub3A_237 = vector.broadcast %sub3A_236 : i32 to vector<16xi32>
      %sub3A_238 = arith.subi %get3A_235, %sub3A_237 : vector<16xi32>
      %ge3A_239 = arith.constant 0 : i32
      %ge3A_240 = vector.broadcast %ge3A_239 : i32 to vector<16xi32>
      %ge3A_241 = arith.cmpi sge, %sub3A_238, %ge3A_240 : vector<16xi32>
      %lt3A_242 = arith.constant 5000 : i32
      %lt3A_243 = vector.broadcast %lt3A_242 : i32 to vector<16xi32>
      %lt3A_244 = arith.cmpi slt, %sub3A_238, %lt3A_243 : vector<16xi32>
      %and3A_245 = arith.andi %ge3A_241, %lt3A_244 : vector<16xi1>
      %jit3A_246 = arith.constant 5100 : i32
      %broadcast_in_dim3A_247 = vector.broadcast %jit3A_246 : i32 to vector<16xi32>
      %select_n3A_248 = arith.select %and3A_245, %sub3A_238, %broadcast_in_dim3A_247 : vector<16xi1>, vector<16xi32>
      %swap3A_249 = arith.constant 3 : i32
      %swap3A_250 = arith.index_cast %swap3A_249 : i32 to index
      %swap3A_251 = arith.constant 0 : index
      %swap3A_252 = tpu.vector_load %arg6[%swap3A_250, %swap3A_251] {strides = array<i32>} : memref<4x32xi32, #tpu.memory_space<vmem>>, vector<1x16xi32>,
      %swap3A_253 = vector.shape_cast %swap3A_252 : vector<1x16xi32> to vector<16xi32>
      %swap3A_254 = vector.shape_cast %select_n3A_248 : vector<16xi32> to vector<1x16xi32>
      tpu.vector_store %arg6[%swap3A_250, %swap3A_251], %swap3A_254 {strides = array<i32>} : memref<4x32xi32, #tpu.memory_space<vmem>>, vector<1x16xi32>,
      %get3A_255 = arith.constant 3 : i32
      %get3A_256 = arith.index_cast %get3A_255 : i32 to index
      %get3A_257 = arith.constant 16 : index
      %get3A_258 = tpu.vector_load %arg6[%get3A_256, %get3A_257] {strides = array<i32>} : memref<4x32xi32, #tpu.memory_space<vmem>>, vector<1x16xi32>,
      %get3A_259 = vector.shape_cast %get3A_258 : vector<1x16xi32> to vector<16xi32>
      %sub3A_260 = arith.constant 5000 : i32
      %sub3A_261 = vector.broadcast %sub3A_260 : i32 to vector<16xi32>
      %sub3A_262 = arith.subi %get3A_259, %sub3A_261 : vector<16xi32>
      %ge3A_263 = arith.constant 0 : i32
      %ge3A_264 = vector.broadcast %ge3A_263 : i32 to vector<16xi32>
      %ge3A_265 = arith.cmpi sge, %sub3A_262, %ge3A_264 : vector<16xi32>
      %lt3A_266 = arith.constant 5000 : i32
      %lt3A_267 = vector.broadcast %lt3A_266 : i32 to vector<16xi32>
      %lt3A_268 = arith.cmpi slt, %sub3A_262, %lt3A_267 : vector<16xi32>
      %and3A_269 = arith.andi %ge3A_265, %lt3A_268 : vector<16xi1>
      %jit3A_270 = arith.constant 5100 : i32
      %broadcast_in_dim3A_271 = vector.broadcast %jit3A_270 : i32 to vector<16xi32>
      %select_n3A_272 = arith.select %and3A_269, %sub3A_262, %broadcast_in_dim3A_271 : vector<16xi1>, vector<16xi32>
      %swap3A_273 = arith.constant 3 : i32
      %swap3A_274 = arith.index_cast %swap3A_273 : i32 to index
      %swap3A_275 = arith.constant 16 : index
      %swap3A_276 = tpu.vector_load %arg6[%swap3A_274, %swap3A_275] {strides = array<i32>} : memref<4x32xi32, #tpu.memory_space<vmem>>, vector<1x16xi32>,
      %swap3A_277 = vector.shape_cast %swap3A_276 : vector<1x16xi32> to vector<16xi32>
      %swap3A_278 = vector.shape_cast %select_n3A_272 : vector<16xi32> to vector<1x16xi32>
      tpu.vector_store %arg6[%swap3A_274, %swap3A_275], %swap3A_278 {strides = array<i32>} : memref<4x32xi32, #tpu.memory_space<vmem>>, vector<1x16xi32>,
      %dma_start3A = arith.constant 0 : i32
      %dma_start3A_279 = arith.constant 0 : i32
      %dma_start3A_280 = tpu.memref_slice %arg7[%dma_start3A, %dma_start3A_279] : memref<4x32xi32, #tpu.memory_space<vmem>> -> memref<1x32xi32, #tpu.memory_space<vmem>>
      %dma_start3A_281 = tpu.memref_squeeze %dma_start3A_280 : memref<1x32xi32, #tpu.memory_space<vmem>> -> memref<32xi32, #tpu.memory_space<vmem>>
      %dma_start3A_282 = arith.constant 0 : i32
      %dma_start3A_283 = arith.constant 0 : i32
      %dma_start3A_284 = tpu.memref_slice %arg10[%dma_start3A_282, %dma_start3A_283] : memref<10000x128xf32, #tpu.memory_space<vmem_shared>> -> memref<10000x128xf32, #tpu.memory_space<vmem_shared>>
      tpu.enqueue_indirect_dma source(%dma_start3A_284 : memref<10000x128xf32, #tpu.memory_space<vmem_shared>>) target(%arg8 : memref<32x128xf32, #tpu.memory_space<vmem>>) offsets(%dma_start3A_281 : memref<32xi32, #tpu.memory_space<vmem>>) semaphore(%arg12 : memref<!tpu.dma_semaphore, #tpu.memory_space<semaphore_mem>>)
      %dma_start3A_285 = arith.constant 1 : i32
      %dma_start3A_286 = arith.constant 0 : i32
      %dma_start3A_287 = tpu.memref_slice %arg7[%dma_start3A_285, %dma_start3A_286] : memref<4x32xi32, #tpu.memory_space<vmem>> -> memref<1x32xi32, #tpu.memory_space<vmem>>
      %dma_start3A_288 = tpu.memref_squeeze %dma_start3A_287 : memref<1x32xi32, #tpu.memory_space<vmem>> -> memref<32xi32, #tpu.memory_space<vmem>>
      %dma_start3A_289 = arith.constant 0 : i32
      %dma_start3A_290 = arith.constant 0 : i32
      %dma_start3A_291 = tpu.memref_slice %arg10[%dma_start3A_289, %dma_start3A_290] : memref<10000x128xf32, #tpu.memory_space<vmem_shared>> -> memref<10000x128xf32, #tpu.memory_space<vmem_shared>>
      tpu.enqueue_indirect_dma source(%dma_start3A_291 : memref<10000x128xf32, #tpu.memory_space<vmem_shared>>) target(%arg9 : memref<32x128xf32, #tpu.memory_space<vmem>>) offsets(%dma_start3A_288 : memref<32xi32, #tpu.memory_space<vmem>>) semaphore(%arg13 : memref<!tpu.dma_semaphore, #tpu.memory_space<semaphore_mem>>)
      %dma_wait3A_292 = arith.constant 0 : i32
      %dma_wait3A_293 = arith.constant 0 : i32
      %dma_wait3A_294 = tpu.memref_slice %arg7[%dma_wait3A_292, %dma_wait3A_293] : memref<4x32xi32, #tpu.memory_space<vmem>> -> memref<1x32xi32, #tpu.memory_space<vmem>>
      %dma_wait3A_295 = tpu.memref_squeeze %dma_wait3A_294 : memref<1x32xi32, #tpu.memory_space<vmem>> -> memref<32xi32, #tpu.memory_space<vmem>>
      %dma_wait3A_296 = arith.constant 0 : i32
      %dma_wait3A_297 = arith.constant 0 : i32
      %dma_wait3A_298 = tpu.memref_slice %arg10[%dma_wait3A_296, %dma_wait3A_297] : memref<10000x128xf32, #tpu.memory_space<vmem_shared>> -> memref<10000x128xf32, #tpu.memory_space<vmem_shared>>
      tpu.wait_indirect_dma semaphore(%arg12 : memref<!tpu.dma_semaphore, #tpu.memory_space<semaphore_mem>>) src(%dma_wait3A_298 : memref<10000x128xf32, #tpu.memory_space<vmem_shared>>) dst(%arg8 : memref<32x128xf32, #tpu.memory_space<vmem>>)
      %dma_start3A_299 = arith.constant 0 : i32
      %dma_start3A_300 = arith.constant 0 : i32
      %dma_start3A_301 = tpu.memref_slice %arg6[%dma_start3A_299, %dma_start3A_300] : memref<4x32xi32, #tpu.memory_space<vmem>> -> memref<1x32xi32, #tpu.memory_space<vmem>>
      %dma_start3A_302 = tpu.memref_squeeze %dma_start3A_301 : memref<1x32xi32, #tpu.memory_space<vmem>> -> memref<32xi32, #tpu.memory_space<vmem>>
      %dma_start3A_303 = arith.constant 0 : i32
      %dma_start3A_304 = arith.constant 0 : i32
      %dma_start3A_305 = tpu.memref_slice %arg11[%dma_start3A_303, %dma_start3A_304] : memref<5120x128xf32, #tpu.memory_space<vmem_shared>> -> memref<5120x128xf32, #tpu.memory_space<vmem_shared>>
      tpu.enqueue_indirect_dma source(%arg8 : memref<32x128xf32, #tpu.memory_space<vmem>>) target(%dma_start3A_305 : memref<5120x128xf32, #tpu.memory_space<vmem_shared>>) offsets(%dma_start3A_302 : memref<32xi32, #tpu.memory_space<vmem>>) semaphore(%arg14 : memref<!tpu.dma_semaphore, #tpu.memory_space<semaphore_mem>>) {add = true}
      %dma_wait3A_306 = arith.constant 0 : i32
      %dma_wait3A_307 = arith.constant 0 : i32
      %dma_wait3A_308 = tpu.memref_slice %arg6[%dma_wait3A_306, %dma_wait3A_307] : memref<4x32xi32, #tpu.memory_space<vmem>> -> memref<1x32xi32, #tpu.memory_space<vmem>>
      %dma_wait3A_309 = tpu.memref_squeeze %dma_wait3A_308 : memref<1x32xi32, #tpu.memory_space<vmem>> -> memref<32xi32, #tpu.memory_space<vmem>>
      %dma_wait3A_310 = arith.constant 0 : i32
      %dma_wait3A_311 = arith.constant 0 : i32
      %dma_wait3A_312 = tpu.memref_slice %arg11[%dma_wait3A_310, %dma_wait3A_311] : memref<5120x128xf32, #tpu.memory_space<vmem_shared>> -> memref<5120x128xf32, #tpu.memory_space<vmem_shared>>
      tpu.wait_indirect_dma semaphore(%arg14 : memref<!tpu.dma_semaphore, #tpu.memory_space<semaphore_mem>>) src(%arg8 : memref<32x128xf32, #tpu.memory_space<vmem>>) dst(%dma_wait3A_312 : memref<5120x128xf32, #tpu.memory_space<vmem_shared>>)
      %dma_start3A_313 = arith.constant 2 : i32
      %dma_start3A_314 = arith.constant 0 : i32
      %dma_start3A_315 = tpu.memref_slice %arg7[%dma_start3A_313, %dma_start3A_314] : memref<4x32xi32, #tpu.memory_space<vmem>> -> memref<1x32xi32, #tpu.memory_space<vmem>>
      %dma_start3A_316 = tpu.memref_squeeze %dma_start3A_315 : memref<1x32xi32, #tpu.memory_space<vmem>> -> memref<32xi32, #tpu.memory_space<vmem>>
      %dma_start3A_317 = arith.constant 0 : i32
      %dma_start3A_318 = arith.constant 0 : i32
      %dma_start3A_319 = tpu.memref_slice %arg10[%dma_start3A_317, %dma_start3A_318] : memref<10000x128xf32, #tpu.memory_space<vmem_shared>> -> memref<10000x128xf32, #tpu.memory_space<vmem_shared>>
      tpu.enqueue_indirect_dma source(%dma_start3A_319 : memref<10000x128xf32, #tpu.memory_space<vmem_shared>>) target(%arg8 : memref<32x128xf32, #tpu.memory_space<vmem>>) offsets(%dma_start3A_316 : memref<32xi32, #tpu.memory_space<vmem>>) semaphore(%arg12 : memref<!tpu.dma_semaphore, #tpu.memory_space<semaphore_mem>>)
      %dma_wait3A_320 = arith.constant 1 : i32
      %dma_wait3A_321 = arith.constant 0 : i32
      %dma_wait3A_322 = tpu.memref_slice %arg7[%dma_wait3A_320, %dma_wait3A_321] : memref<4x32xi32, #tpu.memory_space<vmem>> -> memref<1x32xi32, #tpu.memory_space<vmem>>
      %dma_wait3A_323 = tpu.memref_squeeze %dma_wait3A_322 : memref<1x32xi32, #tpu.memory_space<vmem>> -> memref<32xi32, #tpu.memory_space<vmem>>
      %dma_wait3A_324 = arith.constant 0 : i32
      %dma_wait3A_325 = arith.constant 0 : i32
      %dma_wait3A_326 = tpu.memref_slice %arg10[%dma_wait3A_324, %dma_wait3A_325] : memref<10000x128xf32, #tpu.memory_space<vmem_shared>> -> memref<10000x128xf32, #tpu.memory_space<vmem_shared>>
      tpu.wait_indirect_dma semaphore(%arg13 : memref<!tpu.dma_semaphore, #tpu.memory_space<semaphore_mem>>) src(%dma_wait3A_326 : memref<10000x128xf32, #tpu.memory_space<vmem_shared>>) dst(%arg9 : memref<32x128xf32, #tpu.memory_space<vmem>>)
      %dma_start3A_327 = arith.constant 1 : i32
      %dma_start3A_328 = arith.constant 0 : i32
      %dma_start3A_329 = tpu.memref_slice %arg6[%dma_start3A_327, %dma_start3A_328] : memref<4x32xi32, #tpu.memory_space<vmem>> -> memref<1x32xi32, #tpu.memory_space<vmem>>
      %dma_start3A_330 = tpu.memref_squeeze %dma_start3A_329 : memref<1x32xi32, #tpu.memory_space<vmem>> -> memref<32xi32, #tpu.memory_space<vmem>>
      %dma_start3A_331 = arith.constant 0 : i32
      %dma_start3A_332 = arith.constant 0 : i32
      %dma_start3A_333 = tpu.memref_slice %arg11[%dma_start3A_331, %dma_start3A_332] : memref<5120x128xf32, #tpu.memory_space<vmem_shared>> -> memref<5120x128xf32, #tpu.memory_space<vmem_shared>>
      tpu.enqueue_indirect_dma source(%arg9 : memref<32x128xf32, #tpu.memory_space<vmem>>) target(%dma_start3A_333 : memref<5120x128xf32, #tpu.memory_space<vmem_shared>>) offsets(%dma_start3A_330 : memref<32xi32, #tpu.memory_space<vmem>>) semaphore(%arg15 : memref<!tpu.dma_semaphore, #tpu.memory_space<semaphore_mem>>) {add = true}
      %dma_wait3A_334 = arith.constant 1 : i32
      %dma_wait3A_335 = arith.constant 0 : i32
      %dma_wait3A_336 = tpu.memref_slice %arg6[%dma_wait3A_334, %dma_wait3A_335] : memref<4x32xi32, #tpu.memory_space<vmem>> -> memref<1x32xi32, #tpu.memory_space<vmem>>
      %dma_wait3A_337 = tpu.memref_squeeze %dma_wait3A_336 : memref<1x32xi32, #tpu.memory_space<vmem>> -> memref<32xi32, #tpu.memory_space<vmem>>
      %dma_wait3A_338 = arith.constant 0 : i32
      %dma_wait3A_339 = arith.constant 0 : i32
      %dma_wait3A_340 = tpu.memref_slice %arg11[%dma_wait3A_338, %dma_wait3A_339] : memref<5120x128xf32, #tpu.memory_space<vmem_shared>> -> memref<5120x128xf32, #tpu.memory_space<vmem_shared>>
      tpu.wait_indirect_dma semaphore(%arg15 : memref<!tpu.dma_semaphore, #tpu.memory_space<semaphore_mem>>) src(%arg9 : memref<32x128xf32, #tpu.memory_space<vmem>>) dst(%dma_wait3A_340 : memref<5120x128xf32, #tpu.memory_space<vmem_shared>>)
      %dma_start3A_341 = arith.constant 3 : i32
      %dma_start3A_342 = arith.constant 0 : i32
      %dma_start3A_343 = tpu.memref_slice %arg7[%dma_start3A_341, %dma_start3A_342] : memref<4x32xi32, #tpu.memory_space<vmem>> -> memref<1x32xi32, #tpu.memory_space<vmem>>
      %dma_start3A_344 = tpu.memref_squeeze %dma_start3A_343 : memref<1x32xi32, #tpu.memory_space<vmem>> -> memref<32xi32, #tpu.memory_space<vmem>>
      %dma_start3A_345 = arith.constant 0 : i32
      %dma_start3A_346 = arith.constant 0 : i32
      %dma_start3A_347 = tpu.memref_slice %arg10[%dma_start3A_345, %dma_start3A_346] : memref<10000x128xf32, #tpu.memory_space<vmem_shared>> -> memref<10000x128xf32, #tpu.memory_space<vmem_shared>>
      tpu.enqueue_indirect_dma source(%dma_start3A_347 : memref<10000x128xf32, #tpu.memory_space<vmem_shared>>) target(%arg9 : memref<32x128xf32, #tpu.memory_space<vmem>>) offsets(%dma_start3A_344 : memref<32xi32, #tpu.memory_space<vmem>>) semaphore(%arg13 : memref<!tpu.dma_semaphore, #tpu.memory_space<semaphore_mem>>)
      %dma_wait3A_348 = arith.constant 2 : i32
      %dma_wait3A_349 = arith.constant 0 : i32
      %dma_wait3A_350 = tpu.memref_slice %arg7[%dma_wait3A_348, %dma_wait3A_349] : memref<4x32xi32, #tpu.memory_space<vmem>> -> memref<1x32xi32, #tpu.memory_space<vmem>>
      %dma_wait3A_351 = tpu.memref_squeeze %dma_wait3A_350 : memref<1x32xi32, #tpu.memory_space<vmem>> -> memref<32xi32, #tpu.memory_space<vmem>>
      %dma_wait3A_352 = arith.constant 0 : i32
      %dma_wait3A_353 = arith.constant 0 : i32
      %dma_wait3A_354 = tpu.memref_slice %arg10[%dma_wait3A_352, %dma_wait3A_353] : memref<10000x128xf32, #tpu.memory_space<vmem_shared>> -> memref<10000x128xf32, #tpu.memory_space<vmem_shared>>
      tpu.wait_indirect_dma semaphore(%arg12 : memref<!tpu.dma_semaphore, #tpu.memory_space<semaphore_mem>>) src(%dma_wait3A_354 : memref<10000x128xf32, #tpu.memory_space<vmem_shared>>) dst(%arg8 : memref<32x128xf32, #tpu.memory_space<vmem>>)
      %dma_start3A_355 = arith.constant 2 : i32
      %dma_start3A_356 = arith.constant 0 : i32
      %dma_start3A_357 = tpu.memref_slice %arg6[%dma_start3A_355, %dma_start3A_356] : memref<4x32xi32, #tpu.memory_space<vmem>> -> memref<1x32xi32, #tpu.memory_space<vmem>>
      %dma_start3A_358 = tpu.memref_squeeze %dma_start3A_357 : memref<1x32xi32, #tpu.memory_space<vmem>> -> memref<32xi32, #tpu.memory_space<vmem>>
      %dma_start3A_359 = arith.constant 0 : i32
      %dma_start3A_360 = arith.constant 0 : i32
      %dma_start3A_361 = tpu.memref_slice %arg11[%dma_start3A_359, %dma_start3A_360] : memref<5120x128xf32, #tpu.memory_space<vmem_shared>> -> memref<5120x128xf32, #tpu.memory_space<vmem_shared>>
      tpu.enqueue_indirect_dma source(%arg8 : memref<32x128xf32, #tpu.memory_space<vmem>>) target(%dma_start3A_361 : memref<5120x128xf32, #tpu.memory_space<vmem_shared>>) offsets(%dma_start3A_358 : memref<32xi32, #tpu.memory_space<vmem>>) semaphore(%arg14 : memref<!tpu.dma_semaphore, #tpu.memory_space<semaphore_mem>>) {add = true}
      %dma_wait3A_362 = arith.constant 3 : i32
      %dma_wait3A_363 = arith.constant 0 : i32
      %dma_wait3A_364 = tpu.memref_slice %arg7[%dma_wait3A_362, %dma_wait3A_363] : memref<4x32xi32, #tpu.memory_space<vmem>> -> memref<1x32xi32, #tpu.memory_space<vmem>>
      %dma_wait3A_365 = tpu.memref_squeeze %dma_wait3A_364 : memref<1x32xi32, #tpu.memory_space<vmem>> -> memref<32xi32, #tpu.memory_space<vmem>>
      %dma_wait3A_366 = arith.constant 0 : i32
      %dma_wait3A_367 = arith.constant 0 : i32
      %dma_wait3A_368 = tpu.memref_slice %arg10[%dma_wait3A_366, %dma_wait3A_367] : memref<10000x128xf32, #tpu.memory_space<vmem_shared>> -> memref<10000x128xf32, #tpu.memory_space<vmem_shared>>
      tpu.wait_indirect_dma semaphore(%arg13 : memref<!tpu.dma_semaphore, #tpu.memory_space<semaphore_mem>>) src(%dma_wait3A_368 : memref<10000x128xf32, #tpu.memory_space<vmem_shared>>) dst(%arg9 : memref<32x128xf32, #tpu.memory_space<vmem>>)
      %dma_start3A_369 = arith.constant 3 : i32
      %dma_start3A_370 = arith.constant 0 : i32
      %dma_start3A_371 = tpu.memref_slice %arg6[%dma_start3A_369, %dma_start3A_370] : memref<4x32xi32, #tpu.memory_space<vmem>> -> memref<1x32xi32, #tpu.memory_space<vmem>>
      %dma_start3A_372 = tpu.memref_squeeze %dma_start3A_371 : memref<1x32xi32, #tpu.memory_space<vmem>> -> memref<32xi32, #tpu.memory_space<vmem>>
      %dma_start3A_373 = arith.constant 0 : i32
      %dma_start3A_374 = arith.constant 0 : i32
      %dma_start3A_375 = tpu.memref_slice %arg11[%dma_start3A_373, %dma_start3A_374] : memref<5120x128xf32, #tpu.memory_space<vmem_shared>> -> memref<5120x128xf32, #tpu.memory_space<vmem_shared>>
      tpu.enqueue_indirect_dma source(%arg9 : memref<32x128xf32, #tpu.memory_space<vmem>>) target(%dma_start3A_375 : memref<5120x128xf32, #tpu.memory_space<vmem_shared>>) offsets(%dma_start3A_372 : memref<32xi32, #tpu.memory_space<vmem>>) semaphore(%arg15 : memref<!tpu.dma_semaphore, #tpu.memory_space<semaphore_mem>>) {add = true}
    }
    %scan3A_59 = arith.constant 80 : i32
    %dma_wait3A_60 = arith.constant 2 : i32
    %dma_wait3A_61 = arith.constant 0 : i32
    %dma_wait3A_62 = tpu.memref_slice %arg6[%dma_wait3A_60, %dma_wait3A_61] : memref<4x32xi32, #tpu.memory_space<vmem>> -> memref<1x32xi32, #tpu.memory_space<vmem>>
    %dma_wait3A_63 = tpu.memref_squeeze %dma_wait3A_62 : memref<1x32xi32, #tpu.memory_space<vmem>> -> memref<32xi32, #tpu.memory_space<vmem>>
    %dma_wait3A_64 = arith.constant 0 : i32
    %dma_wait3A_65 = arith.constant 0 : i32
    %dma_wait3A_66 = tpu.memref_slice %arg11[%dma_wait3A_64, %dma_wait3A_65] : memref<5120x128xf32, #tpu.memory_space<vmem_shared>> -> memref<5120x128xf32, #tpu.memory_space<vmem_shared>>
    tpu.wait_indirect_dma semaphore(%arg14 : memref<!tpu.dma_semaphore, #tpu.memory_space<semaphore_mem>>) src(%arg8 : memref<32x128xf32, #tpu.memory_space<vmem>>) dst(%dma_wait3A_66 : memref<5120x128xf32, #tpu.memory_space<vmem_shared>>)
    %dma_wait3A_67 = arith.constant 3 : i32
    %dma_wait3A_68 = arith.constant 0 : i32
    %dma_wait3A_69 = tpu.memref_slice %arg6[%dma_wait3A_67, %dma_wait3A_68] : memref<4x32xi32, #tpu.memory_space<vmem>> -> memref<1x32xi32, #tpu.memory_space<vmem>>
    %dma_wait3A_70 = tpu.memref_squeeze %dma_wait3A_69 : memref<1x32xi32, #tpu.memory_space<vmem>> -> memref<32xi32, #tpu.memory_space<vmem>>
    %dma_wait3A_71 = arith.constant 0 : i32
    %dma_wait3A_72 = arith.constant 0 : i32
    %dma_wait3A_73 = tpu.memref_slice %arg11[%dma_wait3A_71, %dma_wait3A_72] : memref<5120x128xf32, #tpu.memory_space<vmem_shared>> -> memref<5120x128xf32, #tpu.memory_space<vmem_shared>>
    tpu.wait_indirect_dma semaphore(%arg15 : memref<!tpu.dma_semaphore, #tpu.memory_space<semaphore_mem>>) src(%arg9 : memref<32x128xf32, #tpu.memory_space<vmem>>) dst(%dma_wait3A_73 : memref<5120x128xf32, #tpu.memory_space<vmem_shared>>)
    %barrier3A_74 = arith.constant 0 : index
    tpu.barrier barrier_id(%barrier3A_74)
    %mul3A_75 = arith.constant 2 : i32
    %mul3A_76 = arith.muli %arg0, %mul3A_75 : i32
    %mul3A_77 = arith.constant 5120 : i32
    %mul3A_78 = arith.muli %mul3A_76, %mul3A_77 : i32
    %add3A_79 = arith.constant 5120 : i32
    %add3A_80 = arith.addi %mul3A_78, %add3A_79 : i32
    %add3A_81 = arith.addi %add3A_80, %mul3A_2 : i32
    "tpu.region"() ({
      %run_scoped3A = tpu.sem_alloc : memref<!tpu.dma_semaphore, #tpu.memory_space<semaphore_mem>>
      %dma_start3A = arith.constant 0 : i32
      %dma_start3A_82 = tpu.memref_slice %arg5[%add3A_81, %dma_start3A] : memref<20480x128xf32, #tpu.memory_space<hbm>> -> memref<320x128xf32, #tpu.memory_space<hbm>>
      %dma_start3A_83 = arith.constant 0 : i32
      %dma_start3A_84 = tpu.memref_slice %arg11[%mul3A_2, %dma_start3A_83] : memref<5120x128xf32, #tpu.memory_space<vmem_shared>> -> memref<320x128xf32, #tpu.memory_space<vmem_shared>>
      tpu.enqueue_dma source(%dma_start3A_84 : memref<320x128xf32, #tpu.memory_space<vmem_shared>>) target(%dma_start3A_82 : memref<320x128xf32, #tpu.memory_space<hbm>>) target_semaphore(%run_scoped3A : memref<!tpu.dma_semaphore, #tpu.memory_space<semaphore_mem>>)
      %dma_wait3A_85 = arith.constant 0 : i32
      %dma_wait3A_86 = tpu.memref_slice %arg5[%add3A_81, %dma_wait3A_85] : memref<20480x128xf32, #tpu.memory_space<hbm>> -> memref<320x128xf32, #tpu.memory_space<hbm>>
      %dma_wait3A_87 = arith.constant 0 : i32
      %dma_wait3A_88 = tpu.memref_slice %arg11[%mul3A_2, %dma_wait3A_87] : memref<5120x128xf32, #tpu.memory_space<vmem_shared>> -> memref<320x128xf32, #tpu.memory_space<vmem_shared>>
      tpu.wait_dma2 semaphore(%run_scoped3A : memref<!tpu.dma_semaphore, #tpu.memory_space<semaphore_mem>>) src(%dma_wait3A_88 : memref<320x128xf32, #tpu.memory_space<vmem_shared>>) dst(%dma_wait3A_86 : memref<320x128xf32, #tpu.memory_space<hbm>>)
      tpu.yield
    }) : () -> ()
    return
  }
}

#map = affine_map<(d0, d1) -> (0, 0)>
module attributes {stable_mosaic.version = 14 : i64} {
  func.func @k(%arg0: i32, %arg1: i32, %arg2: memref<2560x128xi32, #tpu.memory_space<hbm>>, %arg3: memref<20480x128xf32, #tpu.memory_space<hbm>>, %arg4: memref<80x128xi32, #tpu.memory_space<vmem>>, %arg5: memref<128x128xf32, #tpu.memory_space<vmem>>, %arg6: memref<10240x128xf32, #tpu.memory_space<vmem_shared>>, %arg7: memref<!tpu.dma_semaphore, #tpu.memory_space<semaphore_mem>>, %arg8: memref<!tpu.dma_semaphore, #tpu.memory_space<semaphore_mem>>, %arg9: memref<!tpu.dma_semaphore, #tpu.memory_space<semaphore_mem>>, %arg10: memref<!tpu.dma_semaphore, #tpu.memory_space<semaphore_mem>>) attributes {dimension_semantics = [#tpu.dimension_semantics<core_parallel>, #tpu.dimension_semantics<subcore_parallel>], iteration_bounds = array<i64: 2, 16>, scalar_prefetch = 0 : i64, scratch_operands = 7 : i64, tpu.core_type = #tpu.core_type<sc_vector_subcore>, window_params = [{transform_indices = #map}, {transform_indices = #map}]} {
    %mul3A = arith.constant 2 : i32
    %mul3A_0 = arith.muli %arg1, %mul3A : i32
    %add3A = arith.addi %mul3A_0, %arg0 : i32
    %mul3A_1 = arith.constant 640 : i32
    %mul3A_2 = arith.muli %arg1, %mul3A_1 : i32
    %scan3A = arith.constant 0 : i32
    %scan3A_3 = arith.constant 128 : i32
    %scan3A_4 = arith.addi %scan3A, %scan3A_3 : i32
    %scan3A_5 = arith.constant 1 : i32
    scf.for %scan3A_55 = %scan3A to %scan3A_4 step %scan3A_5  : i32 {
      %mul3A_56 = arith.constant 1 : i32
      %mul3A_57 = arith.muli %scan3A_55, %mul3A_56 : i32
      %add3A_58 = arith.constant 0 : i32
      %add3A_59 = arith.addi %add3A_58, %mul3A_57 : i32
      %scan3A_60 = arith.constant 0 : i32
      %scan3A_61 = arith.constant 8 : i32
      %scan3A_62 = arith.addi %scan3A_60, %scan3A_61 : i32
      %scan3A_63 = arith.constant 1 : i32
      scf.for %scan3A_65 = %scan3A_60 to %scan3A_62 step %scan3A_63  : i32 {
        %mul3A_66 = arith.constant 16 : i32
        %mul3A_67 = arith.muli %scan3A_65, %mul3A_66 : i32
        %add3A_68 = arith.constant 0 : i32
        %add3A_69 = arith.addi %add3A_68, %mul3A_67 : i32
        %broadcast_in_dim3A = arith.constant 0.000000e+00 : f32
        %broadcast_in_dim3A_70 = vector.broadcast %broadcast_in_dim3A : f32 to vector<16xf32>
        %swap3A = arith.index_cast %add3A_59 : i32 to index
        %swap3A_71 = arith.index_cast %add3A_69 : i32 to index
        %swap3A_72 = tpu.vector_load %arg5[%swap3A, %swap3A_71] {strides = array<i32>} : memref<128x128xf32, #tpu.memory_space<vmem>>, vector<1x16xf32>,
        %swap3A_73 = vector.shape_cast %swap3A_72 : vector<1x16xf32> to vector<16xf32>
        %swap3A_74 = vector.shape_cast %broadcast_in_dim3A_70 : vector<16xf32> to vector<1x16xf32>
        tpu.vector_store %arg5[%swap3A, %swap3A_71], %swap3A_74 {strides = array<i32>} : memref<128x128xf32, #tpu.memory_space<vmem>>, vector<1x16xf32>,
      }
      %scan3A_64 = arith.constant 8 : i32
    }
    %scan3A_6 = arith.constant 128 : i32
    %scan3A_7 = arith.constant 0 : i32
    %scan3A_8 = arith.constant 5 : i32
    %scan3A_9 = arith.addi %scan3A_7, %scan3A_8 : i32
    %scan3A_10 = arith.constant 1 : i32
    scf.for %scan3A_55 = %scan3A_7 to %scan3A_9 step %scan3A_10  : i32 {
      %mul3A_56 = arith.constant 128 : i32
      %mul3A_57 = arith.muli %scan3A_55, %mul3A_56 : i32
      %add3A_58 = arith.constant 0 : i32
      %add3A_59 = arith.addi %add3A_58, %mul3A_57 : i32
      %add3A_60 = arith.addi %mul3A_2, %add3A_59 : i32
      "tpu.region"() ({
        %run_scoped3A = tpu.sem_alloc : memref<!tpu.dma_semaphore, #tpu.memory_space<semaphore_mem>>
        %dma_start3A = arith.constant 0 : i32
        %dma_start3A_61 = tpu.memref_slice %arg6[%add3A_60, %dma_start3A] : memref<10240x128xf32, #tpu.memory_space<vmem_shared>> -> memref<128x128xf32, #tpu.memory_space<vmem_shared>>
        %dma_start3A_62 = arith.constant 0 : i32
        %dma_start3A_63 = tpu.memref_slice %arg6[%add3A_60, %dma_start3A_62] : memref<10240x128xf32, #tpu.memory_space<vmem_shared>> -> memref<128x128xf32, #tpu.memory_space<vmem_shared>>
        tpu.enqueue_dma source(%arg5 : memref<128x128xf32, #tpu.memory_space<vmem>>) target(%dma_start3A_63 : memref<128x128xf32, #tpu.memory_space<vmem_shared>>) target_semaphore(%run_scoped3A : memref<!tpu.dma_semaphore, #tpu.memory_space<semaphore_mem>>)
        %dma_wait3A_64 = arith.constant 0 : i32
        %dma_wait3A_65 = tpu.memref_slice %arg6[%add3A_60, %dma_wait3A_64] : memref<10240x128xf32, #tpu.memory_space<vmem_shared>> -> memref<128x128xf32, #tpu.memory_space<vmem_shared>>
        %dma_wait3A_66 = arith.constant 0 : i32
        %dma_wait3A_67 = tpu.memref_slice %arg6[%add3A_60, %dma_wait3A_66] : memref<10240x128xf32, #tpu.memory_space<vmem_shared>> -> memref<128x128xf32, #tpu.memory_space<vmem_shared>>
        tpu.wait_dma2 semaphore(%run_scoped3A : memref<!tpu.dma_semaphore, #tpu.memory_space<semaphore_mem>>) src(%arg5 : memref<128x128xf32, #tpu.memory_space<vmem>>) dst(%dma_wait3A_67 : memref<128x128xf32, #tpu.memory_space<vmem_shared>>)
        tpu.yield
      }) : () -> ()
    }
    %scan3A_11 = arith.constant 5 : i32
    %scan3A_12 = arith.constant 0 : i32
    %scan3A_13 = arith.constant 128 : i32
    %scan3A_14 = arith.addi %scan3A_12, %scan3A_13 : i32
    %scan3A_15 = arith.constant 1 : i32
    scf.for %scan3A_55 = %scan3A_12 to %scan3A_14 step %scan3A_15  : i32 {
      %mul3A_56 = arith.constant 1 : i32
      %mul3A_57 = arith.muli %scan3A_55, %mul3A_56 : i32
      %add3A_58 = arith.constant 0 : i32
      %add3A_59 = arith.addi %add3A_58, %mul3A_57 : i32
      %scan3A_60 = arith.constant 0 : i32
      %scan3A_61 = arith.constant 8 : i32
      %scan3A_62 = arith.addi %scan3A_60, %scan3A_61 : i32
      %scan3A_63 = arith.constant 1 : i32
      scf.for %scan3A_65 = %scan3A_60 to %scan3A_62 step %scan3A_63  : i32 {
        %mul3A_66 = arith.constant 16 : i32
        %mul3A_67 = arith.muli %scan3A_65, %mul3A_66 : i32
        %add3A_68 = arith.constant 0 : i32
        %add3A_69 = arith.addi %add3A_68, %mul3A_67 : i32
        %broadcast_in_dim3A = arith.constant 1.000000e+00 : f32
        %broadcast_in_dim3A_70 = vector.broadcast %broadcast_in_dim3A : f32 to vector<16xf32>
        %swap3A = arith.index_cast %add3A_59 : i32 to index
        %swap3A_71 = arith.index_cast %add3A_69 : i32 to index
        %swap3A_72 = tpu.vector_load %arg5[%swap3A, %swap3A_71] {strides = array<i32>} : memref<128x128xf32, #tpu.memory_space<vmem>>, vector<1x16xf32>,
        %swap3A_73 = vector.shape_cast %swap3A_72 : vector<1x16xf32> to vector<16xf32>
        %swap3A_74 = vector.shape_cast %broadcast_in_dim3A_70 : vector<16xf32> to vector<1x16xf32>
        tpu.vector_store %arg5[%swap3A, %swap3A_71], %swap3A_74 {strides = array<i32>} : memref<128x128xf32, #tpu.memory_space<vmem>>, vector<1x16xf32>,
      }
      %scan3A_64 = arith.constant 8 : i32
    }
    %scan3A_16 = arith.constant 128 : i32
    %mul3A_17 = arith.constant 80 : i32
    %mul3A_18 = arith.muli %add3A, %mul3A_17 : i32
    "tpu.region"() ({
      %run_scoped3A = tpu.sem_alloc : memref<!tpu.dma_semaphore, #tpu.memory_space<semaphore_mem>>
      %dma_start3A = arith.constant 0 : i32
      %dma_start3A_55 = tpu.memref_slice %arg2[%mul3A_18, %dma_start3A] : memref<2560x128xi32, #tpu.memory_space<hbm>> -> memref<80x128xi32, #tpu.memory_space<hbm>>
      %dma_start3A_56 = arith.constant 0 : i32
      %dma_start3A_57 = tpu.memref_slice %arg2[%mul3A_18, %dma_start3A_56] : memref<2560x128xi32, #tpu.memory_space<hbm>> -> memref<80x128xi32, #tpu.memory_space<hbm>>
      tpu.enqueue_dma source(%dma_start3A_57 : memref<80x128xi32, #tpu.memory_space<hbm>>) target(%arg4 : memref<80x128xi32, #tpu.memory_space<vmem>>) target_semaphore(%run_scoped3A : memref<!tpu.dma_semaphore, #tpu.memory_space<semaphore_mem>>)
      %dma_wait3A_58 = arith.constant 0 : i32
      %dma_wait3A_59 = tpu.memref_slice %arg2[%mul3A_18, %dma_wait3A_58] : memref<2560x128xi32, #tpu.memory_space<hbm>> -> memref<80x128xi32, #tpu.memory_space<hbm>>
      %dma_wait3A_60 = arith.constant 0 : i32
      %dma_wait3A_61 = tpu.memref_slice %arg2[%mul3A_18, %dma_wait3A_60] : memref<2560x128xi32, #tpu.memory_space<hbm>> -> memref<80x128xi32, #tpu.memory_space<hbm>>
      tpu.wait_dma2 semaphore(%run_scoped3A : memref<!tpu.dma_semaphore, #tpu.memory_space<semaphore_mem>>) src(%dma_wait3A_61 : memref<80x128xi32, #tpu.memory_space<hbm>>) dst(%arg4 : memref<80x128xi32, #tpu.memory_space<vmem>>)
      tpu.yield
    }) : () -> ()
    %barrier3A = arith.constant 0 : index
    tpu.barrier barrier_id(%barrier3A)
    %scan3A_19 = arith.constant 0 : i32
    %scan3A_20 = arith.constant 20 : i32
    %scan3A_21 = arith.addi %scan3A_19, %scan3A_20 : i32
    %scan3A_22 = arith.constant 1 : i32
    scf.for %scan3A_55 = %scan3A_19 to %scan3A_21 step %scan3A_22  : i32 {
      %mul3A_56 = arith.constant 4 : i32
      %mul3A_57 = arith.muli %scan3A_55, %mul3A_56 : i32
      %add3A_58 = arith.constant 0 : i32
      %add3A_59 = arith.addi %add3A_58, %mul3A_57 : i32
      %gt3A = arith.constant 0 : i32
      %gt3A_60 = arith.cmpi sgt, %add3A_59, %gt3A : i32
      %convert_element_type3A = arith.extui %gt3A_60 : i1 to i32
      %cond3A = arith.constant 0 : i32
      %cond3A_61 = arith.cmpi ne, %convert_element_type3A, %cond3A : i32
      scf.if %cond3A_61 {
        %sub3A = arith.constant 4 : i32
        %sub3A_108 = arith.subi %add3A_59, %sub3A : i32
        %add3A_109 = arith.constant 0 : i32
        %add3A_110 = arith.addi %sub3A_108, %add3A_109 : i32
        %dma_wait3A_111 = arith.constant 0 : i32
        %dma_wait3A_112 = tpu.memref_slice %arg4[%add3A_110, %dma_wait3A_111] : memref<80x128xi32, #tpu.memory_space<vmem>> -> memref<1x128xi32, #tpu.memory_space<vmem>>
        %dma_wait3A_113 = tpu.memref_squeeze %dma_wait3A_112 : memref<1x128xi32, #tpu.memory_space<vmem>> -> memref<128xi32, #tpu.memory_space<vmem>>
        %dma_wait3A_114 = arith.constant 0 : i32
        %dma_wait3A_115 = arith.constant 0 : i32
        %dma_wait3A_116 = tpu.memref_slice %arg6[%dma_wait3A_114, %dma_wait3A_115] : memref<10240x128xf32, #tpu.memory_space<vmem_shared>> -> memref<10240x128xf32, #tpu.memory_space<vmem_shared>>
        tpu.wait_indirect_dma semaphore(%arg7 : memref<!tpu.dma_semaphore, #tpu.memory_space<semaphore_mem>>) src(%arg5 : memref<128x128xf32, #tpu.memory_space<vmem>>) dst(%dma_wait3A_116 : memref<10240x128xf32, #tpu.memory_space<vmem_shared>>)
      } else {
      }
      %add3A_62 = arith.constant 0 : i32
      %add3A_63 = arith.addi %add3A_59, %add3A_62 : i32
      %dma_start3A = arith.constant 0 : i32
      %dma_start3A_64 = tpu.memref_slice %arg4[%add3A_63, %dma_start3A] : memref<80x128xi32, #tpu.memory_space<vmem>> -> memref<1x128xi32, #tpu.memory_space<vmem>>
      %dma_start3A_65 = tpu.memref_squeeze %dma_start3A_64 : memref<1x128xi32, #tpu.memory_space<vmem>> -> memref<128xi32, #tpu.memory_space<vmem>>
      %dma_start3A_66 = arith.constant 0 : i32
      %dma_start3A_67 = arith.constant 0 : i32
      %dma_start3A_68 = tpu.memref_slice %arg6[%dma_start3A_66, %dma_start3A_67] : memref<10240x128xf32, #tpu.memory_space<vmem_shared>> -> memref<10240x128xf32, #tpu.memory_space<vmem_shared>>
      tpu.enqueue_indirect_dma source(%arg5 : memref<128x128xf32, #tpu.memory_space<vmem>>) target(%dma_start3A_68 : memref<10240x128xf32, #tpu.memory_space<vmem_shared>>) offsets(%dma_start3A_65 : memref<128xi32, #tpu.memory_space<vmem>>) semaphore(%arg7 : memref<!tpu.dma_semaphore, #tpu.memory_space<semaphore_mem>>) {add = true}
      %gt3A_69 = arith.constant 0 : i32
      %gt3A_70 = arith.cmpi sgt, %add3A_59, %gt3A_69 : i32
      %convert_element_type3A_71 = arith.extui %gt3A_70 : i1 to i32
      %cond3A_72 = arith.constant 0 : i32
      %cond3A_73 = arith.cmpi ne, %convert_element_type3A_71, %cond3A_72 : i32
      scf.if %cond3A_73 {
        %sub3A = arith.constant 4 : i32
        %sub3A_108 = arith.subi %add3A_59, %sub3A : i32
        %add3A_109 = arith.constant 1 : i32
        %add3A_110 = arith.addi %sub3A_108, %add3A_109 : i32
        %dma_wait3A_111 = arith.constant 0 : i32
        %dma_wait3A_112 = tpu.memref_slice %arg4[%add3A_110, %dma_wait3A_111] : memref<80x128xi32, #tpu.memory_space<vmem>> -> memref<1x128xi32, #tpu.memory_space<vmem>>
        %dma_wait3A_113 = tpu.memref_squeeze %dma_wait3A_112 : memref<1x128xi32, #tpu.memory_space<vmem>> -> memref<128xi32, #tpu.memory_space<vmem>>
        %dma_wait3A_114 = arith.constant 0 : i32
        %dma_wait3A_115 = arith.constant 0 : i32
        %dma_wait3A_116 = tpu.memref_slice %arg6[%dma_wait3A_114, %dma_wait3A_115] : memref<10240x128xf32, #tpu.memory_space<vmem_shared>> -> memref<10240x128xf32, #tpu.memory_space<vmem_shared>>
        tpu.wait_indirect_dma semaphore(%arg8 : memref<!tpu.dma_semaphore, #tpu.memory_space<semaphore_mem>>) src(%arg5 : memref<128x128xf32, #tpu.memory_space<vmem>>) dst(%dma_wait3A_116 : memref<10240x128xf32, #tpu.memory_space<vmem_shared>>)
      } else {
      }
      %add3A_74 = arith.constant 1 : i32
      %add3A_75 = arith.addi %add3A_59, %add3A_74 : i32
      %dma_start3A_76 = arith.constant 0 : i32
      %dma_start3A_77 = tpu.memref_slice %arg4[%add3A_75, %dma_start3A_76] : memref<80x128xi32, #tpu.memory_space<vmem>> -> memref<1x128xi32, #tpu.memory_space<vmem>>
      %dma_start3A_78 = tpu.memref_squeeze %dma_start3A_77 : memref<1x128xi32, #tpu.memory_space<vmem>> -> memref<128xi32, #tpu.memory_space<vmem>>
      %dma_start3A_79 = arith.constant 0 : i32
      %dma_start3A_80 = arith.constant 0 : i32
      %dma_start3A_81 = tpu.memref_slice %arg6[%dma_start3A_79, %dma_start3A_80] : memref<10240x128xf32, #tpu.memory_space<vmem_shared>> -> memref<10240x128xf32, #tpu.memory_space<vmem_shared>>
      tpu.enqueue_indirect_dma source(%arg5 : memref<128x128xf32, #tpu.memory_space<vmem>>) target(%dma_start3A_81 : memref<10240x128xf32, #tpu.memory_space<vmem_shared>>) offsets(%dma_start3A_78 : memref<128xi32, #tpu.memory_space<vmem>>) semaphore(%arg8 : memref<!tpu.dma_semaphore, #tpu.memory_space<semaphore_mem>>) {add = true}
      %gt3A_82 = arith.constant 0 : i32
      %gt3A_83 = arith.cmpi sgt, %add3A_59, %gt3A_82 : i32
      %convert_element_type3A_84 = arith.extui %gt3A_83 : i1 to i32
      %cond3A_85 = arith.constant 0 : i32
      %cond3A_86 = arith.cmpi ne, %convert_element_type3A_84, %cond3A_85 : i32
      scf.if %cond3A_86 {
        %sub3A = arith.constant 4 : i32
        %sub3A_108 = arith.subi %add3A_59, %sub3A : i32
        %add3A_109 = arith.constant 2 : i32
        %add3A_110 = arith.addi %sub3A_108, %add3A_109 : i32
        %dma_wait3A_111 = arith.constant 0 : i32
        %dma_wait3A_112 = tpu.memref_slice %arg4[%add3A_110, %dma_wait3A_111] : memref<80x128xi32, #tpu.memory_space<vmem>> -> memref<1x128xi32, #tpu.memory_space<vmem>>
        %dma_wait3A_113 = tpu.memref_squeeze %dma_wait3A_112 : memref<1x128xi32, #tpu.memory_space<vmem>> -> memref<128xi32, #tpu.memory_space<vmem>>
        %dma_wait3A_114 = arith.constant 0 : i32
        %dma_wait3A_115 = arith.constant 0 : i32
        %dma_wait3A_116 = tpu.memref_slice %arg6[%dma_wait3A_114, %dma_wait3A_115] : memref<10240x128xf32, #tpu.memory_space<vmem_shared>> -> memref<10240x128xf32, #tpu.memory_space<vmem_shared>>
        tpu.wait_indirect_dma semaphore(%arg9 : memref<!tpu.dma_semaphore, #tpu.memory_space<semaphore_mem>>) src(%arg5 : memref<128x128xf32, #tpu.memory_space<vmem>>) dst(%dma_wait3A_116 : memref<10240x128xf32, #tpu.memory_space<vmem_shared>>)
      } else {
      }
      %add3A_87 = arith.constant 2 : i32
      %add3A_88 = arith.addi %add3A_59, %add3A_87 : i32
      %dma_start3A_89 = arith.constant 0 : i32
      %dma_start3A_90 = tpu.memref_slice %arg4[%add3A_88, %dma_start3A_89] : memref<80x128xi32, #tpu.memory_space<vmem>> -> memref<1x128xi32, #tpu.memory_space<vmem>>
      %dma_start3A_91 = tpu.memref_squeeze %dma_start3A_90 : memref<1x128xi32, #tpu.memory_space<vmem>> -> memref<128xi32, #tpu.memory_space<vmem>>
      %dma_start3A_92 = arith.constant 0 : i32
      %dma_start3A_93 = arith.constant 0 : i32
      %dma_start3A_94 = tpu.memref_slice %arg6[%dma_start3A_92, %dma_start3A_93] : memref<10240x128xf32, #tpu.memory_space<vmem_shared>> -> memref<10240x128xf32, #tpu.memory_space<vmem_shared>>
      tpu.enqueue_indirect_dma source(%arg5 : memref<128x128xf32, #tpu.memory_space<vmem>>) target(%dma_start3A_94 : memref<10240x128xf32, #tpu.memory_space<vmem_shared>>) offsets(%dma_start3A_91 : memref<128xi32, #tpu.memory_space<vmem>>) semaphore(%arg9 : memref<!tpu.dma_semaphore, #tpu.memory_space<semaphore_mem>>) {add = true}
      %gt3A_95 = arith.constant 0 : i32
      %gt3A_96 = arith.cmpi sgt, %add3A_59, %gt3A_95 : i32
      %convert_element_type3A_97 = arith.extui %gt3A_96 : i1 to i32
      %cond3A_98 = arith.constant 0 : i32
      %cond3A_99 = arith.cmpi ne, %convert_element_type3A_97, %cond3A_98 : i32
      scf.if %cond3A_99 {
        %sub3A = arith.constant 4 : i32
        %sub3A_108 = arith.subi %add3A_59, %sub3A : i32
        %add3A_109 = arith.constant 3 : i32
        %add3A_110 = arith.addi %sub3A_108, %add3A_109 : i32
        %dma_wait3A_111 = arith.constant 0 : i32
        %dma_wait3A_112 = tpu.memref_slice %arg4[%add3A_110, %dma_wait3A_111] : memref<80x128xi32, #tpu.memory_space<vmem>> -> memref<1x128xi32, #tpu.memory_space<vmem>>
        %dma_wait3A_113 = tpu.memref_squeeze %dma_wait3A_112 : memref<1x128xi32, #tpu.memory_space<vmem>> -> memref<128xi32, #tpu.memory_space<vmem>>
        %dma_wait3A_114 = arith.constant 0 : i32
        %dma_wait3A_115 = arith.constant 0 : i32
        %dma_wait3A_116 = tpu.memref_slice %arg6[%dma_wait3A_114, %dma_wait3A_115] : memref<10240x128xf32, #tpu.memory_space<vmem_shared>> -> memref<10240x128xf32, #tpu.memory_space<vmem_shared>>
        tpu.wait_indirect_dma semaphore(%arg10 : memref<!tpu.dma_semaphore, #tpu.memory_space<semaphore_mem>>) src(%arg5 : memref<128x128xf32, #tpu.memory_space<vmem>>) dst(%dma_wait3A_116 : memref<10240x128xf32, #tpu.memory_space<vmem_shared>>)
      } else {
      }
      %add3A_100 = arith.constant 3 : i32
      %add3A_101 = arith.addi %add3A_59, %add3A_100 : i32
      %dma_start3A_102 = arith.constant 0 : i32
      %dma_start3A_103 = tpu.memref_slice %arg4[%add3A_101, %dma_start3A_102] : memref<80x128xi32, #tpu.memory_space<vmem>> -> memref<1x128xi32, #tpu.memory_space<vmem>>
      %dma_start3A_104 = tpu.memref_squeeze %dma_start3A_103 : memref<1x128xi32, #tpu.memory_space<vmem>> -> memref<128xi32, #tpu.memory_space<vmem>>
      %dma_start3A_105 = arith.constant 0 : i32
      %dma_start3A_106 = arith.constant 0 : i32
      %dma_start3A_107 = tpu.memref_slice %arg6[%dma_start3A_105, %dma_start3A_106] : memref<10240x128xf32, #tpu.memory_space<vmem_shared>> -> memref<10240x128xf32, #tpu.memory_space<vmem_shared>>
      tpu.enqueue_indirect_dma source(%arg5 : memref<128x128xf32, #tpu.memory_space<vmem>>) target(%dma_start3A_107 : memref<10240x128xf32, #tpu.memory_space<vmem_shared>>) offsets(%dma_start3A_104 : memref<128xi32, #tpu.memory_space<vmem>>) semaphore(%arg10 : memref<!tpu.dma_semaphore, #tpu.memory_space<semaphore_mem>>) {add = true}
    }
    %scan3A_23 = arith.constant 20 : i32
    %dma_wait3A = arith.constant 76 : i32
    %dma_wait3A_24 = arith.constant 0 : i32
    %dma_wait3A_25 = tpu.memref_slice %arg4[%dma_wait3A, %dma_wait3A_24] : memref<80x128xi32, #tpu.memory_space<vmem>> -> memref<1x128xi32, #tpu.memory_space<vmem>>
    %dma_wait3A_26 = tpu.memref_squeeze %dma_wait3A_25 : memref<1x128xi32, #tpu.memory_space<vmem>> -> memref<128xi32, #tpu.memory_space<vmem>>
    %dma_wait3A_27 = arith.constant 0 : i32
    %dma_wait3A_28 = arith.constant 0 : i32
    %dma_wait3A_29 = tpu.memref_slice %arg6[%dma_wait3A_27, %dma_wait3A_28] : memref<10240x128xf32, #tpu.memory_space<vmem_shared>> -> memref<10240x128xf32, #tpu.memory_space<vmem_shared>>
    tpu.wait_indirect_dma semaphore(%arg7 : memref<!tpu.dma_semaphore, #tpu.memory_space<semaphore_mem>>) src(%arg5 : memref<128x128xf32, #tpu.memory_space<vmem>>) dst(%dma_wait3A_29 : memref<10240x128xf32, #tpu.memory_space<vmem_shared>>)
    %dma_wait3A_30 = arith.constant 77 : i32
    %dma_wait3A_31 = arith.constant 0 : i32
    %dma_wait3A_32 = tpu.memref_slice %arg4[%dma_wait3A_30, %dma_wait3A_31] : memref<80x128xi32, #tpu.memory_space<vmem>> -> memref<1x128xi32, #tpu.memory_space<vmem>>
    %dma_wait3A_33 = tpu.memref_squeeze %dma_wait3A_32 : memref<1x128xi32, #tpu.memory_space<vmem>> -> memref<128xi32, #tpu.memory_space<vmem>>
    %dma_wait3A_34 = arith.constant 0 : i32
    %dma_wait3A_35 = arith.constant 0 : i32
    %dma_wait3A_36 = tpu.memref_slice %arg6[%dma_wait3A_34, %dma_wait3A_35] : memref<10240x128xf32, #tpu.memory_space<vmem_shared>> -> memref<10240x128xf32, #tpu.memory_space<vmem_shared>>
    tpu.wait_indirect_dma semaphore(%arg8 : memref<!tpu.dma_semaphore, #tpu.memory_space<semaphore_mem>>) src(%arg5 : memref<128x128xf32, #tpu.memory_space<vmem>>) dst(%dma_wait3A_36 : memref<10240x128xf32, #tpu.memory_space<vmem_shared>>)
    %dma_wait3A_37 = arith.constant 78 : i32
    %dma_wait3A_38 = arith.constant 0 : i32
    %dma_wait3A_39 = tpu.memref_slice %arg4[%dma_wait3A_37, %dma_wait3A_38] : memref<80x128xi32, #tpu.memory_space<vmem>> -> memref<1x128xi32, #tpu.memory_space<vmem>>
    %dma_wait3A_40 = tpu.memref_squeeze %dma_wait3A_39 : memref<1x128xi32, #tpu.memory_space<vmem>> -> memref<128xi32, #tpu.memory_space<vmem>>
    %dma_wait3A_41 = arith.constant 0 : i32
    %dma_wait3A_42 = arith.constant 0 : i32
    %dma_wait3A_43 = tpu.memref_slice %arg6[%dma_wait3A_41, %dma_wait3A_42] : memref<10240x128xf32, #tpu.memory_space<vmem_shared>> -> memref<10240x128xf32, #tpu.memory_space<vmem_shared>>
    tpu.wait_indirect_dma semaphore(%arg9 : memref<!tpu.dma_semaphore, #tpu.memory_space<semaphore_mem>>) src(%arg5 : memref<128x128xf32, #tpu.memory_space<vmem>>) dst(%dma_wait3A_43 : memref<10240x128xf32, #tpu.memory_space<vmem_shared>>)
    %dma_wait3A_44 = arith.constant 79 : i32
    %dma_wait3A_45 = arith.constant 0 : i32
    %dma_wait3A_46 = tpu.memref_slice %arg4[%dma_wait3A_44, %dma_wait3A_45] : memref<80x128xi32, #tpu.memory_space<vmem>> -> memref<1x128xi32, #tpu.memory_space<vmem>>
    %dma_wait3A_47 = tpu.memref_squeeze %dma_wait3A_46 : memref<1x128xi32, #tpu.memory_space<vmem>> -> memref<128xi32, #tpu.memory_space<vmem>>
    %dma_wait3A_48 = arith.constant 0 : i32
    %dma_wait3A_49 = arith.constant 0 : i32
    %dma_wait3A_50 = tpu.memref_slice %arg6[%dma_wait3A_48, %dma_wait3A_49] : memref<10240x128xf32, #tpu.memory_space<vmem_shared>> -> memref<10240x128xf32, #tpu.memory_space<vmem_shared>>
    tpu.wait_indirect_dma semaphore(%arg10 : memref<!tpu.dma_semaphore, #tpu.memory_space<semaphore_mem>>) src(%arg5 : memref<128x128xf32, #tpu.memory_space<vmem>>) dst(%dma_wait3A_50 : memref<10240x128xf32, #tpu.memory_space<vmem_shared>>)
    %barrier3A_51 = arith.constant 0 : index
    tpu.barrier barrier_id(%barrier3A_51)
    %mul3A_52 = arith.constant 10240 : i32
    %mul3A_53 = arith.muli %arg0, %mul3A_52 : i32
    %add3A_54 = arith.addi %mul3A_53, %mul3A_2 : i32
    "tpu.region"() ({
      %run_scoped3A = tpu.sem_alloc : memref<!tpu.dma_semaphore, #tpu.memory_space<semaphore_mem>>
      %dma_start3A = arith.constant 0 : i32
      %dma_start3A_55 = tpu.memref_slice %arg3[%add3A_54, %dma_start3A] : memref<20480x128xf32, #tpu.memory_space<hbm>> -> memref<640x128xf32, #tpu.memory_space<hbm>>
      %dma_start3A_56 = arith.constant 0 : i32
      %dma_start3A_57 = tpu.memref_slice %arg6[%mul3A_2, %dma_start3A_56] : memref<10240x128xf32, #tpu.memory_space<vmem_shared>> -> memref<640x128xf32, #tpu.memory_space<vmem_shared>>
      tpu.enqueue_dma source(%dma_start3A_57 : memref<640x128xf32, #tpu.memory_space<vmem_shared>>) target(%dma_start3A_55 : memref<640x128xf32, #tpu.memory_space<hbm>>) target_semaphore(%run_scoped3A : memref<!tpu.dma_semaphore, #tpu.memory_space<semaphore_mem>>)
      %dma_wait3A_58 = arith.constant 0 : i32
      %dma_wait3A_59 = tpu.memref_slice %arg3[%add3A_54, %dma_wait3A_58] : memref<20480x128xf32, #tpu.memory_space<hbm>> -> memref<640x128xf32, #tpu.memory_space<hbm>>
      %dma_wait3A_60 = arith.constant 0 : i32
      %dma_wait3A_61 = tpu.memref_slice %arg6[%mul3A_2, %dma_wait3A_60] : memref<10240x128xf32, #tpu.memory_space<vmem_shared>> -> memref<640x128xf32, #tpu.memory_space<vmem_shared>>
      tpu.wait_dma2 semaphore(%run_scoped3A : memref<!tpu.dma_semaphore, #tpu.memory_space<semaphore_mem>>) src(%dma_wait3A_61 : memref<640x128xf32, #tpu.memory_space<vmem_shared>>) dst(%dma_wait3A_59 : memref<640x128xf32, #tpu.memory_space<hbm>>)
      tpu.yield
    }) : () -> ()
    return
  }
}

module attributes {stable_mosaic.version = 14 : i64} {
  func.func @_tc_layer_body(%arg0: i32, %arg1: memref<400x128xf32, #tpu.memory_space<vmem>>, %arg2: memref<400x128xf32, #tpu.memory_space<vmem>>, %arg3: memref<400x128xf32, #tpu.memory_space<vmem>>, %arg4: memref<400x128xf32, #tpu.memory_space<vmem>>, %arg5: memref<400x128xf32, #tpu.memory_space<vmem>>, %arg6: memref<128x128xf32, #tpu.memory_space<vmem>>, %arg7: memref<1x128xf32, #tpu.memory_space<vmem>>, %arg8: memref<128x128xf32, #tpu.memory_space<vmem>>, %arg9: memref<400x128xf32, #tpu.memory_space<vmem>>) attributes {dimension_semantics = [#tpu.dimension_semantics<arbitrary>], iteration_bounds = array<i64: 25>, scalar_prefetch = 0 : i64, scratch_operands = 0 : i64, tpu.core_type = #tpu.core_type<tc>, window_params = [{transform_indices = @transform_0, window_bounds = array<i64: 400, 128>}, {transform_indices = @transform_1, window_bounds = array<i64: 400, 128>}, {transform_indices = @transform_2, window_bounds = array<i64: 400, 128>}, {transform_indices = @transform_3, window_bounds = array<i64: 400, 128>}, {transform_indices = @transform_4, window_bounds = array<i64: 400, 128>}, {pipeline_mode = #tpu.pipeline_mode<synchronous>, transform_indices = @transform_5, window_bounds = array<i64: 128, 128>}, {pipeline_mode = #tpu.pipeline_mode<synchronous>, transform_indices = @transform_6, window_bounds = array<i64: 1, 128>}, {pipeline_mode = #tpu.pipeline_mode<synchronous>, transform_indices = @transform_7, window_bounds = array<i64: 128, 128>}, {transform_indices = @transform_8, window_bounds = array<i64: 400, 128>}]} {
    %get3A = arith.constant 0 : index
    %get3A_0 = arith.constant 0 : index
    %get3A_1 = vector.load %arg3[%get3A, %get3A_0] : memref<400x128xf32, #tpu.memory_space<vmem>>, vector<400x1xf32>
    %get3A_2 = arith.constant 0 : index
    %get3A_3 = arith.constant 0 : index
    %get3A_4 = vector.load %arg4[%get3A_2, %get3A_3] : memref<400x128xf32, #tpu.memory_space<vmem>>, vector<400x1xf32>
    %add3A = arith.addf %get3A_1, %get3A_4 : vector<400x1xf32>
    %max3A = arith.constant 1.000000e+00 : f32
    %max3A_5 = vector.broadcast %max3A : f32 to vector<400x1xf32>
    %max3A_6 = arith.maximumf %add3A, %max3A_5 : vector<400x1xf32>
    %div3A = arith.constant 1.000000e+00 : f32
    %div3A_7 = vector.broadcast %div3A : f32 to vector<400x1xf32>
    %div3A_8 = arith.divf %div3A_7, %max3A_6 : vector<400x1xf32>
    %get3A_9 = arith.constant 0 : index
    %get3A_10 = arith.constant 0 : index
    %get3A_11 = vector.load %arg1[%get3A_9, %get3A_10] : memref<400x128xf32, #tpu.memory_space<vmem>>, vector<400x128xf32>
    %get3A_12 = arith.constant 0 : index
    %get3A_13 = arith.constant 0 : index
    %get3A_14 = vector.load %arg2[%get3A_12, %get3A_13] : memref<400x128xf32, #tpu.memory_space<vmem>>, vector<400x128xf32>
    %add3A_15 = arith.addf %get3A_11, %get3A_14 : vector<400x128xf32>
    %mul3A = vector.broadcast %div3A_8 : vector<400x1xf32> to vector<400x128xf32>
    %mul3A_16 = arith.mulf %add3A_15, %mul3A : vector<400x128xf32>
    %get3A_17 = arith.constant 0 : index
    %get3A_18 = arith.constant 0 : index
    %get3A_19 = vector.load %arg6[%get3A_17, %get3A_18] : memref<128x128xf32, #tpu.memory_space<vmem>>, vector<128x128xf32>
    %dot_general3A = arith.constant dense<0.000000e+00> : vector<400x128xf32>
    %dot_general3A_20 = tpu.matmul %mul3A_16, %get3A_19, %dot_general3A {dimension_numbers = #tpu.dot_dimension_numbers<[1], [1], [0], [0], [0, 0, 1, 0], [], []>, precision = #tpu.contract_precision<fp32>, transpose_lhs_hint = false} : vector<400x128xf32>, vector<128x128xf32>, vector<400x128xf32> -> vector<400x128xf32>
    %get3A_21 = arith.constant 0 : index
    %get3A_22 = arith.constant 0 : index
    %get3A_23 = vector.load %arg7[%get3A_21, %get3A_22] : memref<1x128xf32, #tpu.memory_space<vmem>>, vector<1x128xf32>
    %add3A_24 = vector.broadcast %get3A_23 : vector<1x128xf32> to vector<400x128xf32>
    %add3A_25 = arith.addf %dot_general3A_20, %add3A_24 : vector<400x128xf32>
    %get3A_26 = arith.constant 0 : index
    %get3A_27 = arith.constant 0 : index
    %get3A_28 = vector.load %arg5[%get3A_26, %get3A_27] : memref<400x128xf32, #tpu.memory_space<vmem>>, vector<400x128xf32>
    %get3A_29 = arith.constant 0 : index
    %get3A_30 = arith.constant 0 : index
    %get3A_31 = vector.load %arg8[%get3A_29, %get3A_30] : memref<128x128xf32, #tpu.memory_space<vmem>>, vector<128x128xf32>
    %dot_general3A_32 = arith.constant dense<0.000000e+00> : vector<400x128xf32>
    %dot_general3A_33 = tpu.matmul %get3A_28, %get3A_31, %dot_general3A_32 {dimension_numbers = #tpu.dot_dimension_numbers<[1], [1], [0], [0], [0, 0, 1, 0], [], []>, precision = #tpu.contract_precision<fp32>, transpose_lhs_hint = false} : vector<400x128xf32>, vector<128x128xf32>, vector<400x128xf32> -> vector<400x128xf32>
    %add3A_34 = arith.addf %add3A_25, %dot_general3A_33 : vector<400x128xf32>
    %max3A_35 = arith.constant 0.000000e+00 : f32
    %max3A_36 = vector.broadcast %max3A_35 : f32 to vector<400x128xf32>
    %max3A_37 = arith.maximumf %add3A_34, %max3A_36 : vector<400x128xf32>
    %swap3A = arith.constant 0 : index
    %swap3A_38 = arith.constant 0 : index
    %swap3A_39 = vector.load %arg9[%swap3A, %swap3A_38] : memref<400x128xf32, #tpu.memory_space<vmem>>, vector<400x128xf32>
    tpu.vector_store %arg9[%swap3A, %swap3A_38], %max3A_37 {strides = array<i32>} : memref<400x128xf32, #tpu.memory_space<vmem>>, vector<400x128xf32>,
    return
  }
  func.func @transform_0(%arg0: i32) -> (i32, i32) {
    %c0_i32 = arith.constant 0 : i32
    %c0_i32_0 = arith.constant 0 : i32
    return %arg0, %c0_i32 : i32, i32
  }
  func.func @transform_1(%arg0: i32) -> (i32, i32) {
    %c0_i32 = arith.constant 0 : i32
    %c0_i32_0 = arith.constant 0 : i32
    return %arg0, %c0_i32 : i32, i32
  }
  func.func @transform_2(%arg0: i32) -> (i32, i32) {
    %c0_i32 = arith.constant 0 : i32
    %c0_i32_0 = arith.constant 0 : i32
    return %arg0, %c0_i32 : i32, i32
  }
  func.func @transform_3(%arg0: i32) -> (i32, i32) {
    %c0_i32 = arith.constant 0 : i32
    %c0_i32_0 = arith.constant 0 : i32
    return %arg0, %c0_i32 : i32, i32
  }
  func.func @transform_4(%arg0: i32) -> (i32, i32) {
    %c0_i32 = arith.constant 0 : i32
    %c0_i32_0 = arith.constant 0 : i32
    return %arg0, %c0_i32 : i32, i32
  }
  func.func @transform_5(%arg0: i32) -> (i32, i32) {
    %c0_i32 = arith.constant 0 : i32
    %c0_i32_0 = arith.constant 0 : i32
    %c0_i32_1 = arith.constant 0 : i32
    return %c0_i32, %c0_i32_0 : i32, i32
  }
  func.func @transform_6(%arg0: i32) -> (i32, i32) {
    %c0_i32 = arith.constant 0 : i32
    %c0_i32_0 = arith.constant 0 : i32
    %c0_i32_1 = arith.constant 0 : i32
    return %c0_i32, %c0_i32_0 : i32, i32
  }
  func.func @transform_7(%arg0: i32) -> (i32, i32) {
    %c0_i32 = arith.constant 0 : i32
    %c0_i32_0 = arith.constant 0 : i32
    %c0_i32_1 = arith.constant 0 : i32
    return %c0_i32, %c0_i32_0 : i32, i32
  }
  func.func @transform_8(%arg0: i32) -> (i32, i32) {
    %c0_i32 = arith.constant 0 : i32
    %c0_i32_0 = arith.constant 0 : i32
    return %arg0, %c0_i32 : i32, i32
  }
}

module attributes {stable_mosaic.version = 14 : i64} {
  func.func @_tc_final_body(%arg0: i32, %arg1: memref<400x128xf32, #tpu.memory_space<vmem>>, %arg2: memref<400x128xf32, #tpu.memory_space<vmem>>, %arg3: memref<400x128xf32, #tpu.memory_space<vmem>>, %arg4: memref<40x128xf32, #tpu.memory_space<vmem>>, %arg5: memref<40x128xf32, #tpu.memory_space<vmem>>, %arg6: memref<40x128xf32, #tpu.memory_space<vmem>>, %arg7: memref<1x40xf32, #tpu.memory_space<vmem>>, %arg8: memref<400x40xf32, #tpu.memory_space<vmem>>) attributes {dimension_semantics = [#tpu.dimension_semantics<arbitrary>], iteration_bounds = array<i64: 25>, scalar_prefetch = 0 : i64, scratch_operands = 0 : i64, tpu.core_type = #tpu.core_type<tc>, window_params = [{transform_indices = @transform_0, window_bounds = array<i64: 400, 128>}, {transform_indices = @transform_1, window_bounds = array<i64: 400, 128>}, {transform_indices = @transform_2, window_bounds = array<i64: 400, 128>}, {pipeline_mode = #tpu.pipeline_mode<synchronous>, transform_indices = @transform_3, window_bounds = array<i64: 40, 128>}, {pipeline_mode = #tpu.pipeline_mode<synchronous>, transform_indices = @transform_4, window_bounds = array<i64: 40, 128>}, {pipeline_mode = #tpu.pipeline_mode<synchronous>, transform_indices = @transform_5, window_bounds = array<i64: 40, 128>}, {pipeline_mode = #tpu.pipeline_mode<synchronous>, transform_indices = @transform_6, window_bounds = array<i64: 1, 40>}, {transform_indices = @transform_7, window_bounds = array<i64: 400, 40>}]} {
    %get3A = arith.constant 0 : index
    %get3A_0 = arith.constant 0 : index
    %get3A_1 = vector.load %arg1[%get3A, %get3A_0] : memref<400x128xf32, #tpu.memory_space<vmem>>, vector<400x128xf32>
    %get3A_2 = arith.constant 0 : index
    %get3A_3 = arith.constant 0 : index
    %get3A_4 = vector.load %arg4[%get3A_2, %get3A_3] : memref<40x128xf32, #tpu.memory_space<vmem>>, vector<40x128xf32>
    %dot_general3A = arith.constant dense<0.000000e+00> : vector<400x40xf32>
    %dot_general3A_5 = tpu.matmul %get3A_1, %get3A_4, %dot_general3A {dimension_numbers = #tpu.dot_dimension_numbers<[1], [1], [0], [0], [0, 0, 1, 0], [], []>, precision = #tpu.contract_precision<fp32>, transpose_lhs_hint = false} : vector<400x128xf32>, vector<40x128xf32>, vector<400x40xf32> -> vector<400x40xf32>
    %get3A_6 = arith.constant 0 : index
    %get3A_7 = arith.constant 0 : index
    %get3A_8 = vector.load %arg2[%get3A_6, %get3A_7] : memref<400x128xf32, #tpu.memory_space<vmem>>, vector<400x128xf32>
    %get3A_9 = arith.constant 0 : index
    %get3A_10 = arith.constant 0 : index
    %get3A_11 = vector.load %arg5[%get3A_9, %get3A_10] : memref<40x128xf32, #tpu.memory_space<vmem>>, vector<40x128xf32>
    %dot_general3A_12 = arith.constant dense<0.000000e+00> : vector<400x40xf32>
    %dot_general3A_13 = tpu.matmul %get3A_8, %get3A_11, %dot_general3A_12 {dimension_numbers = #tpu.dot_dimension_numbers<[1], [1], [0], [0], [0, 0, 1, 0], [], []>, precision = #tpu.contract_precision<fp32>, transpose_lhs_hint = false} : vector<400x128xf32>, vector<40x128xf32>, vector<400x40xf32> -> vector<400x40xf32>
    %add3A = arith.addf %dot_general3A_5, %dot_general3A_13 : vector<400x40xf32>
    %get3A_14 = arith.constant 0 : index
    %get3A_15 = arith.constant 0 : index
    %get3A_16 = vector.load %arg3[%get3A_14, %get3A_15] : memref<400x128xf32, #tpu.memory_space<vmem>>, vector<400x128xf32>
    %get3A_17 = arith.constant 0 : index
    %get3A_18 = arith.constant 0 : index
    %get3A_19 = vector.load %arg6[%get3A_17, %get3A_18] : memref<40x128xf32, #tpu.memory_space<vmem>>, vector<40x128xf32>
    %dot_general3A_20 = arith.constant dense<0.000000e+00> : vector<400x40xf32>
    %dot_general3A_21 = tpu.matmul %get3A_16, %get3A_19, %dot_general3A_20 {dimension_numbers = #tpu.dot_dimension_numbers<[1], [1], [0], [0], [0, 0, 1, 0], [], []>, precision = #tpu.contract_precision<fp32>, transpose_lhs_hint = false} : vector<400x128xf32>, vector<40x128xf32>, vector<400x40xf32> -> vector<400x40xf32>
    %add3A_22 = arith.addf %add3A, %dot_general3A_21 : vector<400x40xf32>
    %get3A_23 = arith.constant 0 : index
    %get3A_24 = arith.constant 0 : index
    %get3A_25 = vector.load %arg7[%get3A_23, %get3A_24] : memref<1x40xf32, #tpu.memory_space<vmem>>, vector<1x40xf32>
    %add3A_26 = vector.broadcast %get3A_25 : vector<1x40xf32> to vector<400x40xf32>
    %add3A_27 = arith.addf %add3A_22, %add3A_26 : vector<400x40xf32>
    %swap3A = arith.constant 0 : index
    %swap3A_28 = arith.constant 0 : index
    %swap3A_29 = vector.load %arg8[%swap3A, %swap3A_28] : memref<400x40xf32, #tpu.memory_space<vmem>>, vector<400x40xf32>
    tpu.vector_store %arg8[%swap3A, %swap3A_28], %add3A_27 {strides = array<i32>} : memref<400x40xf32, #tpu.memory_space<vmem>>, vector<400x40xf32>,
    return
  }
  func.func @transform_0(%arg0: i32) -> (i32, i32) {
    %c0_i32 = arith.constant 0 : i32
    %c0_i32_0 = arith.constant 0 : i32
    return %arg0, %c0_i32 : i32, i32
  }
  func.func @transform_1(%arg0: i32) -> (i32, i32) {
    %c0_i32 = arith.constant 0 : i32
    %c0_i32_0 = arith.constant 0 : i32
    return %arg0, %c0_i32 : i32, i32
  }
  func.func @transform_2(%arg0: i32) -> (i32, i32) {
    %c0_i32 = arith.constant 0 : i32
    %c0_i32_0 = arith.constant 0 : i32
    return %arg0, %c0_i32 : i32, i32
  }
  func.func @transform_3(%arg0: i32) -> (i32, i32) {
    %c0_i32 = arith.constant 0 : i32
    %c0_i32_0 = arith.constant 0 : i32
    %c0_i32_1 = arith.constant 0 : i32
    return %c0_i32, %c0_i32_0 : i32, i32
  }
  func.func @transform_4(%arg0: i32) -> (i32, i32) {
    %c0_i32 = arith.constant 0 : i32
    %c0_i32_0 = arith.constant 0 : i32
    %c0_i32_1 = arith.constant 0 : i32
    return %c0_i32, %c0_i32_0 : i32, i32
  }
  func.func @transform_5(%arg0: i32) -> (i32, i32) {
    %c0_i32 = arith.constant 0 : i32
    %c0_i32_0 = arith.constant 0 : i32
    %c0_i32_1 = arith.constant 0 : i32
    return %c0_i32, %c0_i32_0 : i32, i32
  }
  func.func @transform_6(%arg0: i32) -> (i32, i32) {
    %c0_i32 = arith.constant 0 : i32
    %c0_i32_0 = arith.constant 0 : i32
    %c0_i32_1 = arith.constant 0 : i32
    return %c0_i32, %c0_i32_0 : i32, i32
  }
  func.func @transform_7(%arg0: i32) -> (i32, i32) {
    %c0_i32 = arith.constant 0 : i32
    %c0_i32_0 = arith.constant 0 : i32
    return %arg0, %c0_i32 : i32, i32
  }
}

</mosaic_0001>

<sc_bundles>
// kernel: kernel.10.cloned.1.call-start
scs
__scs_entry_jumppad:
0x0: {  	(pc) =	sbr.rel $0x88, $3  }
0x1: {  	(tag) =	ssettag $0x0;
	lr =	simm.s32 $0x1  }
0x2: {  	[smem:$0x3F94] =	sst lr;
	_ =	strace $0xD0000000  }
0x3: {  	_ = 	snop  }
0x4: {  	_ = 	snop  }
0x5: {  	_ = 	snop  }
0x6: {  	_ = 	snop  }
0x7: {  	_ = 	snop  }
__scs_overlays_trampoline_lowered:
0x8: {  	[smem:$0x3FA3] =	sst s0  }
0x9: {  	[smem:$0x3FA4] =	sst s1  }
0xa: {  	[smem:$0x3FA5] =	sst s2  }
0xb: {  	[smem:$0x3FA6] =	sst s3  }
0xc: {  	[smem:$0x3FA7] =	sst s4  }
0xd: {  	[smem:$0x3FA8] =	sst s5  }
0xe: {  	[smem:$0x3FA9] =	sst s6  }
0xf: {  	[smem:$0x3FAA] =	sst s7  }
0x10: {  	[smem:$0x3FAB] =	sst s8  }
0x11: {  	[smem:$0x3FAC] =	sst s9;
	s0 =	simm.s32 @!p0 $0x0  }
0x12: {  	s1 =	sld [smem:$0x3F92];
	s0 =	simm.s32 @p0 $0x1  }
0x13: {  	[smem:$0x3FAD] =	sst s0;
	s0 =	simm.s32 @!p1 $0x0  }
0x14: {  	s2 =	sld [smem:$0x3F91];
	s0 =	simm.s32 @p1 $0x1  }
0x15: {  	[smem:$0x3FAE] =	sst s0;
	s0 =	simm.s32 @!p2 $0x0  }
0x16: {  	s3 =	sld [smem:$0x3FDB];
	s0 =	simm.s32 @p2 $0x1  }
0x17: {  	s4 =	simm.s32 $0x1BF5;
	[smem:$0x3FB0] =	sst s0  }
0x18: {  	s0 =	sld [smem:$0x3F93];
	_ =	swait.ge [sflag:s4], $0x0  }
0x19: {  	s7 =	sld [smem:$0x3F94]  }
0x1a: {  	s8 =	sadd.s32 $0xFFFFE003, lr  }
0x1b: {  	s9 =	sadd.s32 $0xFFFFFEF7, lr;
	s5 =	simm.s32 $0xFFFFFFFF;
	p2 =	slt.u32 s8, $0xFFFFF086  }
0x1c: {  	p1 =	slt.u32 s9, $0xF7A;
	s5 =	simm.s32 @!p2 $0x0  }
0x1d: {  	s5 =	simm.s32 @p1 $0x1;
	p0 =	seq.s32 s7, s2  }
0x1e: {  	s7 =	smul.u32 @!p0 $0xF7A, s2;
	p2 =	seq.s32 @!p0 s5, $0x0  }
0x1f: {  	s9 =	smul.u32 $0xF7A, s1;
	s8 =	simm.s32 @!p0 $0x1BF5;
	p2 =	por !p2, p0  }
0x20: {  	[sflag:s8] =	ssyncset.s32 @!p0 $0xFFFFF086;
	s6 =	sadd.s32 @!p0 s3, s7;
	s7 =	simm.s32 @!p0 $0x108  }
0x21: {  	s3 =	sadd.s32 s3, s9;
	s6 =	sadd.s32 @!p0 $0x88, s6;
	s7 =	simm.s32 @p2 $0x1082  }
0x22: {  	[simem:s7], [sflag:s8] =	dma.local @!p0 [hbm:s6], $0xF7A  }
0x23: {  	s9 =	sor.u32 $0xD0000000, s2;
	s6 =	simm.s32 $0x108;
	_ =	swait.ge @!p0 [sflag:s8], $0x0  }
0x24: {  	s3 =	sadd.s32 $0x88, s3;
	s6 =	simm.s32 @!p1 $0x1082;
	[sflag:s4] =	ssyncset.s32 $0xFFFFF086  }
0x25: {  	[simem:s6], [sflag:s4] =	dma.local [hbm:s3], $0xF7A  }
0x26: {  	[smem:$0x3F94] =	sst s1;
	(tag) =	ssettag s2;
	_ =	strace s9  }
0x27: {  	s1 =	sld [smem:$0x3FA4]  }
0x28: {  	s2 =	sld [smem:$0x3FA5]  }
0x29: {  	s4 =	sld [smem:$0x3FA7]  }
0x2a: {  	p0 =	seq.s32 s5, $0x0;
	s5 =	sld [smem:$0x3FA8]  }
0x2b: {  	s6 =	sld [smem:$0x3FA9]  }
0x2c: {  	s7 =	sld [smem:$0x3FAA]  }
0x2d: {  	s3 =	simm.s32 $0x108;
	s8 =	sld [smem:$0x3FAB]  }
0x2e: {  	s3 =	simm.s32 @!p0 $0x1082;
	s9 =	sld [smem:$0x3FAC]  }
0x2f: {  	lr =	sadd.s32 s0, s3;
	s0 =	sld [smem:$0x3FA3]  }
0x30: {  	s3 =	sld [smem:$0x3FA6]  }
0x31: {  	[smem:$0x3FAF] =	sst s10  }
0x32: {  	s10 =	sld [smem:$0x3FAD];
	_ =	sdelay $0x3  }
0x33: {  	p0 =	seq.s32 s10, $0x1;
	s10 =	sld [smem:$0x3FAF];
	_ =	sdelay $0x3  }
0x34: {  	[smem:$0x3FAF] =	sst s10  }
0x35: {  	s10 =	sld [smem:$0x3FAE];
	_ =	sdelay $0x3  }
0x36: {  	p1 =	seq.s32 s10, $0x1;
	s10 =	sld [smem:$0x3FAF];
	_ =	sdelay $0x3  }
0x37: {  	[smem:$0x3FAF] =	sst s10  }
0x38: {  	s10 =	sld [smem:$0x3FB0]  }
0x39: {  	_ = 	snop;
	(pc) =	sbr.ind lr, $3  }
0x3a: {  	_ = 	snop  }
0x3b: {  	_ = 	snop  }
0x3c: {  	p2 =	seq.s32 s10, $0x1;
	s10 =	sld [smem:$0x3FAF]  }
0x3d: {  	_ =	shalt  }
0x3e: {  	_ =	shalt  }
0x3f: {  	_ =	shalt  }
0x40: {  	_ =	shalt  }
0x41: {  	_ =	shalt  }
0x42: {  	_ =	shalt  }
0x43: {  	_ =	shalt  }
0x44: {  	_ =	shalt  }
0x45: {  	_ =	shalt  }
0x46: {  	_ =	shalt  }
0x47: {  	_ =	shalt  }
0x48: {  	_ =	shalt  }
0x49: {  	_ =	shalt  }
0x4a: {  	_ =	shalt  }
0x4b: {  	_ =	shalt  }
0x4c: {  	_ =	shalt  }
0x4d: {  	_ =	shalt  }
0x4e: {  	_ =	shalt  }
0x4f: {  	_ =	shalt  }
0x50: {  	_ =	shalt  }
0x51: {  	_ =	shalt  }
0x52: {  	_ =	shalt  }
0x53: {  	_ =	shalt  }
0x54: {  	_ =	shalt  }
0x55: {  	_ =	shalt  }
0x56: {  	_ =	shalt  }
0x57: {  	_ =	shalt  }
0x58: {  	_ =	shalt  }
0x59: {  	_ =	shalt  }
0x5a: {  	_ =	shalt  }
0x5b: {  	_ =	shalt  }
0x5c: {  	_ =	shalt  }
0x5d: {  	_ =	shalt  }
0x5e: {  	_ =	shalt  }
0x5f: {  	_ =	shalt  }
0x60: {  	_ =	shalt  }
0x61: {  	_ =	shalt  }
0x62: {  	_ =	shalt  }
0x63: {  	_ =	shalt  }
0x64: {  	_ =	shalt  }
0x65: {  	_ =	shalt  }
0x66: {  	_ =	shalt  }
0x67: {  	_ =	shalt  }
0x68: {  	_ =	shalt  }
0x69: {  	_ =	shalt  }
0x6a: {  	_ =	shalt  }
0x6b: {  	_ =	shalt  }
0x6c: {  	_ =	shalt  }
0x6d: {  	_ =	shalt  }
0x6e: {  	_ =	shalt  }
0x6f: {  	_ =	shalt  }
0x70: {  	_ =	shalt  }
0x71: {  	_ =	shalt  }
0x72: {  	_ =	shalt  }
0x73: {  	_ =	shalt  }
0x74: {  	_ =	shalt  }
0x75: {  	_ =	shalt  }
0x76: {  	_ =	shalt  }
0x77: {  	_ =	shalt  }
0x78: {  	_ =	shalt  }
0x79: {  	_ =	shalt  }
0x7a: {  	_ =	shalt  }
0x7b: {  	_ =	shalt  }
0x7c: {  	_ =	shalt  }
0x7d: {  	_ =	shalt  }
0x7e: {  	_ =	shalt  }
0x7f: {  	_ =	shalt  }
0x80: {  	_ =	shalt  }
0x81: {  	_ =	shalt  }
0x82: {  	_ =	shalt  }
0x83: {  	_ =	shalt  }
0x84: {  	_ =	shalt  }
0x85: {  	_ =	shalt  }
0x86: {  	_ =	shalt  }
0x87: {  	_ =	shalt  }
.Lfunc_end0:
.L_simem_size_0:
called_computation_lowered:
.L_overlay_start_0:
0x88: {  	s2 =	sld [smem:$0x3FD9]  }
0x89: {  	s3 =	sld [smem:$0x3FFE];
	_ =	sdelay $0x1  }
0x8a: {  	s1 =	srdreg.scid  }
0x8b: {  	s0 =	sand.u32 $0x1, s1  }
0x8c: {  	s17 =	sshll.u32 s0, $0xA;
	s2 =	sadd.s32 s3, s2  }
0x8d: {  	s2 =	sadd.s32 s2, s17  }
0x8e: {  	[smem:$0x3FBB] =	sst s2  }
0x8f: {  	_ = 	snop  }
0x90: {  	s18 =	sld [smem:$0x3FD0];
	(tm) =	ssettm $0x1  }
0x91: {  	s19 =	sld [smem:$0x3FFB];
	_ =	sdelay $0x3  }
0x92: {  	_ =	strace s19  }
0x93: {  	s2 =	sld [smem:$0x3FFC];
	_ =	sdelay $0x3  }
0x94: {  	_ =	strace s2  }
0x95: {  	s2 =	sld [smem:$0x3FFD];
	_ =	sdelay $0x3  }
0x96: {  	_ =	strace s2  }
0x97: {  	_ =	strace $0x8FFFFFFF  }
0x98: {  	s20 =	sld [smem:$0x3FDB];
	_ =	sdelay $0x1  }
0x99: {  	s4 =	simm.s32 $_scs_section_size  }
0x9a: {  	s5 =	simm.s32 $_size__tile_overlayer_lowered;
	s6 =	simm.s32 $_tile_overlayer_lowered  }
0x9b: {  	s7 =	simm.s32 $0x1BFF;
	s21 =	sshll.u32 s6, $0x1;
	s4 =	sadd.s32 s4, s20  }
0x9c: {  	s22 =	simm.s32 $0x0;
	s5 =	sshll.u32 s5, $0x1;
	s6 =	sadd.s32 s21, s4  }
0x9d: {  	[timem:s22], [sflag:s7] =	dma.local [hbm:s6], s5  }
0x9e: {  	_ =	swait.ge [sflag:s7], s5  }
0x9f: {  	s5 =	ssub.s32 $0x0, s5;
	[sflag:s7] =	ssyncset.done $0x0  }
0xa0: {  	[sflag:s7] =	ssyncadd.s32 s5;
	_ =	sdelay $0x1  }
0xa1: {  	s23 =	simm.s32 $0x1B8B  }
0xa2: {  	_ =	swait.ge [sflag:s23], $0x1  }
0xa3: {  	[sflag:s23] =	ssyncset.done $0x0  }
0xa4: {  	[sflag:s23] =	ssyncadd.s32 $0xFFFFFFFF  }
0xa5: {  	s5 =	sld [smem:$0x0]  }
0xa6: {  	s6 =	sand.u32 $0xFFFFFFFE, s1  }
0xa7: {  	p0 =	sne.s32 s1, s6  }
0xa8: {  	s6 =	sshll.u32 @p0 s6, $0xE  }
0xa9: {  	s6 =	sadd.s32 @p0 $0x11B8D, s6;
	s7 =	sshll.u32 @p0 s5, $0x11  }
0xaa: {  	s6 =	sor.u32 @p0 s7, s6  }
0xab: {  	[sflag:s6] =	ssyncadd.remote.s32 @p0 $0x1;
	_ =	sdelay $0x1  }
0xac: {  	s6 =	simm.s32 @p0 $0x1B8D  }
0xad: {  	_ =	swait.eq @p0 [sflag:s6], $0x1  }
0xae: {  	[sflag:s6] =	ssyncadd.s32 @p0 $0xFFFFFFFF  }
0xaf: {  	s7 =	sshll.u32 @!p0 s1, $0xE  }
0xb0: {  	s7 =	sor.u32 @!p0 $0x4000, s7;
	s6 =	simm.s32 @!p0 $0x1B8D  }
0xb1: {  	s5 =	sshll.u32 @!p0 s5, $0x11;
	s7 =	sadd.s32 @!p0 $0x11B8D, s7;
	_ =	swait.eq @!p0 [sflag:s6], $0x1  }
0xb2: {  	s5 =	sor.u32 @!p0 s5, s7;
	[sflag:s6] =	ssyncadd.s32 @!p0 $0xFFFFFFFF  }
0xb3: {  	s25 =	simm.s32 $0x1B8E;
	s24 =	sld [smem:$0x3FFE];
	[sflag:s5] =	ssyncadd.remote.s32 @!p0 $0x1  }
0xb4: {  	s26 =	simm.s32 $execute0_lowered;
	[smem:$0x3FD2] =	sst s25  }
0xb5: {  	s6 =	sshll.u32 s26, $0x1;
	_ =	strace $0x80000049;
	[dreg:$0x1] =	wrdreg $0xFFFFFFFF  }
0xb6: {  	s28 =	simm.s32 $_size_execute0_lowered;
	s4 =	sadd.s32 s4, s6;
	[dreg:$0x0] =	wrdreg $0x0  }
0xb7: {  	s6 =	sshll.u32 s28, $0x1;
	[dreg:$0x2] =	wrdreg s4  }
0xb8: {  	[dreg:$0x3] =	wrdreg s6  }
0xb9: {  	[dreg:$0x4] =	wrdreg $0xC0  }
0xba: {  	_ =	task [dreg:s22], $0x5FFFF  }
0xbb: {  	[dreg:$0x1] =	wrdreg $0xFFFFFFFF  }
0xbc: {  	[dreg:$0x0] =	wrdreg $0x60  }
0xbd: {  	[dreg:$0x2] =	wrdreg s18  }
0xbe: {  	[dreg:$0x3] =	wrdreg s24  }
0xbf: {  	[dreg:$0x4] =	wrdreg $0x68000  }
0xc0: {  	[dreg:$0x5] =	wrdreg $0x9  }
0xc1: {  	_ =	task.clear_ibuf [dreg:s22], $0x6FFFF;
	_ =	strace $0x90000049  }
0xc2: {  	s29 =	simm.s32 $0x9;
	_ =	strace $0x8000004B  }
0xc3: {  	_ =	swait.ge [sflag:s29], $0x1  }
0xc4: {  	[sflag:s29] =	ssyncadd.s32 $0xFFFFFFFF  }
0xc5: {  	_ =	strace $0x9000004B  }
0xc6: {  	_ =	sfence  }
0xc7: {  	s30 =	sld [smem:$0x0];
	_ =	sdelay $0x2  }
0xc8: {  	s31 =	sshll.u32 s1, $0xD;
	s1 =	sshrl.u32 s1, $0x2  }
0xc9: {  	s4 =	sand.u32 $0x4000, s31;
	s1 =	sadd.s32 s1, s30  }
0xca: {  	s0 =	sor.u32 s4, s0;
	s1 =	sshll.u32 s1, $0x11  }
0xcb: {  	s0 =	sor.u32 s1, s0  }
0xcc: {  	s0 =	sadd.s32 $0x8F2B, s0  }
0xcd: {  	[sflag:s0] =	ssyncadd.remote.s32 $0x1  }
0xce: {  	_ =	sfence.sel $0xFFFF  }
0xcf: {  	[dreg:$0x0] =	wrdreg $0xFFFFFFFF;
	(pc) =	sbr.abs _section_cstart, $3  }
0xd0: {  	[dreg:$0x1] =	wrdreg $0xFFFFFFFF  }
0xd1: {  	_ =	task.clear_ibuf [dreg:s22], $0x2FFFF;
	_ =	strace $0x9FFFFFFF  }
0xd2: {  	(tm) =	ssettm $0x7FFFFFFF  }
0xd3: {  	_ =	shalt  }
tec
execute0_lowered:
.L_overlay_start_1:
0x0: {  	(tag) =	ssettag $0x1  }
0x1: {  	s5 =	rddreg [dreg:$0x0]  }
0x2: {  	s4 =	rddreg [dreg:$0x1]  }
0x3: {  	s2 =	rddreg [dreg:$0x2]  }
0x4: {  	s0 =	rddreg [dreg:$0x3]  }
0x5: {  	s3 =	simm.s32 $0x0;
	s6 =	srdreg.scid;
	s1 =	stileid.u32  }
0x6: {  	s12 =	simm.s32 $0x2800;
	s13 =	simm.s32 $0x5;
	s14 =	simm.s32 $0x80  }
0x7: {  	s15 =	simm.s32 $0x100;
	s16 =	simm.s32 $0x180;
	s17 =	simm.s32 $0x1  }
0x8: {  	s18 =	simm.s32 $0x2;
	s19 =	simm.s32 $0x3;
	s20 =	simm.s32 $0x4  }
0x9: {  	s23 =	simm.s32 $0x0;
	[smem:$0x7FF] =	sst s3;
	s7 =	smul.u32 $0x2800, s1  }
0xa: {  	s6 =	sand.u32 $0x1, s6;
	s9 =	sshll.u32 s1, $0x1;
	s29 =	smul.u32 $0x50000, s1  }
0xb: {  	s21 =	sshll.u32 s1, $0x6;
	_ =	strace $0x8000004A;
	s8 =	smul.u32 $0x28000, s6  }
0xc: {  	s10 =	ssub.s32 $0x2, s6;
	s6 =	sor.u32 s6, s9;
	s21 =	sor.u32 $0x1C05, s21  }
0xd: {  	s30 =	sshrl.u32 s10, $0x1;
	s6 =	smul.u32 $0x500, s6;
	s7 =	sadd.s32 s7, s8  }
0xe: {  	s31 =	sshrl.u32 s29, $0x2;
	s8 =	ssub.s32 s10, s30;
	s7 =	sadd.s32 s7, s4  }
0xf: {  	s4 =	sadd.s32 s31, s2;
	s5 =	sadd.s32 s5, s6;
	s6 =	sadd.s32 $0xA4E00, s7  }
0x10: {  	s7 =	smax.u32 s8, $0x1;
	s8 =	sadd.s32 $0x4000, s4;
	s9 =	sadd.s32 $0x8000, s4  }
0x11: {  	v0 =	vimm.f32 $0.0e+00;
	v1 =	vimm.f32 $1.000000000e+00;
	s10 =	sadd.s32 $0xC000, s4;
	s11 =	sadd.s32 $0x10000, s4;
	s22 =	sshrl.u32 s4, $0x3  }
.LBB2_1:
0x12: {  	s24 =	simm.s32 $0x0;
	s25 =	simm.s32 $0x200  }
.LBB2_2:
0x13: {  	p0 =	sne.s32 s25, $0xFE00;
	[tilespmem:s24+$0x2870] =	vst v0  }
0x14: {  	[tilespmem:s24+$0x2800] =	vst v0  }
0x15: {  	[tilespmem:s24+$0x2810] =	vst v0  }
.Ltmp0:
0x16: {  	[tilespmem:s24+$0x2820] =	vst v0;
	(pc) =	sbr.rel @p0 .LBB2_2-.Ltmp0, $4  }
0x17: {  	[tilespmem:s24+$0x2830] =	vst v0  }
0x18: {  	[tilespmem:s24+$0x2840] =	vst v0  }
0x19: {  	[tilespmem:s24+$0x2850] =	vst v0  }
0x1a: {  	[tilespmem:s24+$0x2860] =	vst v0;
	s24 =	sshra.s32 s25, $0x2;
	s25 =	sadd.s32 $0x200, s25  }
0x1b: {  	[tilespmem:s24+$0x2870] =	vst v0  }
0x1c: {  	[tilespmem:s24+$0x2800] =	vst v0  }
0x1d: {  	[tilespmem:s24+$0x2810] =	vst v0  }
0x1e: {  	[tilespmem:s24+$0x2820] =	vst v0  }
0x1f: {  	[tilespmem:s24+$0x2830] =	vst v0  }
0x20: {  	[tilespmem:s24+$0x2840] =	vst v0  }
0x21: {  	[tilespmem:s24+$0x2850] =	vst v0  }
0x22: {  	[tilespmem:s24+$0x2860] =	vst v0  }
0x23: {  	[spmem:s4] =	stream.linear.scatter [tilespmem:s12], [sflag:$0x5], $0x4000, $0x38;
	[tilespmem:$0x1A800] =	vst v63  }
0x24: {  	_ =	swait.ge [sflag:s13], $0x4000  }
0x25: {  	[sflag:s13] =	ssyncset.done $0x0  }
0x26: {  	[sflag:s13] =	ssyncadd.s32 $0xFFFFC000  }
0x27: {  	[spmem:s8] =	stream.linear.scatter [tilespmem:s12], [sflag:$0x5], $0x4000, $0x38;
	[tilespmem:$0x1A800] =	vst v63  }
0x28: {  	_ =	swait.ge [sflag:s13], $0x4000  }
0x29: {  	[sflag:s13] =	ssyncset.done $0x0  }
0x2a: {  	[sflag:s13] =	ssyncadd.s32 $0xFFFFC000  }
0x2b: {  	[spmem:s9] =	stream.linear.scatter [tilespmem:s12], [sflag:$0x5], $0x4000, $0x38;
	[tilespmem:$0x1A800] =	vst v63  }
0x2c: {  	_ =	swait.ge [sflag:s13], $0x4000  }
0x2d: {  	[sflag:s13] =	ssyncset.done $0x0  }
0x2e: {  	[sflag:s13] =	ssyncadd.s32 $0xFFFFC000  }
0x2f: {  	[spmem:s10] =	stream.linear.scatter [tilespmem:s12], [sflag:$0x5], $0x4000, $0x38;
	[tilespmem:$0x1A800] =	vst v63  }
0x30: {  	_ =	swait.ge [sflag:s13], $0x4000  }
0x31: {  	[sflag:s13] =	ssyncset.done $0x0  }
0x32: {  	[sflag:s13] =	ssyncadd.s32 $0xFFFFC000  }
0x33: {  	[spmem:s11] =	stream.linear.scatter [tilespmem:s12], [sflag:$0x5], $0x4000, $0x38;
	[tilespmem:$0x1A800] =	vst v63  }
0x34: {  	_ =	swait.ge [sflag:s13], $0x4000  }
0x35: {  	[sflag:s13] =	ssyncset.done $0x0  }
0x36: {  	s24 =	simm.s32 $0x0;
	s25 =	simm.s32 $0x200;
	[sflag:s13] =	ssyncadd.s32 $0xFFFFC000  }
.LBB2_4:
0x37: {  	p0 =	sne.s32 s25, $0xFE00;
	[tilespmem:s24+$0x2870] =	vst v1  }
0x38: {  	[tilespmem:s24+$0x2800] =	vst v1  }
0x39: {  	[tilespmem:s24+$0x2810] =	vst v1  }
.Ltmp1:
0x3a: {  	[tilespmem:s24+$0x2820] =	vst v1;
	(pc) =	sbr.rel @p0 .LBB2_4-.Ltmp1, $4  }
0x3b: {  	[tilespmem:s24+$0x2830] =	vst v1  }
0x3c: {  	[tilespmem:s24+$0x2840] =	vst v1  }
0x3d: {  	[tilespmem:s24+$0x2850] =	vst v1  }
0x3e: {  	[tilespmem:s24+$0x2860] =	vst v1;
	s24 =	sshra.s32 s25, $0x2;
	s25 =	sadd.s32 $0x200, s25  }
0x3f: {  	[tilespmem:s24+$0x2870] =	vst v1  }
0x40: {  	[tilespmem:s24+$0x2800] =	vst v1  }
0x41: {  	[tilespmem:s24+$0x2810] =	vst v1  }
0x42: {  	[tilespmem:s24+$0x2820] =	vst v1  }
0x43: {  	[tilespmem:s24+$0x2830] =	vst v1  }
0x44: {  	[tilespmem:s24+$0x2840] =	vst v1  }
0x45: {  	[tilespmem:s24+$0x2850] =	vst v1  }
0x46: {  	[tilespmem:s24+$0x2860] =	vst v1  }
0x47: {  	[tilespmem:s3], [sflag:$0x5] =	stream.linear.gather [hbm4b:s5+s3], $0x2800, $0x38;
	[tilespmem:$0x1A800] =	vst v63  }
0x48: {  	_ =	swait.ge [sflag:s13], $0x2800  }
0x49: {  	[sflag:s13] =	ssyncset.done $0x0  }
0x4a: {  	[sflag:s13] =	ssyncadd.s32 $0xFFFFD800  }
0x4b: {  	[bflag:$0x0] =	sbarrier.arrive $0xFFFF  }
0x4c: {  	[spmem:s2] =	stream.indirect.scatter.add.f32 [tilespmem:s12], [sflag:$0x1], $0x80, s3, s14, $0xb8;
	[tilespmem:$0x1A800] =	vst v63  }
0x4d: {  	_ = 	snop  }
0x4e: {  	[spmem:s2] =	stream.indirect.scatter.add.f32 [tilespmem:s12], [sflag:$0x2], $0x80, s14, s14, $0xb8;
	[tilespmem:$0x1A800] =	vst v63  }
0x4f: {  	_ = 	snop  }
0x50: {  	[spmem:s2] =	stream.indirect.scatter.add.f32 [tilespmem:s12], [sflag:$0x3], $0x80, s15, s14, $0xb8;
	[tilespmem:$0x1A800] =	vst v63  }
0x51: {  	_ = 	snop  }
0x52: {  	[spmem:s2] =	stream.indirect.scatter.add.f32 [tilespmem:s12], [sflag:$0x4], $0x80, s16, s14, $0xb8;
	[tilespmem:$0x1A800] =	vst v63  }
0x53: {  	_ =	swait.ge [sflag:s17], $0x4000  }
0x54: {  	[sflag:s17] =	ssyncset.done $0x0  }
0x55: {  	s29 =	simm.s32 $0x200;
	[sflag:s17] =	ssyncadd.s32 $0xFFFFC000  }
0x56: {  	[spmem:s2] =	stream.indirect.scatter.add.f32 [tilespmem:s12], [sflag:$0x1], $0x80, s29, s14, $0xb8;
	[tilespmem:$0x1A800] =	vst v63  }
0x57: {  	_ =	swait.ge [sflag:s18], $0x4000  }
0x58: {  	[sflag:s18] =	ssyncset.done $0x0  }
0x59: {  	s30 =	simm.s32 $0x280;
	[sflag:s18] =	ssyncadd.s32 $0xFFFFC000  }
0x5a: {  	[spmem:s2] =	stream.indirect.scatter.add.f32 [tilespmem:s12], [sflag:$0x2], $0x80, s30, s14, $0xb8;
	[tilespmem:$0x1A800] =	vst v63  }
0x5b: {  	_ =	swait.ge [sflag:s19], $0x4000  }
0x5c: {  	[sflag:s19] =	ssyncset.done $0x0  }
0x5d: {  	s31 =	simm.s32 $0x300;
	[sflag:s19] =	ssyncadd.s32 $0xFFFFC000  }
0x5e: {  	[spmem:s2] =	stream.indirect.scatter.add.f32 [tilespmem:s12], [sflag:$0x3], $0x80, s31, s14, $0xb8;
	[tilespmem:$0x1A800] =	vst v63  }
0x5f: {  	_ =	swait.ge [sflag:s20], $0x4000  }
0x60: {  	[sflag:s20] =	ssyncset.done $0x0  }
0x61: {  	s24 =	simm.s32 $0xFFFF7000;
	s25 =	simm.s32 $0x380;
	[sflag:s20] =	ssyncadd.s32 $0xFFFFC000  }
.LBB2_6:
0x62: {  	[spmem:s2] =	stream.indirect.scatter.add.f32 [tilespmem:s12], [sflag:$0x4], $0x80, s25, s14, $0xb8;
	[tilespmem:$0x1A800] =	vst v63  }
0x63: {  	s25 =	smov.u32 s24  }
0x64: {  	p0 =	sne.s32 s24, $0xFFFFF800;
	s24 =	sadd.s32 $0x800, s24;
	_ =	swait.ge [sflag:s17], $0x4000  }
0x65: {  	s25 =	sshra.s32 s25, $0x2;
	[sflag:s17] =	ssyncset.done $0x0  }
0x66: {  	s26 =	sadd.s32 $0x2800, s25;
	[sflag:s17] =	ssyncadd.s32 $0xFFFFC000  }
0x67: {  	[spmem:s2] =	stream.indirect.scatter.add.f32 [tilespmem:s12], [sflag:$0x1], $0x80, s26, s14, $0xb8;
	[tilespmem:$0x1A800] =	vst v63  }
0x68: {  	_ =	swait.ge [sflag:s18], $0x4000  }
0x69: {  	[sflag:s18] =	ssyncset.done $0x0  }
0x6a: {  	s26 =	sadd.s32 $0x2880, s25;
	[sflag:s18] =	ssyncadd.s32 $0xFFFFC000  }
0x6b: {  	[spmem:s2] =	stream.indirect.scatter.add.f32 [tilespmem:s12], [sflag:$0x2], $0x80, s26, s14, $0xb8;
	[tilespmem:$0x1A800] =	vst v63  }
0x6c: {  	_ =	swait.ge [sflag:s19], $0x4000  }
0x6d: {  	[sflag:s19] =	ssyncset.done $0x0  }
.Ltmp2:
0x6e: {  	s26 =	sadd.s32 $0x2900, s25;
	[sflag:s19] =	ssyncadd.s32 $0xFFFFC000;
	(pc) =	sbr.rel @p0 .LBB2_6-.Ltmp2, $4  }
0x6f: {  	[spmem:s2] =	stream.indirect.scatter.add.f32 [tilespmem:s12], [sflag:$0x3], $0x80, s26, s14, $0xb8;
	[tilespmem:$0x1A800] =	vst v63  }
0x70: {  	_ =	swait.ge [sflag:s20], $0x4000  }
0x71: {  	[sflag:s20] =	ssyncset.done $0x0  }
0x72: {  	s25 =	sadd.s32 $0x2980, s25;
	[sflag:s20] =	ssyncadd.s32 $0xFFFFC000  }
0x73: {  	[spmem:s2] =	stream.indirect.scatter.add.f32 [tilespmem:s12], [sflag:$0x4], $0x80, s25, s14, $0xb8;
	[tilespmem:$0x1A800] =	vst v63  }
0x74: {  	_ =	swait.ge [sflag:s17], $0x4000  }
0x75: {  	[sflag:s17] =	ssyncset.done $0x0  }
0x76: {  	[sflag:s17] =	ssyncadd.s32 $0xFFFFC000  }
0x77: {  	_ =	swait.ge [sflag:s18], $0x4000  }
0x78: {  	[sflag:s18] =	ssyncset.done $0x0  }
0x79: {  	[sflag:s18] =	ssyncadd.s32 $0xFFFFC000  }
0x7a: {  	_ =	swait.ge [sflag:s19], $0x4000  }
0x7b: {  	[sflag:s19] =	ssyncset.done $0x0  }
0x7c: {  	[sflag:s19] =	ssyncadd.s32 $0xFFFFC000  }
0x7d: {  	_ =	swait.ge [sflag:s20], $0x4000  }
0x7e: {  	s23 =	sadd.s32 $0x1, s23;
	[sflag:s20] =	ssyncset.done $0x0  }
0x7f: {  	p0 =	sne.s32 s23, s7;
	[sflag:s20] =	ssyncadd.s32 $0xFFFFC000  }
.Ltmp3:
0x80: {  	[bflag:$0x0] =	sbarrier.arrive $0xFFFF;
	(pc) =	sbr.rel @p0 .LBB2_1-.Ltmp3, $4  }
0x81: {  	[hbm:s6], [sflag:s21] =	dma.local [spmem:s22], $0x2800  }
0x82: {  	_ =	swait.ge [sflag:s13], $0x2800  }
0x83: {  	[sflag:s13] =	ssyncset.done $0x0  }
0x84: {  	[sflag:s13] =	ssyncadd.s32 $0xFFFFD800  }
0x85: {  	_ =	sfence.sel $0x180000  }
0x86: {  	[bflag:$0x0] =	sbarrier.arrive $0xFFFF  }
0x87: {  	p0 =	sne.s32 s1, $0x0;
	_ =	strace $0x9000004A  }
0x88: {  	s0 =	sadd.s32 @!p0 $0x100000, s0;
	[bflag:$0x2] =	sbarrier.arrive $0xFFFF  }
0x89: {  	[sflag:s0] =	ssyncadd.tile.s32 @!p0 $0x1;
	_ =	shalt  }
.Lfunc_end2:
_tile_overlayer_lowered:
.L_overlay_start_2:
0x8a: {  	(tag) =	ssettag $0x2  }
0x8b: {  	s0 =	rddreg [dreg:$0x0];
	s2 =	stileid.u32  }
0x8c: {  	s1 =	rddreg [dreg:$0x1];
	p0 =	sne.s32 s2, $0x0  }
0x8d: {  	s3 =	rddreg [dreg:$0x2];
	[bflag:$0x3] =	sbarrier.arrive $0xFFFF;
	s2 =	simm.s32 @!p0 $0x1C05  }
0x8e: {  	[timem:s3], [sflag:s2] =	dma.local @!p0 [hbm:s0], s1  }
0x8f: {  	s0 =	simm.s32 @!p0 $0x5  }
0x90: {  	_ =	swait.ge @!p0 [sflag:s0], s1  }
0x91: {  	s1 =	ssub.s32 @!p0 $0x0, s1;
	[sflag:s0] =	ssyncset.done @!p0 $0x0  }
0x92: {  	[sflag:s0] =	ssyncadd.s32 @!p0 s1  }
0x93: {  	[bflag:$0x3] =	sbarrier.arrive $0xFFFF  }
0x94: {  	_ =	shalt  }

// kernel: kernel.13.cloned.1.call-start
scs
__scs_entry_jumppad:
0x0: {  	(pc) =	sbr.rel $0x88, $3  }
0x1: {  	(tag) =	ssettag $0x0;
	lr =	simm.s32 $0x1  }
0x2: {  	[smem:$0x3F94] =	sst lr;
	_ =	strace $0xD0000000  }
0x3: {  	_ = 	snop  }
0x4: {  	_ = 	snop  }
0x5: {  	_ = 	snop  }
0x6: {  	_ = 	snop  }
0x7: {  	_ = 	snop  }
__scs_overlays_trampoline_lowered:
0x8: {  	[smem:$0x3FA3] =	sst s0  }
0x9: {  	[smem:$0x3FA4] =	sst s1  }
0xa: {  	[smem:$0x3FA5] =	sst s2  }
0xb: {  	[smem:$0x3FA6] =	sst s3  }
0xc: {  	[smem:$0x3FA7] =	sst s4  }
0xd: {  	[smem:$0x3FA8] =	sst s5  }
0xe: {  	[smem:$0x3FA9] =	sst s6  }
0xf: {  	[smem:$0x3FAA] =	sst s7  }
0x10: {  	[smem:$0x3FAB] =	sst s8  }
0x11: {  	[smem:$0x3FAC] =	sst s9;
	s0 =	simm.s32 @!p0 $0x0  }
0x12: {  	s1 =	sld [smem:$0x3F92];
	s0 =	simm.s32 @p0 $0x1  }
0x13: {  	[smem:$0x3FAD] =	sst s0;
	s0 =	simm.s32 @!p1 $0x0  }
0x14: {  	s2 =	sld [smem:$0x3F91];
	s0 =	simm.s32 @p1 $0x1  }
0x15: {  	[smem:$0x3FAE] =	sst s0;
	s0 =	simm.s32 @!p2 $0x0  }
0x16: {  	s3 =	sld [smem:$0x3FDB];
	s0 =	simm.s32 @p2 $0x1  }
0x17: {  	s4 =	simm.s32 $0x1BF5;
	[smem:$0x3FB0] =	sst s0  }
0x18: {  	s0 =	sld [smem:$0x3F93];
	_ =	swait.ge [sflag:s4], $0x0  }
0x19: {  	s7 =	sld [smem:$0x3F94]  }
0x1a: {  	s8 =	sadd.s32 $0xFFFFE003, lr  }
0x1b: {  	s9 =	sadd.s32 $0xFFFFFEF7, lr;
	s5 =	simm.s32 $0xFFFFFFFF;
	p2 =	slt.u32 s8, $0xFFFFF086  }
0x1c: {  	p1 =	slt.u32 s9, $0xF7A;
	s5 =	simm.s32 @!p2 $0x0  }
0x1d: {  	s5 =	simm.s32 @p1 $0x1;
	p0 =	seq.s32 s7, s2  }
0x1e: {  	s7 =	smul.u32 @!p0 $0xF7A, s2;
	p2 =	seq.s32 @!p0 s5, $0x0  }
0x1f: {  	s9 =	smul.u32 $0xF7A, s1;
	s8 =	simm.s32 @!p0 $0x1BF5;
	p2 =	por !p2, p0  }
0x20: {  	[sflag:s8] =	ssyncset.s32 @!p0 $0xFFFFF086;
	s6 =	sadd.s32 @!p0 s3, s7;
	s7 =	simm.s32 @!p0 $0x108  }
0x21: {  	s3 =	sadd.s32 s3, s9;
	s6 =	sadd.s32 @!p0 $0x88, s6;
	s7 =	simm.s32 @p2 $0x1082  }
0x22: {  	[simem:s7], [sflag:s8] =	dma.local @!p0 [hbm:s6], $0xF7A  }
0x23: {  	s9 =	sor.u32 $0xD0000000, s2;
	s6 =	simm.s32 $0x108;
	_ =	swait.ge @!p0 [sflag:s8], $0x0  }
0x24: {  	s3 =	sadd.s32 $0x88, s3;
	s6 =	simm.s32 @!p1 $0x1082;
	[sflag:s4] =	ssyncset.s32 $0xFFFFF086  }
0x25: {  	[simem:s6], [sflag:s4] =	dma.local [hbm:s3], $0xF7A  }
0x26: {  	[smem:$0x3F94] =	sst s1;
	(tag) =	ssettag s2;
	_ =	strace s9  }
0x27: {  	s1 =	sld [smem:$0x3FA4]  }
0x28: {  	s2 =	sld [smem:$0x3FA5]  }
0x29: {  	s4 =	sld [smem:$0x3FA7]  }
0x2a: {  	p0 =	seq.s32 s5, $0x0;
	s5 =	sld [smem:$0x3FA8]  }
0x2b: {  	s6 =	sld [smem:$0x3FA9]  }
0x2c: {  	s7 =	sld [smem:$0x3FAA]  }
0x2d: {  	s3 =	simm.s32 $0x108;
	s8 =	sld [smem:$0x3FAB]  }
0x2e: {  	s3 =	simm.s32 @!p0 $0x1082;
	s9 =	sld [smem:$0x3FAC]  }
0x2f: {  	lr =	sadd.s32 s0, s3;
	s0 =	sld [smem:$0x3FA3]  }
0x30: {  	s3 =	sld [smem:$0x3FA6]  }
0x31: {  	[smem:$0x3FAF] =	sst s10  }
0x32: {  	s10 =	sld [smem:$0x3FAD];
	_ =	sdelay $0x3  }
0x33: {  	p0 =	seq.s32 s10, $0x1;
	s10 =	sld [smem:$0x3FAF];
	_ =	sdelay $0x3  }
0x34: {  	[smem:$0x3FAF] =	sst s10  }
0x35: {  	s10 =	sld [smem:$0x3FAE];
	_ =	sdelay $0x3  }
0x36: {  	p1 =	seq.s32 s10, $0x1;
	s10 =	sld [smem:$0x3FAF];
	_ =	sdelay $0x3  }
0x37: {  	[smem:$0x3FAF] =	sst s10  }
0x38: {  	s10 =	sld [smem:$0x3FB0]  }
0x39: {  	_ = 	snop;
	(pc) =	sbr.ind lr, $3  }
0x3a: {  	_ = 	snop  }
0x3b: {  	_ = 	snop  }
0x3c: {  	p2 =	seq.s32 s10, $0x1;
	s10 =	sld [smem:$0x3FAF]  }
0x3d: {  	_ =	shalt  }
0x3e: {  	_ =	shalt  }
0x3f: {  	_ =	shalt  }
0x40: {  	_ =	shalt  }
0x41: {  	_ =	shalt  }
0x42: {  	_ =	shalt  }
0x43: {  	_ =	shalt  }
0x44: {  	_ =	shalt  }
0x45: {  	_ =	shalt  }
0x46: {  	_ =	shalt  }
0x47: {  	_ =	shalt  }
0x48: {  	_ =	shalt  }
0x49: {  	_ =	shalt  }
0x4a: {  	_ =	shalt  }
0x4b: {  	_ =	shalt  }
0x4c: {  	_ =	shalt  }
0x4d: {  	_ =	shalt  }
0x4e: {  	_ =	shalt  }
0x4f: {  	_ =	shalt  }
0x50: {  	_ =	shalt  }
0x51: {  	_ =	shalt  }
0x52: {  	_ =	shalt  }
0x53: {  	_ =	shalt  }
0x54: {  	_ =	shalt  }
0x55: {  	_ =	shalt  }
0x56: {  	_ =	shalt  }
0x57: {  	_ =	shalt  }
0x58: {  	_ =	shalt  }
0x59: {  	_ =	shalt  }
0x5a: {  	_ =	shalt  }
0x5b: {  	_ =	shalt  }
0x5c: {  	_ =	shalt  }
0x5d: {  	_ =	shalt  }
0x5e: {  	_ =	shalt  }
0x5f: {  	_ =	shalt  }
0x60: {  	_ =	shalt  }
0x61: {  	_ =	shalt  }
0x62: {  	_ =	shalt  }
0x63: {  	_ =	shalt  }
0x64: {  	_ =	shalt  }
0x65: {  	_ =	shalt  }
0x66: {  	_ =	shalt  }
0x67: {  	_ =	shalt  }
0x68: {  	_ =	shalt  }
0x69: {  	_ =	shalt  }
0x6a: {  	_ =	shalt  }
0x6b: {  	_ =	shalt  }
0x6c: {  	_ =	shalt  }
0x6d: {  	_ =	shalt  }
0x6e: {  	_ =	shalt  }
0x6f: {  	_ =	shalt  }
0x70: {  	_ =	shalt  }
0x71: {  	_ =	shalt  }
0x72: {  	_ =	shalt  }
0x73: {  	_ =	shalt  }
0x74: {  	_ =	shalt  }
0x75: {  	_ =	shalt  }
0x76: {  	_ =	shalt  }
0x77: {  	_ =	shalt  }
0x78: {  	_ =	shalt  }
0x79: {  	_ =	shalt  }
0x7a: {  	_ =	shalt  }
0x7b: {  	_ =	shalt  }
0x7c: {  	_ =	shalt  }
0x7d: {  	_ =	shalt  }
0x7e: {  	_ =	shalt  }
0x7f: {  	_ =	shalt  }
0x80: {  	_ =	shalt  }
0x81: {  	_ =	shalt  }
0x82: {  	_ =	shalt  }
0x83: {  	_ =	shalt  }
0x84: {  	_ =	shalt  }
0x85: {  	_ =	shalt  }
0x86: {  	_ =	shalt  }
0x87: {  	_ =	shalt  }
.Lfunc_end0:
.L_simem_size_0:
called_computation.1_lowered:
.L_overlay_start_0:
0x88: {  	s2 =	sld [smem:$0x3FD9]  }
0x89: {  	s3 =	sld [smem:$0x3FFE];
	_ =	sdelay $0x1  }
0x8a: {  	s1 =	srdreg.scid  }
0x8b: {  	s0 =	sand.u32 $0x1, s1  }
0x8c: {  	s17 =	sshll.u32 s0, $0xA;
	s2 =	sadd.s32 s3, s2  }
0x8d: {  	s2 =	sadd.s32 s2, s17  }
0x8e: {  	[smem:$0x3FBB] =	sst s2  }
0x8f: {  	_ = 	snop  }
0x90: {  	s2 =	sld [smem:$0x3FC9];
	(tm) =	ssettm $0x1  }
0x91: {  	s18 =	sld [smem:$0x3FFB];
	_ =	sdelay $0x3  }
0x92: {  	_ =	strace s18  }
0x93: {  	s3 =	sld [smem:$0x3FFC];
	_ =	sdelay $0x3  }
0x94: {  	_ =	strace s3  }
0x95: {  	s3 =	sld [smem:$0x3FFD];
	_ =	sdelay $0x3  }
0x96: {  	_ =	strace s3  }
0x97: {  	_ =	strace $0x8FFFFFFF  }
0x98: {  	s19 =	sld [smem:$0x3FDB];
	_ =	sdelay $0x1  }
0x99: {  	s4 =	simm.s32 $_scs_section_size  }
0x9a: {  	s5 =	simm.s32 $_size__tile_overlayer_lowered;
	s6 =	simm.s32 $_tile_overlayer_lowered  }
0x9b: {  	s22 =	simm.s32 $0x1BFF;
	s21 =	sshll.u32 s6, $0x1;
	s3 =	sadd.s32 s4, s19  }
0x9c: {  	s7 =	simm.s32 $0x0;
	s20 =	sshll.u32 s5, $0x1;
	s5 =	sadd.s32 s21, s3  }
0x9d: {  	[timem:s7], [sflag:s22] =	dma.local [hbm:s5], s20  }
0x9e: {  	_ =	swait.ge [sflag:s22], s20  }
0x9f: {  	s4 =	ssub.s32 $0x0, s20;
	[sflag:s22] =	ssyncset.done $0x0  }
0xa0: {  	[sflag:s22] =	ssyncadd.s32 s4;
	_ =	sdelay $0x1  }
0xa1: {  	s23 =	simm.s32 $0x1B8B  }
0xa2: {  	_ =	swait.ge [sflag:s23], $0x1  }
0xa3: {  	[sflag:s23] =	ssyncset.done $0x0  }
0xa4: {  	s25 =	simm.s32 $0x1B8E;
	s24 =	sld [smem:$0x3FFE];
	[sflag:s23] =	ssyncadd.s32 $0xFFFFFFFF  }
0xa5: {  	s26 =	simm.s32 $execute0_lowered;
	[smem:$0x3FD2] =	sst s25  }
0xa6: {  	s5 =	sshll.u32 s26, $0x1;
	_ =	strace $0x80000046;
	[dreg:$0x1] =	wrdreg $0xFFFFFFFF  }
0xa7: {  	s28 =	simm.s32 $_size_execute0_lowered;
	s3 =	sadd.s32 s3, s5;
	[dreg:$0x0] =	wrdreg $0x0  }
0xa8: {  	s5 =	sshll.u32 s28, $0x1;
	[dreg:$0x2] =	wrdreg s3  }
0xa9: {  	[dreg:$0x3] =	wrdreg s5  }
0xaa: {  	[dreg:$0x4] =	wrdreg $0xC0  }
0xab: {  	_ =	task [dreg:s7], $0x5FFFF  }
0xac: {  	[dreg:$0x1] =	wrdreg $0xFFFFFFFF  }
0xad: {  	[dreg:$0x0] =	wrdreg $0x60  }
0xae: {  	[dreg:$0x2] =	wrdreg s2  }
0xaf: {  	[dreg:$0x3] =	wrdreg s24  }
0xb0: {  	[dreg:$0x4] =	wrdreg $0x24000  }
0xb1: {  	[dreg:$0x5] =	wrdreg $0x15C800  }
0xb2: {  	[dreg:$0x6] =	wrdreg $0xA  }
0xb3: {  	_ =	task.clear_ibuf [dreg:s7], $0x7FFFF;
	_ =	strace $0x90000046  }
0xb4: {  	s29 =	simm.s32 $0xA;
	_ =	strace $0x80000048  }
0xb5: {  	_ =	swait.ge [sflag:s29], $0x1  }
0xb6: {  	[sflag:s29] =	ssyncadd.s32 $0xFFFFFFFF  }
0xb7: {  	_ =	strace $0x90000048  }
0xb8: {  	_ =	sfence  }
0xb9: {  	s30 =	sld [smem:$0x0];
	_ =	sdelay $0x2  }
0xba: {  	s31 =	sshll.u32 s1, $0xD;
	s1 =	sshrl.u32 s1, $0x2  }
0xbb: {  	s3 =	sand.u32 $0x4000, s31;
	s1 =	sadd.s32 s1, s30  }
0xbc: {  	s0 =	sor.u32 s3, s0;
	s1 =	sshll.u32 s1, $0x11  }
0xbd: {  	s0 =	sor.u32 s1, s0  }
0xbe: {  	s0 =	sadd.s32 $0x8F2B, s0  }
0xbf: {  	[sflag:s0] =	ssyncadd.remote.s32 $0x1  }
0xc0: {  	_ =	sfence.sel $0xFFFF  }
0xc1: {  	[dreg:$0x0] =	wrdreg $0xFFFFFFFF;
	(pc) =	sbr.abs _section_cstart, $3  }
0xc2: {  	[dreg:$0x1] =	wrdreg $0xFFFFFFFF  }
0xc3: {  	_ =	task.clear_ibuf [dreg:s7], $0x2FFFF;
	_ =	strace $0x9FFFFFFF  }
0xc4: {  	(tm) =	ssettm $0x7FFFFFFF  }
0xc5: {  	_ =	shalt  }
tec
execute0_lowered:
.L_overlay_start_1:
0x0: {  	(tag) =	ssettag $0x1  }
0x1: {  	s0 =	rddreg [dreg:$0x0]  }
0x2: {  	s6 =	rddreg [dreg:$0x1]  }
0x3: {  	s1 =	rddreg [dreg:$0x2]  }
0x4: {  	s2 =	rddreg [dreg:$0x3];
	s4 =	srdreg.scid  }
0x5: {  	s8 =	stileid.u32;
	s3 =	simm.s32 $0x0;
	s28 =	simm.s32 $0x200  }
0x6: {  	s29 =	simm.s32 $0x20;
	s30 =	simm.s32 $0x280;
	s7 =	smul.u32 $0x140, s8  }
0x7: {  	s31 =	simm.s32 $0x1400;
	s10 =	sand.u32 $0x1, s4;
	s11 =	smul.u32 $0x4E000, s8  }
0x8: {  	[smem:$0x7FF] =	sst s3;
	s4 =	sadd.s32 $0x2CE00, s6;
	s12 =	smul.u32 $0x2700, s8  }
0x9: {  	s5 =	sadd.s32 $0x4E00, s6;
	s23 =	smul.u32 $0x28000, s8;
	s25 =	sshll.u32 s8, $0x6  }
0xa: {  	s18 =	smul.u32 $0x2800, s8;
	p0 =	sne.s32 s8, $0x0;
	s8 =	simm.s32 $0x300  }
0xb: {  	s9 =	smul.u32 $0x2800, s10;
	_ =	strace $0x80000047;
	s20 =	ssub.s32 $0x2, s10  }
0xc: {  	s21 =	sshrl.u32 s20, $0x1;
	s22 =	sshrl.u32 s11, $0x2;
	s24 =	sadd.s32 s0, s12  }
0xd: {  	s12 =	sadd.s32 $0x138000, s1;
	s0 =	sadd.s32 $0x27000, s0;
	s7 =	sadd.s32 s7, s9  }
0xe: {  	s13 =	ssub.s32 s20, s21;
	s11 =	sadd.s32 s22, s1;
	[dreg:$0x5] =	wrdreg s24  }
0xf: {  	s9 =	sshrl.u32 s23, $0x2;
	[dreg:$0x6] =	wrdreg s0;
	s22 =	smul.u32 $0x1400, s10  }
0x10: {  	s0 =	sshrl.u32 @!p0 s12, $0x3;
	s10 =	simm.s32 $0x2;
	s12 =	simm.s32 $0x4  }
0x11: {  	s9 =	sadd.s32 s9, s2;
	s15 =	smax.u32 s13, $0x1;
	[dreg:$0x12] =	wrdreg s0  }
0x12: {  	s7 =	sshll.u32 s7, $0x4;
	[dreg:$0x9] =	wrdreg s15;
	s16 =	sadd.s32 $0x2000, s9  }
0x13: {  	s0 =	simm.s32 $0x1;
	s17 =	sadd.s32 $0x3000, s9;
	[dreg:$0xa] =	wrdreg s16  }
0x14: {  	s13 =	simm.s32 $0x180;
	s20 =	sadd.s32 $0x4000, s9;
	[dreg:$0xb] =	wrdreg s17  }
0x15: {  	s6 =	sadd.s32 s7, s6;
	s21 =	sadd.s32 $0x5000, s9;
	[dreg:$0xc] =	wrdreg s20  }
0x16: {  	s7 =	sor.u32 $0x1C05, s25;
	s23 =	sadd.s32 $0x6000, s9;
	[dreg:$0xd] =	wrdreg s21  }
0x17: {  	s19 =	sadd.s32 $0x1000, s9;
	s24 =	sadd.s32 $0x7000, s9;
	[dreg:$0xe] =	wrdreg s23  }
0x18: {  	s25 =	sadd.s32 $0x8000, s9;
	s26 =	sadd.s32 $0x54E00, s6;
	[dreg:$0xf] =	wrdreg s24  }
0x19: {  	s14 =	sadd.s32 $0x68E00, s6;
	[dreg:$0x10] =	wrdreg s25;
	s21 =	sadd.s32 s22, s18  }
0x1a: {  	s22 =	sadd.s32 $0x9000, s9;
	s24 =	simm.s32 $0x5;
	s6 =	simm.s32 $0x3  }
0x1b: {  	s23 =	simm.s32 $0x380;
	s25 =	simm.s32 $0x100;
	[dreg:$0x7] =	wrdreg s26  }
0x1c: {  	[dreg:$0x8] =	wrdreg s14;
	s26 =	sshrl.u32 s11, $0x3;
	s11 =	simm.s32 $0x80  }
0x1d: {  	v0 =	vimm.f32 $0.0e+00;
	s14 =	simm.s32 $0x0;
	[dreg:$0x11] =	wrdreg s26;
	s26 =	simm.s32 $0x400  }
.LBB2_1:
0x1e: {  	s15 =	rddreg [dreg:$0x5]  }
0x1f: {  	s16 =	rddreg [dreg:$0x11]  }
0x20: {  	[spmem:s16], [sflag:s7] =	dma.local [hbm:s15], $0x2700  }
0x21: {  	_ =	swait.ge [sflag:s24], $0x2700  }
0x22: {  	[sflag:s24] =	ssyncset.done $0x0;
	s15 =	rddreg [dreg:$0x6]  }
0x23: {  	s16 =	rddreg [dreg:$0x12];
	[sflag:s24] =	ssyncadd.s32 $0xFFFFD900  }
0x24: {  	[spmem:s16], [sflag:s7] =	dma.local @!p0 [hbm:s15], $0x100  }
0x25: {  	s15 =	simm.s32 @!p0 $0x5  }
0x26: {  	_ =	swait.ge @!p0 [sflag:s15], $0x100  }
0x27: {  	[sflag:s15] =	ssyncset.done @!p0 $0x0  }
0x28: {  	s16 =	simm.s32 $0x200;
	[sflag:s15] =	ssyncadd.s32 @!p0 $0xFFFFFF00;
	s15 =	simm.s32 $0x0  }
.LBB2_2:
0x29: {  	p1 =	sne.s32 s16, $0x3E00;
	[tilespmem:s15+$0x470] =	vst v0  }
0x2a: {  	[tilespmem:s15+$0x400] =	vst v0  }
0x2b: {  	[tilespmem:s15+$0x410] =	vst v0  }
.Ltmp0:
0x2c: {  	[tilespmem:s15+$0x420] =	vst v0;
	(pc) =	sbr.rel @p1 .LBB2_2-.Ltmp0, $4  }
0x2d: {  	[tilespmem:s15+$0x430] =	vst v0  }
0x2e: {  	[tilespmem:s15+$0x440] =	vst v0  }
0x2f: {  	[tilespmem:s15+$0x450] =	vst v0  }
0x30: {  	[tilespmem:s15+$0x460] =	vst v0;
	s15 =	sshra.s32 s16, $0x2;
	s16 =	sadd.s32 $0x200, s16  }
0x31: {  	[tilespmem:s15+$0x470] =	vst v0  }
0x32: {  	[tilespmem:s15+$0x400] =	vst v0  }
0x33: {  	[tilespmem:s15+$0x410] =	vst v0  }
0x34: {  	[tilespmem:s15+$0x420] =	vst v0  }
0x35: {  	[tilespmem:s15+$0x430] =	vst v0  }
0x36: {  	[tilespmem:s15+$0x440] =	vst v0  }
0x37: {  	[tilespmem:s15+$0x450] =	vst v0  }
0x38: {  	[tilespmem:s15+$0x460] =	vst v0  }
0x39: {  	[spmem:s9] =	stream.linear.scatter [tilespmem:s26], [sflag:$0x5], $0x1000, $0x38;
	[tilespmem:$0x1FC80] =	vst v63  }
0x3a: {  	_ =	swait.ge [sflag:s24], $0x1000  }
0x3b: {  	[sflag:s24] =	ssyncset.done $0x0  }
0x3c: {  	[sflag:s24] =	ssyncadd.s32 $0xFFFFF000  }
0x3d: {  	[spmem:s19] =	stream.linear.scatter [tilespmem:s26], [sflag:$0x5], $0x1000, $0x38;
	[tilespmem:$0x1FC80] =	vst v63  }
0x3e: {  	_ =	swait.ge [sflag:s24], $0x1000  }
0x3f: {  	[sflag:s24] =	ssyncset.done $0x0  }
0x40: {  	s20 =	rddreg [dreg:$0xa];
	[sflag:s24] =	ssyncadd.s32 $0xFFFFF000  }
0x41: {  	[spmem:s20] =	stream.linear.scatter [tilespmem:s26], [sflag:$0x5], $0x1000, $0x38;
	[tilespmem:$0x1FC80] =	vst v63  }
0x42: {  	_ =	swait.ge [sflag:s24], $0x1000  }
0x43: {  	[sflag:s24] =	ssyncset.done $0x0  }
0x44: {  	s16 =	rddreg [dreg:$0xb];
	[sflag:s24] =	ssyncadd.s32 $0xFFFFF000  }
0x45: {  	[spmem:s16] =	stream.linear.scatter [tilespmem:s26], [sflag:$0x5], $0x1000, $0x38;
	[tilespmem:$0x1FC80] =	vst v63  }
0x46: {  	_ =	swait.ge [sflag:s24], $0x1000  }
0x47: {  	[sflag:s24] =	ssyncset.done $0x0  }
0x48: {  	s17 =	rddreg [dreg:$0xc];
	[sflag:s24] =	ssyncadd.s32 $0xFFFFF000  }
0x49: {  	[spmem:s17] =	stream.linear.scatter [tilespmem:s26], [sflag:$0x5], $0x1000, $0x38;
	[tilespmem:$0x1FC80] =	vst v63  }
0x4a: {  	_ =	swait.ge [sflag:s24], $0x1000  }
0x4b: {  	[sflag:s24] =	ssyncset.done $0x0  }
0x4c: {  	s18 =	rddreg [dreg:$0xd];
	[sflag:s24] =	ssyncadd.s32 $0xFFFFF000  }
0x4d: {  	[spmem:s18] =	stream.linear.scatter [tilespmem:s26], [sflag:$0x5], $0x1000, $0x38;
	[tilespmem:$0x1FC80] =	vst v63  }
0x4e: {  	_ =	swait.ge [sflag:s24], $0x1000  }
0x4f: {  	[sflag:s24] =	ssyncset.done $0x0  }
0x50: {  	s20 =	rddreg [dreg:$0xe];
	[sflag:s24] =	ssyncadd.s32 $0xFFFFF000  }
0x51: {  	[spmem:s20] =	stream.linear.scatter [tilespmem:s26], [sflag:$0x5], $0x1000, $0x38;
	[tilespmem:$0x1FC80] =	vst v63  }
0x52: {  	_ =	swait.ge [sflag:s24], $0x1000  }
0x53: {  	[sflag:s24] =	ssyncset.done $0x0  }
0x54: {  	s16 =	rddreg [dreg:$0xf];
	[sflag:s24] =	ssyncadd.s32 $0xFFFFF000  }
0x55: {  	[spmem:s16] =	stream.linear.scatter [tilespmem:s26], [sflag:$0x5], $0x1000, $0x38;
	[tilespmem:$0x1FC80] =	vst v63  }
0x56: {  	_ =	swait.ge [sflag:s24], $0x1000  }
0x57: {  	[sflag:s24] =	ssyncset.done $0x0  }
0x58: {  	s17 =	rddreg [dreg:$0x10];
	[sflag:s24] =	ssyncadd.s32 $0xFFFFF000  }
0x59: {  	[spmem:s17] =	stream.linear.scatter [tilespmem:s26], [sflag:$0x5], $0x1000, $0x38;
	[tilespmem:$0x1FC80] =	vst v63  }
0x5a: {  	_ =	swait.ge [sflag:s24], $0x1000  }
0x5b: {  	[sflag:s24] =	ssyncset.done $0x0  }
0x5c: {  	[sflag:s24] =	ssyncadd.s32 $0xFFFFF000  }
0x5d: {  	[spmem:s22] =	stream.linear.scatter [tilespmem:s26], [sflag:$0x5], $0x1000, $0x38;
	[tilespmem:$0x1FC80] =	vst v63  }
0x5e: {  	_ =	swait.ge [sflag:s24], $0x1000  }
0x5f: {  	[sflag:s24] =	ssyncset.done $0x0  }
0x60: {  	p1 =	por $0x1, $0x1;
	[sflag:s24] =	ssyncadd.s32 $0xFFFFF000  }
0x61: {  	s15 =	simm.s32 @!p1 $0x3;
	[bflag:$0x0] =	sbarrier.arrive $0xFFFF  }
0x62: {  	_ =	swait.ge @!p1 [sflag:s15], $0x1000  }
0x63: {  	s16 =	simm.s32 $0x0;
	[sflag:s15] =	ssyncset.done @!p1 $0x0  }
0x64: {  	s17 =	sadd.s32 $0x0, s21;
	[sflag:s15] =	ssyncadd.s32 @!p1 $0xFFFFF000;
	s15 =	simm.s32 @!p1 $0x4  }
0x65: {  	s16 =	sand.u32 $0x40, s16;
	s17 =	sand.u32 $0xFFFFF80, s17;
	_ =	swait.ge @!p1 [sflag:s15], $0x1000  }
0x66: {  	s16 =	sor.u32 s16, s17;
	[sflag:s15] =	ssyncset.done @!p1 $0x0  }
0x67: {  	s18 =	sadd.s32 s5, s16;
	[sflag:s15] =	ssyncadd.s32 @!p1 $0xFFFFF000  }
0x68: {  	[tilespmem:s3], [sflag:$0x5] =	stream.linear.gather [hbm4b:s18+s3], $0x200, $0x38;
	[tilespmem:$0x1FC80] =	vst v63  }
0x69: {  	_ =	swait.ge [sflag:s24], $0x200  }
0x6a: {  	[sflag:s24] =	ssyncset.done $0x0  }
0x6b: {  	s20 =	sadd.s32 s4, s16;
	[sflag:s24] =	ssyncadd.s32 $0xFFFFFE00  }
0x6c: {  	[tilespmem:s28], [sflag:$0x5] =	stream.linear.gather [hbm4b:s20+s3], $0x200, $0x38;
	[tilespmem:$0x1FC80] =	vst v63  }
0x6d: {  	_ =	swait.ge [sflag:s24], $0x200  }
0x6e: {  	[sflag:s24] =	ssyncset.done $0x0  }
0x6f: {  	[sflag:s24] =	ssyncadd.s32 $0xFFFFFE00  }
0x70: {  	v1 =	vld [tilespmem:$0x190]  }
0x71: {  	v2 =	vld [tilespmem:$0x110]  }
0x72: {  	v3 =	vld [tilespmem:$0x180]  }
0x73: {  	v4 =	vld [tilespmem:$0x100]  }
0x74: {  	v5 =	vld [tilespmem:$0x90]  }
0x75: {  	v6 =	vld [tilespmem:$0x80];
	vm0 =	vlt.u32 v1, $0x1388  }
0x76: {  	v7 =	vld [tilespmem:$0x10];
	vm1 =	vlt.u32 v2, $0x1388;
	v1 =	vnsel vm0, $0x13EC, v1  }
0x77: {  	v8 =	vld [tilespmem:$0x0];
	vm10 =	vlt.u32 v3, $0x1388;
	v2 =	vnsel vm1, $0x13EC, v2;
	[tilespmem:$0x190] =	vst v1  }
0x78: {  	vm11 =	vlt.u32 v4, $0x1388;
	[tilespmem:$0x110] =	vst v2;
	v1 =	vnsel vm10, $0x13EC, v3  }
0x79: {  	vm12 =	vlt.u32 v5, $0x1388;
	v2 =	vnsel vm11, $0x13EC, v4;
	[tilespmem:$0x180] =	vst v1  }
0x7a: {  	vm13 =	vlt.u32 v6, $0x1388;
	v1 =	vnsel vm12, $0x13EC, v5;
	[tilespmem:$0x100] =	vst v2  }
0x7b: {  	vm14 =	vlt.u32 v7, $0x1388;
	v2 =	vnsel vm13, $0x13EC, v6;
	[tilespmem:$0x90] =	vst v1  }
0x7c: {  	vm15 =	vlt.u32 v8, $0x1388;
	v1 =	vnsel vm14, $0x13EC, v7;
	[tilespmem:$0x80] =	vst v2  }
0x7d: {  	v2 =	vnsel vm15, $0x13EC, v8;
	[tilespmem:$0x10] =	vst v1  }
0x7e: {  	[tilespmem:$0x0] =	vst v2  }
0x7f: {  	[tilespmem:s26], [sflag:$0x1] =	stream.indirect.gather [spmem:s1], $0x80, s28, s29, $0xb8;
	[tilespmem:$0x1FC80] =	vst v63  }
0x80: {  	_ = 	snop  }
0x81: {  	[tilespmem:s31], [sflag:$0x2] =	stream.indirect.gather [spmem:s1], $0x80, s30, s29, $0xb8;
	[tilespmem:$0x1FC80] =	vst v63  }
0x82: {  	_ =	swait.ge [sflag:s0], $0x1000  }
0x83: {  	[sflag:s0] =	ssyncset.done $0x0  }
0x84: {  	[sflag:s0] =	ssyncadd.s32 $0xFFFFF000  }
0x85: {  	[spmem:s2] =	stream.indirect.scatter.add.f32 [tilespmem:s26], [sflag:$0x3], $0x80, s3, s29, $0xb8;
	[tilespmem:$0x1FC80] =	vst v63  }
0x86: {  	_ =	swait.ge [sflag:s6], $0x1000  }
0x87: {  	[sflag:s6] =	ssyncset.done $0x0  }
0x88: {  	[sflag:s6] =	ssyncadd.s32 $0xFFFFF000  }
0x89: {  	[tilespmem:s26], [sflag:$0x1] =	stream.indirect.gather [spmem:s1], $0x80, s8, s29, $0xb8;
	[tilespmem:$0x1FC80] =	vst v63  }
0x8a: {  	_ =	swait.ge [sflag:s10], $0x1000  }
0x8b: {  	[sflag:s10] =	ssyncset.done $0x0  }
0x8c: {  	[sflag:s10] =	ssyncadd.s32 $0xFFFFF000  }
0x8d: {  	[spmem:s2] =	stream.indirect.scatter.add.f32 [tilespmem:s31], [sflag:$0x4], $0x80, s11, s29, $0xb8;
	[tilespmem:$0x1FC80] =	vst v63  }
0x8e: {  	_ =	swait.ge [sflag:s12], $0x1000  }
0x8f: {  	[sflag:s12] =	ssyncset.done $0x0  }
0x90: {  	s15 =	simm.s32 $0x40;
	[sflag:s12] =	ssyncadd.s32 $0xFFFFF000  }
0x91: {  	[tilespmem:s31], [sflag:$0x2] =	stream.indirect.gather [spmem:s1], $0x80, s23, s29, $0xb8;
	[tilespmem:$0x1FC80] =	vst v63  }
.LBB2_4:
0x92: {  	_ =	swait.ge [sflag:s0], $0x1000;
	s16 =	smov.u32 s15;
	s15 =	sadd.s32 $0x40, s15  }
0x93: {  	p1 =	sne.s32 s15, $0x1400;
	[sflag:s0] =	ssyncset.done $0x0  }
0x94: {  	[sflag:s0] =	ssyncadd.s32 $0xFFFFF000  }
0x95: {  	[spmem:s2] =	stream.indirect.scatter.add.f32 [tilespmem:s26], [sflag:$0x3], $0x80, s25, s29, $0xb8;
	[tilespmem:$0x1FC80] =	vst v63  }
0x96: {  	_ =	swait.ge [sflag:s10], $0x1000  }
0x97: {  	p2 =	seq.s32 s16, $0x0;
	[sflag:s10] =	ssyncset.done $0x0  }
0x98: {  	s17 =	simm.s32 @!p2 $0x3;
	[sflag:s10] =	ssyncadd.s32 $0xFFFFF000  }
0x99: {  	[spmem:s2] =	stream.indirect.scatter.add.f32 [tilespmem:s31], [sflag:$0x4], $0x80, s13, s29, $0xb8;
	[tilespmem:$0x1FC80] =	vst v63  }
0x9a: {  	_ =	swait.ge @!p2 [sflag:s17], $0x1000  }
0x9b: {  	[sflag:s17] =	ssyncset.done @!p2 $0x0  }
0x9c: {  	s18 =	sadd.s32 s16, s21;
	[sflag:s17] =	ssyncadd.s32 @!p2 $0xFFFFF000;
	s17 =	simm.s32 @!p2 $0x4  }
0x9d: {  	s16 =	sand.u32 $0x40, s16;
	s18 =	sand.u32 $0xFFFFF80, s18;
	_ =	swait.ge @!p2 [sflag:s17], $0x1000  }
0x9e: {  	s16 =	sor.u32 s16, s18;
	[sflag:s17] =	ssyncset.done @!p2 $0x0  }
0x9f: {  	[sflag:s17] =	ssyncadd.s32 @!p2 $0xFFFFF000;
	s17 =	sadd.s32 s5, s16  }
0xa0: {  	[tilespmem:s3], [sflag:$0x5] =	stream.linear.gather [hbm4b:s17+s3], $0x200, $0x38;
	[tilespmem:$0x1FC80] =	vst v63  }
0xa1: {  	_ =	swait.ge [sflag:s24], $0x200  }
0xa2: {  	[sflag:s24] =	ssyncset.done $0x0  }
0xa3: {  	s16 =	sadd.s32 s4, s16;
	[sflag:s24] =	ssyncadd.s32 $0xFFFFFE00  }
0xa4: {  	[tilespmem:s28], [sflag:$0x5] =	stream.linear.gather [hbm4b:s16+s3], $0x200, $0x38;
	[tilespmem:$0x1FC80] =	vst v63  }
0xa5: {  	_ =	swait.ge [sflag:s24], $0x200  }
0xa6: {  	[sflag:s24] =	ssyncset.done $0x0  }
0xa7: {  	[sflag:s24] =	ssyncadd.s32 $0xFFFFFE00  }
0xa8: {  	v1 =	vld [tilespmem:$0x190]  }
0xa9: {  	v2 =	vld [tilespmem:$0x110]  }
0xaa: {  	v3 =	vld [tilespmem:$0x180]  }
0xab: {  	v4 =	vld [tilespmem:$0x100]  }
0xac: {  	v5 =	vld [tilespmem:$0x90]  }
0xad: {  	v6 =	vld [tilespmem:$0x80];
	vm0 =	vlt.u32 v1, $0x1388  }
0xae: {  	v7 =	vld [tilespmem:$0x10];
	vm1 =	vlt.u32 v2, $0x1388;
	v1 =	vnsel vm0, $0x13EC, v1  }
0xaf: {  	v8 =	vld [tilespmem:$0x0];
	v2 =	vnsel vm1, $0x13EC, v2;
	vm0 =	vlt.u32 v3, $0x1388;
	[tilespmem:$0x190] =	vst v1  }
0xb0: {  	vm1 =	vlt.u32 v4, $0x1388;
	[tilespmem:$0x110] =	vst v2;
	v1 =	vnsel vm0, $0x13EC, v3  }
0xb1: {  	vm0 =	vlt.u32 v5, $0x1388;
	v2 =	vnsel vm1, $0x13EC, v4;
	[tilespmem:$0x180] =	vst v1  }
0xb2: {  	vm1 =	vlt.u32 v6, $0x1388;
	v1 =	vnsel vm0, $0x13EC, v5;
	[tilespmem:$0x100] =	vst v2  }
0xb3: {  	vm0 =	vlt.u32 v7, $0x1388;
	v2 =	vnsel vm1, $0x13EC, v6;
	[tilespmem:$0x90] =	vst v1  }
0xb4: {  	vm1 =	vlt.u32 v8, $0x1388;
	v1 =	vnsel vm0, $0x13EC, v7;
	[tilespmem:$0x80] =	vst v2  }
0xb5: {  	v2 =	vnsel vm1, $0x13EC, v8;
	[tilespmem:$0x10] =	vst v1  }
0xb6: {  	[tilespmem:$0x0] =	vst v2  }
0xb7: {  	[tilespmem:s26], [sflag:$0x1] =	stream.indirect.gather [spmem:s1], $0x80, s28, s29, $0xb8;
	[tilespmem:$0x1FC80] =	vst v63  }
0xb8: {  	_ = 	snop  }
0xb9: {  	[tilespmem:s31], [sflag:$0x2] =	stream.indirect.gather [spmem:s1], $0x80, s30, s29, $0xb8;
	[tilespmem:$0x1FC80] =	vst v63  }
0xba: {  	_ =	swait.ge [sflag:s0], $0x1000  }
0xbb: {  	[sflag:s0] =	ssyncset.done $0x0  }
0xbc: {  	[sflag:s0] =	ssyncadd.s32 $0xFFFFF000  }
0xbd: {  	[spmem:s2] =	stream.indirect.scatter.add.f32 [tilespmem:s26], [sflag:$0x3], $0x80, s3, s29, $0xb8;
	[tilespmem:$0x1FC80] =	vst v63  }
0xbe: {  	_ =	swait.ge [sflag:s6], $0x1000  }
0xbf: {  	[sflag:s6] =	ssyncset.done $0x0  }
0xc0: {  	[sflag:s6] =	ssyncadd.s32 $0xFFFFF000  }
0xc1: {  	[tilespmem:s26], [sflag:$0x1] =	stream.indirect.gather [spmem:s1], $0x80, s8, s29, $0xb8;
	[tilespmem:$0x1FC80] =	vst v63  }
0xc2: {  	_ =	swait.ge [sflag:s10], $0x1000  }
0xc3: {  	[sflag:s10] =	ssyncset.done $0x0  }
0xc4: {  	[sflag:s10] =	ssyncadd.s32 $0xFFFFF000  }
0xc5: {  	[spmem:s2] =	stream.indirect.scatter.add.f32 [tilespmem:s31], [sflag:$0x4], $0x80, s11, s29, $0xb8;
	[tilespmem:$0x1FC80] =	vst v63  }
.Ltmp1:
0xc6: {  	_ = 	snop;
	(pc) =	sbr.rel @p1 .LBB2_4-.Ltmp1, $4  }
0xc7: {  	_ =	swait.ge [sflag:s12], $0x1000  }
0xc8: {  	[sflag:s12] =	ssyncset.done $0x0  }
0xc9: {  	[sflag:s12] =	ssyncadd.s32 $0xFFFFF000  }
0xca: {  	[tilespmem:s31], [sflag:$0x2] =	stream.indirect.gather [spmem:s1], $0x80, s23, s29, $0xb8;
	[tilespmem:$0x1FC80] =	vst v63  }
0xcb: {  	_ =	swait.ge [sflag:s0], $0x1000  }
0xcc: {  	[sflag:s0] =	ssyncset.done $0x0  }
0xcd: {  	[sflag:s0] =	ssyncadd.s32 $0xFFFFF000  }
0xce: {  	[spmem:s2] =	stream.indirect.scatter.add.f32 [tilespmem:s26], [sflag:$0x3], $0x80, s25, s29, $0xb8;
	[tilespmem:$0x1FC80] =	vst v63  }
0xcf: {  	_ =	swait.ge [sflag:s10], $0x1000  }
0xd0: {  	[sflag:s10] =	ssyncset.done $0x0  }
0xd1: {  	[sflag:s10] =	ssyncadd.s32 $0xFFFFF000  }
0xd2: {  	[spmem:s2] =	stream.indirect.scatter.add.f32 [tilespmem:s31], [sflag:$0x4], $0x80, s13, s29, $0xb8;
	[tilespmem:$0x1FC80] =	vst v63  }
0xd3: {  	_ =	swait.ge [sflag:s6], $0x1000  }
0xd4: {  	[sflag:s6] =	ssyncset.done $0x0  }
0xd5: {  	[sflag:s6] =	ssyncadd.s32 $0xFFFFF000  }
0xd6: {  	_ =	swait.ge [sflag:s12], $0x1000  }
0xd7: {  	[sflag:s12] =	ssyncset.done $0x0  }
0xd8: {  	[sflag:s12] =	ssyncadd.s32 $0xFFFFF000  }
0xd9: {  	[bflag:$0x0] =	sbarrier.arrive $0xFFFF  }
0xda: {  	s15 =	sshrl.u32 s9, $0x3;
	s16 =	rddreg [dreg:$0x7]  }
0xdb: {  	[hbm:s16], [sflag:s7] =	dma.local [spmem:s15], $0x1400  }
0xdc: {  	_ =	swait.ge [sflag:s24], $0x1400  }
0xdd: {  	[sflag:s24] =	ssyncset.done $0x0  }
0xde: {  	s17 =	simm.s32 $0x200;
	s16 =	simm.s32 $0x0;
	[sflag:s24] =	ssyncadd.s32 $0xFFFFEC00  }
.LBB2_6:
0xdf: {  	p1 =	sne.s32 s17, $0x3E00;
	[tilespmem:s16+$0x470] =	vst v0  }
0xe0: {  	[tilespmem:s16+$0x400] =	vst v0  }
0xe1: {  	[tilespmem:s16+$0x410] =	vst v0  }
.Ltmp2:
0xe2: {  	[tilespmem:s16+$0x420] =	vst v0;
	(pc) =	sbr.rel @p1 .LBB2_6-.Ltmp2, $4  }
0xe3: {  	[tilespmem:s16+$0x430] =	vst v0  }
0xe4: {  	[tilespmem:s16+$0x440] =	vst v0  }
0xe5: {  	[tilespmem:s16+$0x450] =	vst v0  }
0xe6: {  	[tilespmem:s16+$0x460] =	vst v0;
	s16 =	sshra.s32 s17, $0x2;
	s17 =	sadd.s32 $0x200, s17  }
0xe7: {  	[tilespmem:s16+$0x470] =	vst v0  }
0xe8: {  	[tilespmem:s16+$0x400] =	vst v0  }
0xe9: {  	[tilespmem:s16+$0x410] =	vst v0  }
0xea: {  	[tilespmem:s16+$0x420] =	vst v0  }
0xeb: {  	[tilespmem:s16+$0x430] =	vst v0  }
0xec: {  	[tilespmem:s16+$0x440] =	vst v0  }
0xed: {  	[tilespmem:s16+$0x450] =	vst v0  }
0xee: {  	[tilespmem:s16+$0x460] =	vst v0  }
0xef: {  	[spmem:s9] =	stream.linear.scatter [tilespmem:s26], [sflag:$0x5], $0x1000, $0x38;
	[tilespmem:$0x1FC80] =	vst v63  }
0xf0: {  	_ =	swait.ge [sflag:s24], $0x1000  }
0xf1: {  	[sflag:s24] =	ssyncset.done $0x0  }
0xf2: {  	[sflag:s24] =	ssyncadd.s32 $0xFFFFF000  }
0xf3: {  	[spmem:s19] =	stream.linear.scatter [tilespmem:s26], [sflag:$0x5], $0x1000, $0x38;
	[tilespmem:$0x1FC80] =	vst v63  }
0xf4: {  	_ =	swait.ge [sflag:s24], $0x1000  }
0xf5: {  	[sflag:s24] =	ssyncset.done $0x0  }
0xf6: {  	s17 =	rddreg [dreg:$0xa];
	[sflag:s24] =	ssyncadd.s32 $0xFFFFF000  }
0xf7: {  	[spmem:s17] =	stream.linear.scatter [tilespmem:s26], [sflag:$0x5], $0x1000, $0x38;
	[tilespmem:$0x1FC80] =	vst v63  }
0xf8: {  	_ =	swait.ge [sflag:s24], $0x1000  }
0xf9: {  	[sflag:s24] =	ssyncset.done $0x0  }
0xfa: {  	s18 =	rddreg [dreg:$0xb];
	[sflag:s24] =	ssyncadd.s32 $0xFFFFF000  }
0xfb: {  	[spmem:s18] =	stream.linear.scatter [tilespmem:s26], [sflag:$0x5], $0x1000, $0x38;
	[tilespmem:$0x1FC80] =	vst v63  }
0xfc: {  	_ =	swait.ge [sflag:s24], $0x1000  }
0xfd: {  	[sflag:s24] =	ssyncset.done $0x0  }
0xfe: {  	s20 =	smov.u32 s19;
	s19 =	rddreg [dreg:$0xc];
	[sflag:s24] =	ssyncadd.s32 $0xFFFFF000  }
0xff: {  	[spmem:s19] =	stream.linear.scatter [tilespmem:s26], [sflag:$0x5], $0x1000, $0x38;
	[tilespmem:$0x1FC80] =	vst v63  }
0x100: {  	_ =	swait.ge [sflag:s24], $0x1000  }
0x101: {  	[sflag:s24] =	ssyncset.done $0x0  }
0x102: {  	s17 =	rddreg [dreg:$0xd];
	[sflag:s24] =	ssyncadd.s32 $0xFFFFF000  }
0x103: {  	[spmem:s17] =	stream.linear.scatter [tilespmem:s26], [sflag:$0x5], $0x1000, $0x38;
	[tilespmem:$0x1FC80] =	vst v63  }
0x104: {  	_ =	swait.ge [sflag:s24], $0x1000  }
0x105: {  	[sflag:s24] =	ssyncset.done $0x0  }
0x106: {  	s18 =	rddreg [dreg:$0xe];
	[sflag:s24] =	ssyncadd.s32 $0xFFFFF000  }
0x107: {  	[spmem:s18] =	stream.linear.scatter [tilespmem:s26], [sflag:$0x5], $0x1000, $0x38;
	[tilespmem:$0x1FC80] =	vst v63  }
0x108: {  	_ =	swait.ge [sflag:s24], $0x1000  }
0x109: {  	[sflag:s24] =	ssyncset.done $0x0  }
0x10a: {  	s19 =	rddreg [dreg:$0xf];
	[sflag:s24] =	ssyncadd.s32 $0xFFFFF000  }
0x10b: {  	[spmem:s19] =	stream.linear.scatter [tilespmem:s26], [sflag:$0x5], $0x1000, $0x38;
	[tilespmem:$0x1FC80] =	vst v63  }
0x10c: {  	_ =	swait.ge [sflag:s24], $0x1000  }
0x10d: {  	[sflag:s24] =	ssyncset.done $0x0  }
0x10e: {  	s17 =	rddreg [dreg:$0x10];
	[sflag:s24] =	ssyncadd.s32 $0xFFFFF000  }
0x10f: {  	[spmem:s17] =	stream.linear.scatter [tilespmem:s26], [sflag:$0x5], $0x1000, $0x38;
	[tilespmem:$0x1FC80] =	vst v63  }
0x110: {  	_ =	swait.ge [sflag:s24], $0x1000  }
0x111: {  	[sflag:s24] =	ssyncset.done $0x0  }
0x112: {  	[sflag:s24] =	ssyncadd.s32 $0xFFFFF000  }
0x113: {  	[spmem:s22] =	stream.linear.scatter [tilespmem:s26], [sflag:$0x5], $0x1000, $0x38;
	[tilespmem:$0x1FC80] =	vst v63  }
0x114: {  	_ =	swait.ge [sflag:s24], $0x1000  }
0x115: {  	[sflag:s24] =	ssyncset.done $0x0  }
0x116: {  	p1 =	por $0x1, $0x1;
	[sflag:s24] =	ssyncadd.s32 $0xFFFFF000  }
0x117: {  	s16 =	simm.s32 @!p1 $0x3;
	[bflag:$0x0] =	sbarrier.arrive $0xFFFF  }
0x118: {  	_ =	swait.ge @!p1 [sflag:s16], $0x1000  }
0x119: {  	s18 =	sadd.s32 $0x0, s21;
	[sflag:s16] =	ssyncset.done @!p1 $0x0  }
0x11a: {  	s17 =	simm.s32 $0x0;
	[sflag:s16] =	ssyncadd.s32 @!p1 $0xFFFFF000;
	s16 =	simm.s32 @!p1 $0x4  }
0x11b: {  	s18 =	sand.u32 $0xFFFFF80, s18;
	s17 =	sand.u32 $0x40, s17;
	_ =	swait.ge @!p1 [sflag:s16], $0x1000  }
0x11c: {  	s17 =	sor.u32 s17, s18;
	[sflag:s16] =	ssyncset.done @!p1 $0x0  }
0x11d: {  	s18 =	sadd.s32 s5, s17;
	[sflag:s16] =	ssyncadd.s32 @!p1 $0xFFFFF000  }
0x11e: {  	[tilespmem:s3], [sflag:$0x5] =	stream.linear.gather [hbm4b:s18+s3], $0x200, $0x38;
	[tilespmem:$0x1FC80] =	vst v63  }
0x11f: {  	_ =	swait.ge [sflag:s24], $0x200  }
0x120: {  	[sflag:s24] =	ssyncset.done $0x0  }
0x121: {  	s19 =	sadd.s32 s4, s17;
	[sflag:s24] =	ssyncadd.s32 $0xFFFFFE00  }
0x122: {  	[tilespmem:s28], [sflag:$0x5] =	stream.linear.gather [hbm4b:s19+s3], $0x200, $0x38;
	[tilespmem:$0x1FC80] =	vst v63  }
0x123: {  	_ =	swait.ge [sflag:s24], $0x200  }
0x124: {  	[sflag:s24] =	ssyncset.done $0x0  }
0x125: {  	[sflag:s24] =	ssyncadd.s32 $0xFFFFFE00  }
0x126: {  	v4 =	vld [tilespmem:$0x80]  }
0x127: {  	v5 =	vld [tilespmem:$0x10]  }
0x128: {  	v1 =	vld [tilespmem:$0x100]  }
0x129: {  	v2 =	vld [tilespmem:$0x90]  }
0x12a: {  	s16 =	simm.s32 $0x40;
	v3 =	vld [tilespmem:$0x0]  }
.LBB2_8:
0x12b: {  	v6 =	vld [tilespmem:$0x110];
	s17 =	smov.u32 s16;
	s16 =	sadd.s32 $0x40, s16  }
0x12c: {  	p1 =	sne.s32 s16, $0x1400;
	v5 =	vadd.s32 $0xFFFFEC78, v5;
	v7 =	vld [tilespmem:$0x190]  }
0x12d: {  	v4 =	vadd.s32 $0xFFFFEC78, v4;
	vm0 =	vlt.u32 v5, $0x1388;
	v1 =	vadd.s32 $0xFFFFEC78, v1;
	v8 =	vld [tilespmem:$0x180]  }
0x12e: {  	v5 =	vnsel vm0, $0x13EC, v5;
	vm0 =	vlt.u32 v4, $0x1388;
	v2 =	vadd.s32 $0xFFFFEC78, v2  }
0x12f: {  	v3 =	vadd.s32 $0xFFFFEC78, v3;
	[tilespmem:$0x10] =	vst v5;
	v4 =	vnsel vm0, $0x13EC, v4;
	vm0 =	vlt.u32 v2, $0x1388  }
0x130: {  	vm1 =	vlt.u32 v3, $0x1388;
	[tilespmem:$0x80] =	vst v4;
	v2 =	vnsel vm0, $0x13EC, v2;
	v4 =	vadd.s32 $0xFFFFEC78, v6  }
0x131: {  	vm0 =	vlt.u32 v1, $0x1388;
	v3 =	vnsel vm1, $0x13EC, v3;
	[tilespmem:$0x90] =	vst v2;
	vm1 =	vlt.u32 v4, $0x1388  }
0x132: {  	v1 =	vnsel vm0, $0x13EC, v1;
	[tilespmem:$0x0] =	vst v3;
	v2 =	vnsel vm1, $0x13EC, v4;
	v3 =	vadd.s32 $0xFFFFEC78, v8  }
0x133: {  	[tilespmem:$0x100] =	vst v1;
	vm0 =	vlt.u32 v3, $0x1388;
	v1 =	vadd.s32 $0xFFFFEC78, v7  }
0x134: {  	[tilespmem:$0x110] =	vst v2;
	v2 =	vnsel vm0, $0x13EC, v3;
	vm0 =	vlt.u32 v1, $0x1388  }
0x135: {  	[tilespmem:$0x180] =	vst v2;
	v1 =	vnsel vm0, $0x13EC, v1  }
0x136: {  	[tilespmem:$0x190] =	vst v1  }
0x137: {  	[tilespmem:s26], [sflag:$0x1] =	stream.indirect.gather [spmem:s1], $0x80, s28, s29, $0xb8;
	[tilespmem:$0x1FC80] =	vst v63  }
0x138: {  	_ = 	snop  }
0x139: {  	[tilespmem:s31], [sflag:$0x2] =	stream.indirect.gather [spmem:s1], $0x80, s30, s29, $0xb8;
	[tilespmem:$0x1FC80] =	vst v63  }
0x13a: {  	_ =	swait.ge [sflag:s0], $0x1000  }
0x13b: {  	[sflag:s0] =	ssyncset.done $0x0  }
0x13c: {  	[sflag:s0] =	ssyncadd.s32 $0xFFFFF000  }
0x13d: {  	[spmem:s2] =	stream.indirect.scatter.add.f32 [tilespmem:s26], [sflag:$0x3], $0x80, s3, s29, $0xb8;
	[tilespmem:$0x1FC80] =	vst v63  }
0x13e: {  	_ =	swait.ge [sflag:s6], $0x1000  }
0x13f: {  	[sflag:s6] =	ssyncset.done $0x0  }
0x140: {  	[sflag:s6] =	ssyncadd.s32 $0xFFFFF000  }
0x141: {  	[tilespmem:s26], [sflag:$0x1] =	stream.indirect.gather [spmem:s1], $0x80, s8, s29, $0xb8;
	[tilespmem:$0x1FC80] =	vst v63  }
0x142: {  	_ =	swait.ge [sflag:s10], $0x1000  }
0x143: {  	[sflag:s10] =	ssyncset.done $0x0  }
0x144: {  	[sflag:s10] =	ssyncadd.s32 $0xFFFFF000  }
0x145: {  	[spmem:s2] =	stream.indirect.scatter.add.f32 [tilespmem:s31], [sflag:$0x4], $0x80, s11, s29, $0xb8;
	[tilespmem:$0x1FC80] =	vst v63  }
0x146: {  	_ =	swait.ge [sflag:s12], $0x1000  }
0x147: {  	[sflag:s12] =	ssyncset.done $0x0  }
0x148: {  	[sflag:s12] =	ssyncadd.s32 $0xFFFFF000  }
0x149: {  	[tilespmem:s31], [sflag:$0x2] =	stream.indirect.gather [spmem:s1], $0x80, s23, s29, $0xb8;
	[tilespmem:$0x1FC80] =	vst v63  }
0x14a: {  	_ =	swait.ge [sflag:s0], $0x1000  }
0x14b: {  	[sflag:s0] =	ssyncset.done $0x0  }
0x14c: {  	[sflag:s0] =	ssyncadd.s32 $0xFFFFF000  }
0x14d: {  	[spmem:s2] =	stream.indirect.scatter.add.f32 [tilespmem:s26], [sflag:$0x3], $0x80, s25, s29, $0xb8;
	[tilespmem:$0x1FC80] =	vst v63  }
0x14e: {  	_ =	swait.ge [sflag:s10], $0x1000  }
0x14f: {  	p2 =	seq.s32 s17, $0x0;
	[sflag:s10] =	ssyncset.done $0x0  }
0x150: {  	s18 =	simm.s32 @!p2 $0x3;
	[sflag:s10] =	ssyncadd.s32 $0xFFFFF000  }
0x151: {  	[spmem:s2] =	stream.indirect.scatter.add.f32 [tilespmem:s31], [sflag:$0x4], $0x80, s13, s29, $0xb8;
	[tilespmem:$0x1FC80] =	vst v63  }
0x152: {  	_ =	swait.ge @!p2 [sflag:s18], $0x1000  }
0x153: {  	[sflag:s18] =	ssyncset.done @!p2 $0x0  }
0x154: {  	s19 =	sadd.s32 s17, s21;
	[sflag:s18] =	ssyncadd.s32 @!p2 $0xFFFFF000;
	s18 =	simm.s32 @!p2 $0x4  }
0x155: {  	s17 =	sand.u32 $0x40, s17;
	s19 =	sand.u32 $0xFFFFF80, s19;
	_ =	swait.ge @!p2 [sflag:s18], $0x1000  }
0x156: {  	s17 =	sor.u32 s17, s19;
	[sflag:s18] =	ssyncset.done @!p2 $0x0  }
0x157: {  	[sflag:s18] =	ssyncadd.s32 @!p2 $0xFFFFF000;
	s18 =	sadd.s32 s5, s17  }
0x158: {  	[tilespmem:s3], [sflag:$0x5] =	stream.linear.gather [hbm4b:s18+s3], $0x200, $0x38;
	[tilespmem:$0x1FC80] =	vst v63  }
0x159: {  	_ =	swait.ge [sflag:s24], $0x200  }
0x15a: {  	[sflag:s24] =	ssyncset.done $0x0  }
0x15b: {  	s17 =	sadd.s32 s4, s17;
	[sflag:s24] =	ssyncadd.s32 $0xFFFFFE00  }
0x15c: {  	[tilespmem:s28], [sflag:$0x5] =	stream.linear.gather [hbm4b:s17+s3], $0x200, $0x38;
	[tilespmem:$0x1FC80] =	vst v63  }
0x15d: {  	_ =	swait.ge [sflag:s24], $0x200  }
0x15e: {  	[sflag:s24] =	ssyncset.done $0x0  }
0x15f: {  	[sflag:s24] =	ssyncadd.s32 $0xFFFFFE00  }
.Ltmp3:
0x160: {  	v4 =	vld [tilespmem:$0x80];
	(pc) =	sbr.rel @p1 .LBB2_8-.Ltmp3, $4  }
0x161: {  	v5 =	vld [tilespmem:$0x10]  }
0x162: {  	v1 =	vld [tilespmem:$0x100]  }
0x163: {  	v2 =	vld [tilespmem:$0x90]  }
0x164: {  	v3 =	vld [tilespmem:$0x0]  }
0x165: {  	v6 =	vld [tilespmem:$0x110];
	v4 =	vadd.s32 $0xFFFFEC78, v4  }
0x166: {  	v8 =	vld [tilespmem:$0x190];
	v5 =	vadd.s32 $0xFFFFEC78, v5;
	vm10 =	vlt.u32 v4, $0x1388  }
0x167: {  	v7 =	vld [tilespmem:$0x180];
	vm0 =	vlt.u32 v5, $0x1388;
	v4 =	vnsel vm10, $0x13EC, v4;
	v1 =	vadd.s32 $0xFFFFEC78, v1  }
0x168: {  	v5 =	vnsel vm0, $0x13EC, v5;
	v2 =	vadd.s32 $0xFFFFEC78, v2;
	[tilespmem:$0x80] =	vst v4;
	vm12 =	vlt.u32 v1, $0x1388  }
0x169: {  	v3 =	vadd.s32 $0xFFFFEC78, v3;
	[tilespmem:$0x10] =	vst v5;
	vm11 =	vlt.u32 v2, $0x1388;
	v1 =	vnsel vm12, $0x13EC, v1  }
0x16a: {  	vm1 =	vlt.u32 v3, $0x1388;
	v2 =	vnsel vm11, $0x13EC, v2;
	v63 =	vadd.s32 $0xFFFFEC78, v6;
	[tilespmem:$0x100] =	vst v1  }
0x16b: {  	v1 =	vadd.s32 $0xFFFFEC78, v8;
	v3 =	vnsel vm1, $0x13EC, v3;
	[tilespmem:$0x90] =	vst v2;
	vm13 =	vlt.u32 v63, $0x1388  }
0x16c: {  	v2 =	vadd.s32 $0xFFFFEC78, v7;
	vm15 =	vlt.u32 v1, $0x1388;
	[tilespmem:$0x0] =	vst v3;
	v3 =	vnsel vm13, $0x13EC, v63  }
0x16d: {  	vm14 =	vlt.u32 v2, $0x1388;
	v1 =	vnsel vm15, $0x13EC, v1;
	[tilespmem:$0x110] =	vst v3  }
0x16e: {  	v2 =	vnsel vm14, $0x13EC, v2;
	[tilespmem:$0x190] =	vst v1  }
0x16f: {  	[tilespmem:$0x180] =	vst v2  }
0x170: {  	[tilespmem:s26], [sflag:$0x1] =	stream.indirect.gather [spmem:s1], $0x80, s28, s29, $0xb8;
	[tilespmem:$0x1FC80] =	vst v63  }
0x171: {  	_ = 	snop  }
0x172: {  	[tilespmem:s31], [sflag:$0x2] =	stream.indirect.gather [spmem:s1], $0x80, s30, s29, $0xb8;
	[tilespmem:$0x1FC80] =	vst v63  }
0x173: {  	_ =	swait.ge [sflag:s0], $0x1000  }
0x174: {  	[sflag:s0] =	ssyncset.done $0x0  }
0x175: {  	[sflag:s0] =	ssyncadd.s32 $0xFFFFF000  }
0x176: {  	[spmem:s2] =	stream.indirect.scatter.add.f32 [tilespmem:s26], [sflag:$0x3], $0x80, s3, s29, $0xb8;
	[tilespmem:$0x1FC80] =	vst v63  }
0x177: {  	_ =	swait.ge [sflag:s6], $0x1000  }
0x178: {  	[sflag:s6] =	ssyncset.done $0x0  }
0x179: {  	[sflag:s6] =	ssyncadd.s32 $0xFFFFF000  }
0x17a: {  	[tilespmem:s26], [sflag:$0x1] =	stream.indirect.gather [spmem:s1], $0x80, s8, s29, $0xb8;
	[tilespmem:$0x1FC80] =	vst v63  }
0x17b: {  	_ =	swait.ge [sflag:s10], $0x1000  }
0x17c: {  	[sflag:s10] =	ssyncset.done $0x0  }
0x17d: {  	[sflag:s10] =	ssyncadd.s32 $0xFFFFF000  }
0x17e: {  	[spmem:s2] =	stream.indirect.scatter.add.f32 [tilespmem:s31], [sflag:$0x4], $0x80, s11, s29, $0xb8;
	[tilespmem:$0x1FC80] =	vst v63  }
0x17f: {  	_ =	swait.ge [sflag:s12], $0x1000  }
0x180: {  	[sflag:s12] =	ssyncset.done $0x0  }
0x181: {  	[sflag:s12] =	ssyncadd.s32 $0xFFFFF000  }
0x182: {  	[tilespmem:s31], [sflag:$0x2] =	stream.indirect.gather [spmem:s1], $0x80, s23, s29, $0xb8;
	[tilespmem:$0x1FC80] =	vst v63  }
0x183: {  	_ =	swait.ge [sflag:s0], $0x1000  }
0x184: {  	[sflag:s0] =	ssyncset.done $0x0  }
0x185: {  	[sflag:s0] =	ssyncadd.s32 $0xFFFFF000  }
0x186: {  	[spmem:s2] =	stream.indirect.scatter.add.f32 [tilespmem:s26], [sflag:$0x3], $0x80, s25, s29, $0xb8;
	[tilespmem:$0x1FC80] =	vst v63  }
0x187: {  	_ =	swait.ge [sflag:s10], $0x1000  }
0x188: {  	[sflag:s10] =	ssyncset.done $0x0  }
0x189: {  	[sflag:s10] =	ssyncadd.s32 $0xFFFFF000  }
0x18a: {  	[spmem:s2] =	stream.indirect.scatter.add.f32 [tilespmem:s31], [sflag:$0x4], $0x80, s13, s29, $0xb8;
	[tilespmem:$0x1FC80] =	vst v63  }
0x18b: {  	_ =	swait.ge [sflag:s6], $0x1000  }
0x18c: {  	[sflag:s6] =	ssyncset.done $0x0  }
0x18d: {  	[sflag:s6] =	ssyncadd.s32 $0xFFFFF000  }
0x18e: {  	_ =	swait.ge [sflag:s12], $0x1000  }
0x18f: {  	[sflag:s12] =	ssyncset.done $0x0  }
0x190: {  	[sflag:s12] =	ssyncadd.s32 $0xFFFFF000  }
0x191: {  	[bflag:$0x0] =	sbarrier.arrive $0xFFFF  }
0x192: {  	s16 =	rddreg [dreg:$0x8]  }
0x193: {  	[hbm:s16], [sflag:s7] =	dma.local [spmem:s15], $0x1400  }
0x194: {  	_ =	swait.ge [sflag:s24], $0x1400  }
0x195: {  	s14 =	sadd.s32 $0x1, s14;
	s19 =	rddreg [dreg:$0x9]  }
0x196: {  	p1 =	sne.s32 s14, s19  }
.Ltmp4:
0x197: {  	_ = 	snop;
	(pc) =	sbr.rel @p1 .LBB2_1-.Ltmp4, $3  }
0x198: {  	_ =	sdelay $0x1  }
0x199: {  	[sflag:s24] =	ssyncset.done $0x0  }
0x19a: {  	[sflag:s24] =	ssyncadd.s32 $0xFFFFEC00;
	s19 =	smov.u32 s20  }
0x19b: {  	_ =	sfence.sel $0x180000  }
0x19c: {  	[bflag:$0x0] =	sbarrier.arrive $0xFFFF  }
0x19d: {  	_ =	strace $0x90000047  }
0x19e: {  	[bflag:$0x2] =	sbarrier.arrive $0xFFFF  }
0x19f: {  	s0 =	rddreg [dreg:$0x4]  }
0x1a0: {  	s0 =	sadd.s32 @!p0 $0x100000, s0  }
0x1a1: {  	[sflag:s0] =	ssyncadd.tile.s32 @!p0 $0x1;
	_ =	shalt  }
.Lfunc_end2:
_tile_overlayer_lowered:
.L_overlay_start_2:
0x1a2: {  	(tag) =	ssettag $0x2  }
0x1a3: {  	s0 =	rddreg [dreg:$0x0];
	s2 =	stileid.u32  }
0x1a4: {  	s1 =	rddreg [dreg:$0x1];
	p0 =	sne.s32 s2, $0x0  }
0x1a5: {  	s3 =	rddreg [dreg:$0x2];
	[bflag:$0x3] =	sbarrier.arrive $0xFFFF;
	s2 =	simm.s32 @!p0 $0x1C05  }
0x1a6: {  	[timem:s3], [sflag:s2] =	dma.local @!p0 [hbm:s0], s1  }
0x1a7: {  	s0 =	simm.s32 @!p0 $0x5  }
0x1a8: {  	_ =	swait.ge @!p0 [sflag:s0], s1  }
0x1a9: {  	s1 =	ssub.s32 @!p0 $0x0, s1;
	[sflag:s0] =	ssyncset.done @!p0 $0x0  }
0x1aa: {  	[sflag:s0] =	ssyncadd.s32 @!p0 s1  }
0x1ab: {  	[bflag:$0x3] =	sbarrier.arrive $0xFFFF  }
0x1ac: {  	_ =	shalt  }

// kernel: kernel.16.cloned.1.call-start
scs
__scs_entry_jumppad:
0x0: {  	(pc) =	sbr.rel $0x88, $3  }
0x1: {  	(tag) =	ssettag $0x0;
	lr =	simm.s32 $0x1  }
0x2: {  	[smem:$0x3F94] =	sst lr;
	_ =	strace $0xD0000000  }
0x3: {  	_ = 	snop  }
0x4: {  	_ = 	snop  }
0x5: {  	_ = 	snop  }
0x6: {  	_ = 	snop  }
0x7: {  	_ = 	snop  }
__scs_overlays_trampoline_lowered:
0x8: {  	[smem:$0x3FA3] =	sst s0  }
0x9: {  	[smem:$0x3FA4] =	sst s1  }
0xa: {  	[smem:$0x3FA5] =	sst s2  }
0xb: {  	[smem:$0x3FA6] =	sst s3  }
0xc: {  	[smem:$0x3FA7] =	sst s4  }
0xd: {  	[smem:$0x3FA8] =	sst s5  }
0xe: {  	[smem:$0x3FA9] =	sst s6  }
0xf: {  	[smem:$0x3FAA] =	sst s7  }
0x10: {  	[smem:$0x3FAB] =	sst s8  }
0x11: {  	[smem:$0x3FAC] =	sst s9;
	s0 =	simm.s32 @!p0 $0x0  }
0x12: {  	s1 =	sld [smem:$0x3F92];
	s0 =	simm.s32 @p0 $0x1  }
0x13: {  	[smem:$0x3FAD] =	sst s0;
	s0 =	simm.s32 @!p1 $0x0  }
0x14: {  	s2 =	sld [smem:$0x3F91];
	s0 =	simm.s32 @p1 $0x1  }
0x15: {  	[smem:$0x3FAE] =	sst s0;
	s0 =	simm.s32 @!p2 $0x0  }
0x16: {  	s3 =	sld [smem:$0x3FDB];
	s0 =	simm.s32 @p2 $0x1  }
0x17: {  	s4 =	simm.s32 $0x1BF5;
	[smem:$0x3FB0] =	sst s0  }
0x18: {  	s0 =	sld [smem:$0x3F93];
	_ =	swait.ge [sflag:s4], $0x0  }
0x19: {  	s7 =	sld [smem:$0x3F94]  }
0x1a: {  	s8 =	sadd.s32 $0xFFFFE003, lr  }
0x1b: {  	s9 =	sadd.s32 $0xFFFFFEF7, lr;
	s5 =	simm.s32 $0xFFFFFFFF;
	p2 =	slt.u32 s8, $0xFFFFF086  }
0x1c: {  	p1 =	slt.u32 s9, $0xF7A;
	s5 =	simm.s32 @!p2 $0x0  }
0x1d: {  	s5 =	simm.s32 @p1 $0x1;
	p0 =	seq.s32 s7, s2  }
0x1e: {  	s7 =	smul.u32 @!p0 $0xF7A, s2;
	p2 =	seq.s32 @!p0 s5, $0x0  }
0x1f: {  	s9 =	smul.u32 $0xF7A, s1;
	s8 =	simm.s32 @!p0 $0x1BF5;
	p2 =	por !p2, p0  }
0x20: {  	[sflag:s8] =	ssyncset.s32 @!p0 $0xFFFFF086;
	s6 =	sadd.s32 @!p0 s3, s7;
	s7 =	simm.s32 @!p0 $0x108  }
0x21: {  	s3 =	sadd.s32 s3, s9;
	s6 =	sadd.s32 @!p0 $0x88, s6;
	s7 =	simm.s32 @p2 $0x1082  }
0x22: {  	[simem:s7], [sflag:s8] =	dma.local @!p0 [hbm:s6], $0xF7A  }
0x23: {  	s9 =	sor.u32 $0xD0000000, s2;
	s6 =	simm.s32 $0x108;
	_ =	swait.ge @!p0 [sflag:s8], $0x0  }
0x24: {  	s3 =	sadd.s32 $0x88, s3;
	s6 =	simm.s32 @!p1 $0x1082;
	[sflag:s4] =	ssyncset.s32 $0xFFFFF086  }
0x25: {  	[simem:s6], [sflag:s4] =	dma.local [hbm:s3], $0xF7A  }
0x26: {  	[smem:$0x3F94] =	sst s1;
	(tag) =	ssettag s2;
	_ =	strace s9  }
0x27: {  	s1 =	sld [smem:$0x3FA4]  }
0x28: {  	s2 =	sld [smem:$0x3FA5]  }
0x29: {  	s4 =	sld [smem:$0x3FA7]  }
0x2a: {  	p0 =	seq.s32 s5, $0x0;
	s5 =	sld [smem:$0x3FA8]  }
0x2b: {  	s6 =	sld [smem:$0x3FA9]  }
0x2c: {  	s7 =	sld [smem:$0x3FAA]  }
0x2d: {  	s3 =	simm.s32 $0x108;
	s8 =	sld [smem:$0x3FAB]  }
0x2e: {  	s3 =	simm.s32 @!p0 $0x1082;
	s9 =	sld [smem:$0x3FAC]  }
0x2f: {  	lr =	sadd.s32 s0, s3;
	s0 =	sld [smem:$0x3FA3]  }
0x30: {  	s3 =	sld [smem:$0x3FA6]  }
0x31: {  	[smem:$0x3FAF] =	sst s10  }
0x32: {  	s10 =	sld [smem:$0x3FAD];
	_ =	sdelay $0x3  }
0x33: {  	p0 =	seq.s32 s10, $0x1;
	s10 =	sld [smem:$0x3FAF];
	_ =	sdelay $0x3  }
0x34: {  	[smem:$0x3FAF] =	sst s10  }
0x35: {  	s10 =	sld [smem:$0x3FAE];
	_ =	sdelay $0x3  }
0x36: {  	p1 =	seq.s32 s10, $0x1;
	s10 =	sld [smem:$0x3FAF];
	_ =	sdelay $0x3  }
0x37: {  	[smem:$0x3FAF] =	sst s10  }
0x38: {  	s10 =	sld [smem:$0x3FB0]  }
0x39: {  	_ = 	snop;
	(pc) =	sbr.ind lr, $3  }
0x3a: {  	_ = 	snop  }
0x3b: {  	_ = 	snop  }
0x3c: {  	p2 =	seq.s32 s10, $0x1;
	s10 =	sld [smem:$0x3FAF]  }
0x3d: {  	_ =	shalt  }
0x3e: {  	_ =	shalt  }
0x3f: {  	_ =	shalt  }
0x40: {  	_ =	shalt  }
0x41: {  	_ =	shalt  }
0x42: {  	_ =	shalt  }
0x43: {  	_ =	shalt  }
0x44: {  	_ =	shalt  }
0x45: {  	_ =	shalt  }
0x46: {  	_ =	shalt  }
0x47: {  	_ =	shalt  }
0x48: {  	_ =	shalt  }
0x49: {  	_ =	shalt  }
0x4a: {  	_ =	shalt  }
0x4b: {  	_ =	shalt  }
0x4c: {  	_ =	shalt  }
0x4d: {  	_ =	shalt  }
0x4e: {  	_ =	shalt  }
0x4f: {  	_ =	shalt  }
0x50: {  	_ =	shalt  }
0x51: {  	_ =	shalt  }
0x52: {  	_ =	shalt  }
0x53: {  	_ =	shalt  }
0x54: {  	_ =	shalt  }
0x55: {  	_ =	shalt  }
0x56: {  	_ =	shalt  }
0x57: {  	_ =	shalt  }
0x58: {  	_ =	shalt  }
0x59: {  	_ =	shalt  }
0x5a: {  	_ =	shalt  }
0x5b: {  	_ =	shalt  }
0x5c: {  	_ =	shalt  }
0x5d: {  	_ =	shalt  }
0x5e: {  	_ =	shalt  }
0x5f: {  	_ =	shalt  }
0x60: {  	_ =	shalt  }
0x61: {  	_ =	shalt  }
0x62: {  	_ =	shalt  }
0x63: {  	_ =	shalt  }
0x64: {  	_ =	shalt  }
0x65: {  	_ =	shalt  }
0x66: {  	_ =	shalt  }
0x67: {  	_ =	shalt  }
0x68: {  	_ =	shalt  }
0x69: {  	_ =	shalt  }
0x6a: {  	_ =	shalt  }
0x6b: {  	_ =	shalt  }
0x6c: {  	_ =	shalt  }
0x6d: {  	_ =	shalt  }
0x6e: {  	_ =	shalt  }
0x6f: {  	_ =	shalt  }
0x70: {  	_ =	shalt  }
0x71: {  	_ =	shalt  }
0x72: {  	_ =	shalt  }
0x73: {  	_ =	shalt  }
0x74: {  	_ =	shalt  }
0x75: {  	_ =	shalt  }
0x76: {  	_ =	shalt  }
0x77: {  	_ =	shalt  }
0x78: {  	_ =	shalt  }
0x79: {  	_ =	shalt  }
0x7a: {  	_ =	shalt  }
0x7b: {  	_ =	shalt  }
0x7c: {  	_ =	shalt  }
0x7d: {  	_ =	shalt  }
0x7e: {  	_ =	shalt  }
0x7f: {  	_ =	shalt  }
0x80: {  	_ =	shalt  }
0x81: {  	_ =	shalt  }
0x82: {  	_ =	shalt  }
0x83: {  	_ =	shalt  }
0x84: {  	_ =	shalt  }
0x85: {  	_ =	shalt  }
0x86: {  	_ =	shalt  }
0x87: {  	_ =	shalt  }
.Lfunc_end0:
.L_simem_size_0:
called_computation.2_lowered:
.L_overlay_start_0:
0x88: {  	s2 =	sld [smem:$0x3FD9]  }
0x89: {  	s3 =	sld [smem:$0x3FFE];
	_ =	sdelay $0x1  }
0x8a: {  	s1 =	srdreg.scid  }
0x8b: {  	s0 =	sand.u32 $0x1, s1  }
0x8c: {  	s16 =	sshll.u32 s0, $0xA;
	s2 =	sadd.s32 s3, s2  }
0x8d: {  	s2 =	sadd.s32 s2, s16  }
0x8e: {  	[smem:$0x3FBB] =	sst s2  }
0x8f: {  	_ = 	snop  }
0x90: {  	(tm) =	ssettm $0x1  }
0x91: {  	s17 =	sld [smem:$0x3FFB];
	_ =	sdelay $0x3  }
0x92: {  	_ =	strace s17  }
0x93: {  	s2 =	sld [smem:$0x3FFC];
	_ =	sdelay $0x3  }
0x94: {  	_ =	strace s2  }
0x95: {  	s2 =	sld [smem:$0x3FFD];
	_ =	sdelay $0x3  }
0x96: {  	_ =	strace s2  }
0x97: {  	_ =	strace $0x8FFFFFFF  }
0x98: {  	s18 =	sld [smem:$0x3FDB];
	_ =	sdelay $0x1  }
0x99: {  	s19 =	simm.s32 $_scs_section_size  }
0x9a: {  	s4 =	simm.s32 $_size__tile_overlayer_lowered;
	s5 =	simm.s32 $_tile_overlayer_lowered  }
0x9b: {  	s22 =	simm.s32 $0x1BFF;
	s21 =	sshll.u32 s5, $0x1;
	s2 =	sadd.s32 s19, s18  }
0x9c: {  	s6 =	simm.s32 $0x0;
	s20 =	sshll.u32 s4, $0x1;
	s4 =	sadd.s32 s21, s2  }
0x9d: {  	[timem:s6], [sflag:s22] =	dma.local [hbm:s4], s20  }
0x9e: {  	_ =	swait.ge [sflag:s22], s20  }
0x9f: {  	s3 =	ssub.s32 $0x0, s20;
	[sflag:s22] =	ssyncset.done $0x0  }
0xa0: {  	[sflag:s22] =	ssyncadd.s32 s3;
	_ =	sdelay $0x1  }
0xa1: {  	s23 =	simm.s32 $0x1B8B  }
0xa2: {  	_ =	swait.ge [sflag:s23], $0x1  }
0xa3: {  	[sflag:s23] =	ssyncset.done $0x0  }
0xa4: {  	s25 =	simm.s32 $0x1B8E;
	s24 =	sld [smem:$0x3FFE];
	[sflag:s23] =	ssyncadd.s32 $0xFFFFFFFF  }
0xa5: {  	s26 =	simm.s32 $execute0_lowered;
	[smem:$0x3FD2] =	sst s25  }
0xa6: {  	s4 =	sshll.u32 s26, $0x1;
	_ =	strace $0x8000004C;
	[dreg:$0x1] =	wrdreg $0xFFFFFFFF  }
0xa7: {  	s28 =	simm.s32 $_size_execute0_lowered;
	s2 =	sadd.s32 s2, s4;
	[dreg:$0x0] =	wrdreg $0x0  }
0xa8: {  	s4 =	sshll.u32 s28, $0x1;
	[dreg:$0x2] =	wrdreg s2  }
0xa9: {  	[dreg:$0x3] =	wrdreg s4  }
0xaa: {  	[dreg:$0x4] =	wrdreg $0xC0  }
0xab: {  	_ =	task [dreg:s6], $0x5FFFF  }
0xac: {  	[dreg:$0x1] =	wrdreg $0xFFFFFFFF  }
0xad: {  	[dreg:$0x0] =	wrdreg $0x60  }
0xae: {  	[dreg:$0x2] =	wrdreg s24  }
0xaf: {  	[dreg:$0x3] =	wrdreg $0x24000  }
0xb0: {  	[dreg:$0x4] =	wrdreg $0x15C800  }
0xb1: {  	[dreg:$0x5] =	wrdreg $0x9  }
0xb2: {  	_ =	task.clear_ibuf [dreg:s6], $0x6FFFF;
	_ =	strace $0x9000004C  }
0xb3: {  	s29 =	simm.s32 $0x9;
	_ =	strace $0x8000004E  }
0xb4: {  	_ =	swait.ge [sflag:s29], $0x1  }
0xb5: {  	[sflag:s29] =	ssyncadd.s32 $0xFFFFFFFF  }
0xb6: {  	_ =	strace $0x9000004E  }
0xb7: {  	_ =	sfence  }
0xb8: {  	s30 =	sld [smem:$0x0];
	_ =	sdelay $0x2  }
0xb9: {  	s31 =	sshll.u32 s1, $0xD;
	s1 =	sshrl.u32 s1, $0x2  }
0xba: {  	s3 =	sand.u32 $0x4000, s31;
	s1 =	sadd.s32 s1, s30  }
0xbb: {  	s0 =	sor.u32 s3, s0;
	s1 =	sshll.u32 s1, $0x11  }
0xbc: {  	s0 =	sor.u32 s1, s0  }
0xbd: {  	s0 =	sadd.s32 $0x8F2B, s0  }
0xbe: {  	[sflag:s0] =	ssyncadd.remote.s32 $0x1  }
0xbf: {  	_ =	sfence.sel $0xFFFF  }
0xc0: {  	[dreg:$0x0] =	wrdreg $0xFFFFFFFF;
	(pc) =	sbr.abs _section_cstart, $3  }
0xc1: {  	[dreg:$0x1] =	wrdreg $0xFFFFFFFF  }
0xc2: {  	_ =	task.clear_ibuf [dreg:s6], $0x2FFFF;
	_ =	strace $0x9FFFFFFF  }
0xc3: {  	(tm) =	ssettm $0x7FFFFFFF  }
tec
execute0_lowered:
.L_overlay_start_1:
0x0: {  	(tag) =	ssettag $0x1  }
0x1: {  	s0 =	rddreg [dreg:$0x0]  }
0x2: {  	s1 =	rddreg [dreg:$0x1]  }
0x3: {  	s2 =	rddreg [dreg:$0x2]  }
0x4: {  	s6 =	stileid.u32;
	s5 =	srdreg.scid  }
0x5: {  	s3 =	simm.s32 $0x0;
	s28 =	simm.s32 $0x200;
	s4 =	smul.u32 $0x2700, s6  }
0x6: {  	s29 =	simm.s32 $0x20;
	s30 =	simm.s32 $0x280;
	s20 =	smul.u32 $0x140, s6  }
0x7: {  	s31 =	simm.s32 $0x1400;
	s8 =	sand.u32 $0x1, s5;
	s11 =	smul.u32 $0x4E000, s6  }
0x8: {  	[smem:$0x7FF] =	sst s3;
	s23 =	smul.u32 $0x28000, s6;
	s25 =	sshll.u32 s6, $0x6  }
0x9: {  	s14 =	sadd.s32 $0x138000, s1;
	p0 =	sne.s32 s6, $0x0;
	s7 =	smul.u32 $0x2800, s8  }
0xa: {  	_ =	strace $0x8000004D;
	s10 =	ssub.s32 $0x2, s8;
	s8 =	smul.u32 $0x1400, s8  }
0xb: {  	s9 =	sadd.s32 s4, s0;
	s4 =	sadd.s32 $0x2CE00, s0;
	s21 =	sshrl.u32 s10, $0x1  }
0xc: {  	s22 =	sshrl.u32 s11, $0x2;
	s26 =	sshrl.u32 s23, $0x2;
	s5 =	sadd.s32 s20, s7  }
0xd: {  	s10 =	ssub.s32 s10, s21;
	s13 =	sadd.s32 s22, s1;
	s24 =	sadd.s32 $0xA3200, s9  }
0xe: {  	s9 =	sadd.s32 s26, s2;
	s20 =	smul.u32 $0x2800, s6;
	s6 =	simm.s32 $0x3  }
0xf: {  	s7 =	sshll.u32 s5, $0x4;
	[dreg:$0x4] =	wrdreg s24;
	s16 =	smax.u32 s10, $0x1  }
0x10: {  	s5 =	sadd.s32 $0x4E00, s0;
	s17 =	sadd.s32 $0x2000, s9;
	[dreg:$0x8] =	wrdreg s16  }
0x11: {  	s19 =	sadd.s32 $0x1000, s9;
	s18 =	sadd.s32 $0x3000, s9;
	[dreg:$0x9] =	wrdreg s17  }
0x12: {  	s21 =	sadd.s32 $0x4000, s9;
	s22 =	sadd.s32 $0x5000, s9;
	[dreg:$0xa] =	wrdreg s18  }
0x13: {  	s23 =	sadd.s32 $0x6000, s9;
	s24 =	sadd.s32 $0x7000, s9;
	[dreg:$0xb] =	wrdreg s21  }
0x14: {  	s26 =	sshrl.u32 s13, $0x3;
	s10 =	simm.s32 $0x2;
	[dreg:$0xc] =	wrdreg s22  }
0x15: {  	s13 =	simm.s32 $0x180;
	s12 =	sadd.s32 s7, s0;
	[dreg:$0xd] =	wrdreg s23  }
0x16: {  	s7 =	sor.u32 $0x1C05, s25;
	s0 =	sadd.s32 $0xCA200, s0;
	[dreg:$0xe] =	wrdreg s24  }
0x17: {  	s25 =	sadd.s32 $0x8000, s9;
	s21 =	sadd.s32 s8, s20;
	s22 =	sadd.s32 $0x9000, s9  }
0x18: {  	[dreg:$0x10] =	wrdreg s26;
	s24 =	simm.s32 $0x5;
	s26 =	simm.s32 $0x400  }
0x19: {  	s8 =	simm.s32 $0x300;
	s23 =	simm.s32 $0x380;
	[dreg:$0x5] =	wrdreg s0  }
0x1a: {  	s11 =	sadd.s32 $0xCA400, s12;
	s15 =	sadd.s32 $0xDE400, s12;
	[dreg:$0xf] =	wrdreg s25  }
0x1b: {  	s0 =	sshrl.u32 @!p0 s14, $0x3;
	s12 =	simm.s32 $0x4;
	[dreg:$0x6] =	wrdreg s11  }
0x1c: {  	s25 =	simm.s32 $0x100;
	s14 =	simm.s32 $0x0;
	[dreg:$0x7] =	wrdreg s15  }
0x1d: {  	v0 =	vimm.f32 $0.0e+00;
	[dreg:$0x11] =	wrdreg s0;
	s0 =	simm.s32 $0x1;
	s11 =	simm.s32 $0x80  }
.LBB2_1:
0x1e: {  	s15 =	rddreg [dreg:$0x4]  }
0x1f: {  	s16 =	rddreg [dreg:$0x10]  }
0x20: {  	[spmem:s16], [sflag:s7] =	dma.local [hbm:s15], $0x2700  }
0x21: {  	_ =	swait.ge [sflag:s24], $0x2700  }
0x22: {  	[sflag:s24] =	ssyncset.done $0x0;
	s15 =	rddreg [dreg:$0x5]  }
0x23: {  	s16 =	rddreg [dreg:$0x11];
	[sflag:s24] =	ssyncadd.s32 $0xFFFFD900  }
0x24: {  	[spmem:s16], [sflag:s7] =	dma.local @!p0 [hbm:s15], $0x100  }
0x25: {  	s15 =	simm.s32 @!p0 $0x5  }
0x26: {  	_ =	swait.ge @!p0 [sflag:s15], $0x100  }
0x27: {  	[sflag:s15] =	ssyncset.done @!p0 $0x0  }
0x28: {  	s16 =	simm.s32 $0x200;
	[sflag:s15] =	ssyncadd.s32 @!p0 $0xFFFFFF00;
	s15 =	simm.s32 $0x0  }
.LBB2_2:
0x29: {  	p1 =	sne.s32 s16, $0x3E00;
	[tilespmem:s15+$0x470] =	vst v0  }
0x2a: {  	[tilespmem:s15+$0x400] =	vst v0  }
0x2b: {  	[tilespmem:s15+$0x410] =	vst v0  }
.Ltmp0:
0x2c: {  	[tilespmem:s15+$0x420] =	vst v0;
	(pc) =	sbr.rel @p1 .LBB2_2-.Ltmp0, $4  }
0x2d: {  	[tilespmem:s15+$0x430] =	vst v0  }
0x2e: {  	[tilespmem:s15+$0x440] =	vst v0  }
0x2f: {  	[tilespmem:s15+$0x450] =	vst v0  }
0x30: {  	[tilespmem:s15+$0x460] =	vst v0;
	s15 =	sshra.s32 s16, $0x2;
	s16 =	sadd.s32 $0x200, s16  }
0x31: {  	[tilespmem:s15+$0x470] =	vst v0  }
0x32: {  	[tilespmem:s15+$0x400] =	vst v0  }
0x33: {  	[tilespmem:s15+$0x410] =	vst v0  }
0x34: {  	[tilespmem:s15+$0x420] =	vst v0  }
0x35: {  	[tilespmem:s15+$0x430] =	vst v0  }
0x36: {  	[tilespmem:s15+$0x440] =	vst v0  }
0x37: {  	[tilespmem:s15+$0x450] =	vst v0  }
0x38: {  	[tilespmem:s15+$0x460] =	vst v0  }
0x39: {  	[spmem:s9] =	stream.linear.scatter [tilespmem:s26], [sflag:$0x5], $0x1000, $0x38;
	[tilespmem:$0x1FC80] =	vst v63  }
0x3a: {  	_ =	swait.ge [sflag:s24], $0x1000  }
0x3b: {  	[sflag:s24] =	ssyncset.done $0x0  }
0x3c: {  	[sflag:s24] =	ssyncadd.s32 $0xFFFFF000  }
0x3d: {  	[spmem:s19] =	stream.linear.scatter [tilespmem:s26], [sflag:$0x5], $0x1000, $0x38;
	[tilespmem:$0x1FC80] =	vst v63  }
0x3e: {  	_ =	swait.ge [sflag:s24], $0x1000  }
0x3f: {  	[sflag:s24] =	ssyncset.done $0x0  }
0x40: {  	s20 =	rddreg [dreg:$0x9];
	[sflag:s24] =	ssyncadd.s32 $0xFFFFF000  }
0x41: {  	[spmem:s20] =	stream.linear.scatter [tilespmem:s26], [sflag:$0x5], $0x1000, $0x38;
	[tilespmem:$0x1FC80] =	vst v63  }
0x42: {  	_ =	swait.ge [sflag:s24], $0x1000  }
0x43: {  	[sflag:s24] =	ssyncset.done $0x0  }
0x44: {  	s16 =	rddreg [dreg:$0xa];
	[sflag:s24] =	ssyncadd.s32 $0xFFFFF000  }
0x45: {  	[spmem:s16] =	stream.linear.scatter [tilespmem:s26], [sflag:$0x5], $0x1000, $0x38;
	[tilespmem:$0x1FC80] =	vst v63  }
0x46: {  	_ =	swait.ge [sflag:s24], $0x1000  }
0x47: {  	[sflag:s24] =	ssyncset.done $0x0  }
0x48: {  	s17 =	rddreg [dreg:$0xb];
	[sflag:s24] =	ssyncadd.s32 $0xFFFFF000  }
0x49: {  	[spmem:s17] =	stream.linear.scatter [tilespmem:s26], [sflag:$0x5], $0x1000, $0x38;
	[tilespmem:$0x1FC80] =	vst v63  }
0x4a: {  	_ =	swait.ge [sflag:s24], $0x1000  }
0x4b: {  	[sflag:s24] =	ssyncset.done $0x0  }
0x4c: {  	s18 =	rddreg [dreg:$0xc];
	[sflag:s24] =	ssyncadd.s32 $0xFFFFF000  }
0x4d: {  	[spmem:s18] =	stream.linear.scatter [tilespmem:s26], [sflag:$0x5], $0x1000, $0x38;
	[tilespmem:$0x1FC80] =	vst v63  }
0x4e: {  	_ =	swait.ge [sflag:s24], $0x1000  }
0x4f: {  	[sflag:s24] =	ssyncset.done $0x0  }
0x50: {  	s20 =	rddreg [dreg:$0xd];
	[sflag:s24] =	ssyncadd.s32 $0xFFFFF000  }
0x51: {  	[spmem:s20] =	stream.linear.scatter [tilespmem:s26], [sflag:$0x5], $0x1000, $0x38;
	[tilespmem:$0x1FC80] =	vst v63  }
0x52: {  	_ =	swait.ge [sflag:s24], $0x1000  }
0x53: {  	[sflag:s24] =	ssyncset.done $0x0  }
0x54: {  	s16 =	rddreg [dreg:$0xe];
	[sflag:s24] =	ssyncadd.s32 $0xFFFFF000  }
0x55: {  	[spmem:s16] =	stream.linear.scatter [tilespmem:s26], [sflag:$0x5], $0x1000, $0x38;
	[tilespmem:$0x1FC80] =	vst v63  }
0x56: {  	_ =	swait.ge [sflag:s24], $0x1000  }
0x57: {  	[sflag:s24] =	ssyncset.done $0x0  }
0x58: {  	s17 =	rddreg [dreg:$0xf];
	[sflag:s24] =	ssyncadd.s32 $0xFFFFF000  }
0x59: {  	[spmem:s17] =	stream.linear.scatter [tilespmem:s26], [sflag:$0x5], $0x1000, $0x38;
	[tilespmem:$0x1FC80] =	vst v63  }
0x5a: {  	_ =	swait.ge [sflag:s24], $0x1000  }
0x5b: {  	[sflag:s24] =	ssyncset.done $0x0  }
0x5c: {  	[sflag:s24] =	ssyncadd.s32 $0xFFFFF000  }
0x5d: {  	[spmem:s22] =	stream.linear.scatter [tilespmem:s26], [sflag:$0x5], $0x1000, $0x38;
	[tilespmem:$0x1FC80] =	vst v63  }
0x5e: {  	_ =	swait.ge [sflag:s24], $0x1000  }
0x5f: {  	[sflag:s24] =	ssyncset.done $0x0  }
0x60: {  	p1 =	por $0x1, $0x1;
	[sflag:s24] =	ssyncadd.s32 $0xFFFFF000  }
0x61: {  	s15 =	simm.s32 @!p1 $0x3;
	[bflag:$0x0] =	sbarrier.arrive $0xFFFF  }
0x62: {  	_ =	swait.ge @!p1 [sflag:s15], $0x1000  }
0x63: {  	s16 =	simm.s32 $0x0;
	[sflag:s15] =	ssyncset.done @!p1 $0x0  }
0x64: {  	s17 =	sadd.s32 $0x0, s21;
	[sflag:s15] =	ssyncadd.s32 @!p1 $0xFFFFF000;
	s15 =	simm.s32 @!p1 $0x4  }
0x65: {  	s16 =	sand.u32 $0x40, s16;
	s17 =	sand.u32 $0xFFFFF80, s17;
	_ =	swait.ge @!p1 [sflag:s15], $0x1000  }
0x66: {  	s16 =	sor.u32 s16, s17;
	[sflag:s15] =	ssyncset.done @!p1 $0x0  }
0x67: {  	s18 =	sadd.s32 s5, s16;
	[sflag:s15] =	ssyncadd.s32 @!p1 $0xFFFFF000  }
0x68: {  	[tilespmem:s3], [sflag:$0x5] =	stream.linear.gather [hbm4b:s18+s3], $0x200, $0x38;
	[tilespmem:$0x1FC80] =	vst v63  }
0x69: {  	_ =	swait.ge [sflag:s24], $0x200  }
0x6a: {  	[sflag:s24] =	ssyncset.done $0x0  }
0x6b: {  	s20 =	sadd.s32 s4, s16;
	[sflag:s24] =	ssyncadd.s32 $0xFFFFFE00  }
0x6c: {  	[tilespmem:s28], [sflag:$0x5] =	stream.linear.gather [hbm4b:s20+s3], $0x200, $0x38;
	[tilespmem:$0x1FC80] =	vst v63  }
0x6d: {  	_ =	swait.ge [sflag:s24], $0x200  }
0x6e: {  	[sflag:s24] =	ssyncset.done $0x0  }
0x6f: {  	[sflag:s24] =	ssyncadd.s32 $0xFFFFFE00  }
0x70: {  	v1 =	vld [tilespmem:$0x190]  }
0x71: {  	v2 =	vld [tilespmem:$0x110]  }
0x72: {  	v3 =	vld [tilespmem:$0x180]  }
0x73: {  	v4 =	vld [tilespmem:$0x100]  }
0x74: {  	v5 =	vld [tilespmem:$0x90]  }
0x75: {  	v6 =	vld [tilespmem:$0x80];
	vm0 =	vlt.u32 v1, $0x1388  }
0x76: {  	v7 =	vld [tilespmem:$0x10];
	vm1 =	vlt.u32 v2, $0x1388;
	v1 =	vnsel vm0, $0x13EC, v1  }
0x77: {  	v8 =	vld [tilespmem:$0x0];
	vm10 =	vlt.u32 v3, $0x1388;
	v2 =	vnsel vm1, $0x13EC, v2;
	[tilespmem:$0x190] =	vst v1  }
0x78: {  	vm11 =	vlt.u32 v4, $0x1388;
	[tilespmem:$0x110] =	vst v2;
	v1 =	vnsel vm10, $0x13EC, v3  }
0x79: {  	vm12 =	vlt.u32 v5, $0x1388;
	v2 =	vnsel vm11, $0x13EC, v4;
	[tilespmem:$0x180] =	vst v1  }
0x7a: {  	vm13 =	vlt.u32 v6, $0x1388;
	v1 =	vnsel vm12, $0x13EC, v5;
	[tilespmem:$0x100] =	vst v2  }
0x7b: {  	vm14 =	vlt.u32 v7, $0x1388;
	v2 =	vnsel vm13, $0x13EC, v6;
	[tilespmem:$0x90] =	vst v1  }
0x7c: {  	vm15 =	vlt.u32 v8, $0x1388;
	v1 =	vnsel vm14, $0x13EC, v7;
	[tilespmem:$0x80] =	vst v2  }
0x7d: {  	v2 =	vnsel vm15, $0x13EC, v8;
	[tilespmem:$0x10] =	vst v1  }
0x7e: {  	[tilespmem:$0x0] =	vst v2  }
0x7f: {  	[tilespmem:s26], [sflag:$0x1] =	stream.indirect.gather [spmem:s1], $0x80, s28, s29, $0xb8;
	[tilespmem:$0x1FC80] =	vst v63  }
0x80: {  	_ = 	snop  }
0x81: {  	[tilespmem:s31], [sflag:$0x2] =	stream.indirect.gather [spmem:s1], $0x80, s30, s29, $0xb8;
	[tilespmem:$0x1FC80] =	vst v63  }
0x82: {  	_ =	swait.ge [sflag:s0], $0x1000  }
0x83: {  	[sflag:s0] =	ssyncset.done $0x0  }
0x84: {  	[sflag:s0] =	ssyncadd.s32 $0xFFFFF000  }
0x85: {  	[spmem:s2] =	stream.indirect.scatter.add.f32 [tilespmem:s26], [sflag:$0x3], $0x80, s3, s29, $0xb8;
	[tilespmem:$0x1FC80] =	vst v63  }
0x86: {  	_ =	swait.ge [sflag:s6], $0x1000  }
0x87: {  	[sflag:s6] =	ssyncset.done $0x0  }
0x88: {  	[sflag:s6] =	ssyncadd.s32 $0xFFFFF000  }
0x89: {  	[tilespmem:s26], [sflag:$0x1] =	stream.indirect.gather [spmem:s1], $0x80, s8, s29, $0xb8;
	[tilespmem:$0x1FC80] =	vst v63  }
0x8a: {  	_ =	swait.ge [sflag:s10], $0x1000  }
0x8b: {  	[sflag:s10] =	ssyncset.done $0x0  }
0x8c: {  	[sflag:s10] =	ssyncadd.s32 $0xFFFFF000  }
0x8d: {  	[spmem:s2] =	stream.indirect.scatter.add.f32 [tilespmem:s31], [sflag:$0x4], $0x80, s11, s29, $0xb8;
	[tilespmem:$0x1FC80] =	vst v63  }
0x8e: {  	_ =	swait.ge [sflag:s12], $0x1000  }
0x8f: {  	[sflag:s12] =	ssyncset.done $0x0  }
0x90: {  	s15 =	simm.s32 $0x40;
	[sflag:s12] =	ssyncadd.s32 $0xFFFFF000  }
0x91: {  	[tilespmem:s31], [sflag:$0x2] =	stream.indirect.gather [spmem:s1], $0x80, s23, s29, $0xb8;
	[tilespmem:$0x1FC80] =	vst v63  }
.LBB2_4:
0x92: {  	_ =	swait.ge [sflag:s0], $0x1000;
	s16 =	smov.u32 s15;
	s15 =	sadd.s32 $0x40, s15  }
0x93: {  	p1 =	sne.s32 s15, $0x1400;
	[sflag:s0] =	ssyncset.done $0x0  }
0x94: {  	[sflag:s0] =	ssyncadd.s32 $0xFFFFF000  }
0x95: {  	[spmem:s2] =	stream.indirect.scatter.add.f32 [tilespmem:s26], [sflag:$0x3], $0x80, s25, s29, $0xb8;
	[tilespmem:$0x1FC80] =	vst v63  }
0x96: {  	_ =	swait.ge [sflag:s10], $0x1000  }
0x97: {  	p2 =	seq.s32 s16, $0x0;
	[sflag:s10] =	ssyncset.done $0x0  }
0x98: {  	s17 =	simm.s32 @!p2 $0x3;
	[sflag:s10] =	ssyncadd.s32 $0xFFFFF000  }
0x99: {  	[spmem:s2] =	stream.indirect.scatter.add.f32 [tilespmem:s31], [sflag:$0x4], $0x80, s13, s29, $0xb8;
	[tilespmem:$0x1FC80] =	vst v63  }
0x9a: {  	_ =	swait.ge @!p2 [sflag:s17], $0x1000  }
0x9b: {  	[sflag:s17] =	ssyncset.done @!p2 $0x0  }
0x9c: {  	s18 =	sadd.s32 s16, s21;
	[sflag:s17] =	ssyncadd.s32 @!p2 $0xFFFFF000;
	s17 =	simm.s32 @!p2 $0x4  }
0x9d: {  	s16 =	sand.u32 $0x40, s16;
	s18 =	sand.u32 $0xFFFFF80, s18;
	_ =	swait.ge @!p2 [sflag:s17], $0x1000  }
0x9e: {  	s16 =	sor.u32 s16, s18;
	[sflag:s17] =	ssyncset.done @!p2 $0x0  }
0x9f: {  	[sflag:s17] =	ssyncadd.s32 @!p2 $0xFFFFF000;
	s17 =	sadd.s32 s5, s16  }
0xa0: {  	[tilespmem:s3], [sflag:$0x5] =	stream.linear.gather [hbm4b:s17+s3], $0x200, $0x38;
	[tilespmem:$0x1FC80] =	vst v63  }
0xa1: {  	_ =	swait.ge [sflag:s24], $0x200  }
0xa2: {  	[sflag:s24] =	ssyncset.done $0x0  }
0xa3: {  	s16 =	sadd.s32 s4, s16;
	[sflag:s24] =	ssyncadd.s32 $0xFFFFFE00  }
0xa4: {  	[tilespmem:s28], [sflag:$0x5] =	stream.linear.gather [hbm4b:s16+s3], $0x200, $0x38;
	[tilespmem:$0x1FC80] =	vst v63  }
0xa5: {  	_ =	swait.ge [sflag:s24], $0x200  }
0xa6: {  	[sflag:s24] =	ssyncset.done $0x0  }
0xa7: {  	[sflag:s24] =	ssyncadd.s32 $0xFFFFFE00  }
0xa8: {  	v1 =	vld [tilespmem:$0x190]  }
0xa9: {  	v2 =	vld [tilespmem:$0x110]  }
0xaa: {  	v3 =	vld [tilespmem:$0x180]  }
0xab: {  	v4 =	vld [tilespmem:$0x100]  }
0xac: {  	v5 =	vld [tilespmem:$0x90]  }
0xad: {  	v6 =	vld [tilespmem:$0x80];
	vm0 =	vlt.u32 v1, $0x1388  }
0xae: {  	v7 =	vld [tilespmem:$0x10];
	vm1 =	vlt.u32 v2, $0x1388;
	v1 =	vnsel vm0, $0x13EC, v1  }
0xaf: {  	v8 =	vld [tilespmem:$0x0];
	v2 =	vnsel vm1, $0x13EC, v2;
	vm0 =	vlt.u32 v3, $0x1388;
	[tilespmem:$0x190] =	vst v1  }
0xb0: {  	vm1 =	vlt.u32 v4, $0x1388;
	[tilespmem:$0x110] =	vst v2;
	v1 =	vnsel vm0, $0x13EC, v3  }
0xb1: {  	vm0 =	vlt.u32 v5, $0x1388;
	v2 =	vnsel vm1, $0x13EC, v4;
	[tilespmem:$0x180] =	vst v1  }
0xb2: {  	vm1 =	vlt.u32 v6, $0x1388;
	v1 =	vnsel vm0, $0x13EC, v5;
	[tilespmem:$0x100] =	vst v2  }
0xb3: {  	vm0 =	vlt.u32 v7, $0x1388;
	v2 =	vnsel vm1, $0x13EC, v6;
	[tilespmem:$0x90] =	vst v1  }
0xb4: {  	vm1 =	vlt.u32 v8, $0x1388;
	v1 =	vnsel vm0, $0x13EC, v7;
	[tilespmem:$0x80] =	vst v2  }
0xb5: {  	v2 =	vnsel vm1, $0x13EC, v8;
	[tilespmem:$0x10] =	vst v1  }
0xb6: {  	[tilespmem:$0x0] =	vst v2  }
0xb7: {  	[tilespmem:s26], [sflag:$0x1] =	stream.indirect.gather [spmem:s1], $0x80, s28, s29, $0xb8;
	[tilespmem:$0x1FC80] =	vst v63  }
0xb8: {  	_ = 	snop  }
0xb9: {  	[tilespmem:s31], [sflag:$0x2] =	stream.indirect.gather [spmem:s1], $0x80, s30, s29, $0xb8;
	[tilespmem:$0x1FC80] =	vst v63  }
0xba: {  	_ =	swait.ge [sflag:s0], $0x1000  }
0xbb: {  	[sflag:s0] =	ssyncset.done $0x0  }
0xbc: {  	[sflag:s0] =	ssyncadd.s32 $0xFFFFF000  }
0xbd: {  	[spmem:s2] =	stream.indirect.scatter.add.f32 [tilespmem:s26], [sflag:$0x3], $0x80, s3, s29, $0xb8;
	[tilespmem:$0x1FC80] =	vst v63  }
0xbe: {  	_ =	swait.ge [sflag:s6], $0x1000  }
0xbf: {  	[sflag:s6] =	ssyncset.done $0x0  }
0xc0: {  	[sflag:s6] =	ssyncadd.s32 $0xFFFFF000  }
0xc1: {  	[tilespmem:s26], [sflag:$0x1] =	stream.indirect.gather [spmem:s1], $0x80, s8, s29, $0xb8;
	[tilespmem:$0x1FC80] =	vst v63  }
0xc2: {  	_ =	swait.ge [sflag:s10], $0x1000  }
0xc3: {  	[sflag:s10] =	ssyncset.done $0x0  }
0xc4: {  	[sflag:s10] =	ssyncadd.s32 $0xFFFFF000  }
0xc5: {  	[spmem:s2] =	stream.indirect.scatter.add.f32 [tilespmem:s31], [sflag:$0x4], $0x80, s11, s29, $0xb8;
	[tilespmem:$0x1FC80] =	vst v63  }
.Ltmp1:
0xc6: {  	_ = 	snop;
	(pc) =	sbr.rel @p1 .LBB2_4-.Ltmp1, $4  }
0xc7: {  	_ =	swait.ge [sflag:s12], $0x1000  }
0xc8: {  	[sflag:s12] =	ssyncset.done $0x0  }
0xc9: {  	[sflag:s12] =	ssyncadd.s32 $0xFFFFF000  }
0xca: {  	[tilespmem:s31], [sflag:$0x2] =	stream.indirect.gather [spmem:s1], $0x80, s23, s29, $0xb8;
	[tilespmem:$0x1FC80] =	vst v63  }
0xcb: {  	_ =	swait.ge [sflag:s0], $0x1000  }
0xcc: {  	[sflag:s0] =	ssyncset.done $0x0  }
0xcd: {  	[sflag:s0] =	ssyncadd.s32 $0xFFFFF000  }
0xce: {  	[spmem:s2] =	stream.indirect.scatter.add.f32 [tilespmem:s26], [sflag:$0x3], $0x80, s25, s29, $0xb8;
	[tilespmem:$0x1FC80] =	vst v63  }
0xcf: {  	_ =	swait.ge [sflag:s10], $0x1000  }
0xd0: {  	[sflag:s10] =	ssyncset.done $0x0  }
0xd1: {  	[sflag:s10] =	ssyncadd.s32 $0xFFFFF000  }
0xd2: {  	[spmem:s2] =	stream.indirect.scatter.add.f32 [tilespmem:s31], [sflag:$0x4], $0x80, s13, s29, $0xb8;
	[tilespmem:$0x1FC80] =	vst v63  }
0xd3: {  	_ =	swait.ge [sflag:s6], $0x1000  }
0xd4: {  	[sflag:s6] =	ssyncset.done $0x0  }
0xd5: {  	[sflag:s6] =	ssyncadd.s32 $0xFFFFF000  }
0xd6: {  	_ =	swait.ge [sflag:s12], $0x1000  }
0xd7: {  	[sflag:s12] =	ssyncset.done $0x0  }
0xd8: {  	[sflag:s12] =	ssyncadd.s32 $0xFFFFF000  }
0xd9: {  	[bflag:$0x0] =	sbarrier.arrive $0xFFFF  }
0xda: {  	s15 =	sshrl.u32 s9, $0x3;
	s16 =	rddreg [dreg:$0x6]  }
0xdb: {  	[hbm:s16], [sflag:s7] =	dma.local [spmem:s15], $0x1400  }
0xdc: {  	_ =	swait.ge [sflag:s24], $0x1400  }
0xdd: {  	[sflag:s24] =	ssyncset.done $0x0  }
0xde: {  	s17 =	simm.s32 $0x200;
	s16 =	simm.s32 $0x0;
	[sflag:s24] =	ssyncadd.s32 $0xFFFFEC00  }
.LBB2_6:
0xdf: {  	p1 =	sne.s32 s17, $0x3E00;
	[tilespmem:s16+$0x470] =	vst v0  }
0xe0: {  	[tilespmem:s16+$0x400] =	vst v0  }
0xe1: {  	[tilespmem:s16+$0x410] =	vst v0  }
.Ltmp2:
0xe2: {  	[tilespmem:s16+$0x420] =	vst v0;
	(pc) =	sbr.rel @p1 .LBB2_6-.Ltmp2, $4  }
0xe3: {  	[tilespmem:s16+$0x430] =	vst v0  }
0xe4: {  	[tilespmem:s16+$0x440] =	vst v0  }
0xe5: {  	[tilespmem:s16+$0x450] =	vst v0  }
0xe6: {  	[tilespmem:s16+$0x460] =	vst v0;
	s16 =	sshra.s32 s17, $0x2;
	s17 =	sadd.s32 $0x200, s17  }
0xe7: {  	[tilespmem:s16+$0x470] =	vst v0  }
0xe8: {  	[tilespmem:s16+$0x400] =	vst v0  }
0xe9: {  	[tilespmem:s16+$0x410] =	vst v0  }
0xea: {  	[tilespmem:s16+$0x420] =	vst v0  }
0xeb: {  	[tilespmem:s16+$0x430] =	vst v0  }
0xec: {  	[tilespmem:s16+$0x440] =	vst v0  }
0xed: {  	[tilespmem:s16+$0x450] =	vst v0  }
0xee: {  	[tilespmem:s16+$0x460] =	vst v0  }
0xef: {  	[spmem:s9] =	stream.linear.scatter [tilespmem:s26], [sflag:$0x5], $0x1000, $0x38;
	[tilespmem:$0x1FC80] =	vst v63  }
0xf0: {  	_ =	swait.ge [sflag:s24], $0x1000  }
0xf1: {  	[sflag:s24] =	ssyncset.done $0x0  }
0xf2: {  	[sflag:s24] =	ssyncadd.s32 $0xFFFFF000  }
0xf3: {  	[spmem:s19] =	stream.linear.scatter [tilespmem:s26], [sflag:$0x5], $0x1000, $0x38;
	[tilespmem:$0x1FC80] =	vst v63  }
0xf4: {  	_ =	swait.ge [sflag:s24], $0x1000  }
0xf5: {  	[sflag:s24] =	ssyncset.done $0x0  }
0xf6: {  	s17 =	rddreg [dreg:$0x9];
	[sflag:s24] =	ssyncadd.s32 $0xFFFFF000  }
0xf7: {  	[spmem:s17] =	stream.linear.scatter [tilespmem:s26], [sflag:$0x5], $0x1000, $0x38;
	[tilespmem:$0x1FC80] =	vst v63  }
0xf8: {  	_ =	swait.ge [sflag:s24], $0x1000  }
0xf9: {  	[sflag:s24] =	ssyncset.done $0x0  }
0xfa: {  	s18 =	rddreg [dreg:$0xa];
	[sflag:s24] =	ssyncadd.s32 $0xFFFFF000  }
0xfb: {  	[spmem:s18] =	stream.linear.scatter [tilespmem:s26], [sflag:$0x5], $0x1000, $0x38;
	[tilespmem:$0x1FC80] =	vst v63  }
0xfc: {  	_ =	swait.ge [sflag:s24], $0x1000  }
0xfd: {  	[sflag:s24] =	ssyncset.done $0x0  }
0xfe: {  	s20 =	smov.u32 s19;
	s19 =	rddreg [dreg:$0xb];
	[sflag:s24] =	ssyncadd.s32 $0xFFFFF000  }
0xff: {  	[spmem:s19] =	stream.linear.scatter [tilespmem:s26], [sflag:$0x5], $0x1000, $0x38;
	[tilespmem:$0x1FC80] =	vst v63  }
0x100: {  	_ =	swait.ge [sflag:s24], $0x1000  }
0x101: {  	[sflag:s24] =	ssyncset.done $0x0  }
0x102: {  	s17 =	rddreg [dreg:$0xc];
	[sflag:s24] =	ssyncadd.s32 $0xFFFFF000  }
0x103: {  	[spmem:s17] =	stream.linear.scatter [tilespmem:s26], [sflag:$0x5], $0x1000, $0x38;
	[tilespmem:$0x1FC80] =	vst v63  }
0x104: {  	_ =	swait.ge [sflag:s24], $0x1000  }
0x105: {  	[sflag:s24] =	ssyncset.done $0x0  }
0x106: {  	s18 =	rddreg [dreg:$0xd];
	[sflag:s24] =	ssyncadd.s32 $0xFFFFF000  }
0x107: {  	[spmem:s18] =	stream.linear.scatter [tilespmem:s26], [sflag:$0x5], $0x1000, $0x38;
	[tilespmem:$0x1FC80] =	vst v63  }
0x108: {  	_ =	swait.ge [sflag:s24], $0x1000  }
0x109: {  	[sflag:s24] =	ssyncset.done $0x0  }
0x10a: {  	s19 =	rddreg [dreg:$0xe];
	[sflag:s24] =	ssyncadd.s32 $0xFFFFF000  }
0x10b: {  	[spmem:s19] =	stream.linear.scatter [tilespmem:s26], [sflag:$0x5], $0x1000, $0x38;
	[tilespmem:$0x1FC80] =	vst v63  }
0x10c: {  	_ =	swait.ge [sflag:s24], $0x1000  }
0x10d: {  	[sflag:s24] =	ssyncset.done $0x0  }
0x10e: {  	s17 =	rddreg [dreg:$0xf];
	[sflag:s24] =	ssyncadd.s32 $0xFFFFF000  }
0x10f: {  	[spmem:s17] =	stream.linear.scatter [tilespmem:s26], [sflag:$0x5], $0x1000, $0x38;
	[tilespmem:$0x1FC80] =	vst v63  }
0x110: {  	_ =	swait.ge [sflag:s24], $0x1000  }
0x111: {  	[sflag:s24] =	ssyncset.done $0x0  }
0x112: {  	[sflag:s24] =	ssyncadd.s32 $0xFFFFF000  }
0x113: {  	[spmem:s22] =	stream.linear.scatter [tilespmem:s26], [sflag:$0x5], $0x1000, $0x38;
	[tilespmem:$0x1FC80] =	vst v63  }
0x114: {  	_ =	swait.ge [sflag:s24], $0x1000  }
0x115: {  	[sflag:s24] =	ssyncset.done $0x0  }
0x116: {  	p1 =	por $0x1, $0x1;
	[sflag:s24] =	ssyncadd.s32 $0xFFFFF000  }
0x117: {  	s16 =	simm.s32 @!p1 $0x3;
	[bflag:$0x0] =	sbarrier.arrive $0xFFFF  }
0x118: {  	_ =	swait.ge @!p1 [sflag:s16], $0x1000  }
0x119: {  	s18 =	sadd.s32 $0x0, s21;
	[sflag:s16] =	ssyncset.done @!p1 $0x0  }
0x11a: {  	s17 =	simm.s32 $0x0;
	[sflag:s16] =	ssyncadd.s32 @!p1 $0xFFFFF000;
	s16 =	simm.s32 @!p1 $0x4  }
0x11b: {  	s18 =	sand.u32 $0xFFFFF80, s18;
	s17 =	sand.u32 $0x40, s17;
	_ =	swait.ge @!p1 [sflag:s16], $0x1000  }
0x11c: {  	s17 =	sor.u32 s17, s18;
	[sflag:s16] =	ssyncset.done @!p1 $0x0  }
0x11d: {  	s18 =	sadd.s32 s5, s17;
	[sflag:s16] =	ssyncadd.s32 @!p1 $0xFFFFF000  }
0x11e: {  	[tilespmem:s3], [sflag:$0x5] =	stream.linear.gather [hbm4b:s18+s3], $0x200, $0x38;
	[tilespmem:$0x1FC80] =	vst v63  }
0x11f: {  	_ =	swait.ge [sflag:s24], $0x200  }
0x120: {  	[sflag:s24] =	ssyncset.done $0x0  }
0x121: {  	s19 =	sadd.s32 s4, s17;
	[sflag:s24] =	ssyncadd.s32 $0xFFFFFE00  }
0x122: {  	[tilespmem:s28], [sflag:$0x5] =	stream.linear.gather [hbm4b:s19+s3], $0x200, $0x38;
	[tilespmem:$0x1FC80] =	vst v63  }
0x123: {  	_ =	swait.ge [sflag:s24], $0x200  }
0x124: {  	[sflag:s24] =	ssyncset.done $0x0  }
0x125: {  	[sflag:s24] =	ssyncadd.s32 $0xFFFFFE00  }
0x126: {  	v4 =	vld [tilespmem:$0x80]  }
0x127: {  	v5 =	vld [tilespmem:$0x10]  }
0x128: {  	v1 =	vld [tilespmem:$0x100]  }
0x129: {  	v2 =	vld [tilespmem:$0x90]  }
0x12a: {  	s16 =	simm.s32 $0x40;
	v3 =	vld [tilespmem:$0x0]  }
.LBB2_8:
0x12b: {  	v6 =	vld [tilespmem:$0x110];
	s17 =	smov.u32 s16;
	s16 =	sadd.s32 $0x40, s16  }
0x12c: {  	p1 =	sne.s32 s16, $0x1400;
	v5 =	vadd.s32 $0xFFFFEC78, v5;
	v7 =	vld [tilespmem:$0x190]  }
0x12d: {  	v4 =	vadd.s32 $0xFFFFEC78, v4;
	vm0 =	vlt.u32 v5, $0x1388;
	v1 =	vadd.s32 $0xFFFFEC78, v1;
	v8 =	vld [tilespmem:$0x180]  }
0x12e: {  	v5 =	vnsel vm0, $0x13EC, v5;
	vm0 =	vlt.u32 v4, $0x1388;
	v2 =	vadd.s32 $0xFFFFEC78, v2  }
0x12f: {  	v3 =	vadd.s32 $0xFFFFEC78, v3;
	[tilespmem:$0x10] =	vst v5;
	v4 =	vnsel vm0, $0x13EC, v4;
	vm0 =	vlt.u32 v2, $0x1388  }
0x130: {  	vm1 =	vlt.u32 v3, $0x1388;
	[tilespmem:$0x80] =	vst v4;
	v2 =	vnsel vm0, $0x13EC, v2;
	v4 =	vadd.s32 $0xFFFFEC78, v6  }
0x131: {  	vm0 =	vlt.u32 v1, $0x1388;
	v3 =	vnsel vm1, $0x13EC, v3;
	[tilespmem:$0x90] =	vst v2;
	vm1 =	vlt.u32 v4, $0x1388  }
0x132: {  	v1 =	vnsel vm0, $0x13EC, v1;
	[tilespmem:$0x0] =	vst v3;
	v2 =	vnsel vm1, $0x13EC, v4;
	v3 =	vadd.s32 $0xFFFFEC78, v8  }
0x133: {  	[tilespmem:$0x100] =	vst v1;
	vm0 =	vlt.u32 v3, $0x1388;
	v1 =	vadd.s32 $0xFFFFEC78, v7  }
0x134: {  	[tilespmem:$0x110] =	vst v2;
	v2 =	vnsel vm0, $0x13EC, v3;
	vm0 =	vlt.u32 v1, $0x1388  }
0x135: {  	[tilespmem:$0x180] =	vst v2;
	v1 =	vnsel vm0, $0x13EC, v1  }
0x136: {  	[tilespmem:$0x190] =	vst v1  }
0x137: {  	[tilespmem:s26], [sflag:$0x1] =	stream.indirect.gather [spmem:s1], $0x80, s28, s29, $0xb8;
	[tilespmem:$0x1FC80] =	vst v63  }
0x138: {  	_ = 	snop  }
0x139: {  	[tilespmem:s31], [sflag:$0x2] =	stream.indirect.gather [spmem:s1], $0x80, s30, s29, $0xb8;
	[tilespmem:$0x1FC80] =	vst v63  }
0x13a: {  	_ =	swait.ge [sflag:s0], $0x1000  }
0x13b: {  	[sflag:s0] =	ssyncset.done $0x0  }
0x13c: {  	[sflag:s0] =	ssyncadd.s32 $0xFFFFF000  }
0x13d: {  	[spmem:s2] =	stream.indirect.scatter.add.f32 [tilespmem:s26], [sflag:$0x3], $0x80, s3, s29, $0xb8;
	[tilespmem:$0x1FC80] =	vst v63  }
0x13e: {  	_ =	swait.ge [sflag:s6], $0x1000  }
0x13f: {  	[sflag:s6] =	ssyncset.done $0x0  }
0x140: {  	[sflag:s6] =	ssyncadd.s32 $0xFFFFF000  }
0x141: {  	[tilespmem:s26], [sflag:$0x1] =	stream.indirect.gather [spmem:s1], $0x80, s8, s29, $0xb8;
	[tilespmem:$0x1FC80] =	vst v63  }
0x142: {  	_ =	swait.ge [sflag:s10], $0x1000  }
0x143: {  	[sflag:s10] =	ssyncset.done $0x0  }
0x144: {  	[sflag:s10] =	ssyncadd.s32 $0xFFFFF000  }
0x145: {  	[spmem:s2] =	stream.indirect.scatter.add.f32 [tilespmem:s31], [sflag:$0x4], $0x80, s11, s29, $0xb8;
	[tilespmem:$0x1FC80] =	vst v63  }
0x146: {  	_ =	swait.ge [sflag:s12], $0x1000  }
0x147: {  	[sflag:s12] =	ssyncset.done $0x0  }
0x148: {  	[sflag:s12] =	ssyncadd.s32 $0xFFFFF000  }
0x149: {  	[tilespmem:s31], [sflag:$0x2] =	stream.indirect.gather [spmem:s1], $0x80, s23, s29, $0xb8;
	[tilespmem:$0x1FC80] =	vst v63  }
0x14a: {  	_ =	swait.ge [sflag:s0], $0x1000  }
0x14b: {  	[sflag:s0] =	ssyncset.done $0x0  }
0x14c: {  	[sflag:s0] =	ssyncadd.s32 $0xFFFFF000  }
0x14d: {  	[spmem:s2] =	stream.indirect.scatter.add.f32 [tilespmem:s26], [sflag:$0x3], $0x80, s25, s29, $0xb8;
	[tilespmem:$0x1FC80] =	vst v63  }
0x14e: {  	_ =	swait.ge [sflag:s10], $0x1000  }
0x14f: {  	p2 =	seq.s32 s17, $0x0;
	[sflag:s10] =	ssyncset.done $0x0  }
0x150: {  	s18 =	simm.s32 @!p2 $0x3;
	[sflag:s10] =	ssyncadd.s32 $0xFFFFF000  }
0x151: {  	[spmem:s2] =	stream.indirect.scatter.add.f32 [tilespmem:s31], [sflag:$0x4], $0x80, s13, s29, $0xb8;
	[tilespmem:$0x1FC80] =	vst v63  }
0x152: {  	_ =	swait.ge @!p2 [sflag:s18], $0x1000  }
0x153: {  	[sflag:s18] =	ssyncset.done @!p2 $0x0  }
0x154: {  	s19 =	sadd.s32 s17, s21;
	[sflag:s18] =	ssyncadd.s32 @!p2 $0xFFFFF000;
	s18 =	simm.s32 @!p2 $0x4  }
0x155: {  	s17 =	sand.u32 $0x40, s17;
	s19 =	sand.u32 $0xFFFFF80, s19;
	_ =	swait.ge @!p2 [sflag:s18], $0x1000  }
0x156: {  	s17 =	sor.u32 s17, s19;
	[sflag:s18] =	ssyncset.done @!p2 $0x0  }
0x157: {  	[sflag:s18] =	ssyncadd.s32 @!p2 $0xFFFFF000;
	s18 =	sadd.s32 s5, s17  }
0x158: {  	[tilespmem:s3], [sflag:$0x5] =	stream.linear.gather [hbm4b:s18+s3], $0x200, $0x38;
	[tilespmem:$0x1FC80] =	vst v63  }
0x159: {  	_ =	swait.ge [sflag:s24], $0x200  }
0x15a: {  	[sflag:s24] =	ssyncset.done $0x0  }
0x15b: {  	s17 =	sadd.s32 s4, s17;
	[sflag:s24] =	ssyncadd.s32 $0xFFFFFE00  }
0x15c: {  	[tilespmem:s28], [sflag:$0x5] =	stream.linear.gather [hbm4b:s17+s3], $0x200, $0x38;
	[tilespmem:$0x1FC80] =	vst v63  }
0x15d: {  	_ =	swait.ge [sflag:s24], $0x200  }
0x15e: {  	[sflag:s24] =	ssyncset.done $0x0  }
0x15f: {  	[sflag:s24] =	ssyncadd.s32 $0xFFFFFE00  }
.Ltmp3:
0x160: {  	v4 =	vld [tilespmem:$0x80];
	(pc) =	sbr.rel @p1 .LBB2_8-.Ltmp3, $4  }
0x161: {  	v5 =	vld [tilespmem:$0x10]  }
0x162: {  	v1 =	vld [tilespmem:$0x100]  }
0x163: {  	v2 =	vld [tilespmem:$0x90]  }
0x164: {  	v3 =	vld [tilespmem:$0x0]  }
0x165: {  	v6 =	vld [tilespmem:$0x110];
	v4 =	vadd.s32 $0xFFFFEC78, v4  }
0x166: {  	v8 =	vld [tilespmem:$0x190];
	v5 =	vadd.s32 $0xFFFFEC78, v5;
	vm10 =	vlt.u32 v4, $0x1388  }
0x167: {  	v7 =	vld [tilespmem:$0x180];
	vm0 =	vlt.u32 v5, $0x1388;
	v4 =	vnsel vm10, $0x13EC, v4;
	v1 =	vadd.s32 $0xFFFFEC78, v1  }
0x168: {  	v5 =	vnsel vm0, $0x13EC, v5;
	v2 =	vadd.s32 $0xFFFFEC78, v2;
	[tilespmem:$0x80] =	vst v4;
	vm12 =	vlt.u32 v1, $0x1388  }
0x169: {  	v3 =	vadd.s32 $0xFFFFEC78, v3;
	[tilespmem:$0x10] =	vst v5;
	vm11 =	vlt.u32 v2, $0x1388;
	v1 =	vnsel vm12, $0x13EC, v1  }
0x16a: {  	vm1 =	vlt.u32 v3, $0x1388;
	v2 =	vnsel vm11, $0x13EC, v2;
	v63 =	vadd.s32 $0xFFFFEC78, v6;
	[tilespmem:$0x100] =	vst v1  }
0x16b: {  	v1 =	vadd.s32 $0xFFFFEC78, v8;
	v3 =	vnsel vm1, $0x13EC, v3;
	[tilespmem:$0x90] =	vst v2;
	vm13 =	vlt.u32 v63, $0x1388  }
0x16c: {  	v2 =	vadd.s32 $0xFFFFEC78, v7;
	vm15 =	vlt.u32 v1, $0x1388;
	[tilespmem:$0x0] =	vst v3;
	v3 =	vnsel vm13, $0x13EC, v63  }
0x16d: {  	vm14 =	vlt.u32 v2, $0x1388;
	v1 =	vnsel vm15, $0x13EC, v1;
	[tilespmem:$0x110] =	vst v3  }
0x16e: {  	v2 =	vnsel vm14, $0x13EC, v2;
	[tilespmem:$0x190] =	vst v1  }
0x16f: {  	[tilespmem:$0x180] =	vst v2  }
0x170: {  	[tilespmem:s26], [sflag:$0x1] =	stream.indirect.gather [spmem:s1], $0x80, s28, s29, $0xb8;
	[tilespmem:$0x1FC80] =	vst v63  }
0x171: {  	_ = 	snop  }
0x172: {  	[tilespmem:s31], [sflag:$0x2] =	stream.indirect.gather [spmem:s1], $0x80, s30, s29, $0xb8;
	[tilespmem:$0x1FC80] =	vst v63  }
0x173: {  	_ =	swait.ge [sflag:s0], $0x1000  }
0x174: {  	[sflag:s0] =	ssyncset.done $0x0  }
0x175: {  	[sflag:s0] =	ssyncadd.s32 $0xFFFFF000  }
0x176: {  	[spmem:s2] =	stream.indirect.scatter.add.f32 [tilespmem:s26], [sflag:$0x3], $0x80, s3, s29, $0xb8;
	[tilespmem:$0x1FC80] =	vst v63  }
0x177: {  	_ =	swait.ge [sflag:s6], $0x1000  }
0x178: {  	[sflag:s6] =	ssyncset.done $0x0  }
0x179: {  	[sflag:s6] =	ssyncadd.s32 $0xFFFFF000  }
0x17a: {  	[tilespmem:s26], [sflag:$0x1] =	stream.indirect.gather [spmem:s1], $0x80, s8, s29, $0xb8;
	[tilespmem:$0x1FC80] =	vst v63  }
0x17b: {  	_ =	swait.ge [sflag:s10], $0x1000  }
0x17c: {  	[sflag:s10] =	ssyncset.done $0x0  }
0x17d: {  	[sflag:s10] =	ssyncadd.s32 $0xFFFFF000  }
0x17e: {  	[spmem:s2] =	stream.indirect.scatter.add.f32 [tilespmem:s31], [sflag:$0x4], $0x80, s11, s29, $0xb8;
	[tilespmem:$0x1FC80] =	vst v63  }
0x17f: {  	_ =	swait.ge [sflag:s12], $0x1000  }
0x180: {  	[sflag:s12] =	ssyncset.done $0x0  }
0x181: {  	[sflag:s12] =	ssyncadd.s32 $0xFFFFF000  }
0x182: {  	[tilespmem:s31], [sflag:$0x2] =	stream.indirect.gather [spmem:s1], $0x80, s23, s29, $0xb8;
	[tilespmem:$0x1FC80] =	vst v63  }
0x183: {  	_ =	swait.ge [sflag:s0], $0x1000  }
0x184: {  	[sflag:s0] =	ssyncset.done $0x0  }
0x185: {  	[sflag:s0] =	ssyncadd.s32 $0xFFFFF000  }
0x186: {  	[spmem:s2] =	stream.indirect.scatter.add.f32 [tilespmem:s26], [sflag:$0x3], $0x80, s25, s29, $0xb8;
	[tilespmem:$0x1FC80] =	vst v63  }
0x187: {  	_ =	swait.ge [sflag:s10], $0x1000  }
0x188: {  	[sflag:s10] =	ssyncset.done $0x0  }
0x189: {  	[sflag:s10] =	ssyncadd.s32 $0xFFFFF000  }
0x18a: {  	[spmem:s2] =	stream.indirect.scatter.add.f32 [tilespmem:s31], [sflag:$0x4], $0x80, s13, s29, $0xb8;
	[tilespmem:$0x1FC80] =	vst v63  }
0x18b: {  	_ =	swait.ge [sflag:s6], $0x1000  }
0x18c: {  	[sflag:s6] =	ssyncset.done $0x0  }
0x18d: {  	[sflag:s6] =	ssyncadd.s32 $0xFFFFF000  }
0x18e: {  	_ =	swait.ge [sflag:s12], $0x1000  }
0x18f: {  	[sflag:s12] =	ssyncset.done $0x0  }
0x190: {  	[sflag:s12] =	ssyncadd.s32 $0xFFFFF000  }
0x191: {  	[bflag:$0x0] =	sbarrier.arrive $0xFFFF  }
0x192: {  	s16 =	rddreg [dreg:$0x7]  }
0x193: {  	[hbm:s16], [sflag:s7] =	dma.local [spmem:s15], $0x1400  }
0x194: {  	_ =	swait.ge [sflag:s24], $0x1400  }
0x195: {  	s14 =	sadd.s32 $0x1, s14;
	s19 =	rddreg [dreg:$0x8]  }
0x196: {  	p1 =	sne.s32 s14, s19  }
.Ltmp4:
0x197: {  	_ = 	snop;
	(pc) =	sbr.rel @p1 .LBB2_1-.Ltmp4, $3  }
0x198: {  	_ =	sdelay $0x1  }
0x199: {  	[sflag:s24] =	ssyncset.done $0x0  }
0x19a: {  	[sflag:s24] =	ssyncadd.s32 $0xFFFFEC00;
	s19 =	smov.u32 s20  }
0x19b: {  	_ =	sfence.sel $0x180000  }
0x19c: {  	[bflag:$0x0] =	sbarrier.arrive $0xFFFF  }
0x19d: {  	_ =	strace $0x9000004D  }
0x19e: {  	[bflag:$0x2] =	sbarrier.arrive $0xFFFF  }
0x19f: {  	s0 =	rddreg [dreg:$0x3]  }
0x1a0: {  	s0 =	sadd.s32 @!p0 $0x100000, s0  }
0x1a1: {  	[sflag:s0] =	ssyncadd.tile.s32 @!p0 $0x1;
	_ =	shalt  }
.Lfunc_end2:
_tile_overlayer_lowered:
.L_overlay_start_2:
0x1a2: {  	(tag) =	ssettag $0x2  }
0x1a3: {  	s0 =	rddreg [dreg:$0x0];
	s2 =	stileid.u32  }
0x1a4: {  	s1 =	rddreg [dreg:$0x1];
	p0 =	sne.s32 s2, $0x0  }
0x1a5: {  	s3 =	rddreg [dreg:$0x2];
	[bflag:$0x3] =	sbarrier.arrive $0xFFFF;
	s2 =	simm.s32 @!p0 $0x1C05  }
0x1a6: {  	[timem:s3], [sflag:s2] =	dma.local @!p0 [hbm:s0], s1  }
0x1a7: {  	s0 =	simm.s32 @!p0 $0x5  }
0x1a8: {  	_ =	swait.ge @!p0 [sflag:s0], s1  }
0x1a9: {  	s1 =	ssub.s32 @!p0 $0x0, s1;
	[sflag:s0] =	ssyncset.done @!p0 $0x0  }
0x1aa: {  	[sflag:s0] =	ssyncadd.s32 @!p0 s1  }
0x1ab: {  	[bflag:$0x3] =	sbarrier.arrive $0xFFFF  }
0x1ac: {  	_ =	shalt  }

// kernel: kernel.19.cloned.1.call-start
scs
__scs_entry_jumppad:
0x0: {  	(pc) =	sbr.rel $0x88, $3  }
0x1: {  	(tag) =	ssettag $0x0;
	lr =	simm.s32 $0x1  }
0x2: {  	[smem:$0x3F94] =	sst lr;
	_ =	strace $0xD0000000  }
0x3: {  	_ = 	snop  }
0x4: {  	_ = 	snop  }
0x5: {  	_ = 	snop  }
0x6: {  	_ = 	snop  }
0x7: {  	_ = 	snop  }
__scs_overlays_trampoline_lowered:
0x8: {  	[smem:$0x3FA3] =	sst s0  }
0x9: {  	[smem:$0x3FA4] =	sst s1  }
0xa: {  	[smem:$0x3FA5] =	sst s2  }
0xb: {  	[smem:$0x3FA6] =	sst s3  }
0xc: {  	[smem:$0x3FA7] =	sst s4  }
0xd: {  	[smem:$0x3FA8] =	sst s5  }
0xe: {  	[smem:$0x3FA9] =	sst s6  }
0xf: {  	[smem:$0x3FAA] =	sst s7  }
0x10: {  	[smem:$0x3FAB] =	sst s8  }
0x11: {  	[smem:$0x3FAC] =	sst s9;
	s0 =	simm.s32 @!p0 $0x0  }
0x12: {  	s1 =	sld [smem:$0x3F92];
	s0 =	simm.s32 @p0 $0x1  }
0x13: {  	[smem:$0x3FAD] =	sst s0;
	s0 =	simm.s32 @!p1 $0x0  }
0x14: {  	s2 =	sld [smem:$0x3F91];
	s0 =	simm.s32 @p1 $0x1  }
0x15: {  	[smem:$0x3FAE] =	sst s0;
	s0 =	simm.s32 @!p2 $0x0  }
0x16: {  	s3 =	sld [smem:$0x3FDB];
	s0 =	simm.s32 @p2 $0x1  }
0x17: {  	s4 =	simm.s32 $0x1BF5;
	[smem:$0x3FB0] =	sst s0  }
0x18: {  	s0 =	sld [smem:$0x3F93];
	_ =	swait.ge [sflag:s4], $0x0  }
0x19: {  	s7 =	sld [smem:$0x3F94]  }
0x1a: {  	s8 =	sadd.s32 $0xFFFFE003, lr  }
0x1b: {  	s9 =	sadd.s32 $0xFFFFFEF7, lr;
	s5 =	simm.s32 $0xFFFFFFFF;
	p2 =	slt.u32 s8, $0xFFFFF086  }
0x1c: {  	p1 =	slt.u32 s9, $0xF7A;
	s5 =	simm.s32 @!p2 $0x0  }
0x1d: {  	s5 =	simm.s32 @p1 $0x1;
	p0 =	seq.s32 s7, s2  }
0x1e: {  	s7 =	smul.u32 @!p0 $0xF7A, s2;
	p2 =	seq.s32 @!p0 s5, $0x0  }
0x1f: {  	s9 =	smul.u32 $0xF7A, s1;
	s8 =	simm.s32 @!p0 $0x1BF5;
	p2 =	por !p2, p0  }
0x20: {  	[sflag:s8] =	ssyncset.s32 @!p0 $0xFFFFF086;
	s6 =	sadd.s32 @!p0 s3, s7;
	s7 =	simm.s32 @!p0 $0x108  }
0x21: {  	s3 =	sadd.s32 s3, s9;
	s6 =	sadd.s32 @!p0 $0x88, s6;
	s7 =	simm.s32 @p2 $0x1082  }
0x22: {  	[simem:s7], [sflag:s8] =	dma.local @!p0 [hbm:s6], $0xF7A  }
0x23: {  	s9 =	sor.u32 $0xD0000000, s2;
	s6 =	simm.s32 $0x108;
	_ =	swait.ge @!p0 [sflag:s8], $0x0  }
0x24: {  	s3 =	sadd.s32 $0x88, s3;
	s6 =	simm.s32 @!p1 $0x1082;
	[sflag:s4] =	ssyncset.s32 $0xFFFFF086  }
0x25: {  	[simem:s6], [sflag:s4] =	dma.local [hbm:s3], $0xF7A  }
0x26: {  	[smem:$0x3F94] =	sst s1;
	(tag) =	ssettag s2;
	_ =	strace s9  }
0x27: {  	s1 =	sld [smem:$0x3FA4]  }
0x28: {  	s2 =	sld [smem:$0x3FA5]  }
0x29: {  	s4 =	sld [smem:$0x3FA7]  }
0x2a: {  	p0 =	seq.s32 s5, $0x0;
	s5 =	sld [smem:$0x3FA8]  }
0x2b: {  	s6 =	sld [smem:$0x3FA9]  }
0x2c: {  	s7 =	sld [smem:$0x3FAA]  }
0x2d: {  	s3 =	simm.s32 $0x108;
	s8 =	sld [smem:$0x3FAB]  }
0x2e: {  	s3 =	simm.s32 @!p0 $0x1082;
	s9 =	sld [smem:$0x3FAC]  }
0x2f: {  	lr =	sadd.s32 s0, s3;
	s0 =	sld [smem:$0x3FA3]  }
0x30: {  	s3 =	sld [smem:$0x3FA6]  }
0x31: {  	[smem:$0x3FAF] =	sst s10  }
0x32: {  	s10 =	sld [smem:$0x3FAD];
	_ =	sdelay $0x3  }
0x33: {  	p0 =	seq.s32 s10, $0x1;
	s10 =	sld [smem:$0x3FAF];
	_ =	sdelay $0x3  }
0x34: {  	[smem:$0x3FAF] =	sst s10  }
0x35: {  	s10 =	sld [smem:$0x3FAE];
	_ =	sdelay $0x3  }
0x36: {  	p1 =	seq.s32 s10, $0x1;
	s10 =	sld [smem:$0x3FAF];
	_ =	sdelay $0x3  }
0x37: {  	[smem:$0x3FAF] =	sst s10  }
0x38: {  	s10 =	sld [smem:$0x3FB0]  }
0x39: {  	_ = 	snop;
	(pc) =	sbr.ind lr, $3  }
0x3a: {  	_ = 	snop  }
0x3b: {  	_ = 	snop  }
0x3c: {  	p2 =	seq.s32 s10, $0x1;
	s10 =	sld [smem:$0x3FAF]  }
0x3d: {  	_ =	shalt  }
0x3e: {  	_ =	shalt  }
0x3f: {  	_ =	shalt  }
0x40: {  	_ =	shalt  }
0x41: {  	_ =	shalt  }
0x42: {  	_ =	shalt  }
0x43: {  	_ =	shalt  }
0x44: {  	_ =	shalt  }
0x45: {  	_ =	shalt  }
0x46: {  	_ =	shalt  }
0x47: {  	_ =	shalt  }
0x48: {  	_ =	shalt  }
0x49: {  	_ =	shalt  }
0x4a: {  	_ =	shalt  }
0x4b: {  	_ =	shalt  }
0x4c: {  	_ =	shalt  }
0x4d: {  	_ =	shalt  }
0x4e: {  	_ =	shalt  }
0x4f: {  	_ =	shalt  }
0x50: {  	_ =	shalt  }
0x51: {  	_ =	shalt  }
0x52: {  	_ =	shalt  }
0x53: {  	_ =	shalt  }
0x54: {  	_ =	shalt  }
0x55: {  	_ =	shalt  }
0x56: {  	_ =	shalt  }
0x57: {  	_ =	shalt  }
0x58: {  	_ =	shalt  }
0x59: {  	_ =	shalt  }
0x5a: {  	_ =	shalt  }
0x5b: {  	_ =	shalt  }
0x5c: {  	_ =	shalt  }
0x5d: {  	_ =	shalt  }
0x5e: {  	_ =	shalt  }
0x5f: {  	_ =	shalt  }
0x60: {  	_ =	shalt  }
0x61: {  	_ =	shalt  }
0x62: {  	_ =	shalt  }
0x63: {  	_ =	shalt  }
0x64: {  	_ =	shalt  }
0x65: {  	_ =	shalt  }
0x66: {  	_ =	shalt  }
0x67: {  	_ =	shalt  }
0x68: {  	_ =	shalt  }
0x69: {  	_ =	shalt  }
0x6a: {  	_ =	shalt  }
0x6b: {  	_ =	shalt  }
0x6c: {  	_ =	shalt  }
0x6d: {  	_ =	shalt  }
0x6e: {  	_ =	shalt  }
0x6f: {  	_ =	shalt  }
0x70: {  	_ =	shalt  }
0x71: {  	_ =	shalt  }
0x72: {  	_ =	shalt  }
0x73: {  	_ =	shalt  }
0x74: {  	_ =	shalt  }
0x75: {  	_ =	shalt  }
0x76: {  	_ =	shalt  }
0x77: {  	_ =	shalt  }
0x78: {  	_ =	shalt  }
0x79: {  	_ =	shalt  }
0x7a: {  	_ =	shalt  }
0x7b: {  	_ =	shalt  }
0x7c: {  	_ =	shalt  }
0x7d: {  	_ =	shalt  }
0x7e: {  	_ =	shalt  }
0x7f: {  	_ =	shalt  }
0x80: {  	_ =	shalt  }
0x81: {  	_ =	shalt  }
0x82: {  	_ =	shalt  }
0x83: {  	_ =	shalt  }
0x84: {  	_ =	shalt  }
0x85: {  	_ =	shalt  }
0x86: {  	_ =	shalt  }
0x87: {  	_ =	shalt  }
.Lfunc_end0:
.L_simem_size_0:
called_computation.3_lowered:
.L_overlay_start_0:
0x88: {  	s2 =	sld [smem:$0x3FD9]  }
0x89: {  	s3 =	sld [smem:$0x3FFE];
	_ =	sdelay $0x1  }
0x8a: {  	s1 =	srdreg.scid  }
0x8b: {  	s0 =	sand.u32 $0x1, s1  }
0x8c: {  	s16 =	sshll.u32 s0, $0xA;
	s2 =	sadd.s32 s3, s2  }
0x8d: {  	s2 =	sadd.s32 s2, s16  }
0x8e: {  	[smem:$0x3FBB] =	sst s2  }
0x8f: {  	_ = 	snop  }
0x90: {  	(tm) =	ssettm $0x1  }
0x91: {  	s17 =	sld [smem:$0x3FFB];
	_ =	sdelay $0x3  }
0x92: {  	_ =	strace s17  }
0x93: {  	s2 =	sld [smem:$0x3FFC];
	_ =	sdelay $0x3  }
0x94: {  	_ =	strace s2  }
0x95: {  	s2 =	sld [smem:$0x3FFD];
	_ =	sdelay $0x3  }
0x96: {  	_ =	strace s2  }
0x97: {  	_ =	strace $0x8FFFFFFF  }
0x98: {  	s18 =	sld [smem:$0x3FDB];
	_ =	sdelay $0x1  }
0x99: {  	s19 =	simm.s32 $_scs_section_size  }
0x9a: {  	s4 =	simm.s32 $_size__tile_overlayer_lowered;
	s5 =	simm.s32 $_tile_overlayer_lowered  }
0x9b: {  	s22 =	simm.s32 $0x1BFF;
	s21 =	sshll.u32 s5, $0x1;
	s2 =	sadd.s32 s19, s18  }
0x9c: {  	s6 =	simm.s32 $0x0;
	s20 =	sshll.u32 s4, $0x1;
	s4 =	sadd.s32 s21, s2  }
0x9d: {  	[timem:s6], [sflag:s22] =	dma.local [hbm:s4], s20  }
0x9e: {  	_ =	swait.ge [sflag:s22], s20  }
0x9f: {  	s3 =	ssub.s32 $0x0, s20;
	[sflag:s22] =	ssyncset.done $0x0  }
0xa0: {  	[sflag:s22] =	ssyncadd.s32 s3;
	_ =	sdelay $0x1  }
0xa1: {  	s23 =	simm.s32 $0x1B8B  }
0xa2: {  	_ =	swait.ge [sflag:s23], $0x1  }
0xa3: {  	[sflag:s23] =	ssyncset.done $0x0  }
0xa4: {  	s25 =	simm.s32 $0x1B8E;
	s24 =	sld [smem:$0x3FFE];
	[sflag:s23] =	ssyncadd.s32 $0xFFFFFFFF  }
0xa5: {  	s26 =	simm.s32 $execute0_lowered;
	[smem:$0x3FD2] =	sst s25  }
0xa6: {  	s4 =	sshll.u32 s26, $0x1;
	_ =	strace $0x8000004F;
	[dreg:$0x1] =	wrdreg $0xFFFFFFFF  }
0xa7: {  	s28 =	simm.s32 $_size_execute0_lowered;
	s2 =	sadd.s32 s2, s4;
	[dreg:$0x0] =	wrdreg $0x0  }
0xa8: {  	s4 =	sshll.u32 s28, $0x1;
	[dreg:$0x2] =	wrdreg s2  }
0xa9: {  	[dreg:$0x3] =	wrdreg s4  }
0xaa: {  	[dreg:$0x4] =	wrdreg $0xC0  }
0xab: {  	_ =	task [dreg:s6], $0x5FFFF  }
0xac: {  	[dreg:$0x1] =	wrdreg $0xFFFFFFFF  }
0xad: {  	[dreg:$0x0] =	wrdreg $0x60  }
0xae: {  	[dreg:$0x2] =	wrdreg s24  }
0xaf: {  	[dreg:$0x3] =	wrdreg $0x24000  }
0xb0: {  	[dreg:$0x4] =	wrdreg $0x15C800  }
0xb1: {  	[dreg:$0x5] =	wrdreg $0x9  }
0xb2: {  	_ =	task.clear_ibuf [dreg:s6], $0x6FFFF;
	_ =	strace $0x9000004F  }
0xb3: {  	s29 =	simm.s32 $0x9;
	_ =	strace $0x80000051  }
0xb4: {  	_ =	swait.ge [sflag:s29], $0x1  }
0xb5: {  	[sflag:s29] =	ssyncadd.s32 $0xFFFFFFFF  }
0xb6: {  	_ =	strace $0x90000051  }
0xb7: {  	_ =	sfence  }
0xb8: {  	s30 =	sld [smem:$0x0];
	_ =	sdelay $0x2  }
0xb9: {  	s31 =	sshll.u32 s1, $0xD;
	s1 =	sshrl.u32 s1, $0x2  }
0xba: {  	s3 =	sand.u32 $0x4000, s31;
	s1 =	sadd.s32 s1, s30  }
0xbb: {  	s0 =	sor.u32 s3, s0;
	s1 =	sshll.u32 s1, $0x11  }
0xbc: {  	s0 =	sor.u32 s1, s0  }
0xbd: {  	s0 =	sadd.s32 $0x8F2B, s0  }
0xbe: {  	[sflag:s0] =	ssyncadd.remote.s32 $0x1  }
0xbf: {  	_ =	sfence.sel $0xFFFF  }
0xc0: {  	[dreg:$0x0] =	wrdreg $0xFFFFFFFF;
	(pc) =	sbr.abs _section_cstart, $3  }
0xc1: {  	[dreg:$0x1] =	wrdreg $0xFFFFFFFF  }
0xc2: {  	_ =	task.clear_ibuf [dreg:s6], $0x2FFFF;
	_ =	strace $0x9FFFFFFF  }
0xc3: {  	(tm) =	ssettm $0x7FFFFFFF  }
tec
execute0_lowered:
.L_overlay_start_1:
0x0: {  	(tag) =	ssettag $0x1  }
0x1: {  	s0 =	rddreg [dreg:$0x0]  }
0x2: {  	s1 =	rddreg [dreg:$0x1]  }
0x3: {  	s2 =	rddreg [dreg:$0x2]  }
0x4: {  	s6 =	stileid.u32;
	s5 =	srdreg.scid  }
0x5: {  	s3 =	simm.s32 $0x0;
	s28 =	simm.s32 $0x200;
	s4 =	smul.u32 $0x2700, s6  }
0x6: {  	s29 =	simm.s32 $0x20;
	s30 =	simm.s32 $0x280;
	s20 =	smul.u32 $0x140, s6  }
0x7: {  	s31 =	simm.s32 $0x1400;
	s8 =	sand.u32 $0x1, s5;
	s11 =	smul.u32 $0x4E000, s6  }
0x8: {  	[smem:$0x7FF] =	sst s3;
	s23 =	smul.u32 $0x28000, s6;
	s25 =	sshll.u32 s6, $0x6  }
0x9: {  	s14 =	sadd.s32 $0x138000, s1;
	p0 =	sne.s32 s6, $0x0;
	s7 =	smul.u32 $0x2800, s8  }
0xa: {  	_ =	strace $0x80000050;
	s10 =	ssub.s32 $0x2, s8;
	s8 =	smul.u32 $0x1400, s8  }
0xb: {  	s9 =	sadd.s32 s4, s0;
	s4 =	sadd.s32 $0x2CE00, s0;
	s21 =	sshrl.u32 s10, $0x1  }
0xc: {  	s22 =	sshrl.u32 s11, $0x2;
	s26 =	sshrl.u32 s23, $0x2;
	s5 =	sadd.s32 s20, s7  }
0xd: {  	s10 =	ssub.s32 s10, s21;
	s13 =	sadd.s32 s22, s1;
	s24 =	sadd.s32 $0xCA400, s9  }
0xe: {  	s9 =	sadd.s32 s26, s2;
	s20 =	smul.u32 $0x2800, s6;
	s6 =	simm.s32 $0x3  }
0xf: {  	s7 =	sshll.u32 s5, $0x4;
	[dreg:$0x4] =	wrdreg s24;
	s16 =	smax.u32 s10, $0x1  }
0x10: {  	s5 =	sadd.s32 $0x4E00, s0;
	s17 =	sadd.s32 $0x2000, s9;
	[dreg:$0x8] =	wrdreg s16  }
0x11: {  	s19 =	sadd.s32 $0x1000, s9;
	s18 =	sadd.s32 $0x3000, s9;
	[dreg:$0x9] =	wrdreg s17  }
0x12: {  	s21 =	sadd.s32 $0x4000, s9;
	s22 =	sadd.s32 $0x5000, s9;
	[dreg:$0xa] =	wrdreg s18  }
0x13: {  	s23 =	sadd.s32 $0x6000, s9;
	s24 =	sadd.s32 $0x7000, s9;
	[dreg:$0xb] =	wrdreg s21  }
0x14: {  	s26 =	sshrl.u32 s13, $0x3;
	s10 =	simm.s32 $0x2;
	[dreg:$0xc] =	wrdreg s22  }
0x15: {  	s13 =	simm.s32 $0x180;
	s12 =	sadd.s32 s7, s0;
	[dreg:$0xd] =	wrdreg s23  }
0x16: {  	s7 =	sor.u32 $0x1C05, s25;
	s0 =	sadd.s32 $0xF1400, s0;
	[dreg:$0xe] =	wrdreg s24  }
0x17: {  	s25 =	sadd.s32 $0x8000, s9;
	s21 =	sadd.s32 s8, s20;
	s22 =	sadd.s32 $0x9000, s9  }
0x18: {  	[dreg:$0x10] =	wrdreg s26;
	s24 =	simm.s32 $0x5;
	s26 =	simm.s32 $0x400  }
0x19: {  	s8 =	simm.s32 $0x300;
	s23 =	simm.s32 $0x380;
	[dreg:$0x5] =	wrdreg s0  }
0x1a: {  	s11 =	sadd.s32 $0xF1600, s12;
	s15 =	sadd.s32 $0x105600, s12;
	[dreg:$0xf] =	wrdreg s25  }
0x1b: {  	s0 =	sshrl.u32 @!p0 s14, $0x3;
	s12 =	simm.s32 $0x4;
	[dreg:$0x6] =	wrdreg s11  }
0x1c: {  	s25 =	simm.s32 $0x100;
	s14 =	simm.s32 $0x0;
	[dreg:$0x7] =	wrdreg s15  }
0x1d: {  	v0 =	vimm.f32 $0.0e+00;
	[dreg:$0x11] =	wrdreg s0;
	s0 =	simm.s32 $0x1;
	s11 =	simm.s32 $0x80  }
.LBB2_1:
0x1e: {  	s15 =	rddreg [dreg:$0x4]  }
0x1f: {  	s16 =	rddreg [dreg:$0x10]  }
0x20: {  	[spmem:s16], [sflag:s7] =	dma.local [hbm:s15], $0x2700  }
0x21: {  	_ =	swait.ge [sflag:s24], $0x2700  }
0x22: {  	[sflag:s24] =	ssyncset.done $0x0;
	s15 =	rddreg [dreg:$0x5]  }
0x23: {  	s16 =	rddreg [dreg:$0x11];
	[sflag:s24] =	ssyncadd.s32 $0xFFFFD900  }
0x24: {  	[spmem:s16], [sflag:s7] =	dma.local @!p0 [hbm:s15], $0x100  }
0x25: {  	s15 =	simm.s32 @!p0 $0x5  }
0x26: {  	_ =	swait.ge @!p0 [sflag:s15], $0x100  }
0x27: {  	[sflag:s15] =	ssyncset.done @!p0 $0x0  }
0x28: {  	s16 =	simm.s32 $0x200;
	[sflag:s15] =	ssyncadd.s32 @!p0 $0xFFFFFF00;
	s15 =	simm.s32 $0x0  }
.LBB2_2:
0x29: {  	p1 =	sne.s32 s16, $0x3E00;
	[tilespmem:s15+$0x470] =	vst v0  }
0x2a: {  	[tilespmem:s15+$0x400] =	vst v0  }
0x2b: {  	[tilespmem:s15+$0x410] =	vst v0  }
.Ltmp0:
0x2c: {  	[tilespmem:s15+$0x420] =	vst v0;
	(pc) =	sbr.rel @p1 .LBB2_2-.Ltmp0, $4  }
0x2d: {  	[tilespmem:s15+$0x430] =	vst v0  }
0x2e: {  	[tilespmem:s15+$0x440] =	vst v0  }
0x2f: {  	[tilespmem:s15+$0x450] =	vst v0  }
0x30: {  	[tilespmem:s15+$0x460] =	vst v0;
	s15 =	sshra.s32 s16, $0x2;
	s16 =	sadd.s32 $0x200, s16  }
0x31: {  	[tilespmem:s15+$0x470] =	vst v0  }
0x32: {  	[tilespmem:s15+$0x400] =	vst v0  }
0x33: {  	[tilespmem:s15+$0x410] =	vst v0  }
0x34: {  	[tilespmem:s15+$0x420] =	vst v0  }
0x35: {  	[tilespmem:s15+$0x430] =	vst v0  }
0x36: {  	[tilespmem:s15+$0x440] =	vst v0  }
0x37: {  	[tilespmem:s15+$0x450] =	vst v0  }
0x38: {  	[tilespmem:s15+$0x460] =	vst v0  }
0x39: {  	[spmem:s9] =	stream.linear.scatter [tilespmem:s26], [sflag:$0x5], $0x1000, $0x38;
	[tilespmem:$0x1FC80] =	vst v63  }
0x3a: {  	_ =	swait.ge [sflag:s24], $0x1000  }
0x3b: {  	[sflag:s24] =	ssyncset.done $0x0  }
0x3c: {  	[sflag:s24] =	ssyncadd.s32 $0xFFFFF000  }
0x3d: {  	[spmem:s19] =	stream.linear.scatter [tilespmem:s26], [sflag:$0x5], $0x1000, $0x38;
	[tilespmem:$0x1FC80] =	vst v63  }
0x3e: {  	_ =	swait.ge [sflag:s24], $0x1000  }
0x3f: {  	[sflag:s24] =	ssyncset.done $0x0  }
0x40: {  	s20 =	rddreg [dreg:$0x9];
	[sflag:s24] =	ssyncadd.s32 $0xFFFFF000  }
0x41: {  	[spmem:s20] =	stream.linear.scatter [tilespmem:s26], [sflag:$0x5], $0x1000, $0x38;
	[tilespmem:$0x1FC80] =	vst v63  }
0x42: {  	_ =	swait.ge [sflag:s24], $0x1000  }
0x43: {  	[sflag:s24] =	ssyncset.done $0x0  }
0x44: {  	s16 =	rddreg [dreg:$0xa];
	[sflag:s24] =	ssyncadd.s32 $0xFFFFF000  }
0x45: {  	[spmem:s16] =	stream.linear.scatter [tilespmem:s26], [sflag:$0x5], $0x1000, $0x38;
	[tilespmem:$0x1FC80] =	vst v63  }
0x46: {  	_ =	swait.ge [sflag:s24], $0x1000  }
0x47: {  	[sflag:s24] =	ssyncset.done $0x0  }
0x48: {  	s17 =	rddreg [dreg:$0xb];
	[sflag:s24] =	ssyncadd.s32 $0xFFFFF000  }
0x49: {  	[spmem:s17] =	stream.linear.scatter [tilespmem:s26], [sflag:$0x5], $0x1000, $0x38;
	[tilespmem:$0x1FC80] =	vst v63  }
0x4a: {  	_ =	swait.ge [sflag:s24], $0x1000  }
0x4b: {  	[sflag:s24] =	ssyncset.done $0x0  }
0x4c: {  	s18 =	rddreg [dreg:$0xc];
	[sflag:s24] =	ssyncadd.s32 $0xFFFFF000  }
0x4d: {  	[spmem:s18] =	stream.linear.scatter [tilespmem:s26], [sflag:$0x5], $0x1000, $0x38;
	[tilespmem:$0x1FC80] =	vst v63  }
0x4e: {  	_ =	swait.ge [sflag:s24], $0x1000  }
0x4f: {  	[sflag:s24] =	ssyncset.done $0x0  }
0x50: {  	s20 =	rddreg [dreg:$0xd];
	[sflag:s24] =	ssyncadd.s32 $0xFFFFF000  }
0x51: {  	[spmem:s20] =	stream.linear.scatter [tilespmem:s26], [sflag:$0x5], $0x1000, $0x38;
	[tilespmem:$0x1FC80] =	vst v63  }
0x52: {  	_ =	swait.ge [sflag:s24], $0x1000  }
0x53: {  	[sflag:s24] =	ssyncset.done $0x0  }
0x54: {  	s16 =	rddreg [dreg:$0xe];
	[sflag:s24] =	ssyncadd.s32 $0xFFFFF000  }
0x55: {  	[spmem:s16] =	stream.linear.scatter [tilespmem:s26], [sflag:$0x5], $0x1000, $0x38;
	[tilespmem:$0x1FC80] =	vst v63  }
0x56: {  	_ =	swait.ge [sflag:s24], $0x1000  }
0x57: {  	[sflag:s24] =	ssyncset.done $0x0  }
0x58: {  	s17 =	rddreg [dreg:$0xf];
	[sflag:s24] =	ssyncadd.s32 $0xFFFFF000  }
0x59: {  	[spmem:s17] =	stream.linear.scatter [tilespmem:s26], [sflag:$0x5], $0x1000, $0x38;
	[tilespmem:$0x1FC80] =	vst v63  }
0x5a: {  	_ =	swait.ge [sflag:s24], $0x1000  }
0x5b: {  	[sflag:s24] =	ssyncset.done $0x0  }
0x5c: {  	[sflag:s24] =	ssyncadd.s32 $0xFFFFF000  }
0x5d: {  	[spmem:s22] =	stream.linear.scatter [tilespmem:s26], [sflag:$0x5], $0x1000, $0x38;
	[tilespmem:$0x1FC80] =	vst v63  }
0x5e: {  	_ =	swait.ge [sflag:s24], $0x1000  }
0x5f: {  	[sflag:s24] =	ssyncset.done $0x0  }
0x60: {  	p1 =	por $0x1, $0x1;
	[sflag:s24] =	ssyncadd.s32 $0xFFFFF000  }
0x61: {  	s15 =	simm.s32 @!p1 $0x3;
	[bflag:$0x0] =	sbarrier.arrive $0xFFFF  }
0x62: {  	_ =	swait.ge @!p1 [sflag:s15], $0x1000  }
0x63: {  	s16 =	simm.s32 $0x0;
	[sflag:s15] =	ssyncset.done @!p1 $0x0  }
0x64: {  	s17 =	sadd.s32 $0x0, s21;
	[sflag:s15] =	ssyncadd.s32 @!p1 $0xFFFFF000;
	s15 =	simm.s32 @!p1 $0x4  }
0x65: {  	s16 =	sand.u32 $0x40, s16;
	s17 =	sand.u32 $0xFFFFF80, s17;
	_ =	swait.ge @!p1 [sflag:s15], $0x1000  }
0x66: {  	s16 =	sor.u32 s16, s17;
	[sflag:s15] =	ssyncset.done @!p1 $0x0  }
0x67: {  	s18 =	sadd.s32 s5, s16;
	[sflag:s15] =	ssyncadd.s32 @!p1 $0xFFFFF000  }
0x68: {  	[tilespmem:s3], [sflag:$0x5] =	stream.linear.gather [hbm4b:s18+s3], $0x200, $0x38;
	[tilespmem:$0x1FC80] =	vst v63  }
0x69: {  	_ =	swait.ge [sflag:s24], $0x200  }
0x6a: {  	[sflag:s24] =	ssyncset.done $0x0  }
0x6b: {  	s20 =	sadd.s32 s4, s16;
	[sflag:s24] =	ssyncadd.s32 $0xFFFFFE00  }
0x6c: {  	[tilespmem:s28], [sflag:$0x5] =	stream.linear.gather [hbm4b:s20+s3], $0x200, $0x38;
	[tilespmem:$0x1FC80] =	vst v63  }
0x6d: {  	_ =	swait.ge [sflag:s24], $0x200  }
0x6e: {  	[sflag:s24] =	ssyncset.done $0x0  }
0x6f: {  	[sflag:s24] =	ssyncadd.s32 $0xFFFFFE00  }
0x70: {  	v1 =	vld [tilespmem:$0x190]  }
0x71: {  	v2 =	vld [tilespmem:$0x110]  }
0x72: {  	v3 =	vld [tilespmem:$0x180]  }
0x73: {  	v4 =	vld [tilespmem:$0x100]  }
0x74: {  	v5 =	vld [tilespmem:$0x90]  }
0x75: {  	v6 =	vld [tilespmem:$0x80];
	vm0 =	vlt.u32 v1, $0x1388  }
0x76: {  	v7 =	vld [tilespmem:$0x10];
	vm1 =	vlt.u32 v2, $0x1388;
	v1 =	vnsel vm0, $0x13EC, v1  }
0x77: {  	v8 =	vld [tilespmem:$0x0];
	vm10 =	vlt.u32 v3, $0x1388;
	v2 =	vnsel vm1, $0x13EC, v2;
	[tilespmem:$0x190] =	vst v1  }
0x78: {  	vm11 =	vlt.u32 v4, $0x1388;
	[tilespmem:$0x110] =	vst v2;
	v1 =	vnsel vm10, $0x13EC, v3  }
0x79: {  	vm12 =	vlt.u32 v5, $0x1388;
	v2 =	vnsel vm11, $0x13EC, v4;
	[tilespmem:$0x180] =	vst v1  }
0x7a: {  	vm13 =	vlt.u32 v6, $0x1388;
	v1 =	vnsel vm12, $0x13EC, v5;
	[tilespmem:$0x100] =	vst v2  }
0x7b: {  	vm14 =	vlt.u32 v7, $0x1388;
	v2 =	vnsel vm13, $0x13EC, v6;
	[tilespmem:$0x90] =	vst v1  }
0x7c: {  	vm15 =	vlt.u32 v8, $0x1388;
	v1 =	vnsel vm14, $0x13EC, v7;
	[tilespmem:$0x80] =	vst v2  }
0x7d: {  	v2 =	vnsel vm15, $0x13EC, v8;
	[tilespmem:$0x10] =	vst v1  }
0x7e: {  	[tilespmem:$0x0] =	vst v2  }
0x7f: {  	[tilespmem:s26], [sflag:$0x1] =	stream.indirect.gather [spmem:s1], $0x80, s28, s29, $0xb8;
	[tilespmem:$0x1FC80] =	vst v63  }
0x80: {  	_ = 	snop  }
0x81: {  	[tilespmem:s31], [sflag:$0x2] =	stream.indirect.gather [spmem:s1], $0x80, s30, s29, $0xb8;
	[tilespmem:$0x1FC80] =	vst v63  }
0x82: {  	_ =	swait.ge [sflag:s0], $0x1000  }
0x83: {  	[sflag:s0] =	ssyncset.done $0x0  }
0x84: {  	[sflag:s0] =	ssyncadd.s32 $0xFFFFF000  }
0x85: {  	[spmem:s2] =	stream.indirect.scatter.add.f32 [tilespmem:s26], [sflag:$0x3], $0x80, s3, s29, $0xb8;
	[tilespmem:$0x1FC80] =	vst v63  }
0x86: {  	_ =	swait.ge [sflag:s6], $0x1000  }
0x87: {  	[sflag:s6] =	ssyncset.done $0x0  }
0x88: {  	[sflag:s6] =	ssyncadd.s32 $0xFFFFF000  }
0x89: {  	[tilespmem:s26], [sflag:$0x1] =	stream.indirect.gather [spmem:s1], $0x80, s8, s29, $0xb8;
	[tilespmem:$0x1FC80] =	vst v63  }
0x8a: {  	_ =	swait.ge [sflag:s10], $0x1000  }
0x8b: {  	[sflag:s10] =	ssyncset.done $0x0  }
0x8c: {  	[sflag:s10] =	ssyncadd.s32 $0xFFFFF000  }
0x8d: {  	[spmem:s2] =	stream.indirect.scatter.add.f32 [tilespmem:s31], [sflag:$0x4], $0x80, s11, s29, $0xb8;
	[tilespmem:$0x1FC80] =	vst v63  }
0x8e: {  	_ =	swait.ge [sflag:s12], $0x1000  }
0x8f: {  	[sflag:s12] =	ssyncset.done $0x0  }
0x90: {  	s15 =	simm.s32 $0x40;
	[sflag:s12] =	ssyncadd.s32 $0xFFFFF000  }
0x91: {  	[tilespmem:s31], [sflag:$0x2] =	stream.indirect.gather [spmem:s1], $0x80, s23, s29, $0xb8;
	[tilespmem:$0x1FC80] =	vst v63  }
.LBB2_4:
0x92: {  	_ =	swait.ge [sflag:s0], $0x1000;
	s16 =	smov.u32 s15;
	s15 =	sadd.s32 $0x40, s15  }
0x93: {  	p1 =	sne.s32 s15, $0x1400;
	[sflag:s0] =	ssyncset.done $0x0  }
0x94: {  	[sflag:s0] =	ssyncadd.s32 $0xFFFFF000  }
0x95: {  	[spmem:s2] =	stream.indirect.scatter.add.f32 [tilespmem:s26], [sflag:$0x3], $0x80, s25, s29, $0xb8;
	[tilespmem:$0x1FC80] =	vst v63  }
0x96: {  	_ =	swait.ge [sflag:s10], $0x1000  }
0x97: {  	p2 =	seq.s32 s16, $0x0;
	[sflag:s10] =	ssyncset.done $0x0  }
0x98: {  	s17 =	simm.s32 @!p2 $0x3;
	[sflag:s10] =	ssyncadd.s32 $0xFFFFF000  }
0x99: {  	[spmem:s2] =	stream.indirect.scatter.add.f32 [tilespmem:s31], [sflag:$0x4], $0x80, s13, s29, $0xb8;
	[tilespmem:$0x1FC80] =	vst v63  }
0x9a: {  	_ =	swait.ge @!p2 [sflag:s17], $0x1000  }
0x9b: {  	[sflag:s17] =	ssyncset.done @!p2 $0x0  }
0x9c: {  	s18 =	sadd.s32 s16, s21;
	[sflag:s17] =	ssyncadd.s32 @!p2 $0xFFFFF000;
	s17 =	simm.s32 @!p2 $0x4  }
0x9d: {  	s16 =	sand.u32 $0x40, s16;
	s18 =	sand.u32 $0xFFFFF80, s18;
	_ =	swait.ge @!p2 [sflag:s17], $0x1000  }
0x9e: {  	s16 =	sor.u32 s16, s18;
	[sflag:s17] =	ssyncset.done @!p2 $0x0  }
0x9f: {  	[sflag:s17] =	ssyncadd.s32 @!p2 $0xFFFFF000;
	s17 =	sadd.s32 s5, s16  }
0xa0: {  	[tilespmem:s3], [sflag:$0x5] =	stream.linear.gather [hbm4b:s17+s3], $0x200, $0x38;
	[tilespmem:$0x1FC80] =	vst v63  }
0xa1: {  	_ =	swait.ge [sflag:s24], $0x200  }
0xa2: {  	[sflag:s24] =	ssyncset.done $0x0  }
0xa3: {  	s16 =	sadd.s32 s4, s16;
	[sflag:s24] =	ssyncadd.s32 $0xFFFFFE00  }
0xa4: {  	[tilespmem:s28], [sflag:$0x5] =	stream.linear.gather [hbm4b:s16+s3], $0x200, $0x38;
	[tilespmem:$0x1FC80] =	vst v63  }
0xa5: {  	_ =	swait.ge [sflag:s24], $0x200  }
0xa6: {  	[sflag:s24] =	ssyncset.done $0x0  }
0xa7: {  	[sflag:s24] =	ssyncadd.s32 $0xFFFFFE00  }
0xa8: {  	v1 =	vld [tilespmem:$0x190]  }
0xa9: {  	v2 =	vld [tilespmem:$0x110]  }
0xaa: {  	v3 =	vld [tilespmem:$0x180]  }
0xab: {  	v4 =	vld [tilespmem:$0x100]  }
0xac: {  	v5 =	vld [tilespmem:$0x90]  }
0xad: {  	v6 =	vld [tilespmem:$0x80];
	vm0 =	vlt.u32 v1, $0x1388  }
0xae: {  	v7 =	vld [tilespmem:$0x10];
	vm1 =	vlt.u32 v2, $0x1388;
	v1 =	vnsel vm0, $0x13EC, v1  }
0xaf: {  	v8 =	vld [tilespmem:$0x0];
	v2 =	vnsel vm1, $0x13EC, v2;
	vm0 =	vlt.u32 v3, $0x1388;
	[tilespmem:$0x190] =	vst v1  }
0xb0: {  	vm1 =	vlt.u32 v4, $0x1388;
	[tilespmem:$0x110] =	vst v2;
	v1 =	vnsel vm0, $0x13EC, v3  }
0xb1: {  	vm0 =	vlt.u32 v5, $0x1388;
	v2 =	vnsel vm1, $0x13EC, v4;
	[tilespmem:$0x180] =	vst v1  }
0xb2: {  	vm1 =	vlt.u32 v6, $0x1388;
	v1 =	vnsel vm0, $0x13EC, v5;
	[tilespmem:$0x100] =	vst v2  }
0xb3: {  	vm0 =	vlt.u32 v7, $0x1388;
	v2 =	vnsel vm1, $0x13EC, v6;
	[tilespmem:$0x90] =	vst v1  }
0xb4: {  	vm1 =	vlt.u32 v8, $0x1388;
	v1 =	vnsel vm0, $0x13EC, v7;
	[tilespmem:$0x80] =	vst v2  }
0xb5: {  	v2 =	vnsel vm1, $0x13EC, v8;
	[tilespmem:$0x10] =	vst v1  }
0xb6: {  	[tilespmem:$0x0] =	vst v2  }
0xb7: {  	[tilespmem:s26], [sflag:$0x1] =	stream.indirect.gather [spmem:s1], $0x80, s28, s29, $0xb8;
	[tilespmem:$0x1FC80] =	vst v63  }
0xb8: {  	_ = 	snop  }
0xb9: {  	[tilespmem:s31], [sflag:$0x2] =	stream.indirect.gather [spmem:s1], $0x80, s30, s29, $0xb8;
	[tilespmem:$0x1FC80] =	vst v63  }
0xba: {  	_ =	swait.ge [sflag:s0], $0x1000  }
0xbb: {  	[sflag:s0] =	ssyncset.done $0x0  }
0xbc: {  	[sflag:s0] =	ssyncadd.s32 $0xFFFFF000  }
0xbd: {  	[spmem:s2] =	stream.indirect.scatter.add.f32 [tilespmem:s26], [sflag:$0x3], $0x80, s3, s29, $0xb8;
	[tilespmem:$0x1FC80] =	vst v63  }
0xbe: {  	_ =	swait.ge [sflag:s6], $0x1000  }
0xbf: {  	[sflag:s6] =	ssyncset.done $0x0  }
0xc0: {  	[sflag:s6] =	ssyncadd.s32 $0xFFFFF000  }
0xc1: {  	[tilespmem:s26], [sflag:$0x1] =	stream.indirect.gather [spmem:s1], $0x80, s8, s29, $0xb8;
	[tilespmem:$0x1FC80] =	vst v63  }
0xc2: {  	_ =	swait.ge [sflag:s10], $0x1000  }
0xc3: {  	[sflag:s10] =	ssyncset.done $0x0  }
0xc4: {  	[sflag:s10] =	ssyncadd.s32 $0xFFFFF000  }
0xc5: {  	[spmem:s2] =	stream.indirect.scatter.add.f32 [tilespmem:s31], [sflag:$0x4], $0x80, s11, s29, $0xb8;
	[tilespmem:$0x1FC80] =	vst v63  }
.Ltmp1:
0xc6: {  	_ = 	snop;
	(pc) =	sbr.rel @p1 .LBB2_4-.Ltmp1, $4  }
0xc7: {  	_ =	swait.ge [sflag:s12], $0x1000  }
0xc8: {  	[sflag:s12] =	ssyncset.done $0x0  }
0xc9: {  	[sflag:s12] =	ssyncadd.s32 $0xFFFFF000  }
0xca: {  	[tilespmem:s31], [sflag:$0x2] =	stream.indirect.gather [spmem:s1], $0x80, s23, s29, $0xb8;
	[tilespmem:$0x1FC80] =	vst v63  }
0xcb: {  	_ =	swait.ge [sflag:s0], $0x1000  }
0xcc: {  	[sflag:s0] =	ssyncset.done $0x0  }
0xcd: {  	[sflag:s0] =	ssyncadd.s32 $0xFFFFF000  }
0xce: {  	[spmem:s2] =	stream.indirect.scatter.add.f32 [tilespmem:s26], [sflag:$0x3], $0x80, s25, s29, $0xb8;
	[tilespmem:$0x1FC80] =	vst v63  }
0xcf: {  	_ =	swait.ge [sflag:s10], $0x1000  }
0xd0: {  	[sflag:s10] =	ssyncset.done $0x0  }
0xd1: {  	[sflag:s10] =	ssyncadd.s32 $0xFFFFF000  }
0xd2: {  	[spmem:s2] =	stream.indirect.scatter.add.f32 [tilespmem:s31], [sflag:$0x4], $0x80, s13, s29, $0xb8;
	[tilespmem:$0x1FC80] =	vst v63  }
0xd3: {  	_ =	swait.ge [sflag:s6], $0x1000  }
0xd4: {  	[sflag:s6] =	ssyncset.done $0x0  }
0xd5: {  	[sflag:s6] =	ssyncadd.s32 $0xFFFFF000  }
0xd6: {  	_ =	swait.ge [sflag:s12], $0x1000  }
0xd7: {  	[sflag:s12] =	ssyncset.done $0x0  }
0xd8: {  	[sflag:s12] =	ssyncadd.s32 $0xFFFFF000  }
0xd9: {  	[bflag:$0x0] =	sbarrier.arrive $0xFFFF  }
0xda: {  	s15 =	sshrl.u32 s9, $0x3;
	s16 =	rddreg [dreg:$0x6]  }
0xdb: {  	[hbm:s16], [sflag:s7] =	dma.local [spmem:s15], $0x1400  }
0xdc: {  	_ =	swait.ge [sflag:s24], $0x1400  }
0xdd: {  	[sflag:s24] =	ssyncset.done $0x0  }
0xde: {  	s17 =	simm.s32 $0x200;
	s16 =	simm.s32 $0x0;
	[sflag:s24] =	ssyncadd.s32 $0xFFFFEC00  }
.LBB2_6:
0xdf: {  	p1 =	sne.s32 s17, $0x3E00;
	[tilespmem:s16+$0x470] =	vst v0  }
0xe0: {  	[tilespmem:s16+$0x400] =	vst v0  }
0xe1: {  	[tilespmem:s16+$0x410] =	vst v0  }
.Ltmp2:
0xe2: {  	[tilespmem:s16+$0x420] =	vst v0;
	(pc) =	sbr.rel @p1 .LBB2_6-.Ltmp2, $4  }
0xe3: {  	[tilespmem:s16+$0x430] =	vst v0  }
0xe4: {  	[tilespmem:s16+$0x440] =	vst v0  }
0xe5: {  	[tilespmem:s16+$0x450] =	vst v0  }
0xe6: {  	[tilespmem:s16+$0x460] =	vst v0;
	s16 =	sshra.s32 s17, $0x2;
	s17 =	sadd.s32 $0x200, s17  }
0xe7: {  	[tilespmem:s16+$0x470] =	vst v0  }
0xe8: {  	[tilespmem:s16+$0x400] =	vst v0  }
0xe9: {  	[tilespmem:s16+$0x410] =	vst v0  }
0xea: {  	[tilespmem:s16+$0x420] =	vst v0  }
0xeb: {  	[tilespmem:s16+$0x430] =	vst v0  }
0xec: {  	[tilespmem:s16+$0x440] =	vst v0  }
0xed: {  	[tilespmem:s16+$0x450] =	vst v0  }
0xee: {  	[tilespmem:s16+$0x460] =	vst v0  }
0xef: {  	[spmem:s9] =	stream.linear.scatter [tilespmem:s26], [sflag:$0x5], $0x1000, $0x38;
	[tilespmem:$0x1FC80] =	vst v63  }
0xf0: {  	_ =	swait.ge [sflag:s24], $0x1000  }
0xf1: {  	[sflag:s24] =	ssyncset.done $0x0  }
0xf2: {  	[sflag:s24] =	ssyncadd.s32 $0xFFFFF000  }
0xf3: {  	[spmem:s19] =	stream.linear.scatter [tilespmem:s26], [sflag:$0x5], $0x1000, $0x38;
	[tilespmem:$0x1FC80] =	vst v63  }
0xf4: {  	_ =	swait.ge [sflag:s24], $0x1000  }
0xf5: {  	[sflag:s24] =	ssyncset.done $0x0  }
0xf6: {  	s17 =	rddreg [dreg:$0x9];
	[sflag:s24] =	ssyncadd.s32 $0xFFFFF000  }
0xf7: {  	[spmem:s17] =	stream.linear.scatter [tilespmem:s26], [sflag:$0x5], $0x1000, $0x38;
	[tilespmem:$0x1FC80] =	vst v63  }
0xf8: {  	_ =	swait.ge [sflag:s24], $0x1000  }
0xf9: {  	[sflag:s24] =	ssyncset.done $0x0  }
0xfa: {  	s18 =	rddreg [dreg:$0xa];
	[sflag:s24] =	ssyncadd.s32 $0xFFFFF000  }
0xfb: {  	[spmem:s18] =	stream.linear.scatter [tilespmem:s26], [sflag:$0x5], $0x1000, $0x38;
	[tilespmem:$0x1FC80] =	vst v63  }
0xfc: {  	_ =	swait.ge [sflag:s24], $0x1000  }
0xfd: {  	[sflag:s24] =	ssyncset.done $0x0  }
0xfe: {  	s20 =	smov.u32 s19;
	s19 =	rddreg [dreg:$0xb];
	[sflag:s24] =	ssyncadd.s32 $0xFFFFF000  }
0xff: {  	[spmem:s19] =	stream.linear.scatter [tilespmem:s26], [sflag:$0x5], $0x1000, $0x38;
	[tilespmem:$0x1FC80] =	vst v63  }
0x100: {  	_ =	swait.ge [sflag:s24], $0x1000  }
0x101: {  	[sflag:s24] =	ssyncset.done $0x0  }
0x102: {  	s17 =	rddreg [dreg:$0xc];
	[sflag:s24] =	ssyncadd.s32 $0xFFFFF000  }
0x103: {  	[spmem:s17] =	stream.linear.scatter [tilespmem:s26], [sflag:$0x5], $0x1000, $0x38;
	[tilespmem:$0x1FC80] =	vst v63  }
0x104: {  	_ =	swait.ge [sflag:s24], $0x1000  }
0x105: {  	[sflag:s24] =	ssyncset.done $0x0  }
0x106: {  	s18 =	rddreg [dreg:$0xd];
	[sflag:s24] =	ssyncadd.s32 $0xFFFFF000  }
0x107: {  	[spmem:s18] =	stream.linear.scatter [tilespmem:s26], [sflag:$0x5], $0x1000, $0x38;
	[tilespmem:$0x1FC80] =	vst v63  }
0x108: {  	_ =	swait.ge [sflag:s24], $0x1000  }
0x109: {  	[sflag:s24] =	ssyncset.done $0x0  }
0x10a: {  	s19 =	rddreg [dreg:$0xe];
	[sflag:s24] =	ssyncadd.s32 $0xFFFFF000  }
0x10b: {  	[spmem:s19] =	stream.linear.scatter [tilespmem:s26], [sflag:$0x5], $0x1000, $0x38;
	[tilespmem:$0x1FC80] =	vst v63  }
0x10c: {  	_ =	swait.ge [sflag:s24], $0x1000  }
0x10d: {  	[sflag:s24] =	ssyncset.done $0x0  }
0x10e: {  	s17 =	rddreg [dreg:$0xf];
	[sflag:s24] =	ssyncadd.s32 $0xFFFFF000  }
0x10f: {  	[spmem:s17] =	stream.linear.scatter [tilespmem:s26], [sflag:$0x5], $0x1000, $0x38;
	[tilespmem:$0x1FC80] =	vst v63  }
0x110: {  	_ =	swait.ge [sflag:s24], $0x1000  }
0x111: {  	[sflag:s24] =	ssyncset.done $0x0  }
0x112: {  	[sflag:s24] =	ssyncadd.s32 $0xFFFFF000  }
0x113: {  	[spmem:s22] =	stream.linear.scatter [tilespmem:s26], [sflag:$0x5], $0x1000, $0x38;
	[tilespmem:$0x1FC80] =	vst v63  }
0x114: {  	_ =	swait.ge [sflag:s24], $0x1000  }
0x115: {  	[sflag:s24] =	ssyncset.done $0x0  }
0x116: {  	p1 =	por $0x1, $0x1;
	[sflag:s24] =	ssyncadd.s32 $0xFFFFF000  }
0x117: {  	s16 =	simm.s32 @!p1 $0x3;
	[bflag:$0x0] =	sbarrier.arrive $0xFFFF  }
0x118: {  	_ =	swait.ge @!p1 [sflag:s16], $0x1000  }
0x119: {  	s18 =	sadd.s32 $0x0, s21;
	[sflag:s16] =	ssyncset.done @!p1 $0x0  }
0x11a: {  	s17 =	simm.s32 $0x0;
	[sflag:s16] =	ssyncadd.s32 @!p1 $0xFFFFF000;
	s16 =	simm.s32 @!p1 $0x4  }
0x11b: {  	s18 =	sand.u32 $0xFFFFF80, s18;
	s17 =	sand.u32 $0x40, s17;
	_ =	swait.ge @!p1 [sflag:s16], $0x1000  }
0x11c: {  	s17 =	sor.u32 s17, s18;
	[sflag:s16] =	ssyncset.done @!p1 $0x0  }
0x11d: {  	s18 =	sadd.s32 s5, s17;
	[sflag:s16] =	ssyncadd.s32 @!p1 $0xFFFFF000  }
0x11e: {  	[tilespmem:s3], [sflag:$0x5] =	stream.linear.gather [hbm4b:s18+s3], $0x200, $0x38;
	[tilespmem:$0x1FC80] =	vst v63  }
0x11f: {  	_ =	swait.ge [sflag:s24], $0x200  }
0x120: {  	[sflag:s24] =	ssyncset.done $0x0  }
0x121: {  	s19 =	sadd.s32 s4, s17;
	[sflag:s24] =	ssyncadd.s32 $0xFFFFFE00  }
0x122: {  	[tilespmem:s28], [sflag:$0x5] =	stream.linear.gather [hbm4b:s19+s3], $0x200, $0x38;
	[tilespmem:$0x1FC80] =	vst v63  }
0x123: {  	_ =	swait.ge [sflag:s24], $0x200  }
0x124: {  	[sflag:s24] =	ssyncset.done $0x0  }
0x125: {  	[sflag:s24] =	ssyncadd.s32 $0xFFFFFE00  }
0x126: {  	v4 =	vld [tilespmem:$0x80]  }
0x127: {  	v5 =	vld [tilespmem:$0x10]  }
0x128: {  	v1 =	vld [tilespmem:$0x100]  }
0x129: {  	v2 =	vld [tilespmem:$0x90]  }
0x12a: {  	s16 =	simm.s32 $0x40;
	v3 =	vld [tilespmem:$0x0]  }
.LBB2_8:
0x12b: {  	v6 =	vld [tilespmem:$0x110];
	s17 =	smov.u32 s16;
	s16 =	sadd.s32 $0x40, s16  }
0x12c: {  	p1 =	sne.s32 s16, $0x1400;
	v5 =	vadd.s32 $0xFFFFEC78, v5;
	v7 =	vld [tilespmem:$0x190]  }
0x12d: {  	v4 =	vadd.s32 $0xFFFFEC78, v4;
	vm0 =	vlt.u32 v5, $0x1388;
	v1 =	vadd.s32 $0xFFFFEC78, v1;
	v8 =	vld [tilespmem:$0x180]  }
0x12e: {  	v5 =	vnsel vm0, $0x13EC, v5;
	vm0 =	vlt.u32 v4, $0x1388;
	v2 =	vadd.s32 $0xFFFFEC78, v2  }
0x12f: {  	v3 =	vadd.s32 $0xFFFFEC78, v3;
	[tilespmem:$0x10] =	vst v5;
	v4 =	vnsel vm0, $0x13EC, v4;
	vm0 =	vlt.u32 v2, $0x1388  }
0x130: {  	vm1 =	vlt.u32 v3, $0x1388;
	[tilespmem:$0x80] =	vst v4;
	v2 =	vnsel vm0, $0x13EC, v2;
	v4 =	vadd.s32 $0xFFFFEC78, v6  }
0x131: {  	vm0 =	vlt.u32 v1, $0x1388;
	v3 =	vnsel vm1, $0x13EC, v3;
	[tilespmem:$0x90] =	vst v2;
	vm1 =	vlt.u32 v4, $0x1388  }
0x132: {  	v1 =	vnsel vm0, $0x13EC, v1;
	[tilespmem:$0x0] =	vst v3;
	v2 =	vnsel vm1, $0x13EC, v4;
	v3 =	vadd.s32 $0xFFFFEC78, v8  }
0x133: {  	[tilespmem:$0x100] =	vst v1;
	vm0 =	vlt.u32 v3, $0x1388;
	v1 =	vadd.s32 $0xFFFFEC78, v7  }
0x134: {  	[tilespmem:$0x110] =	vst v2;
	v2 =	vnsel vm0, $0x13EC, v3;
	vm0 =	vlt.u32 v1, $0x1388  }
0x135: {  	[tilespmem:$0x180] =	vst v2;
	v1 =	vnsel vm0, $0x13EC, v1  }
0x136: {  	[tilespmem:$0x190] =	vst v1  }
0x137: {  	[tilespmem:s26], [sflag:$0x1] =	stream.indirect.gather [spmem:s1], $0x80, s28, s29, $0xb8;
	[tilespmem:$0x1FC80] =	vst v63  }
0x138: {  	_ = 	snop  }
0x139: {  	[tilespmem:s31], [sflag:$0x2] =	stream.indirect.gather [spmem:s1], $0x80, s30, s29, $0xb8;
	[tilespmem:$0x1FC80] =	vst v63  }
0x13a: {  	_ =	swait.ge [sflag:s0], $0x1000  }
0x13b: {  	[sflag:s0] =	ssyncset.done $0x0  }
0x13c: {  	[sflag:s0] =	ssyncadd.s32 $0xFFFFF000  }
0x13d: {  	[spmem:s2] =	stream.indirect.scatter.add.f32 [tilespmem:s26], [sflag:$0x3], $0x80, s3, s29, $0xb8;
	[tilespmem:$0x1FC80] =	vst v63  }
0x13e: {  	_ =	swait.ge [sflag:s6], $0x1000  }
0x13f: {  	[sflag:s6] =	ssyncset.done $0x0  }
0x140: {  	[sflag:s6] =	ssyncadd.s32 $0xFFFFF000  }
0x141: {  	[tilespmem:s26], [sflag:$0x1] =	stream.indirect.gather [spmem:s1], $0x80, s8, s29, $0xb8;
	[tilespmem:$0x1FC80] =	vst v63  }
0x142: {  	_ =	swait.ge [sflag:s10], $0x1000  }
0x143: {  	[sflag:s10] =	ssyncset.done $0x0  }
0x144: {  	[sflag:s10] =	ssyncadd.s32 $0xFFFFF000  }
0x145: {  	[spmem:s2] =	stream.indirect.scatter.add.f32 [tilespmem:s31], [sflag:$0x4], $0x80, s11, s29, $0xb8;
	[tilespmem:$0x1FC80] =	vst v63  }
0x146: {  	_ =	swait.ge [sflag:s12], $0x1000  }
0x147: {  	[sflag:s12] =	ssyncset.done $0x0  }
0x148: {  	[sflag:s12] =	ssyncadd.s32 $0xFFFFF000  }
0x149: {  	[tilespmem:s31], [sflag:$0x2] =	stream.indirect.gather [spmem:s1], $0x80, s23, s29, $0xb8;
	[tilespmem:$0x1FC80] =	vst v63  }
0x14a: {  	_ =	swait.ge [sflag:s0], $0x1000  }
0x14b: {  	[sflag:s0] =	ssyncset.done $0x0  }
0x14c: {  	[sflag:s0] =	ssyncadd.s32 $0xFFFFF000  }
0x14d: {  	[spmem:s2] =	stream.indirect.scatter.add.f32 [tilespmem:s26], [sflag:$0x3], $0x80, s25, s29, $0xb8;
	[tilespmem:$0x1FC80] =	vst v63  }
0x14e: {  	_ =	swait.ge [sflag:s10], $0x1000  }
0x14f: {  	p2 =	seq.s32 s17, $0x0;
	[sflag:s10] =	ssyncset.done $0x0  }
0x150: {  	s18 =	simm.s32 @!p2 $0x3;
	[sflag:s10] =	ssyncadd.s32 $0xFFFFF000  }
0x151: {  	[spmem:s2] =	stream.indirect.scatter.add.f32 [tilespmem:s31], [sflag:$0x4], $0x80, s13, s29, $0xb8;
	[tilespmem:$0x1FC80] =	vst v63  }
0x152: {  	_ =	swait.ge @!p2 [sflag:s18], $0x1000  }
0x153: {  	[sflag:s18] =	ssyncset.done @!p2 $0x0  }
0x154: {  	s19 =	sadd.s32 s17, s21;
	[sflag:s18] =	ssyncadd.s32 @!p2 $0xFFFFF000;
	s18 =	simm.s32 @!p2 $0x4  }
0x155: {  	s17 =	sand.u32 $0x40, s17;
	s19 =	sand.u32 $0xFFFFF80, s19;
	_ =	swait.ge @!p2 [sflag:s18], $0x1000  }
0x156: {  	s17 =	sor.u32 s17, s19;
	[sflag:s18] =	ssyncset.done @!p2 $0x0  }
0x157: {  	[sflag:s18] =	ssyncadd.s32 @!p2 $0xFFFFF000;
	s18 =	sadd.s32 s5, s17  }
0x158: {  	[tilespmem:s3], [sflag:$0x5] =	stream.linear.gather [hbm4b:s18+s3], $0x200, $0x38;
	[tilespmem:$0x1FC80] =	vst v63  }
0x159: {  	_ =	swait.ge [sflag:s24], $0x200  }
0x15a: {  	[sflag:s24] =	ssyncset.done $0x0  }
0x15b: {  	s17 =	sadd.s32 s4, s17;
	[sflag:s24] =	ssyncadd.s32 $0xFFFFFE00  }
0x15c: {  	[tilespmem:s28], [sflag:$0x5] =	stream.linear.gather [hbm4b:s17+s3], $0x200, $0x38;
	[tilespmem:$0x1FC80] =	vst v63  }
0x15d: {  	_ =	swait.ge [sflag:s24], $0x200  }
0x15e: {  	[sflag:s24] =	ssyncset.done $0x0  }
0x15f: {  	[sflag:s24] =	ssyncadd.s32 $0xFFFFFE00  }
.Ltmp3:
0x160: {  	v4 =	vld [tilespmem:$0x80];
	(pc) =	sbr.rel @p1 .LBB2_8-.Ltmp3, $4  }
0x161: {  	v5 =	vld [tilespmem:$0x10]  }
0x162: {  	v1 =	vld [tilespmem:$0x100]  }
0x163: {  	v2 =	vld [tilespmem:$0x90]  }
0x164: {  	v3 =	vld [tilespmem:$0x0]  }
0x165: {  	v6 =	vld [tilespmem:$0x110];
	v4 =	vadd.s32 $0xFFFFEC78, v4  }
0x166: {  	v8 =	vld [tilespmem:$0x190];
	v5 =	vadd.s32 $0xFFFFEC78, v5;
	vm10 =	vlt.u32 v4, $0x1388  }
0x167: {  	v7 =	vld [tilespmem:$0x180];
	vm0 =	vlt.u32 v5, $0x1388;
	v4 =	vnsel vm10, $0x13EC, v4;
	v1 =	vadd.s32 $0xFFFFEC78, v1  }
0x168: {  	v5 =	vnsel vm0, $0x13EC, v5;
	v2 =	vadd.s32 $0xFFFFEC78, v2;
	[tilespmem:$0x80] =	vst v4;
	vm12 =	vlt.u32 v1, $0x1388  }
0x169: {  	v3 =	vadd.s32 $0xFFFFEC78, v3;
	[tilespmem:$0x10] =	vst v5;
	vm11 =	vlt.u32 v2, $0x1388;
	v1 =	vnsel vm12, $0x13EC, v1  }
0x16a: {  	vm1 =	vlt.u32 v3, $0x1388;
	v2 =	vnsel vm11, $0x13EC, v2;
	v63 =	vadd.s32 $0xFFFFEC78, v6;
	[tilespmem:$0x100] =	vst v1  }
0x16b: {  	v1 =	vadd.s32 $0xFFFFEC78, v8;
	v3 =	vnsel vm1, $0x13EC, v3;
	[tilespmem:$0x90] =	vst v2;
	vm13 =	vlt.u32 v63, $0x1388  }
0x16c: {  	v2 =	vadd.s32 $0xFFFFEC78, v7;
	vm15 =	vlt.u32 v1, $0x1388;
	[tilespmem:$0x0] =	vst v3;
	v3 =	vnsel vm13, $0x13EC, v63  }
0x16d: {  	vm14 =	vlt.u32 v2, $0x1388;
	v1 =	vnsel vm15, $0x13EC, v1;
	[tilespmem:$0x110] =	vst v3  }
0x16e: {  	v2 =	vnsel vm14, $0x13EC, v2;
	[tilespmem:$0x190] =	vst v1  }
0x16f: {  	[tilespmem:$0x180] =	vst v2  }
0x170: {  	[tilespmem:s26], [sflag:$0x1] =	stream.indirect.gather [spmem:s1], $0x80, s28, s29, $0xb8;
	[tilespmem:$0x1FC80] =	vst v63  }
0x171: {  	_ = 	snop  }
0x172: {  	[tilespmem:s31], [sflag:$0x2] =	stream.indirect.gather [spmem:s1], $0x80, s30, s29, $0xb8;
	[tilespmem:$0x1FC80] =	vst v63  }
0x173: {  	_ =	swait.ge [sflag:s0], $0x1000  }
0x174: {  	[sflag:s0] =	ssyncset.done $0x0  }
0x175: {  	[sflag:s0] =	ssyncadd.s32 $0xFFFFF000  }
0x176: {  	[spmem:s2] =	stream.indirect.scatter.add.f32 [tilespmem:s26], [sflag:$0x3], $0x80, s3, s29, $0xb8;
	[tilespmem:$0x1FC80] =	vst v63  }
0x177: {  	_ =	swait.ge [sflag:s6], $0x1000  }
0x178: {  	[sflag:s6] =	ssyncset.done $0x0  }
0x179: {  	[sflag:s6] =	ssyncadd.s32 $0xFFFFF000  }
0x17a: {  	[tilespmem:s26], [sflag:$0x1] =	stream.indirect.gather [spmem:s1], $0x80, s8, s29, $0xb8;
	[tilespmem:$0x1FC80] =	vst v63  }
0x17b: {  	_ =	swait.ge [sflag:s10], $0x1000  }
0x17c: {  	[sflag:s10] =	ssyncset.done $0x0  }
0x17d: {  	[sflag:s10] =	ssyncadd.s32 $0xFFFFF000  }
0x17e: {  	[spmem:s2] =	stream.indirect.scatter.add.f32 [tilespmem:s31], [sflag:$0x4], $0x80, s11, s29, $0xb8;
	[tilespmem:$0x1FC80] =	vst v63  }
0x17f: {  	_ =	swait.ge [sflag:s12], $0x1000  }
0x180: {  	[sflag:s12] =	ssyncset.done $0x0  }
0x181: {  	[sflag:s12] =	ssyncadd.s32 $0xFFFFF000  }
0x182: {  	[tilespmem:s31], [sflag:$0x2] =	stream.indirect.gather [spmem:s1], $0x80, s23, s29, $0xb8;
	[tilespmem:$0x1FC80] =	vst v63  }
0x183: {  	_ =	swait.ge [sflag:s0], $0x1000  }
0x184: {  	[sflag:s0] =	ssyncset.done $0x0  }
0x185: {  	[sflag:s0] =	ssyncadd.s32 $0xFFFFF000  }
0x186: {  	[spmem:s2] =	stream.indirect.scatter.add.f32 [tilespmem:s26], [sflag:$0x3], $0x80, s25, s29, $0xb8;
	[tilespmem:$0x1FC80] =	vst v63  }
0x187: {  	_ =	swait.ge [sflag:s10], $0x1000  }
0x188: {  	[sflag:s10] =	ssyncset.done $0x0  }
0x189: {  	[sflag:s10] =	ssyncadd.s32 $0xFFFFF000  }
0x18a: {  	[spmem:s2] =	stream.indirect.scatter.add.f32 [tilespmem:s31], [sflag:$0x4], $0x80, s13, s29, $0xb8;
	[tilespmem:$0x1FC80] =	vst v63  }
0x18b: {  	_ =	swait.ge [sflag:s6], $0x1000  }
0x18c: {  	[sflag:s6] =	ssyncset.done $0x0  }
0x18d: {  	[sflag:s6] =	ssyncadd.s32 $0xFFFFF000  }
0x18e: {  	_ =	swait.ge [sflag:s12], $0x1000  }
0x18f: {  	[sflag:s12] =	ssyncset.done $0x0  }
0x190: {  	[sflag:s12] =	ssyncadd.s32 $0xFFFFF000  }
0x191: {  	[bflag:$0x0] =	sbarrier.arrive $0xFFFF  }
0x192: {  	s16 =	rddreg [dreg:$0x7]  }
0x193: {  	[hbm:s16], [sflag:s7] =	dma.local [spmem:s15], $0x1400  }
0x194: {  	_ =	swait.ge [sflag:s24], $0x1400  }
0x195: {  	s14 =	sadd.s32 $0x1, s14;
	s19 =	rddreg [dreg:$0x8]  }
0x196: {  	p1 =	sne.s32 s14, s19  }
.Ltmp4:
0x197: {  	_ = 	snop;
	(pc) =	sbr.rel @p1 .LBB2_1-.Ltmp4, $3  }
0x198: {  	_ =	sdelay $0x1  }
0x199: {  	[sflag:s24] =	ssyncset.done $0x0  }
0x19a: {  	[sflag:s24] =	ssyncadd.s32 $0xFFFFEC00;
	s19 =	smov.u32 s20  }
0x19b: {  	_ =	sfence.sel $0x180000  }
0x19c: {  	[bflag:$0x0] =	sbarrier.arrive $0xFFFF  }
0x19d: {  	_ =	strace $0x90000050  }
0x19e: {  	[bflag:$0x2] =	sbarrier.arrive $0xFFFF  }
0x19f: {  	s0 =	rddreg [dreg:$0x3]  }
0x1a0: {  	s0 =	sadd.s32 @!p0 $0x100000, s0  }
0x1a1: {  	[sflag:s0] =	ssyncadd.tile.s32 @!p0 $0x1;
	_ =	shalt  }
.Lfunc_end2:
_tile_overlayer_lowered:
.L_overlay_start_2:
0x1a2: {  	(tag) =	ssettag $0x2  }
0x1a3: {  	s0 =	rddreg [dreg:$0x0];
	s2 =	stileid.u32  }
0x1a4: {  	s1 =	rddreg [dreg:$0x1];
	p0 =	sne.s32 s2, $0x0  }
0x1a5: {  	s3 =	rddreg [dreg:$0x2];
	[bflag:$0x3] =	sbarrier.arrive $0xFFFF;
	s2 =	simm.s32 @!p0 $0x1C05  }
0x1a6: {  	[timem:s3], [sflag:s2] =	dma.local @!p0 [hbm:s0], s1  }
0x1a7: {  	s0 =	simm.s32 @!p0 $0x5  }
0x1a8: {  	_ =	swait.ge @!p0 [sflag:s0], s1  }
0x1a9: {  	s1 =	ssub.s32 @!p0 $0x0, s1;
	[sflag:s0] =	ssyncset.done @!p0 $0x0  }
0x1aa: {  	[sflag:s0] =	ssyncadd.s32 @!p0 s1  }
0x1ab: {  	[bflag:$0x3] =	sbarrier.arrive $0xFFFF  }
0x1ac: {  	_ =	shalt  }

</sc_bundles>
